<compile_context>
chip_gen: v7x
topology: tpu7x:2x2x1
jax: 0.10.2.dev20260603
libtpu: 0.0.44.dev20260713+nightly
codegen_flags: <defaults>
</compile_context>

<pallas_src>
import functools
import jax
import jax.numpy as jnp
from jax import lax
from jax.experimental import pallas as pl
from jax.experimental.pallas import tpu as pltpu
import jax.experimental.pallas.tpu_sc as plsc

N = 10000
E = 320000
NG = 64
D_IN, D_HID, D_OUT = 128, 128, 16

NC, NS, L = 2, 16, 16
NW = NC * NS
NP = 10112
ROWS_PER_TILE = NP // NS
C1 = 128
C2 = 16
CH = 80
K0 = 128
K1 = 128
TOTCH = NS * (K0 + K1)
EP = TOTCH * CH
NEG = -1e30



def _prep1_body(x_ref, w1_ref, a2_ref, t_ref, av_ref, m_ref):
    h = jnp.dot(x_ref[...], w1_ref[...], preferred_element_type=jnp.float32)
    t_ref[...] = h
    av = lax.dot_general(a2_ref[...], h, (((1,), (1,)), ((), ())),
                         preferred_element_type=jnp.float32)
    col = lax.broadcasted_iota(jnp.int32, (2, NP), 1)
    av = jnp.where(col < N, av, NEG)
    av_ref[...] = av
    ms = jnp.max(av[0, :]) + jnp.max(av[1, :])
    m = jnp.where(ms >= 0.0, ms, 0.2 * ms)
    m_ref[...] = jnp.full((8, 128), m, jnp.float32)


def _mid_body(acc_ref, dacc_ref, t1_ref, av1_ref, m1_ref, b1_ref, w2_ref,
              a2_ref, t2_ref, av2_ref, m2_ref):
    asrc = av1_ref[0, :]
    adst = av1_ref[1, :]
    m1 = m1_ref[0, 0]
    u = asrc + adst
    u = jnp.where(u >= 0.0, u, 0.2 * u)
    wself = jnp.exp(u - m1)
    num = (acc_ref[0, :, :] + acc_ref[1, :, :]
           + wself[:, None] * t1_ref[...])
    den = dacc_ref[0, :] + dacc_ref[1, :] + wself
    riota = lax.broadcasted_iota(jnp.int32, (NP,), 0)
    den = jnp.where(riota < N, den, 1.0)
    h = num / den[:, None] + b1_ref[...]
    h = jnp.maximum(h, 0.0)
    h2 = jnp.dot(h, w2_ref[...], preferred_element_type=jnp.float32)
    t2_ref[...] = h2
    av = lax.dot_general(a2_ref[...], h2, (((1,), (1,)), ((), ())),
                         preferred_element_type=jnp.float32)
    col = lax.broadcasted_iota(jnp.int32, (2, NP), 1)
    av = jnp.where(col < N, av, NEG)
    av2_ref[...] = av
    ms = jnp.max(av[0, :]) + jnp.max(av[1, :])
    m = jnp.where(ms >= 0.0, ms, 0.2 * ms)
    m2_ref[...] = jnp.full((8, 128), m, jnp.float32)


def _final_body(acc_ref, dacc_ref, t2_ref, av2_ref, m2_ref, b2_ref, batch_ref,
                out_ref):
    asrc = av2_ref[0, 0:N]
    adst = av2_ref[1, 0:N]
    m2 = m2_ref[0, 0]
    u = asrc + adst
    u = jnp.where(u >= 0.0, u, 0.2 * u)
    wself = jnp.exp(u - m2)
    num = (acc_ref[0, 0:N, 0:D_OUT] + acc_ref[1, 0:N, 0:D_OUT]
           + wself[:, None] * t2_ref[0:N, 0:D_OUT])
    den = dacc_ref[0, 0:N] + dacc_ref[1, 0:N] + wself
    h2 = num / den[:, None] + b2_ref[...]
    b = batch_ref[0, :]
    gid = lax.broadcasted_iota(jnp.int32, (NG, N), 0)
    mask = jnp.where(gid == b[None, :], 1.0, 0.0)
    counts = jnp.sum(mask, axis=1)
    sums = jnp.dot(mask, h2, preferred_element_type=jnp.float32)
    pooled = sums / jnp.maximum(counts, 1.0)[:, None]
    zmax = jnp.max(pooled, axis=1, keepdims=True)
    z = pooled - zmax
    out_ref[...] = z - jnp.log(jnp.sum(jnp.exp(z), axis=1, keepdims=True))


_prep1 = pl.pallas_call(
    _prep1_body,
    out_shape=[jax.ShapeDtypeStruct((NP, C1), jnp.float32),
               jax.ShapeDtypeStruct((2, NP), jnp.float32),
               jax.ShapeDtypeStruct((8, 128), jnp.float32)],
)

_mid = pl.pallas_call(
    _mid_body,
    out_shape=[jax.ShapeDtypeStruct((NP, C2), jnp.float32),
               jax.ShapeDtypeStruct((2, NP), jnp.float32),
               jax.ShapeDtypeStruct((8, 128), jnp.float32)],
)

_final = pl.pallas_call(
    _final_body,
    out_shape=jax.ShapeDtypeStruct((NG, D_OUT), jnp.float32),
)



def _make_edge_kernel(cols):
    grp = cols // L
    mesh = plsc.VectorSubcoreMesh(core_axis_name="c", subcore_axis_name="s",
                                  num_cores=NC, num_subcores=NS)

    @functools.partial(
        pl.kernel,
        out_type=[jax.ShapeDtypeStruct((NC, NP, cols), jnp.float32),
                  jax.ShapeDtypeStruct((NC, NP), jnp.float32)],
        mesh=mesh,
        compiler_params=pltpu.CompilerParams(needs_layout_passes=False,
                                             use_tc_tiling_on_sc=False),
        scratch_types=[
            pltpu.VMEM((L,), jnp.float32),
            pltpu.VMEM((max(K0, K1), CH), jnp.int32),
            pltpu.VMEM((max(K0, K1), CH), jnp.int32),
            [pltpu.VMEM((CH,), jnp.float32)] * 2,
            [pltpu.VMEM((CH,), jnp.float32)] * 2,
            [pltpu.VMEM((CH,), jnp.float32)] * 2,
            [pltpu.VMEM((CH, cols), jnp.float32)] * 2,
            pltpu.VMEM_SHARED((NP, cols), jnp.float32),
            pltpu.VMEM_SHARED((NP,), jnp.float32),
            [pltpu.SemaphoreType.DMA] * 2,
            [pltpu.SemaphoreType.DMA] * 2,
            [pltpu.SemaphoreType.DMA] * 2,
            [pltpu.SemaphoreType.DMA] * 2,
            [pltpu.SemaphoreType.DMA] * 2,
        ],
    )
    def edge_kernel(src_hbm, dst_hbm, tab_hbm, asrc_hbm, adst_hbm, m_hbm,
                    zeros_hbm, zerosd_hbm, out_hbm, den_hbm, m_v, src_t,
                    dst_t, avs_v, avd_v, w_v, rows_v, acc, dacc, gsem, asem,
                    dsem, ssem, wsem):
        cid = lax.axis_index("c")
        sid = lax.axis_index("s")
        pltpu.sync_copy(m_hbm, m_v)
        r0 = sid * ROWS_PER_TILE
        pltpu.sync_copy(zeros_hbm.at[pl.ds(r0, ROWS_PER_TILE)],
                        acc.at[pl.ds(r0, ROWS_PER_TILE)])
        pltpu.sync_copy(zerosd_hbm.at[pl.ds(r0, ROWS_PER_TILE)],
                        dacc.at[pl.ds(r0, ROWS_PER_TILE)])
        @pl.when(cid == 0)
        def _():
            c0 = sid * K0
            pltpu.sync_copy(src_hbm.at[pl.ds(c0, K0)], src_t.at[pl.ds(0, K0)])
            pltpu.sync_copy(dst_hbm.at[pl.ds(c0, K0)], dst_t.at[pl.ds(0, K0)])

        @pl.when(cid == 1)
        def _():
            c0 = NS * K0 + sid * K1
            pltpu.sync_copy(src_hbm.at[pl.ds(c0, K1)], src_t.at[pl.ds(0, K1)])
            pltpu.sync_copy(dst_hbm.at[pl.ds(c0, K1)], dst_t.at[pl.ds(0, K1)])

        nch = jnp.where(cid == 0, K0, K1)
        plsc.subcore_barrier()
        mvec = m_v[...]

        pltpu.async_copy(tab_hbm.at[src_t.at[0]], rows_v[0], gsem[0])
        pltpu.async_copy(asrc_hbm.at[src_t.at[0]], avs_v[0], asem[0])
        pltpu.async_copy(adst_hbm.at[dst_t.at[0]], avd_v[0], dsem[0])

        def pair_body(p, carry):
            for b in range(2):
                ob = 1 - b
                k = 2 * p + b

                pltpu.make_async_copy(asrc_hbm.at[src_t.at[0]], avs_v[b],
                                      asem[b]).wait()
                pltpu.make_async_copy(adst_hbm.at[dst_t.at[0]], avd_v[b],
                                      dsem[b]).wait()

                def w_body(i, c2, b=b):
                    a = (avs_v[b][pl.ds(i * L, L)]
                         + avd_v[b][pl.ds(i * L, L)])
                    a = jnp.where(a >= 0.0, a, 0.2 * a)
                    w_v[b][pl.ds(i * L, L)] = jnp.exp(a - mvec)
                    return c2

                lax.fori_loop(0, CH // L, w_body, 0)

                def wait_scatter(ob=ob):
                    pltpu.make_async_copy(rows_v[ob], acc.at[dst_t.at[0]],
                                          ssem[ob]).wait()
                    pltpu.make_async_copy(w_v[ob], dacc.at[dst_t.at[0]],
                                          wsem[ob]).wait()
                if b == 0:
                    pl.when(p >= 1)(wait_scatter)
                else:
                    wait_scatter()

                nk = jnp.minimum(k + 1, nch - 1)
                pltpu.async_copy(tab_hbm.at[src_t.at[nk]], rows_v[ob],
                                 gsem[ob])
                pltpu.async_copy(asrc_hbm.at[src_t.at[nk]], avs_v[ob],
                                 asem[ob])
                pltpu.async_copy(adst_hbm.at[dst_t.at[nk]], avd_v[ob],
                                 dsem[ob])

                pltpu.make_async_copy(tab_hbm.at[src_t.at[0]], rows_v[b],
                                      gsem[b]).wait()

                @plsc.parallel_loop(0, CH, unroll=4)
                def _(e, b=b):
                    we = plsc.load_gather(w_v[b],
                                          [jnp.full((L,), e, jnp.int32)])
                    for j in range(grp):
                        rows_v[b][e, pl.ds(j * L, L)] = (
                            rows_v[b][e, pl.ds(j * L, L)] * we)
                pltpu.async_copy(rows_v[b], acc.at[dst_t.at[k]], ssem[b],
                                 add=True)
                pltpu.async_copy(w_v[b], dacc.at[dst_t.at[k]], wsem[b],
                                 add=True)
            return carry

        lax.fori_loop(0, nch // 2, pair_body, 0)
        pltpu.make_async_copy(tab_hbm.at[src_t.at[0]], rows_v[0],
                              gsem[0]).wait()
        pltpu.make_async_copy(asrc_hbm.at[src_t.at[0]], avs_v[0],
                              asem[0]).wait()
        pltpu.make_async_copy(adst_hbm.at[dst_t.at[0]], avd_v[0],
                              dsem[0]).wait()
        pltpu.make_async_copy(rows_v[1], acc.at[dst_t.at[0]], ssem[1]).wait()
        pltpu.make_async_copy(w_v[1], dacc.at[dst_t.at[0]], wsem[1]).wait()
        plsc.subcore_barrier()
        pltpu.sync_copy(acc.at[pl.ds(r0, ROWS_PER_TILE)],
                        out_hbm.at[cid, pl.ds(r0, ROWS_PER_TILE)])
        pltpu.sync_copy(dacc.at[pl.ds(r0, ROWS_PER_TILE)],
                        den_hbm.at[cid, pl.ds(r0, ROWS_PER_TILE)])

    return edge_kernel


_edge1 = _make_edge_kernel(C1)
_edge2 = _make_edge_kernel(C2)



@jax.jit
def kernel(x, edge_index, batch, W1, a_src1, a_dst1, b1, W2, a_src2, a_dst2, b2):
    x = x.astype(jnp.float32)
    src = edge_index[0].astype(jnp.int32)
    dst = edge_index[1].astype(jnp.int32)
    batch = batch.astype(jnp.int32)

    x_pad = jnp.zeros((NP, D_IN), jnp.float32).at[0:N].set(x)
    pad = jnp.full((EP - E,), N, jnp.int32)
    src_pad = jnp.concatenate([src, pad]).reshape(TOTCH, CH)
    dst_pad = jnp.concatenate([dst, pad]).reshape(TOTCH, CH)
    a2_1 = jnp.stack([a_src1, a_dst1])
    a2_2 = jnp.stack([a_src2, a_dst2])
    zeros1 = jnp.zeros((NP, C1), jnp.float32)
    zeros2 = jnp.zeros((NP, C2), jnp.float32)
    zerosd = jnp.zeros((NP,), jnp.float32)

    t1, av1, m1 = _prep1(x_pad, W1, a2_1)
    acc1, den1 = _edge1(src_pad, dst_pad, t1, av1[0], av1[1], m1[0, 0:L],
                        zeros1, zerosd)
    t2, av2, m2 = _mid(acc1, den1, t1, av1, m1, b1, W2, a2_2)
    acc2, den2 = _edge2(src_pad, dst_pad, t2, av2[0], av2[1], m2[0, 0:L],
                        zeros2, zerosd)
    out = _final(acc2, den2, t2, av2, m2, b2, batch.reshape(1, N))
    return out

# --- scband reference (transcript-rebuilt; emitter-appended) ---
"""Pipeline reference for scband-gat-31353261261182 (READ-ONLY COPY).

The authoritative reference and input builder live on the scoring server;
editing this copy changes nothing except your own understanding.
"""

import jax, jax.numpy as jnp
import numpy as np

N_NODES = 10000
N_EDGES = 320000
D_IN = 128
D_HID = 128
D_OUT = 16
N_GRAPHS = 64


def setup_inputs(seed: int = 0) -> dict:
    key = jax.random.key(seed)
    ks = jax.random.split(key, 12)
    x = jax.random.normal(ks[0], (N_NODES, D_IN), dtype=jnp.float32)
    edge_index = jax.random.randint(ks[1], (2, N_EDGES), 0, N_NODES, dtype=jnp.int64)
    batch = jnp.sort(jax.random.randint(ks[2], (N_NODES,), 0, N_GRAPHS, dtype=jnp.int64))
    s1 = 1.0 / np.sqrt(D_IN)
    s2 = 1.0 / np.sqrt(D_HID)
    W1 = jax.random.uniform(ks[3], (D_IN, D_HID), jnp.float32, -s1, s1)
    a_src1 = jax.random.uniform(ks[4], (D_HID,), jnp.float32, -s2, s2)
    a_dst1 = jax.random.uniform(ks[5], (D_HID,), jnp.float32, -s2, s2)
    b1 = jnp.zeros((D_HID,), jnp.float32)
    W2 = jax.random.uniform(ks[6], (D_HID, D_OUT), jnp.float32, -s2, s2)
    so = 1.0 / np.sqrt(D_OUT)
    a_src2 = jax.random.uniform(ks[7], (D_OUT,), jnp.float32, -so, so)
    a_dst2 = jax.random.uniform(ks[8], (D_OUT,), jnp.float32, -so, so)
    b2 = jnp.zeros((D_OUT,), jnp.float32)
    return {"x": x, "edge_index": edge_index, "batch": batch,
            "W1": W1, "a_src1": a_src1, "a_dst1": a_dst1, "b1": b1,
            "W2": W2, "a_src2": a_src2, "a_dst2": a_dst2, "b2": b2}


def _gat_conv(x, edge_index, W, a_src, a_dst, b):
    # PyG GATConv, heads=1, concat=True, negative_slope=0.2, add_self_loops=True
    n = x.shape[0]
    h = x @ W
    loop = jnp.arange(n, dtype=edge_index.dtype)
    src = jnp.concatenate([edge_index[0], loop])
    dst = jnp.concatenate([edge_index[1], loop])
    alpha_src = h @ a_src  # [N]
    alpha_dst = h @ a_dst  # [N]
    alpha = jax.nn.leaky_relu(alpha_src[src] + alpha_dst[dst], negative_slope=0.2)
    amax = jax.ops.segment_max(alpha, dst, num_segments=n)
    alpha = jnp.exp(alpha - amax[dst])
    denom = jax.ops.segment_sum(alpha, dst, num_segments=n)
    alpha = alpha / (denom[dst] + 1e-16)
    out = jax.ops.segment_sum(alpha[:, None] * h[src], dst, num_segments=n)
    return out + b


def reference(x, edge_index, batch, W1, a_src1, a_dst1, b1, W2, a_src2, a_dst2, b2):
    h = _gat_conv(x, edge_index, W1, a_src1, a_dst1, b1)
    h = jax.nn.relu(h)
    h = _gat_conv(h, edge_index, W2, a_src2, a_dst2, b2)
    # global_mean_pool over batch ids
    sums = jax.ops.segment_sum(h, batch, num_segments=N_GRAPHS)
    counts = jax.ops.segment_sum(jnp.ones((h.shape[0],), h.dtype), batch, num_segments=N_GRAPHS)
    pooled = sums / jnp.maximum(counts, 1.0)[:, None]
    return jax.nn.log_softmax(pooled, axis=-1)

if __name__ == "__main__":
    import jax
    _d = setup_inputs()
    print(jax.jit(kernel)(*tuple(_d.values())))

</pallas_src>

<mosaic_0001>
#map = affine_map<(d0, d1) -> (0, 0)>
#map1 = affine_map<(d0, d1) -> (0)>
#map2 = affine_map<(d0, d1) -> (0, 0, 0)>
module attributes {stable_mosaic.version = 14 : i64} {
  func.func @edge_kernel(%arg0: i32, %arg1: i32, %arg2: memref<4096x80xi32, #tpu.memory_space<hbm>>, %arg3: memref<4096x80xi32, #tpu.memory_space<hbm>>, %arg4: memref<10112x128xf32, #tpu.memory_space<hbm>>, %arg5: memref<10112xf32, #tpu.memory_space<hbm>>, %arg6: memref<10112xf32, #tpu.memory_space<hbm>>, %arg7: memref<16xf32, #tpu.memory_space<hbm>>, %arg8: memref<10112x128xf32, #tpu.memory_space<hbm>>, %arg9: memref<10112xf32, #tpu.memory_space<hbm>>, %arg10: memref<2x10112x128xf32, #tpu.memory_space<hbm>>, %arg11: memref<2x10112xf32, #tpu.memory_space<hbm>>, %arg12: memref<16xf32, #tpu.memory_space<vmem>>, %arg13: memref<128x80xi32, #tpu.memory_space<vmem>>, %arg14: memref<128x80xi32, #tpu.memory_space<vmem>>, %arg15: memref<80xf32, #tpu.memory_space<vmem>>, %arg16: memref<80xf32, #tpu.memory_space<vmem>>, %arg17: memref<80xf32, #tpu.memory_space<vmem>>, %arg18: memref<80xf32, #tpu.memory_space<vmem>>, %arg19: memref<80xf32, #tpu.memory_space<vmem>>, %arg20: memref<80xf32, #tpu.memory_space<vmem>>, %arg21: memref<80x128xf32, #tpu.memory_space<vmem>>, %arg22: memref<80x128xf32, #tpu.memory_space<vmem>>, %arg23: memref<10112x128xf32, #tpu.memory_space<vmem_shared>>, %arg24: memref<10112xf32, #tpu.memory_space<vmem_shared>>, %arg25: memref<!tpu.dma_semaphore, #tpu.memory_space<semaphore_mem>>, %arg26: memref<!tpu.dma_semaphore, #tpu.memory_space<semaphore_mem>>, %arg27: memref<!tpu.dma_semaphore, #tpu.memory_space<semaphore_mem>>, %arg28: memref<!tpu.dma_semaphore, #tpu.memory_space<semaphore_mem>>, %arg29: memref<!tpu.dma_semaphore, #tpu.memory_space<semaphore_mem>>, %arg30: memref<!tpu.dma_semaphore, #tpu.memory_space<semaphore_mem>>, %arg31: memref<!tpu.dma_semaphore, #tpu.memory_space<semaphore_mem>>, %arg32: memref<!tpu.dma_semaphore, #tpu.memory_space<semaphore_mem>>, %arg33: memref<!tpu.dma_semaphore, #tpu.memory_space<semaphore_mem>>, %arg34: memref<!tpu.dma_semaphore, #tpu.memory_space<semaphore_mem>>) attributes {dimension_semantics = [#tpu.dimension_semantics<core_parallel>, #tpu.dimension_semantics<subcore_parallel>], iteration_bounds = array<i64: 2, 16>, scalar_prefetch = 0 : i64, scratch_operands = 23 : i64, tpu.core_type = #tpu.core_type<sc_vector_subcore>, window_params = [{transform_indices = #map}, {transform_indices = #map}, {transform_indices = #map}, {transform_indices = #map1}, {transform_indices = #map1}, {transform_indices = #map1}, {transform_indices = #map}, {transform_indices = #map1}, {transform_indices = #map2}, {transform_indices = #map}]} {
    "tpu.region"() ({
      %run_scoped3A = tpu.sem_alloc : memref<!tpu.dma_semaphore, #tpu.memory_space<semaphore_mem>>
      tpu.enqueue_dma source(%arg7 : memref<16xf32, #tpu.memory_space<hbm>>) target(%arg12 : memref<16xf32, #tpu.memory_space<vmem>>) target_semaphore(%run_scoped3A : memref<!tpu.dma_semaphore, #tpu.memory_space<semaphore_mem>>)
      tpu.wait_dma2 semaphore(%run_scoped3A : memref<!tpu.dma_semaphore, #tpu.memory_space<semaphore_mem>>) src(%arg7 : memref<16xf32, #tpu.memory_space<hbm>>) dst(%arg12 : memref<16xf32, #tpu.memory_space<vmem>>)
      tpu.yield
    }) : () -> ()
    %mul3A = arith.constant 632 : i32
    %mul3A_0 = arith.muli %arg1, %mul3A : i32
    "tpu.region"() ({
      %run_scoped3A = tpu.sem_alloc : memref<!tpu.dma_semaphore, #tpu.memory_space<semaphore_mem>>
      %dma_start3A_89 = arith.constant 0 : i32
      %dma_start3A_90 = tpu.memref_slice %arg23[%mul3A_0, %dma_start3A_89] : memref<10112x128xf32, #tpu.memory_space<vmem_shared>> -> memref<632x128xf32, #tpu.memory_space<vmem_shared>>
      %dma_start3A_91 = arith.constant 0 : i32
      %dma_start3A_92 = tpu.memref_slice %arg8[%mul3A_0, %dma_start3A_91] : memref<10112x128xf32, #tpu.memory_space<hbm>> -> memref<632x128xf32, #tpu.memory_space<hbm>>
      tpu.enqueue_dma source(%dma_start3A_92 : memref<632x128xf32, #tpu.memory_space<hbm>>) target(%dma_start3A_90 : memref<632x128xf32, #tpu.memory_space<vmem_shared>>) target_semaphore(%run_scoped3A : memref<!tpu.dma_semaphore, #tpu.memory_space<semaphore_mem>>)
      %dma_wait3A_93 = arith.constant 0 : i32
      %dma_wait3A_94 = tpu.memref_slice %arg23[%mul3A_0, %dma_wait3A_93] : memref<10112x128xf32, #tpu.memory_space<vmem_shared>> -> memref<632x128xf32, #tpu.memory_space<vmem_shared>>
      %dma_wait3A_95 = arith.constant 0 : i32
      %dma_wait3A_96 = tpu.memref_slice %arg8[%mul3A_0, %dma_wait3A_95] : memref<10112x128xf32, #tpu.memory_space<hbm>> -> memref<632x128xf32, #tpu.memory_space<hbm>>
      tpu.wait_dma2 semaphore(%run_scoped3A : memref<!tpu.dma_semaphore, #tpu.memory_space<semaphore_mem>>) src(%dma_wait3A_96 : memref<632x128xf32, #tpu.memory_space<hbm>>) dst(%dma_wait3A_94 : memref<632x128xf32, #tpu.memory_space<vmem_shared>>)
      tpu.yield
    }) : () -> ()
    "tpu.region"() ({
      %run_scoped3A = tpu.sem_alloc : memref<!tpu.dma_semaphore, #tpu.memory_space<semaphore_mem>>
      %dma_start3A_89 = tpu.memref_slice %arg24[%mul3A_0] : memref<10112xf32, #tpu.memory_space<vmem_shared>> -> memref<632xf32, #tpu.memory_space<vmem_shared>>
      %dma_start3A_90 = tpu.memref_slice %arg9[%mul3A_0] : memref<10112xf32, #tpu.memory_space<hbm>> -> memref<632xf32, #tpu.memory_space<hbm>>
      tpu.enqueue_dma source(%dma_start3A_90 : memref<632xf32, #tpu.memory_space<hbm>>) target(%dma_start3A_89 : memref<632xf32, #tpu.memory_space<vmem_shared>>) target_semaphore(%run_scoped3A : memref<!tpu.dma_semaphore, #tpu.memory_space<semaphore_mem>>)
      %dma_wait3A_91 = tpu.memref_slice %arg24[%mul3A_0] : memref<10112xf32, #tpu.memory_space<vmem_shared>> -> memref<632xf32, #tpu.memory_space<vmem_shared>>
      %dma_wait3A_92 = tpu.memref_slice %arg9[%mul3A_0] : memref<10112xf32, #tpu.memory_space<hbm>> -> memref<632xf32, #tpu.memory_space<hbm>>
      tpu.wait_dma2 semaphore(%run_scoped3A : memref<!tpu.dma_semaphore, #tpu.memory_space<semaphore_mem>>) src(%dma_wait3A_92 : memref<632xf32, #tpu.memory_space<hbm>>) dst(%dma_wait3A_91 : memref<632xf32, #tpu.memory_space<vmem_shared>>)
      tpu.yield
    }) : () -> ()
    %eq3A = arith.constant 0 : i32
    %eq3A_1 = arith.cmpi eq, %arg0, %eq3A : i32
    %convert_element_type3A = arith.extui %eq3A_1 : i1 to i32
    %cond3A = arith.constant 0 : i32
    %cond3A_2 = arith.cmpi ne, %convert_element_type3A, %cond3A : i32
    scf.if %cond3A_2 {
      %mul3A_89 = arith.constant 128 : i32
      %mul3A_90 = arith.muli %arg1, %mul3A_89 : i32
      "tpu.region"() ({
        %run_scoped3A = tpu.sem_alloc : memref<!tpu.dma_semaphore, #tpu.memory_space<semaphore_mem>>
        %dma_start3A_91 = arith.constant 0 : i32
        %dma_start3A_92 = arith.constant 0 : i32
        %dma_start3A_93 = tpu.memref_slice %arg13[%dma_start3A_91, %dma_start3A_92] : memref<128x80xi32, #tpu.memory_space<vmem>> -> memref<128x80xi32, #tpu.memory_space<vmem>>
        %dma_start3A_94 = arith.constant 0 : i32
        %dma_start3A_95 = tpu.memref_slice %arg2[%mul3A_90, %dma_start3A_94] : memref<4096x80xi32, #tpu.memory_space<hbm>> -> memref<128x80xi32, #tpu.memory_space<hbm>>
        %dma_start3A_96 = arith.constant 0 : i32
        %dma_start3A_97 = arith.constant 0 : i32
        %dma_start3A_98 = tpu.memref_slice %arg13[%dma_start3A_96, %dma_start3A_97] : memref<128x80xi32, #tpu.memory_space<vmem>> -> memref<128x80xi32, #tpu.memory_space<vmem>>
        %dma_start3A_99 = arith.constant 0 : i32
        %dma_start3A_100 = tpu.memref_slice %arg2[%mul3A_90, %dma_start3A_99] : memref<4096x80xi32, #tpu.memory_space<hbm>> -> memref<128x80xi32, #tpu.memory_space<hbm>>
        tpu.enqueue_dma source(%dma_start3A_100 : memref<128x80xi32, #tpu.memory_space<hbm>>) target(%dma_start3A_98 : memref<128x80xi32, #tpu.memory_space<vmem>>) target_semaphore(%run_scoped3A : memref<!tpu.dma_semaphore, #tpu.memory_space<semaphore_mem>>)
        %dma_wait3A_101 = arith.constant 0 : i32
        %dma_wait3A_102 = arith.constant 0 : i32
        %dma_wait3A_103 = tpu.memref_slice %arg13[%dma_wait3A_101, %dma_wait3A_102] : memref<128x80xi32, #tpu.memory_space<vmem>> -> memref<128x80xi32, #tpu.memory_space<vmem>>
        %dma_wait3A_104 = arith.constant 0 : i32
        %dma_wait3A_105 = tpu.memref_slice %arg2[%mul3A_90, %dma_wait3A_104] : memref<4096x80xi32, #tpu.memory_space<hbm>> -> memref<128x80xi32, #tpu.memory_space<hbm>>
        %dma_wait3A_106 = arith.constant 0 : i32
        %dma_wait3A_107 = arith.constant 0 : i32
        %dma_wait3A_108 = tpu.memref_slice %arg13[%dma_wait3A_106, %dma_wait3A_107] : memref<128x80xi32, #tpu.memory_space<vmem>> -> memref<128x80xi32, #tpu.memory_space<vmem>>
        %dma_wait3A_109 = arith.constant 0 : i32
        %dma_wait3A_110 = tpu.memref_slice %arg2[%mul3A_90, %dma_wait3A_109] : memref<4096x80xi32, #tpu.memory_space<hbm>> -> memref<128x80xi32, #tpu.memory_space<hbm>>
        tpu.wait_dma2 semaphore(%run_scoped3A : memref<!tpu.dma_semaphore, #tpu.memory_space<semaphore_mem>>) src(%dma_wait3A_110 : memref<128x80xi32, #tpu.memory_space<hbm>>) dst(%dma_wait3A_108 : memref<128x80xi32, #tpu.memory_space<vmem>>)
        tpu.yield
      }) : () -> ()
      "tpu.region"() ({
        %run_scoped3A = tpu.sem_alloc : memref<!tpu.dma_semaphore, #tpu.memory_space<semaphore_mem>>
        %dma_start3A_91 = arith.constant 0 : i32
        %dma_start3A_92 = arith.constant 0 : i32
        %dma_start3A_93 = tpu.memref_slice %arg14[%dma_start3A_91, %dma_start3A_92] : memref<128x80xi32, #tpu.memory_space<vmem>> -> memref<128x80xi32, #tpu.memory_space<vmem>>
        %dma_start3A_94 = arith.constant 0 : i32
        %dma_start3A_95 = tpu.memref_slice %arg3[%mul3A_90, %dma_start3A_94] : memref<4096x80xi32, #tpu.memory_space<hbm>> -> memref<128x80xi32, #tpu.memory_space<hbm>>
        %dma_start3A_96 = arith.constant 0 : i32
        %dma_start3A_97 = arith.constant 0 : i32
        %dma_start3A_98 = tpu.memref_slice %arg14[%dma_start3A_96, %dma_start3A_97] : memref<128x80xi32, #tpu.memory_space<vmem>> -> memref<128x80xi32, #tpu.memory_space<vmem>>
        %dma_start3A_99 = arith.constant 0 : i32
        %dma_start3A_100 = tpu.memref_slice %arg3[%mul3A_90, %dma_start3A_99] : memref<4096x80xi32, #tpu.memory_space<hbm>> -> memref<128x80xi32, #tpu.memory_space<hbm>>
        tpu.enqueue_dma source(%dma_start3A_100 : memref<128x80xi32, #tpu.memory_space<hbm>>) target(%dma_start3A_98 : memref<128x80xi32, #tpu.memory_space<vmem>>) target_semaphore(%run_scoped3A : memref<!tpu.dma_semaphore, #tpu.memory_space<semaphore_mem>>)
        %dma_wait3A_101 = arith.constant 0 : i32
        %dma_wait3A_102 = arith.constant 0 : i32
        %dma_wait3A_103 = tpu.memref_slice %arg14[%dma_wait3A_101, %dma_wait3A_102] : memref<128x80xi32, #tpu.memory_space<vmem>> -> memref<128x80xi32, #tpu.memory_space<vmem>>
        %dma_wait3A_104 = arith.constant 0 : i32
        %dma_wait3A_105 = tpu.memref_slice %arg3[%mul3A_90, %dma_wait3A_104] : memref<4096x80xi32, #tpu.memory_space<hbm>> -> memref<128x80xi32, #tpu.memory_space<hbm>>
        %dma_wait3A_106 = arith.constant 0 : i32
        %dma_wait3A_107 = arith.constant 0 : i32
        %dma_wait3A_108 = tpu.memref_slice %arg14[%dma_wait3A_106, %dma_wait3A_107] : memref<128x80xi32, #tpu.memory_space<vmem>> -> memref<128x80xi32, #tpu.memory_space<vmem>>
        %dma_wait3A_109 = arith.constant 0 : i32
        %dma_wait3A_110 = tpu.memref_slice %arg3[%mul3A_90, %dma_wait3A_109] : memref<4096x80xi32, #tpu.memory_space<hbm>> -> memref<128x80xi32, #tpu.memory_space<hbm>>
        tpu.wait_dma2 semaphore(%run_scoped3A : memref<!tpu.dma_semaphore, #tpu.memory_space<semaphore_mem>>) src(%dma_wait3A_110 : memref<128x80xi32, #tpu.memory_space<hbm>>) dst(%dma_wait3A_108 : memref<128x80xi32, #tpu.memory_space<vmem>>)
        tpu.yield
      }) : () -> ()
    } else {
    }
    %eq3A_3 = arith.constant 1 : i32
    %eq3A_4 = arith.cmpi eq, %arg0, %eq3A_3 : i32
    %convert_element_type3A_5 = arith.extui %eq3A_4 : i1 to i32
    %cond3A_6 = arith.constant 0 : i32
    %cond3A_7 = arith.cmpi ne, %convert_element_type3A_5, %cond3A_6 : i32
    scf.if %cond3A_7 {
      %mul3A_89 = arith.constant 128 : i32
      %mul3A_90 = arith.muli %arg1, %mul3A_89 : i32
      %add3A = arith.constant 2048 : i32
      %add3A_91 = arith.addi %add3A, %mul3A_90 : i32
      "tpu.region"() ({
        %run_scoped3A = tpu.sem_alloc : memref<!tpu.dma_semaphore, #tpu.memory_space<semaphore_mem>>
        %dma_start3A_92 = arith.constant 0 : i32
        %dma_start3A_93 = arith.constant 0 : i32
        %dma_start3A_94 = tpu.memref_slice %arg13[%dma_start3A_92, %dma_start3A_93] : memref<128x80xi32, #tpu.memory_space<vmem>> -> memref<128x80xi32, #tpu.memory_space<vmem>>
        %dma_start3A_95 = arith.constant 0 : i32
        %dma_start3A_96 = tpu.memref_slice %arg2[%add3A_91, %dma_start3A_95] : memref<4096x80xi32, #tpu.memory_space<hbm>> -> memref<128x80xi32, #tpu.memory_space<hbm>>
        %dma_start3A_97 = arith.constant 0 : i32
        %dma_start3A_98 = arith.constant 0 : i32
        %dma_start3A_99 = tpu.memref_slice %arg13[%dma_start3A_97, %dma_start3A_98] : memref<128x80xi32, #tpu.memory_space<vmem>> -> memref<128x80xi32, #tpu.memory_space<vmem>>
        %dma_start3A_100 = arith.constant 0 : i32
        %dma_start3A_101 = tpu.memref_slice %arg2[%add3A_91, %dma_start3A_100] : memref<4096x80xi32, #tpu.memory_space<hbm>> -> memref<128x80xi32, #tpu.memory_space<hbm>>
        tpu.enqueue_dma source(%dma_start3A_101 : memref<128x80xi32, #tpu.memory_space<hbm>>) target(%dma_start3A_99 : memref<128x80xi32, #tpu.memory_space<vmem>>) target_semaphore(%run_scoped3A : memref<!tpu.dma_semaphore, #tpu.memory_space<semaphore_mem>>)
        %dma_wait3A_102 = arith.constant 0 : i32
        %dma_wait3A_103 = arith.constant 0 : i32
        %dma_wait3A_104 = tpu.memref_slice %arg13[%dma_wait3A_102, %dma_wait3A_103] : memref<128x80xi32, #tpu.memory_space<vmem>> -> memref<128x80xi32, #tpu.memory_space<vmem>>
        %dma_wait3A_105 = arith.constant 0 : i32
        %dma_wait3A_106 = tpu.memref_slice %arg2[%add3A_91, %dma_wait3A_105] : memref<4096x80xi32, #tpu.memory_space<hbm>> -> memref<128x80xi32, #tpu.memory_space<hbm>>
        %dma_wait3A_107 = arith.constant 0 : i32
        %dma_wait3A_108 = arith.constant 0 : i32
        %dma_wait3A_109 = tpu.memref_slice %arg13[%dma_wait3A_107, %dma_wait3A_108] : memref<128x80xi32, #tpu.memory_space<vmem>> -> memref<128x80xi32, #tpu.memory_space<vmem>>
        %dma_wait3A_110 = arith.constant 0 : i32
        %dma_wait3A_111 = tpu.memref_slice %arg2[%add3A_91, %dma_wait3A_110] : memref<4096x80xi32, #tpu.memory_space<hbm>> -> memref<128x80xi32, #tpu.memory_space<hbm>>
        tpu.wait_dma2 semaphore(%run_scoped3A : memref<!tpu.dma_semaphore, #tpu.memory_space<semaphore_mem>>) src(%dma_wait3A_111 : memref<128x80xi32, #tpu.memory_space<hbm>>) dst(%dma_wait3A_109 : memref<128x80xi32, #tpu.memory_space<vmem>>)
        tpu.yield
      }) : () -> ()
      "tpu.region"() ({
        %run_scoped3A = tpu.sem_alloc : memref<!tpu.dma_semaphore, #tpu.memory_space<semaphore_mem>>
        %dma_start3A_92 = arith.constant 0 : i32
        %dma_start3A_93 = arith.constant 0 : i32
        %dma_start3A_94 = tpu.memref_slice %arg14[%dma_start3A_92, %dma_start3A_93] : memref<128x80xi32, #tpu.memory_space<vmem>> -> memref<128x80xi32, #tpu.memory_space<vmem>>
        %dma_start3A_95 = arith.constant 0 : i32
        %dma_start3A_96 = tpu.memref_slice %arg3[%add3A_91, %dma_start3A_95] : memref<4096x80xi32, #tpu.memory_space<hbm>> -> memref<128x80xi32, #tpu.memory_space<hbm>>
        %dma_start3A_97 = arith.constant 0 : i32
        %dma_start3A_98 = arith.constant 0 : i32
        %dma_start3A_99 = tpu.memref_slice %arg14[%dma_start3A_97, %dma_start3A_98] : memref<128x80xi32, #tpu.memory_space<vmem>> -> memref<128x80xi32, #tpu.memory_space<vmem>>
        %dma_start3A_100 = arith.constant 0 : i32
        %dma_start3A_101 = tpu.memref_slice %arg3[%add3A_91, %dma_start3A_100] : memref<4096x80xi32, #tpu.memory_space<hbm>> -> memref<128x80xi32, #tpu.memory_space<hbm>>
        tpu.enqueue_dma source(%dma_start3A_101 : memref<128x80xi32, #tpu.memory_space<hbm>>) target(%dma_start3A_99 : memref<128x80xi32, #tpu.memory_space<vmem>>) target_semaphore(%run_scoped3A : memref<!tpu.dma_semaphore, #tpu.memory_space<semaphore_mem>>)
        %dma_wait3A_102 = arith.constant 0 : i32
        %dma_wait3A_103 = arith.constant 0 : i32
        %dma_wait3A_104 = tpu.memref_slice %arg14[%dma_wait3A_102, %dma_wait3A_103] : memref<128x80xi32, #tpu.memory_space<vmem>> -> memref<128x80xi32, #tpu.memory_space<vmem>>
        %dma_wait3A_105 = arith.constant 0 : i32
        %dma_wait3A_106 = tpu.memref_slice %arg3[%add3A_91, %dma_wait3A_105] : memref<4096x80xi32, #tpu.memory_space<hbm>> -> memref<128x80xi32, #tpu.memory_space<hbm>>
        %dma_wait3A_107 = arith.constant 0 : i32
        %dma_wait3A_108 = arith.constant 0 : i32
        %dma_wait3A_109 = tpu.memref_slice %arg14[%dma_wait3A_107, %dma_wait3A_108] : memref<128x80xi32, #tpu.memory_space<vmem>> -> memref<128x80xi32, #tpu.memory_space<vmem>>
        %dma_wait3A_110 = arith.constant 0 : i32
        %dma_wait3A_111 = tpu.memref_slice %arg3[%add3A_91, %dma_wait3A_110] : memref<4096x80xi32, #tpu.memory_space<hbm>> -> memref<128x80xi32, #tpu.memory_space<hbm>>
        tpu.wait_dma2 semaphore(%run_scoped3A : memref<!tpu.dma_semaphore, #tpu.memory_space<semaphore_mem>>) src(%dma_wait3A_111 : memref<128x80xi32, #tpu.memory_space<hbm>>) dst(%dma_wait3A_109 : memref<128x80xi32, #tpu.memory_space<vmem>>)
        tpu.yield
      }) : () -> ()
    } else {
    }
    %eq3A_8 = arith.constant 0 : i32
    %eq3A_9 = arith.cmpi eq, %arg0, %eq3A_8 : i32
    %jit3A = arith.constant 128 : i32
    %jit3A_10 = arith.constant 128 : i32
    %select_n3A = arith.select %eq3A_9, %jit3A, %jit3A_10 : i32
    %barrier3A = arith.constant 0 : index
    tpu.barrier barrier_id(%barrier3A)
    %get3A = arith.constant 0 : index
    %get3A_11 = tpu.vector_load %arg12[%get3A] {strides = array<i32>} : memref<16xf32, #tpu.memory_space<vmem>>, vector<16xf32>,
    %dma_start3A = arith.constant 0 : i32
    %dma_start3A_12 = arith.constant 0 : i32
    %dma_start3A_13 = tpu.memref_slice %arg13[%dma_start3A, %dma_start3A_12] : memref<128x80xi32, #tpu.memory_space<vmem>> -> memref<1x80xi32, #tpu.memory_space<vmem>>
    %dma_start3A_14 = tpu.memref_squeeze %dma_start3A_13 : memref<1x80xi32, #tpu.memory_space<vmem>> -> memref<80xi32, #tpu.memory_space<vmem>>
    %dma_start3A_15 = arith.constant 0 : i32
    %dma_start3A_16 = arith.constant 0 : i32
    %dma_start3A_17 = tpu.memref_slice %arg4[%dma_start3A_15, %dma_start3A_16] : memref<10112x128xf32, #tpu.memory_space<hbm>> -> memref<10112x128xf32, #tpu.memory_space<hbm>>
    tpu.enqueue_indirect_dma source(%dma_start3A_17 : memref<10112x128xf32, #tpu.memory_space<hbm>>) target(%arg21 : memref<80x128xf32, #tpu.memory_space<vmem>>) offsets(%dma_start3A_14 : memref<80xi32, #tpu.memory_space<vmem>>) semaphore(%arg25 : memref<!tpu.dma_semaphore, #tpu.memory_space<semaphore_mem>>)
    %dma_start3A_18 = arith.constant 0 : i32
    %dma_start3A_19 = arith.constant 0 : i32
    %dma_start3A_20 = tpu.memref_slice %arg13[%dma_start3A_18, %dma_start3A_19] : memref<128x80xi32, #tpu.memory_space<vmem>> -> memref<1x80xi32, #tpu.memory_space<vmem>>
    %dma_start3A_21 = tpu.memref_squeeze %dma_start3A_20 : memref<1x80xi32, #tpu.memory_space<vmem>> -> memref<80xi32, #tpu.memory_space<vmem>>
    %dma_start3A_22 = arith.constant 0 : i32
    %dma_start3A_23 = tpu.memref_slice %arg5[%dma_start3A_22] : memref<10112xf32, #tpu.memory_space<hbm>> -> memref<10112xf32, #tpu.memory_space<hbm>>
    tpu.enqueue_indirect_dma source(%dma_start3A_23 : memref<10112xf32, #tpu.memory_space<hbm>>) target(%arg15 : memref<80xf32, #tpu.memory_space<vmem>>) offsets(%dma_start3A_21 : memref<80xi32, #tpu.memory_space<vmem>>) semaphore(%arg27 : memref<!tpu.dma_semaphore, #tpu.memory_space<semaphore_mem>>)
    %dma_start3A_24 = arith.constant 0 : i32
    %dma_start3A_25 = arith.constant 0 : i32
    %dma_start3A_26 = tpu.memref_slice %arg14[%dma_start3A_24, %dma_start3A_25] : memref<128x80xi32, #tpu.memory_space<vmem>> -> memref<1x80xi32, #tpu.memory_space<vmem>>
    %dma_start3A_27 = tpu.memref_squeeze %dma_start3A_26 : memref<1x80xi32, #tpu.memory_space<vmem>> -> memref<80xi32, #tpu.memory_space<vmem>>
    %dma_start3A_28 = arith.constant 0 : i32
    %dma_start3A_29 = tpu.memref_slice %arg6[%dma_start3A_28] : memref<10112xf32, #tpu.memory_space<hbm>> -> memref<10112xf32, #tpu.memory_space<hbm>>
    tpu.enqueue_indirect_dma source(%dma_start3A_29 : memref<10112xf32, #tpu.memory_space<hbm>>) target(%arg17 : memref<80xf32, #tpu.memory_space<vmem>>) offsets(%dma_start3A_27 : memref<80xi32, #tpu.memory_space<vmem>>) semaphore(%arg29 : memref<!tpu.dma_semaphore, #tpu.memory_space<semaphore_mem>>)
    %jit3A_30 = arith.constant 2 : i32
    %div3A = arith.divsi %select_n3A, %jit3A_30 : i32
    %sign3A = arith.constant 0 : i32
    %sign3A_31 = arith.cmpi sgt, %select_n3A, %sign3A : i32
    %sign3A_32 = arith.extui %sign3A_31 : i1 to i32
    %sign3A_33 = arith.constant 0 : i32
    %sign3A_34 = arith.cmpi slt, %select_n3A, %sign3A_33 : i32
    %sign3A_35 = arith.extui %sign3A_34 : i1 to i32
    %sign3A_36 = arith.subi %sign3A_32, %sign3A_35 : i32
    %sign3A_37 = arith.constant 0 : i32
    %sign3A_38 = arith.cmpi sgt, %jit3A_30, %sign3A_37 : i32
    %sign3A_39 = arith.extui %sign3A_38 : i1 to i32
    %sign3A_40 = arith.constant 0 : i32
    %sign3A_41 = arith.cmpi slt, %jit3A_30, %sign3A_40 : i32
    %sign3A_42 = arith.extui %sign3A_41 : i1 to i32
    %sign3A_43 = arith.subi %sign3A_39, %sign3A_42 : i32
    %ne3A = arith.cmpi ne, %sign3A_36, %sign3A_43 : i32
    %rem3A = arith.remsi %select_n3A, %jit3A_30 : i32
    %ne3A_44 = arith.constant 0 : i32
    %ne3A_45 = arith.cmpi ne, %rem3A, %ne3A_44 : i32
    %and3A = arith.andi %ne3A, %ne3A_45 : i1
    %sub3A = arith.constant 1 : i32
    %sub3A_46 = arith.subi %div3A, %sub3A : i32
    %select_n3A_47 = arith.select %and3A, %sub3A_46, %div3A : i32
    %while3A = arith.constant 0 : i32
    %while3A_48 = arith.constant 0 : i32
    %while3A_49 = arith.subi %select_n3A_47, %while3A_48 : i32
    %while3A_50 = arith.addi %while3A_48, %while3A_49 : i32
    %while3A_51 = arith.constant 1 : i32
    %while3A_52 = arith.divsi %while3A_49, %while3A_51 : i32
    %while3A_53 = arith.muli %while3A_52, %while3A_51 : i32
    %while3A_54 = arith.addi %while3A_48, %while3A_53 : i32
    %while3A_55 = arith.constant 1 : i32
    scf.for %while3A_89 = %while3A_48 to %while3A_54 step %while3A_55  : i32 {
      %mul3A_90 = arith.constant 2 : i32
      %mul3A_91 = arith.muli %mul3A_90, %while3A_89 : i32
      %add3A = arith.constant 0 : i32
      %add3A_92 = arith.addi %mul3A_91, %add3A : i32
      %dma_wait3A_93 = arith.constant 0 : i32
      %dma_wait3A_94 = arith.constant 0 : i32
      %dma_wait3A_95 = tpu.memref_slice %arg13[%dma_wait3A_93, %dma_wait3A_94] : memref<128x80xi32, #tpu.memory_space<vmem>> -> memref<1x80xi32, #tpu.memory_space<vmem>>
      %dma_wait3A_96 = tpu.memref_squeeze %dma_wait3A_95 : memref<1x80xi32, #tpu.memory_space<vmem>> -> memref<80xi32, #tpu.memory_space<vmem>>
      %dma_wait3A_97 = arith.constant 0 : i32
      %dma_wait3A_98 = tpu.memref_slice %arg5[%dma_wait3A_97] : memref<10112xf32, #tpu.memory_space<hbm>> -> memref<10112xf32, #tpu.memory_space<hbm>>
      tpu.wait_indirect_dma semaphore(%arg27 : memref<!tpu.dma_semaphore, #tpu.memory_space<semaphore_mem>>) src(%dma_wait3A_98 : memref<10112xf32, #tpu.memory_space<hbm>>) dst(%arg15 : memref<80xf32, #tpu.memory_space<vmem>>)
      %dma_wait3A_99 = arith.constant 0 : i32
      %dma_wait3A_100 = arith.constant 0 : i32
      %dma_wait3A_101 = tpu.memref_slice %arg14[%dma_wait3A_99, %dma_wait3A_100] : memref<128x80xi32, #tpu.memory_space<vmem>> -> memref<1x80xi32, #tpu.memory_space<vmem>>
      %dma_wait3A_102 = tpu.memref_squeeze %dma_wait3A_101 : memref<1x80xi32, #tpu.memory_space<vmem>> -> memref<80xi32, #tpu.memory_space<vmem>>
      %dma_wait3A_103 = arith.constant 0 : i32
      %dma_wait3A_104 = tpu.memref_slice %arg6[%dma_wait3A_103] : memref<10112xf32, #tpu.memory_space<hbm>> -> memref<10112xf32, #tpu.memory_space<hbm>>
      tpu.wait_indirect_dma semaphore(%arg29 : memref<!tpu.dma_semaphore, #tpu.memory_space<semaphore_mem>>) src(%dma_wait3A_104 : memref<10112xf32, #tpu.memory_space<hbm>>) dst(%arg17 : memref<80xf32, #tpu.memory_space<vmem>>)
      %scan3A = arith.constant 0 : i32
      %scan3A_105 = arith.constant 0 : i32
      %scan3A_106 = arith.constant 5 : i32
      %scan3A_107 = arith.addi %scan3A_105, %scan3A_106 : i32
      %scan3A_108 = arith.constant 1 : i32
      scf.for %scan3A_231 = %scan3A_105 to %scan3A_107 step %scan3A_108  : i32 {
        %mul3A_232 = arith.constant 16 : i32
        %mul3A_233 = arith.muli %scan3A_231, %mul3A_232 : i32
        %get3A_234 = arith.index_cast %mul3A_233 : i32 to index
        %get3A_235 = tpu.vector_load %arg15[%get3A_234] {strides = array<i32>} : memref<80xf32, #tpu.memory_space<vmem>>, vector<16xf32>,
        %mul3A_236 = arith.constant 16 : i32
        %mul3A_237 = arith.muli %scan3A_231, %mul3A_236 : i32
        %get3A_238 = arith.index_cast %mul3A_237 : i32 to index
        %get3A_239 = tpu.vector_load %arg17[%get3A_238] {strides = array<i32>} : memref<80xf32, #tpu.memory_space<vmem>>, vector<16xf32>,
        %add3A_240 = arith.addf %get3A_235, %get3A_239 : vector<16xf32>
        %ge3A_241 = arith.constant 0.000000e+00 : f32
        %ge3A_242 = vector.broadcast %ge3A_241 : f32 to vector<16xf32>
        %ge3A_243 = arith.cmpf oge, %add3A_240, %ge3A_242 : vector<16xf32>
        %mul3A_244 = arith.constant 2.000000e-01 : f32
        %mul3A_245 = vector.broadcast %mul3A_244 : f32 to vector<16xf32>
        %mul3A_246 = arith.mulf %mul3A_245, %add3A_240 : vector<16xf32>
        %select_n3A_247 = arith.select %ge3A_243, %add3A_240, %mul3A_246 : vector<16xi1>, vector<16xf32>
        %sub3A_248 = arith.subf %select_n3A_247, %get3A_11 : vector<16xf32>
        %exp3A = math.exp %sub3A_248 : vector<16xf32>
        %mul3A_249 = arith.constant 16 : i32
        %mul3A_250 = arith.muli %scan3A_231, %mul3A_249 : i32
        %swap3A = arith.index_cast %mul3A_250 : i32 to index
        %swap3A_251 = tpu.vector_load %arg19[%swap3A] {strides = array<i32>} : memref<80xf32, #tpu.memory_space<vmem>>, vector<16xf32>,
        tpu.vector_store %arg19[%swap3A], %exp3A {strides = array<i32>} : memref<80xf32, #tpu.memory_space<vmem>>, vector<16xf32>,
      }
      %scan3A_109 = arith.constant 5 : i32
      %ge3A = arith.constant 1 : i32
      %ge3A_110 = arith.cmpi sge, %while3A_89, %ge3A : i32
      %convert_element_type3A_111 = arith.extui %ge3A_110 : i1 to i32
      %cond3A_112 = arith.constant 0 : i32
      %cond3A_113 = arith.cmpi ne, %convert_element_type3A_111, %cond3A_112 : i32
      scf.if %cond3A_113 {
        %dma_wait3A_231 = arith.constant 0 : i32
        %dma_wait3A_232 = arith.constant 0 : i32
        %dma_wait3A_233 = tpu.memref_slice %arg14[%dma_wait3A_231, %dma_wait3A_232] : memref<128x80xi32, #tpu.memory_space<vmem>> -> memref<1x80xi32, #tpu.memory_space<vmem>>
        %dma_wait3A_234 = tpu.memref_squeeze %dma_wait3A_233 : memref<1x80xi32, #tpu.memory_space<vmem>> -> memref<80xi32, #tpu.memory_space<vmem>>
        %dma_wait3A_235 = arith.constant 0 : i32
        %dma_wait3A_236 = arith.constant 0 : i32
        %dma_wait3A_237 = tpu.memref_slice %arg23[%dma_wait3A_235, %dma_wait3A_236] : memref<10112x128xf32, #tpu.memory_space<vmem_shared>> -> memref<10112x128xf32, #tpu.memory_space<vmem_shared>>
        tpu.wait_indirect_dma semaphore(%arg32 : memref<!tpu.dma_semaphore, #tpu.memory_space<semaphore_mem>>) src(%arg22 : memref<80x128xf32, #tpu.memory_space<vmem>>) dst(%dma_wait3A_237 : memref<10112x128xf32, #tpu.memory_space<vmem_shared>>)
        %dma_wait3A_238 = arith.constant 0 : i32
        %dma_wait3A_239 = arith.constant 0 : i32
        %dma_wait3A_240 = tpu.memref_slice %arg14[%dma_wait3A_238, %dma_wait3A_239] : memref<128x80xi32, #tpu.memory_space<vmem>> -> memref<1x80xi32, #tpu.memory_space<vmem>>
        %dma_wait3A_241 = tpu.memref_squeeze %dma_wait3A_240 : memref<1x80xi32, #tpu.memory_space<vmem>> -> memref<80xi32, #tpu.memory_space<vmem>>
        %dma_wait3A_242 = arith.constant 0 : i32
        %dma_wait3A_243 = tpu.memref_slice %arg24[%dma_wait3A_242] : memref<10112xf32, #tpu.memory_space<vmem_shared>> -> memref<10112xf32, #tpu.memory_space<vmem_shared>>
        tpu.wait_indirect_dma semaphore(%arg34 : memref<!tpu.dma_semaphore, #tpu.memory_space<semaphore_mem>>) src(%arg20 : memref<80xf32, #tpu.memory_space<vmem>>) dst(%dma_wait3A_243 : memref<10112xf32, #tpu.memory_space<vmem_shared>>)
      } else {
      }
      %add3A_114 = arith.constant 1 : i32
      %add3A_115 = arith.addi %add3A_92, %add3A_114 : i32
      %sub3A_116 = arith.constant 1 : i32
      %sub3A_117 = arith.subi %select_n3A, %sub3A_116 : i32
      %min3A = arith.minsi %add3A_115, %sub3A_117 : i32
      %dma_start3A_118 = arith.constant 0 : i32
      %dma_start3A_119 = tpu.memref_slice %arg13[%min3A, %dma_start3A_118] : memref<128x80xi32, #tpu.memory_space<vmem>> -> memref<1x80xi32, #tpu.memory_space<vmem>>
      %dma_start3A_120 = tpu.memref_squeeze %dma_start3A_119 : memref<1x80xi32, #tpu.memory_space<vmem>> -> memref<80xi32, #tpu.memory_space<vmem>>
      %dma_start3A_121 = arith.constant 0 : i32
      %dma_start3A_122 = arith.constant 0 : i32
      %dma_start3A_123 = tpu.memref_slice %arg4[%dma_start3A_121, %dma_start3A_122] : memref<10112x128xf32, #tpu.memory_space<hbm>> -> memref<10112x128xf32, #tpu.memory_space<hbm>>
      tpu.enqueue_indirect_dma source(%dma_start3A_123 : memref<10112x128xf32, #tpu.memory_space<hbm>>) target(%arg22 : memref<80x128xf32, #tpu.memory_space<vmem>>) offsets(%dma_start3A_120 : memref<80xi32, #tpu.memory_space<vmem>>) semaphore(%arg26 : memref<!tpu.dma_semaphore, #tpu.memory_space<semaphore_mem>>)
      %dma_start3A_124 = arith.constant 0 : i32
      %dma_start3A_125 = tpu.memref_slice %arg13[%min3A, %dma_start3A_124] : memref<128x80xi32, #tpu.memory_space<vmem>> -> memref<1x80xi32, #tpu.memory_space<vmem>>
      %dma_start3A_126 = tpu.memref_squeeze %dma_start3A_125 : memref<1x80xi32, #tpu.memory_space<vmem>> -> memref<80xi32, #tpu.memory_space<vmem>>
      %dma_start3A_127 = arith.constant 0 : i32
      %dma_start3A_128 = tpu.memref_slice %arg5[%dma_start3A_127] : memref<10112xf32, #tpu.memory_space<hbm>> -> memref<10112xf32, #tpu.memory_space<hbm>>
      tpu.enqueue_indirect_dma source(%dma_start3A_128 : memref<10112xf32, #tpu.memory_space<hbm>>) target(%arg16 : memref<80xf32, #tpu.memory_space<vmem>>) offsets(%dma_start3A_126 : memref<80xi32, #tpu.memory_space<vmem>>) semaphore(%arg28 : memref<!tpu.dma_semaphore, #tpu.memory_space<semaphore_mem>>)
      %dma_start3A_129 = arith.constant 0 : i32
      %dma_start3A_130 = tpu.memref_slice %arg14[%min3A, %dma_start3A_129] : memref<128x80xi32, #tpu.memory_space<vmem>> -> memref<1x80xi32, #tpu.memory_space<vmem>>
      %dma_start3A_131 = tpu.memref_squeeze %dma_start3A_130 : memref<1x80xi32, #tpu.memory_space<vmem>> -> memref<80xi32, #tpu.memory_space<vmem>>
      %dma_start3A_132 = arith.constant 0 : i32
      %dma_start3A_133 = tpu.memref_slice %arg6[%dma_start3A_132] : memref<10112xf32, #tpu.memory_space<hbm>> -> memref<10112xf32, #tpu.memory_space<hbm>>
      tpu.enqueue_indirect_dma source(%dma_start3A_133 : memref<10112xf32, #tpu.memory_space<hbm>>) target(%arg18 : memref<80xf32, #tpu.memory_space<vmem>>) offsets(%dma_start3A_131 : memref<80xi32, #tpu.memory_space<vmem>>) semaphore(%arg30 : memref<!tpu.dma_semaphore, #tpu.memory_space<semaphore_mem>>)
      %dma_wait3A_134 = arith.constant 0 : i32
      %dma_wait3A_135 = arith.constant 0 : i32
      %dma_wait3A_136 = tpu.memref_slice %arg13[%dma_wait3A_134, %dma_wait3A_135] : memref<128x80xi32, #tpu.memory_space<vmem>> -> memref<1x80xi32, #tpu.memory_space<vmem>>
      %dma_wait3A_137 = tpu.memref_squeeze %dma_wait3A_136 : memref<1x80xi32, #tpu.memory_space<vmem>> -> memref<80xi32, #tpu.memory_space<vmem>>
      %dma_wait3A_138 = arith.constant 0 : i32
      %dma_wait3A_139 = arith.constant 0 : i32
      %dma_wait3A_140 = tpu.memref_slice %arg4[%dma_wait3A_138, %dma_wait3A_139] : memref<10112x128xf32, #tpu.memory_space<hbm>> -> memref<10112x128xf32, #tpu.memory_space<hbm>>
      tpu.wait_indirect_dma semaphore(%arg25 : memref<!tpu.dma_semaphore, #tpu.memory_space<semaphore_mem>>) src(%dma_wait3A_140 : memref<10112x128xf32, #tpu.memory_space<hbm>>) dst(%arg21 : memref<80x128xf32, #tpu.memory_space<vmem>>)
      %parallel_loop3A = arith.constant 0 : i32
      %parallel_loop3A_141 = arith.constant 80 : i32
      %parallel_loop3A_142 = arith.constant 1 : i32
      scf.for %parallel_loop3A_231 = %parallel_loop3A to %parallel_loop3A_141 step %parallel_loop3A_142  : i32 {
        %parallel_loop3A_232 = vector.broadcast %parallel_loop3A_231 : i32 to vector<16xi32>
        %parallel_loop3A_233 = tpu.vector_load_idx %arg19[%parallel_loop3A_232] : memref<80xf32, #tpu.memory_space<vmem>>[vector<16xi32>], vector<16xf32>,
        %parallel_loop3A_234 = arith.index_cast %parallel_loop3A_231 : i32 to index
        %parallel_loop3A_235 = arith.constant 0 : index
        %parallel_loop3A_236 = tpu.vector_load %arg21[%parallel_loop3A_234, %parallel_loop3A_235] {strides = array<i32>} : memref<80x128xf32, #tpu.memory_space<vmem>>, vector<16xf32>,
        %parallel_loop3A_237 = arith.mulf %parallel_loop3A_236, %parallel_loop3A_233 : vector<16xf32>
        %parallel_loop3A_238 = arith.index_cast %parallel_loop3A_231 : i32 to index
        %parallel_loop3A_239 = arith.constant 0 : index
        %parallel_loop3A_240 = tpu.vector_load %arg21[%parallel_loop3A_238, %parallel_loop3A_239] {strides = array<i32>} : memref<80x128xf32, #tpu.memory_space<vmem>>, vector<16xf32>,
        tpu.vector_store %arg21[%parallel_loop3A_238, %parallel_loop3A_239], %parallel_loop3A_237 {strides = array<i32>} : memref<80x128xf32, #tpu.memory_space<vmem>>, vector<16xf32>,
        %parallel_loop3A_241 = arith.index_cast %parallel_loop3A_231 : i32 to index
        %parallel_loop3A_242 = arith.constant 16 : index
        %parallel_loop3A_243 = tpu.vector_load %arg21[%parallel_loop3A_241, %parallel_loop3A_242] {strides = array<i32>} : memref<80x128xf32, #tpu.memory_space<vmem>>, vector<16xf32>,
        %parallel_loop3A_244 = arith.mulf %parallel_loop3A_243, %parallel_loop3A_233 : vector<16xf32>
        %parallel_loop3A_245 = arith.index_cast %parallel_loop3A_231 : i32 to index
        %parallel_loop3A_246 = arith.constant 16 : index
        %parallel_loop3A_247 = tpu.vector_load %arg21[%parallel_loop3A_245, %parallel_loop3A_246] {strides = array<i32>} : memref<80x128xf32, #tpu.memory_space<vmem>>, vector<16xf32>,
        tpu.vector_store %arg21[%parallel_loop3A_245, %parallel_loop3A_246], %parallel_loop3A_244 {strides = array<i32>} : memref<80x128xf32, #tpu.memory_space<vmem>>, vector<16xf32>,
        %parallel_loop3A_248 = arith.index_cast %parallel_loop3A_231 : i32 to index
        %parallel_loop3A_249 = arith.constant 32 : index
        %parallel_loop3A_250 = tpu.vector_load %arg21[%parallel_loop3A_248, %parallel_loop3A_249] {strides = array<i32>} : memref<80x128xf32, #tpu.memory_space<vmem>>, vector<16xf32>,
        %parallel_loop3A_251 = arith.mulf %parallel_loop3A_250, %parallel_loop3A_233 : vector<16xf32>
        %parallel_loop3A_252 = arith.index_cast %parallel_loop3A_231 : i32 to index
        %parallel_loop3A_253 = arith.constant 32 : index
        %parallel_loop3A_254 = tpu.vector_load %arg21[%parallel_loop3A_252, %parallel_loop3A_253] {strides = array<i32>} : memref<80x128xf32, #tpu.memory_space<vmem>>, vector<16xf32>,
        tpu.vector_store %arg21[%parallel_loop3A_252, %parallel_loop3A_253], %parallel_loop3A_251 {strides = array<i32>} : memref<80x128xf32, #tpu.memory_space<vmem>>, vector<16xf32>,
        %parallel_loop3A_255 = arith.index_cast %parallel_loop3A_231 : i32 to index
        %parallel_loop3A_256 = arith.constant 48 : index
        %parallel_loop3A_257 = tpu.vector_load %arg21[%parallel_loop3A_255, %parallel_loop3A_256] {strides = array<i32>} : memref<80x128xf32, #tpu.memory_space<vmem>>, vector<16xf32>,
        %parallel_loop3A_258 = arith.mulf %parallel_loop3A_257, %parallel_loop3A_233 : vector<16xf32>
        %parallel_loop3A_259 = arith.index_cast %parallel_loop3A_231 : i32 to index
        %parallel_loop3A_260 = arith.constant 48 : index
        %parallel_loop3A_261 = tpu.vector_load %arg21[%parallel_loop3A_259, %parallel_loop3A_260] {strides = array<i32>} : memref<80x128xf32, #tpu.memory_space<vmem>>, vector<16xf32>,
        tpu.vector_store %arg21[%parallel_loop3A_259, %parallel_loop3A_260], %parallel_loop3A_258 {strides = array<i32>} : memref<80x128xf32, #tpu.memory_space<vmem>>, vector<16xf32>,
        %parallel_loop3A_262 = arith.index_cast %parallel_loop3A_231 : i32 to index
        %parallel_loop3A_263 = arith.constant 64 : index
        %parallel_loop3A_264 = tpu.vector_load %arg21[%parallel_loop3A_262, %parallel_loop3A_263] {strides = array<i32>} : memref<80x128xf32, #tpu.memory_space<vmem>>, vector<16xf32>,
        %parallel_loop3A_265 = arith.mulf %parallel_loop3A_264, %parallel_loop3A_233 : vector<16xf32>
        %parallel_loop3A_266 = arith.index_cast %parallel_loop3A_231 : i32 to index
        %parallel_loop3A_267 = arith.constant 64 : index
        %parallel_loop3A_268 = tpu.vector_load %arg21[%parallel_loop3A_266, %parallel_loop3A_267] {strides = array<i32>} : memref<80x128xf32, #tpu.memory_space<vmem>>, vector<16xf32>,
        tpu.vector_store %arg21[%parallel_loop3A_266, %parallel_loop3A_267], %parallel_loop3A_265 {strides = array<i32>} : memref<80x128xf32, #tpu.memory_space<vmem>>, vector<16xf32>,
        %parallel_loop3A_269 = arith.index_cast %parallel_loop3A_231 : i32 to index
        %parallel_loop3A_270 = arith.constant 80 : index
        %parallel_loop3A_271 = tpu.vector_load %arg21[%parallel_loop3A_269, %parallel_loop3A_270] {strides = array<i32>} : memref<80x128xf32, #tpu.memory_space<vmem>>, vector<16xf32>,
        %parallel_loop3A_272 = arith.mulf %parallel_loop3A_271, %parallel_loop3A_233 : vector<16xf32>
        %parallel_loop3A_273 = arith.index_cast %parallel_loop3A_231 : i32 to index
        %parallel_loop3A_274 = arith.constant 80 : index
        %parallel_loop3A_275 = tpu.vector_load %arg21[%parallel_loop3A_273, %parallel_loop3A_274] {strides = array<i32>} : memref<80x128xf32, #tpu.memory_space<vmem>>, vector<16xf32>,
        tpu.vector_store %arg21[%parallel_loop3A_273, %parallel_loop3A_274], %parallel_loop3A_272 {strides = array<i32>} : memref<80x128xf32, #tpu.memory_space<vmem>>, vector<16xf32>,
        %parallel_loop3A_276 = arith.index_cast %parallel_loop3A_231 : i32 to index
        %parallel_loop3A_277 = arith.constant 96 : index
        %parallel_loop3A_278 = tpu.vector_load %arg21[%parallel_loop3A_276, %parallel_loop3A_277] {strides = array<i32>} : memref<80x128xf32, #tpu.memory_space<vmem>>, vector<16xf32>,
        %parallel_loop3A_279 = arith.mulf %parallel_loop3A_278, %parallel_loop3A_233 : vector<16xf32>
        %parallel_loop3A_280 = arith.index_cast %parallel_loop3A_231 : i32 to index
        %parallel_loop3A_281 = arith.constant 96 : index
        %parallel_loop3A_282 = tpu.vector_load %arg21[%parallel_loop3A_280, %parallel_loop3A_281] {strides = array<i32>} : memref<80x128xf32, #tpu.memory_space<vmem>>, vector<16xf32>,
        tpu.vector_store %arg21[%parallel_loop3A_280, %parallel_loop3A_281], %parallel_loop3A_279 {strides = array<i32>} : memref<80x128xf32, #tpu.memory_space<vmem>>, vector<16xf32>,
        %parallel_loop3A_283 = arith.index_cast %parallel_loop3A_231 : i32 to index
        %parallel_loop3A_284 = arith.constant 112 : index
        %parallel_loop3A_285 = tpu.vector_load %arg21[%parallel_loop3A_283, %parallel_loop3A_284] {strides = array<i32>} : memref<80x128xf32, #tpu.memory_space<vmem>>, vector<16xf32>,
        %parallel_loop3A_286 = arith.mulf %parallel_loop3A_285, %parallel_loop3A_233 : vector<16xf32>
        %parallel_loop3A_287 = arith.index_cast %parallel_loop3A_231 : i32 to index
        %parallel_loop3A_288 = arith.constant 112 : index
        %parallel_loop3A_289 = tpu.vector_load %arg21[%parallel_loop3A_287, %parallel_loop3A_288] {strides = array<i32>} : memref<80x128xf32, #tpu.memory_space<vmem>>, vector<16xf32>,
        tpu.vector_store %arg21[%parallel_loop3A_287, %parallel_loop3A_288], %parallel_loop3A_286 {strides = array<i32>} : memref<80x128xf32, #tpu.memory_space<vmem>>, vector<16xf32>,
      } {sc.loop_unroll_factor = 4 : i64, sc.parallel_access}
      %dma_start3A_143 = arith.constant 0 : i32
      %dma_start3A_144 = tpu.memref_slice %arg14[%add3A_92, %dma_start3A_143] : memref<128x80xi32, #tpu.memory_space<vmem>> -> memref<1x80xi32, #tpu.memory_space<vmem>>
      %dma_start3A_145 = tpu.memref_squeeze %dma_start3A_144 : memref<1x80xi32, #tpu.memory_space<vmem>> -> memref<80xi32, #tpu.memory_space<vmem>>
      %dma_start3A_146 = arith.constant 0 : i32
      %dma_start3A_147 = arith.constant 0 : i32
      %dma_start3A_148 = tpu.memref_slice %arg23[%dma_start3A_146, %dma_start3A_147] : memref<10112x128xf32, #tpu.memory_space<vmem_shared>> -> memref<10112x128xf32, #tpu.memory_space<vmem_shared>>
      tpu.enqueue_indirect_dma source(%arg21 : memref<80x128xf32, #tpu.memory_space<vmem>>) target(%dma_start3A_148 : memref<10112x128xf32, #tpu.memory_space<vmem_shared>>) offsets(%dma_start3A_145 : memref<80xi32, #tpu.memory_space<vmem>>) semaphore(%arg31 : memref<!tpu.dma_semaphore, #tpu.memory_space<semaphore_mem>>) {add = true}
      %dma_start3A_149 = arith.constant 0 : i32
      %dma_start3A_150 = tpu.memref_slice %arg14[%add3A_92, %dma_start3A_149] : memref<128x80xi32, #tpu.memory_space<vmem>> -> memref<1x80xi32, #tpu.memory_space<vmem>>
      %dma_start3A_151 = tpu.memref_squeeze %dma_start3A_150 : memref<1x80xi32, #tpu.memory_space<vmem>> -> memref<80xi32, #tpu.memory_space<vmem>>
      %dma_start3A_152 = arith.constant 0 : i32
      %dma_start3A_153 = tpu.memref_slice %arg24[%dma_start3A_152] : memref<10112xf32, #tpu.memory_space<vmem_shared>> -> memref<10112xf32, #tpu.memory_space<vmem_shared>>
      tpu.enqueue_indirect_dma source(%arg19 : memref<80xf32, #tpu.memory_space<vmem>>) target(%dma_start3A_153 : memref<10112xf32, #tpu.memory_space<vmem_shared>>) offsets(%dma_start3A_151 : memref<80xi32, #tpu.memory_space<vmem>>) semaphore(%arg33 : memref<!tpu.dma_semaphore, #tpu.memory_space<semaphore_mem>>) {add = true}
      %mul3A_154 = arith.constant 2 : i32
      %mul3A_155 = arith.muli %mul3A_154, %while3A_89 : i32
      %add3A_156 = arith.constant 1 : i32
      %add3A_157 = arith.addi %mul3A_155, %add3A_156 : i32
      %dma_wait3A_158 = arith.constant 0 : i32
      %dma_wait3A_159 = arith.constant 0 : i32
      %dma_wait3A_160 = tpu.memref_slice %arg13[%dma_wait3A_158, %dma_wait3A_159] : memref<128x80xi32, #tpu.memory_space<vmem>> -> memref<1x80xi32, #tpu.memory_space<vmem>>
      %dma_wait3A_161 = tpu.memref_squeeze %dma_wait3A_160 : memref<1x80xi32, #tpu.memory_space<vmem>> -> memref<80xi32, #tpu.memory_space<vmem>>
      %dma_wait3A_162 = arith.constant 0 : i32
      %dma_wait3A_163 = tpu.memref_slice %arg5[%dma_wait3A_162] : memref<10112xf32, #tpu.memory_space<hbm>> -> memref<10112xf32, #tpu.memory_space<hbm>>
      tpu.wait_indirect_dma semaphore(%arg28 : memref<!tpu.dma_semaphore, #tpu.memory_space<semaphore_mem>>) src(%dma_wait3A_163 : memref<10112xf32, #tpu.memory_space<hbm>>) dst(%arg16 : memref<80xf32, #tpu.memory_space<vmem>>)
      %dma_wait3A_164 = arith.constant 0 : i32
      %dma_wait3A_165 = arith.constant 0 : i32
      %dma_wait3A_166 = tpu.memref_slice %arg14[%dma_wait3A_164, %dma_wait3A_165] : memref<128x80xi32, #tpu.memory_space<vmem>> -> memref<1x80xi32, #tpu.memory_space<vmem>>
      %dma_wait3A_167 = tpu.memref_squeeze %dma_wait3A_166 : memref<1x80xi32, #tpu.memory_space<vmem>> -> memref<80xi32, #tpu.memory_space<vmem>>
      %dma_wait3A_168 = arith.constant 0 : i32
      %dma_wait3A_169 = tpu.memref_slice %arg6[%dma_wait3A_168] : memref<10112xf32, #tpu.memory_space<hbm>> -> memref<10112xf32, #tpu.memory_space<hbm>>
      tpu.wait_indirect_dma semaphore(%arg30 : memref<!tpu.dma_semaphore, #tpu.memory_space<semaphore_mem>>) src(%dma_wait3A_169 : memref<10112xf32, #tpu.memory_space<hbm>>) dst(%arg18 : memref<80xf32, #tpu.memory_space<vmem>>)
      %scan3A_170 = arith.constant 0 : i32
      %scan3A_171 = arith.constant 0 : i32
      %scan3A_172 = arith.constant 5 : i32
      %scan3A_173 = arith.addi %scan3A_171, %scan3A_172 : i32
      %scan3A_174 = arith.constant 1 : i32
      scf.for %scan3A_231 = %scan3A_171 to %scan3A_173 step %scan3A_174  : i32 {
        %mul3A_232 = arith.constant 16 : i32
        %mul3A_233 = arith.muli %scan3A_231, %mul3A_232 : i32
        %get3A_234 = arith.index_cast %mul3A_233 : i32 to index
        %get3A_235 = tpu.vector_load %arg16[%get3A_234] {strides = array<i32>} : memref<80xf32, #tpu.memory_space<vmem>>, vector<16xf32>,
        %mul3A_236 = arith.constant 16 : i32
        %mul3A_237 = arith.muli %scan3A_231, %mul3A_236 : i32
        %get3A_238 = arith.index_cast %mul3A_237 : i32 to index
        %get3A_239 = tpu.vector_load %arg18[%get3A_238] {strides = array<i32>} : memref<80xf32, #tpu.memory_space<vmem>>, vector<16xf32>,
        %add3A_240 = arith.addf %get3A_235, %get3A_239 : vector<16xf32>
        %ge3A_241 = arith.constant 0.000000e+00 : f32
        %ge3A_242 = vector.broadcast %ge3A_241 : f32 to vector<16xf32>
        %ge3A_243 = arith.cmpf oge, %add3A_240, %ge3A_242 : vector<16xf32>
        %mul3A_244 = arith.constant 2.000000e-01 : f32
        %mul3A_245 = vector.broadcast %mul3A_244 : f32 to vector<16xf32>
        %mul3A_246 = arith.mulf %mul3A_245, %add3A_240 : vector<16xf32>
        %select_n3A_247 = arith.select %ge3A_243, %add3A_240, %mul3A_246 : vector<16xi1>, vector<16xf32>
        %sub3A_248 = arith.subf %select_n3A_247, %get3A_11 : vector<16xf32>
        %exp3A = math.exp %sub3A_248 : vector<16xf32>
        %mul3A_249 = arith.constant 16 : i32
        %mul3A_250 = arith.muli %scan3A_231, %mul3A_249 : i32
        %swap3A = arith.index_cast %mul3A_250 : i32 to index
        %swap3A_251 = tpu.vector_load %arg20[%swap3A] {strides = array<i32>} : memref<80xf32, #tpu.memory_space<vmem>>, vector<16xf32>,
        tpu.vector_store %arg20[%swap3A], %exp3A {strides = array<i32>} : memref<80xf32, #tpu.memory_space<vmem>>, vector<16xf32>,
      }
      %scan3A_175 = arith.constant 5 : i32
      %dma_wait3A_176 = arith.constant 0 : i32
      %dma_wait3A_177 = arith.constant 0 : i32
      %dma_wait3A_178 = tpu.memref_slice %arg14[%dma_wait3A_176, %dma_wait3A_177] : memref<128x80xi32, #tpu.memory_space<vmem>> -> memref<1x80xi32, #tpu.memory_space<vmem>>
      %dma_wait3A_179 = tpu.memref_squeeze %dma_wait3A_178 : memref<1x80xi32, #tpu.memory_space<vmem>> -> memref<80xi32, #tpu.memory_space<vmem>>
      %dma_wait3A_180 = arith.constant 0 : i32
      %dma_wait3A_181 = arith.constant 0 : i32
      %dma_wait3A_182 = tpu.memref_slice %arg23[%dma_wait3A_180, %dma_wait3A_181] : memref<10112x128xf32, #tpu.memory_space<vmem_shared>> -> memref<10112x128xf32, #tpu.memory_space<vmem_shared>>
      tpu.wait_indirect_dma semaphore(%arg31 : memref<!tpu.dma_semaphore, #tpu.memory_space<semaphore_mem>>) src(%arg21 : memref<80x128xf32, #tpu.memory_space<vmem>>) dst(%dma_wait3A_182 : memref<10112x128xf32, #tpu.memory_space<vmem_shared>>)
      %dma_wait3A_183 = arith.constant 0 : i32
      %dma_wait3A_184 = arith.constant 0 : i32
      %dma_wait3A_185 = tpu.memref_slice %arg14[%dma_wait3A_183, %dma_wait3A_184] : memref<128x80xi32, #tpu.memory_space<vmem>> -> memref<1x80xi32, #tpu.memory_space<vmem>>
      %dma_wait3A_186 = tpu.memref_squeeze %dma_wait3A_185 : memref<1x80xi32, #tpu.memory_space<vmem>> -> memref<80xi32, #tpu.memory_space<vmem>>
      %dma_wait3A_187 = arith.constant 0 : i32
      %dma_wait3A_188 = tpu.memref_slice %arg24[%dma_wait3A_187] : memref<10112xf32, #tpu.memory_space<vmem_shared>> -> memref<10112xf32, #tpu.memory_space<vmem_shared>>
      tpu.wait_indirect_dma semaphore(%arg33 : memref<!tpu.dma_semaphore, #tpu.memory_space<semaphore_mem>>) src(%arg19 : memref<80xf32, #tpu.memory_space<vmem>>) dst(%dma_wait3A_188 : memref<10112xf32, #tpu.memory_space<vmem_shared>>)
      %add3A_189 = arith.constant 1 : i32
      %add3A_190 = arith.addi %add3A_157, %add3A_189 : i32
      %sub3A_191 = arith.constant 1 : i32
      %sub3A_192 = arith.subi %select_n3A, %sub3A_191 : i32
      %min3A_193 = arith.minsi %add3A_190, %sub3A_192 : i32
      %dma_start3A_194 = arith.constant 0 : i32
      %dma_start3A_195 = tpu.memref_slice %arg13[%min3A_193, %dma_start3A_194] : memref<128x80xi32, #tpu.memory_space<vmem>> -> memref<1x80xi32, #tpu.memory_space<vmem>>
      %dma_start3A_196 = tpu.memref_squeeze %dma_start3A_195 : memref<1x80xi32, #tpu.memory_space<vmem>> -> memref<80xi32, #tpu.memory_space<vmem>>
      %dma_start3A_197 = arith.constant 0 : i32
      %dma_start3A_198 = arith.constant 0 : i32
      %dma_start3A_199 = tpu.memref_slice %arg4[%dma_start3A_197, %dma_start3A_198] : memref<10112x128xf32, #tpu.memory_space<hbm>> -> memref<10112x128xf32, #tpu.memory_space<hbm>>
      tpu.enqueue_indirect_dma source(%dma_start3A_199 : memref<10112x128xf32, #tpu.memory_space<hbm>>) target(%arg21 : memref<80x128xf32, #tpu.memory_space<vmem>>) offsets(%dma_start3A_196 : memref<80xi32, #tpu.memory_space<vmem>>) semaphore(%arg25 : memref<!tpu.dma_semaphore, #tpu.memory_space<semaphore_mem>>)
      %dma_start3A_200 = arith.constant 0 : i32
      %dma_start3A_201 = tpu.memref_slice %arg13[%min3A_193, %dma_start3A_200] : memref<128x80xi32, #tpu.memory_space<vmem>> -> memref<1x80xi32, #tpu.memory_space<vmem>>
      %dma_start3A_202 = tpu.memref_squeeze %dma_start3A_201 : memref<1x80xi32, #tpu.memory_space<vmem>> -> memref<80xi32, #tpu.memory_space<vmem>>
      %dma_start3A_203 = arith.constant 0 : i32
      %dma_start3A_204 = tpu.memref_slice %arg5[%dma_start3A_203] : memref<10112xf32, #tpu.memory_space<hbm>> -> memref<10112xf32, #tpu.memory_space<hbm>>
      tpu.enqueue_indirect_dma source(%dma_start3A_204 : memref<10112xf32, #tpu.memory_space<hbm>>) target(%arg15 : memref<80xf32, #tpu.memory_space<vmem>>) offsets(%dma_start3A_202 : memref<80xi32, #tpu.memory_space<vmem>>) semaphore(%arg27 : memref<!tpu.dma_semaphore, #tpu.memory_space<semaphore_mem>>)
      %dma_start3A_205 = arith.constant 0 : i32
      %dma_start3A_206 = tpu.memref_slice %arg14[%min3A_193, %dma_start3A_205] : memref<128x80xi32, #tpu.memory_space<vmem>> -> memref<1x80xi32, #tpu.memory_space<vmem>>
      %dma_start3A_207 = tpu.memref_squeeze %dma_start3A_206 : memref<1x80xi32, #tpu.memory_space<vmem>> -> memref<80xi32, #tpu.memory_space<vmem>>
      %dma_start3A_208 = arith.constant 0 : i32
      %dma_start3A_209 = tpu.memref_slice %arg6[%dma_start3A_208] : memref<10112xf32, #tpu.memory_space<hbm>> -> memref<10112xf32, #tpu.memory_space<hbm>>
      tpu.enqueue_indirect_dma source(%dma_start3A_209 : memref<10112xf32, #tpu.memory_space<hbm>>) target(%arg17 : memref<80xf32, #tpu.memory_space<vmem>>) offsets(%dma_start3A_207 : memref<80xi32, #tpu.memory_space<vmem>>) semaphore(%arg29 : memref<!tpu.dma_semaphore, #tpu.memory_space<semaphore_mem>>)
      %dma_wait3A_210 = arith.constant 0 : i32
      %dma_wait3A_211 = arith.constant 0 : i32
      %dma_wait3A_212 = tpu.memref_slice %arg13[%dma_wait3A_210, %dma_wait3A_211] : memref<128x80xi32, #tpu.memory_space<vmem>> -> memref<1x80xi32, #tpu.memory_space<vmem>>
      %dma_wait3A_213 = tpu.memref_squeeze %dma_wait3A_212 : memref<1x80xi32, #tpu.memory_space<vmem>> -> memref<80xi32, #tpu.memory_space<vmem>>
      %dma_wait3A_214 = arith.constant 0 : i32
      %dma_wait3A_215 = arith.constant 0 : i32
      %dma_wait3A_216 = tpu.memref_slice %arg4[%dma_wait3A_214, %dma_wait3A_215] : memref<10112x128xf32, #tpu.memory_space<hbm>> -> memref<10112x128xf32, #tpu.memory_space<hbm>>
      tpu.wait_indirect_dma semaphore(%arg26 : memref<!tpu.dma_semaphore, #tpu.memory_space<semaphore_mem>>) src(%dma_wait3A_216 : memref<10112x128xf32, #tpu.memory_space<hbm>>) dst(%arg22 : memref<80x128xf32, #tpu.memory_space<vmem>>)
      %parallel_loop3A_217 = arith.constant 0 : i32
      %parallel_loop3A_218 = arith.constant 80 : i32
      %parallel_loop3A_219 = arith.constant 1 : i32
      scf.for %parallel_loop3A_231 = %parallel_loop3A_217 to %parallel_loop3A_218 step %parallel_loop3A_219  : i32 {
        %parallel_loop3A_232 = vector.broadcast %parallel_loop3A_231 : i32 to vector<16xi32>
        %parallel_loop3A_233 = tpu.vector_load_idx %arg20[%parallel_loop3A_232] : memref<80xf32, #tpu.memory_space<vmem>>[vector<16xi32>], vector<16xf32>,
        %parallel_loop3A_234 = arith.index_cast %parallel_loop3A_231 : i32 to index
        %parallel_loop3A_235 = arith.constant 0 : index
        %parallel_loop3A_236 = tpu.vector_load %arg22[%parallel_loop3A_234, %parallel_loop3A_235] {strides = array<i32>} : memref<80x128xf32, #tpu.memory_space<vmem>>, vector<16xf32>,
        %parallel_loop3A_237 = arith.mulf %parallel_loop3A_236, %parallel_loop3A_233 : vector<16xf32>
        %parallel_loop3A_238 = arith.index_cast %parallel_loop3A_231 : i32 to index
        %parallel_loop3A_239 = arith.constant 0 : index
        %parallel_loop3A_240 = tpu.vector_load %arg22[%parallel_loop3A_238, %parallel_loop3A_239] {strides = array<i32>} : memref<80x128xf32, #tpu.memory_space<vmem>>, vector<16xf32>,
        tpu.vector_store %arg22[%parallel_loop3A_238, %parallel_loop3A_239], %parallel_loop3A_237 {strides = array<i32>} : memref<80x128xf32, #tpu.memory_space<vmem>>, vector<16xf32>,
        %parallel_loop3A_241 = arith.index_cast %parallel_loop3A_231 : i32 to index
        %parallel_loop3A_242 = arith.constant 16 : index
        %parallel_loop3A_243 = tpu.vector_load %arg22[%parallel_loop3A_241, %parallel_loop3A_242] {strides = array<i32>} : memref<80x128xf32, #tpu.memory_space<vmem>>, vector<16xf32>,
        %parallel_loop3A_244 = arith.mulf %parallel_loop3A_243, %parallel_loop3A_233 : vector<16xf32>
        %parallel_loop3A_245 = arith.index_cast %parallel_loop3A_231 : i32 to index
        %parallel_loop3A_246 = arith.constant 16 : index
        %parallel_loop3A_247 = tpu.vector_load %arg22[%parallel_loop3A_245, %parallel_loop3A_246] {strides = array<i32>} : memref<80x128xf32, #tpu.memory_space<vmem>>, vector<16xf32>,
        tpu.vector_store %arg22[%parallel_loop3A_245, %parallel_loop3A_246], %parallel_loop3A_244 {strides = array<i32>} : memref<80x128xf32, #tpu.memory_space<vmem>>, vector<16xf32>,
        %parallel_loop3A_248 = arith.index_cast %parallel_loop3A_231 : i32 to index
        %parallel_loop3A_249 = arith.constant 32 : index
        %parallel_loop3A_250 = tpu.vector_load %arg22[%parallel_loop3A_248, %parallel_loop3A_249] {strides = array<i32>} : memref<80x128xf32, #tpu.memory_space<vmem>>, vector<16xf32>,
        %parallel_loop3A_251 = arith.mulf %parallel_loop3A_250, %parallel_loop3A_233 : vector<16xf32>
        %parallel_loop3A_252 = arith.index_cast %parallel_loop3A_231 : i32 to index
        %parallel_loop3A_253 = arith.constant 32 : index
        %parallel_loop3A_254 = tpu.vector_load %arg22[%parallel_loop3A_252, %parallel_loop3A_253] {strides = array<i32>} : memref<80x128xf32, #tpu.memory_space<vmem>>, vector<16xf32>,
        tpu.vector_store %arg22[%parallel_loop3A_252, %parallel_loop3A_253], %parallel_loop3A_251 {strides = array<i32>} : memref<80x128xf32, #tpu.memory_space<vmem>>, vector<16xf32>,
        %parallel_loop3A_255 = arith.index_cast %parallel_loop3A_231 : i32 to index
        %parallel_loop3A_256 = arith.constant 48 : index
        %parallel_loop3A_257 = tpu.vector_load %arg22[%parallel_loop3A_255, %parallel_loop3A_256] {strides = array<i32>} : memref<80x128xf32, #tpu.memory_space<vmem>>, vector<16xf32>,
        %parallel_loop3A_258 = arith.mulf %parallel_loop3A_257, %parallel_loop3A_233 : vector<16xf32>
        %parallel_loop3A_259 = arith.index_cast %parallel_loop3A_231 : i32 to index
        %parallel_loop3A_260 = arith.constant 48 : index
        %parallel_loop3A_261 = tpu.vector_load %arg22[%parallel_loop3A_259, %parallel_loop3A_260] {strides = array<i32>} : memref<80x128xf32, #tpu.memory_space<vmem>>, vector<16xf32>,
        tpu.vector_store %arg22[%parallel_loop3A_259, %parallel_loop3A_260], %parallel_loop3A_258 {strides = array<i32>} : memref<80x128xf32, #tpu.memory_space<vmem>>, vector<16xf32>,
        %parallel_loop3A_262 = arith.index_cast %parallel_loop3A_231 : i32 to index
        %parallel_loop3A_263 = arith.constant 64 : index
        %parallel_loop3A_264 = tpu.vector_load %arg22[%parallel_loop3A_262, %parallel_loop3A_263] {strides = array<i32>} : memref<80x128xf32, #tpu.memory_space<vmem>>, vector<16xf32>,
        %parallel_loop3A_265 = arith.mulf %parallel_loop3A_264, %parallel_loop3A_233 : vector<16xf32>
        %parallel_loop3A_266 = arith.index_cast %parallel_loop3A_231 : i32 to index
        %parallel_loop3A_267 = arith.constant 64 : index
        %parallel_loop3A_268 = tpu.vector_load %arg22[%parallel_loop3A_266, %parallel_loop3A_267] {strides = array<i32>} : memref<80x128xf32, #tpu.memory_space<vmem>>, vector<16xf32>,
        tpu.vector_store %arg22[%parallel_loop3A_266, %parallel_loop3A_267], %parallel_loop3A_265 {strides = array<i32>} : memref<80x128xf32, #tpu.memory_space<vmem>>, vector<16xf32>,
        %parallel_loop3A_269 = arith.index_cast %parallel_loop3A_231 : i32 to index
        %parallel_loop3A_270 = arith.constant 80 : index
        %parallel_loop3A_271 = tpu.vector_load %arg22[%parallel_loop3A_269, %parallel_loop3A_270] {strides = array<i32>} : memref<80x128xf32, #tpu.memory_space<vmem>>, vector<16xf32>,
        %parallel_loop3A_272 = arith.mulf %parallel_loop3A_271, %parallel_loop3A_233 : vector<16xf32>
        %parallel_loop3A_273 = arith.index_cast %parallel_loop3A_231 : i32 to index
        %parallel_loop3A_274 = arith.constant 80 : index
        %parallel_loop3A_275 = tpu.vector_load %arg22[%parallel_loop3A_273, %parallel_loop3A_274] {strides = array<i32>} : memref<80x128xf32, #tpu.memory_space<vmem>>, vector<16xf32>,
        tpu.vector_store %arg22[%parallel_loop3A_273, %parallel_loop3A_274], %parallel_loop3A_272 {strides = array<i32>} : memref<80x128xf32, #tpu.memory_space<vmem>>, vector<16xf32>,
        %parallel_loop3A_276 = arith.index_cast %parallel_loop3A_231 : i32 to index
        %parallel_loop3A_277 = arith.constant 96 : index
        %parallel_loop3A_278 = tpu.vector_load %arg22[%parallel_loop3A_276, %parallel_loop3A_277] {strides = array<i32>} : memref<80x128xf32, #tpu.memory_space<vmem>>, vector<16xf32>,
        %parallel_loop3A_279 = arith.mulf %parallel_loop3A_278, %parallel_loop3A_233 : vector<16xf32>
        %parallel_loop3A_280 = arith.index_cast %parallel_loop3A_231 : i32 to index
        %parallel_loop3A_281 = arith.constant 96 : index
        %parallel_loop3A_282 = tpu.vector_load %arg22[%parallel_loop3A_280, %parallel_loop3A_281] {strides = array<i32>} : memref<80x128xf32, #tpu.memory_space<vmem>>, vector<16xf32>,
        tpu.vector_store %arg22[%parallel_loop3A_280, %parallel_loop3A_281], %parallel_loop3A_279 {strides = array<i32>} : memref<80x128xf32, #tpu.memory_space<vmem>>, vector<16xf32>,
        %parallel_loop3A_283 = arith.index_cast %parallel_loop3A_231 : i32 to index
        %parallel_loop3A_284 = arith.constant 112 : index
        %parallel_loop3A_285 = tpu.vector_load %arg22[%parallel_loop3A_283, %parallel_loop3A_284] {strides = array<i32>} : memref<80x128xf32, #tpu.memory_space<vmem>>, vector<16xf32>,
        %parallel_loop3A_286 = arith.mulf %parallel_loop3A_285, %parallel_loop3A_233 : vector<16xf32>
        %parallel_loop3A_287 = arith.index_cast %parallel_loop3A_231 : i32 to index
        %parallel_loop3A_288 = arith.constant 112 : index
        %parallel_loop3A_289 = tpu.vector_load %arg22[%parallel_loop3A_287, %parallel_loop3A_288] {strides = array<i32>} : memref<80x128xf32, #tpu.memory_space<vmem>>, vector<16xf32>,
        tpu.vector_store %arg22[%parallel_loop3A_287, %parallel_loop3A_288], %parallel_loop3A_286 {strides = array<i32>} : memref<80x128xf32, #tpu.memory_space<vmem>>, vector<16xf32>,
      } {sc.loop_unroll_factor = 4 : i64, sc.parallel_access}
      %dma_start3A_220 = arith.constant 0 : i32
      %dma_start3A_221 = tpu.memref_slice %arg14[%add3A_157, %dma_start3A_220] : memref<128x80xi32, #tpu.memory_space<vmem>> -> memref<1x80xi32, #tpu.memory_space<vmem>>
      %dma_start3A_222 = tpu.memref_squeeze %dma_start3A_221 : memref<1x80xi32, #tpu.memory_space<vmem>> -> memref<80xi32, #tpu.memory_space<vmem>>
      %dma_start3A_223 = arith.constant 0 : i32
      %dma_start3A_224 = arith.constant 0 : i32
      %dma_start3A_225 = tpu.memref_slice %arg23[%dma_start3A_223, %dma_start3A_224] : memref<10112x128xf32, #tpu.memory_space<vmem_shared>> -> memref<10112x128xf32, #tpu.memory_space<vmem_shared>>
      tpu.enqueue_indirect_dma source(%arg22 : memref<80x128xf32, #tpu.memory_space<vmem>>) target(%dma_start3A_225 : memref<10112x128xf32, #tpu.memory_space<vmem_shared>>) offsets(%dma_start3A_222 : memref<80xi32, #tpu.memory_space<vmem>>) semaphore(%arg32 : memref<!tpu.dma_semaphore, #tpu.memory_space<semaphore_mem>>) {add = true}
      %dma_start3A_226 = arith.constant 0 : i32
      %dma_start3A_227 = tpu.memref_slice %arg14[%add3A_157, %dma_start3A_226] : memref<128x80xi32, #tpu.memory_space<vmem>> -> memref<1x80xi32, #tpu.memory_space<vmem>>
      %dma_start3A_228 = tpu.memref_squeeze %dma_start3A_227 : memref<1x80xi32, #tpu.memory_space<vmem>> -> memref<80xi32, #tpu.memory_space<vmem>>
      %dma_start3A_229 = arith.constant 0 : i32
      %dma_start3A_230 = tpu.memref_slice %arg24[%dma_start3A_229] : memref<10112xf32, #tpu.memory_space<vmem_shared>> -> memref<10112xf32, #tpu.memory_space<vmem_shared>>
      tpu.enqueue_indirect_dma source(%arg20 : memref<80xf32, #tpu.memory_space<vmem>>) target(%dma_start3A_230 : memref<10112xf32, #tpu.memory_space<vmem_shared>>) offsets(%dma_start3A_228 : memref<80xi32, #tpu.memory_space<vmem>>) semaphore(%arg34 : memref<!tpu.dma_semaphore, #tpu.memory_space<semaphore_mem>>) {add = true}
    }
    %while3A_56 = arith.constant 1 : i32
    scf.for %while3A_89 = %while3A_54 to %while3A_50 step %while3A_56  : i32 {
      %mul3A_90 = arith.constant 2 : i32
      %mul3A_91 = arith.muli %mul3A_90, %while3A_89 : i32
      %add3A = arith.constant 0 : i32
      %add3A_92 = arith.addi %mul3A_91, %add3A : i32
      %dma_wait3A_93 = arith.constant 0 : i32
      %dma_wait3A_94 = arith.constant 0 : i32
      %dma_wait3A_95 = tpu.memref_slice %arg13[%dma_wait3A_93, %dma_wait3A_94] : memref<128x80xi32, #tpu.memory_space<vmem>> -> memref<1x80xi32, #tpu.memory_space<vmem>>
      %dma_wait3A_96 = tpu.memref_squeeze %dma_wait3A_95 : memref<1x80xi32, #tpu.memory_space<vmem>> -> memref<80xi32, #tpu.memory_space<vmem>>
      %dma_wait3A_97 = arith.constant 0 : i32
      %dma_wait3A_98 = tpu.memref_slice %arg5[%dma_wait3A_97] : memref<10112xf32, #tpu.memory_space<hbm>> -> memref<10112xf32, #tpu.memory_space<hbm>>
      tpu.wait_indirect_dma semaphore(%arg27 : memref<!tpu.dma_semaphore, #tpu.memory_space<semaphore_mem>>) src(%dma_wait3A_98 : memref<10112xf32, #tpu.memory_space<hbm>>) dst(%arg15 : memref<80xf32, #tpu.memory_space<vmem>>)
      %dma_wait3A_99 = arith.constant 0 : i32
      %dma_wait3A_100 = arith.constant 0 : i32
      %dma_wait3A_101 = tpu.memref_slice %arg14[%dma_wait3A_99, %dma_wait3A_100] : memref<128x80xi32, #tpu.memory_space<vmem>> -> memref<1x80xi32, #tpu.memory_space<vmem>>
      %dma_wait3A_102 = tpu.memref_squeeze %dma_wait3A_101 : memref<1x80xi32, #tpu.memory_space<vmem>> -> memref<80xi32, #tpu.memory_space<vmem>>
      %dma_wait3A_103 = arith.constant 0 : i32
      %dma_wait3A_104 = tpu.memref_slice %arg6[%dma_wait3A_103] : memref<10112xf32, #tpu.memory_space<hbm>> -> memref<10112xf32, #tpu.memory_space<hbm>>
      tpu.wait_indirect_dma semaphore(%arg29 : memref<!tpu.dma_semaphore, #tpu.memory_space<semaphore_mem>>) src(%dma_wait3A_104 : memref<10112xf32, #tpu.memory_space<hbm>>) dst(%arg17 : memref<80xf32, #tpu.memory_space<vmem>>)
      %scan3A = arith.constant 0 : i32
      %scan3A_105 = arith.constant 0 : i32
      %scan3A_106 = arith.constant 5 : i32
      %scan3A_107 = arith.addi %scan3A_105, %scan3A_106 : i32
      %scan3A_108 = arith.constant 1 : i32
      scf.for %scan3A_231 = %scan3A_105 to %scan3A_107 step %scan3A_108  : i32 {
        %mul3A_232 = arith.constant 16 : i32
        %mul3A_233 = arith.muli %scan3A_231, %mul3A_232 : i32
        %get3A_234 = arith.index_cast %mul3A_233 : i32 to index
        %get3A_235 = tpu.vector_load %arg15[%get3A_234] {strides = array<i32>} : memref<80xf32, #tpu.memory_space<vmem>>, vector<16xf32>,
        %mul3A_236 = arith.constant 16 : i32
        %mul3A_237 = arith.muli %scan3A_231, %mul3A_236 : i32
        %get3A_238 = arith.index_cast %mul3A_237 : i32 to index
        %get3A_239 = tpu.vector_load %arg17[%get3A_238] {strides = array<i32>} : memref<80xf32, #tpu.memory_space<vmem>>, vector<16xf32>,
        %add3A_240 = arith.addf %get3A_235, %get3A_239 : vector<16xf32>
        %ge3A_241 = arith.constant 0.000000e+00 : f32
        %ge3A_242 = vector.broadcast %ge3A_241 : f32 to vector<16xf32>
        %ge3A_243 = arith.cmpf oge, %add3A_240, %ge3A_242 : vector<16xf32>
        %mul3A_244 = arith.constant 2.000000e-01 : f32
        %mul3A_245 = vector.broadcast %mul3A_244 : f32 to vector<16xf32>
        %mul3A_246 = arith.mulf %mul3A_245, %add3A_240 : vector<16xf32>
        %select_n3A_247 = arith.select %ge3A_243, %add3A_240, %mul3A_246 : vector<16xi1>, vector<16xf32>
        %sub3A_248 = arith.subf %select_n3A_247, %get3A_11 : vector<16xf32>
        %exp3A = math.exp %sub3A_248 : vector<16xf32>
        %mul3A_249 = arith.constant 16 : i32
        %mul3A_250 = arith.muli %scan3A_231, %mul3A_249 : i32
        %swap3A = arith.index_cast %mul3A_250 : i32 to index
        %swap3A_251 = tpu.vector_load %arg19[%swap3A] {strides = array<i32>} : memref<80xf32, #tpu.memory_space<vmem>>, vector<16xf32>,
        tpu.vector_store %arg19[%swap3A], %exp3A {strides = array<i32>} : memref<80xf32, #tpu.memory_space<vmem>>, vector<16xf32>,
      }
      %scan3A_109 = arith.constant 5 : i32
      %ge3A = arith.constant 1 : i32
      %ge3A_110 = arith.cmpi sge, %while3A_89, %ge3A : i32
      %convert_element_type3A_111 = arith.extui %ge3A_110 : i1 to i32
      %cond3A_112 = arith.constant 0 : i32
      %cond3A_113 = arith.cmpi ne, %convert_element_type3A_111, %cond3A_112 : i32
      scf.if %cond3A_113 {
        %dma_wait3A_231 = arith.constant 0 : i32
        %dma_wait3A_232 = arith.constant 0 : i32
        %dma_wait3A_233 = tpu.memref_slice %arg14[%dma_wait3A_231, %dma_wait3A_232] : memref<128x80xi32, #tpu.memory_space<vmem>> -> memref<1x80xi32, #tpu.memory_space<vmem>>
        %dma_wait3A_234 = tpu.memref_squeeze %dma_wait3A_233 : memref<1x80xi32, #tpu.memory_space<vmem>> -> memref<80xi32, #tpu.memory_space<vmem>>
        %dma_wait3A_235 = arith.constant 0 : i32
        %dma_wait3A_236 = arith.constant 0 : i32
        %dma_wait3A_237 = tpu.memref_slice %arg23[%dma_wait3A_235, %dma_wait3A_236] : memref<10112x128xf32, #tpu.memory_space<vmem_shared>> -> memref<10112x128xf32, #tpu.memory_space<vmem_shared>>
        tpu.wait_indirect_dma semaphore(%arg32 : memref<!tpu.dma_semaphore, #tpu.memory_space<semaphore_mem>>) src(%arg22 : memref<80x128xf32, #tpu.memory_space<vmem>>) dst(%dma_wait3A_237 : memref<10112x128xf32, #tpu.memory_space<vmem_shared>>)
        %dma_wait3A_238 = arith.constant 0 : i32
        %dma_wait3A_239 = arith.constant 0 : i32
        %dma_wait3A_240 = tpu.memref_slice %arg14[%dma_wait3A_238, %dma_wait3A_239] : memref<128x80xi32, #tpu.memory_space<vmem>> -> memref<1x80xi32, #tpu.memory_space<vmem>>
        %dma_wait3A_241 = tpu.memref_squeeze %dma_wait3A_240 : memref<1x80xi32, #tpu.memory_space<vmem>> -> memref<80xi32, #tpu.memory_space<vmem>>
        %dma_wait3A_242 = arith.constant 0 : i32
        %dma_wait3A_243 = tpu.memref_slice %arg24[%dma_wait3A_242] : memref<10112xf32, #tpu.memory_space<vmem_shared>> -> memref<10112xf32, #tpu.memory_space<vmem_shared>>
        tpu.wait_indirect_dma semaphore(%arg34 : memref<!tpu.dma_semaphore, #tpu.memory_space<semaphore_mem>>) src(%arg20 : memref<80xf32, #tpu.memory_space<vmem>>) dst(%dma_wait3A_243 : memref<10112xf32, #tpu.memory_space<vmem_shared>>)
      } else {
      }
      %add3A_114 = arith.constant 1 : i32
      %add3A_115 = arith.addi %add3A_92, %add3A_114 : i32
      %sub3A_116 = arith.constant 1 : i32
      %sub3A_117 = arith.subi %select_n3A, %sub3A_116 : i32
      %min3A = arith.minsi %add3A_115, %sub3A_117 : i32
      %dma_start3A_118 = arith.constant 0 : i32
      %dma_start3A_119 = tpu.memref_slice %arg13[%min3A, %dma_start3A_118] : memref<128x80xi32, #tpu.memory_space<vmem>> -> memref<1x80xi32, #tpu.memory_space<vmem>>
      %dma_start3A_120 = tpu.memref_squeeze %dma_start3A_119 : memref<1x80xi32, #tpu.memory_space<vmem>> -> memref<80xi32, #tpu.memory_space<vmem>>
      %dma_start3A_121 = arith.constant 0 : i32
      %dma_start3A_122 = arith.constant 0 : i32
      %dma_start3A_123 = tpu.memref_slice %arg4[%dma_start3A_121, %dma_start3A_122] : memref<10112x128xf32, #tpu.memory_space<hbm>> -> memref<10112x128xf32, #tpu.memory_space<hbm>>
      tpu.enqueue_indirect_dma source(%dma_start3A_123 : memref<10112x128xf32, #tpu.memory_space<hbm>>) target(%arg22 : memref<80x128xf32, #tpu.memory_space<vmem>>) offsets(%dma_start3A_120 : memref<80xi32, #tpu.memory_space<vmem>>) semaphore(%arg26 : memref<!tpu.dma_semaphore, #tpu.memory_space<semaphore_mem>>)
      %dma_start3A_124 = arith.constant 0 : i32
      %dma_start3A_125 = tpu.memref_slice %arg13[%min3A, %dma_start3A_124] : memref<128x80xi32, #tpu.memory_space<vmem>> -> memref<1x80xi32, #tpu.memory_space<vmem>>
      %dma_start3A_126 = tpu.memref_squeeze %dma_start3A_125 : memref<1x80xi32, #tpu.memory_space<vmem>> -> memref<80xi32, #tpu.memory_space<vmem>>
      %dma_start3A_127 = arith.constant 0 : i32
      %dma_start3A_128 = tpu.memref_slice %arg5[%dma_start3A_127] : memref<10112xf32, #tpu.memory_space<hbm>> -> memref<10112xf32, #tpu.memory_space<hbm>>
      tpu.enqueue_indirect_dma source(%dma_start3A_128 : memref<10112xf32, #tpu.memory_space<hbm>>) target(%arg16 : memref<80xf32, #tpu.memory_space<vmem>>) offsets(%dma_start3A_126 : memref<80xi32, #tpu.memory_space<vmem>>) semaphore(%arg28 : memref<!tpu.dma_semaphore, #tpu.memory_space<semaphore_mem>>)
      %dma_start3A_129 = arith.constant 0 : i32
      %dma_start3A_130 = tpu.memref_slice %arg14[%min3A, %dma_start3A_129] : memref<128x80xi32, #tpu.memory_space<vmem>> -> memref<1x80xi32, #tpu.memory_space<vmem>>
      %dma_start3A_131 = tpu.memref_squeeze %dma_start3A_130 : memref<1x80xi32, #tpu.memory_space<vmem>> -> memref<80xi32, #tpu.memory_space<vmem>>
      %dma_start3A_132 = arith.constant 0 : i32
      %dma_start3A_133 = tpu.memref_slice %arg6[%dma_start3A_132] : memref<10112xf32, #tpu.memory_space<hbm>> -> memref<10112xf32, #tpu.memory_space<hbm>>
      tpu.enqueue_indirect_dma source(%dma_start3A_133 : memref<10112xf32, #tpu.memory_space<hbm>>) target(%arg18 : memref<80xf32, #tpu.memory_space<vmem>>) offsets(%dma_start3A_131 : memref<80xi32, #tpu.memory_space<vmem>>) semaphore(%arg30 : memref<!tpu.dma_semaphore, #tpu.memory_space<semaphore_mem>>)
      %dma_wait3A_134 = arith.constant 0 : i32
      %dma_wait3A_135 = arith.constant 0 : i32
      %dma_wait3A_136 = tpu.memref_slice %arg13[%dma_wait3A_134, %dma_wait3A_135] : memref<128x80xi32, #tpu.memory_space<vmem>> -> memref<1x80xi32, #tpu.memory_space<vmem>>
      %dma_wait3A_137 = tpu.memref_squeeze %dma_wait3A_136 : memref<1x80xi32, #tpu.memory_space<vmem>> -> memref<80xi32, #tpu.memory_space<vmem>>
      %dma_wait3A_138 = arith.constant 0 : i32
      %dma_wait3A_139 = arith.constant 0 : i32
      %dma_wait3A_140 = tpu.memref_slice %arg4[%dma_wait3A_138, %dma_wait3A_139] : memref<10112x128xf32, #tpu.memory_space<hbm>> -> memref<10112x128xf32, #tpu.memory_space<hbm>>
      tpu.wait_indirect_dma semaphore(%arg25 : memref<!tpu.dma_semaphore, #tpu.memory_space<semaphore_mem>>) src(%dma_wait3A_140 : memref<10112x128xf32, #tpu.memory_space<hbm>>) dst(%arg21 : memref<80x128xf32, #tpu.memory_space<vmem>>)
      %parallel_loop3A = arith.constant 0 : i32
      %parallel_loop3A_141 = arith.constant 80 : i32
      %parallel_loop3A_142 = arith.constant 1 : i32
      scf.for %parallel_loop3A_231 = %parallel_loop3A to %parallel_loop3A_141 step %parallel_loop3A_142  : i32 {
        %parallel_loop3A_232 = vector.broadcast %parallel_loop3A_231 : i32 to vector<16xi32>
        %parallel_loop3A_233 = tpu.vector_load_idx %arg19[%parallel_loop3A_232] : memref<80xf32, #tpu.memory_space<vmem>>[vector<16xi32>], vector<16xf32>,
        %parallel_loop3A_234 = arith.index_cast %parallel_loop3A_231 : i32 to index
        %parallel_loop3A_235 = arith.constant 0 : index
        %parallel_loop3A_236 = tpu.vector_load %arg21[%parallel_loop3A_234, %parallel_loop3A_235] {strides = array<i32>} : memref<80x128xf32, #tpu.memory_space<vmem>>, vector<16xf32>,
        %parallel_loop3A_237 = arith.mulf %parallel_loop3A_236, %parallel_loop3A_233 : vector<16xf32>
        %parallel_loop3A_238 = arith.index_cast %parallel_loop3A_231 : i32 to index
        %parallel_loop3A_239 = arith.constant 0 : index
        %parallel_loop3A_240 = tpu.vector_load %arg21[%parallel_loop3A_238, %parallel_loop3A_239] {strides = array<i32>} : memref<80x128xf32, #tpu.memory_space<vmem>>, vector<16xf32>,
        tpu.vector_store %arg21[%parallel_loop3A_238, %parallel_loop3A_239], %parallel_loop3A_237 {strides = array<i32>} : memref<80x128xf32, #tpu.memory_space<vmem>>, vector<16xf32>,
        %parallel_loop3A_241 = arith.index_cast %parallel_loop3A_231 : i32 to index
        %parallel_loop3A_242 = arith.constant 16 : index
        %parallel_loop3A_243 = tpu.vector_load %arg21[%parallel_loop3A_241, %parallel_loop3A_242] {strides = array<i32>} : memref<80x128xf32, #tpu.memory_space<vmem>>, vector<16xf32>,
        %parallel_loop3A_244 = arith.mulf %parallel_loop3A_243, %parallel_loop3A_233 : vector<16xf32>
        %parallel_loop3A_245 = arith.index_cast %parallel_loop3A_231 : i32 to index
        %parallel_loop3A_246 = arith.constant 16 : index
        %parallel_loop3A_247 = tpu.vector_load %arg21[%parallel_loop3A_245, %parallel_loop3A_246] {strides = array<i32>} : memref<80x128xf32, #tpu.memory_space<vmem>>, vector<16xf32>,
        tpu.vector_store %arg21[%parallel_loop3A_245, %parallel_loop3A_246], %parallel_loop3A_244 {strides = array<i32>} : memref<80x128xf32, #tpu.memory_space<vmem>>, vector<16xf32>,
        %parallel_loop3A_248 = arith.index_cast %parallel_loop3A_231 : i32 to index
        %parallel_loop3A_249 = arith.constant 32 : index
        %parallel_loop3A_250 = tpu.vector_load %arg21[%parallel_loop3A_248, %parallel_loop3A_249] {strides = array<i32>} : memref<80x128xf32, #tpu.memory_space<vmem>>, vector<16xf32>,
        %parallel_loop3A_251 = arith.mulf %parallel_loop3A_250, %parallel_loop3A_233 : vector<16xf32>
        %parallel_loop3A_252 = arith.index_cast %parallel_loop3A_231 : i32 to index
        %parallel_loop3A_253 = arith.constant 32 : index
        %parallel_loop3A_254 = tpu.vector_load %arg21[%parallel_loop3A_252, %parallel_loop3A_253] {strides = array<i32>} : memref<80x128xf32, #tpu.memory_space<vmem>>, vector<16xf32>,
        tpu.vector_store %arg21[%parallel_loop3A_252, %parallel_loop3A_253], %parallel_loop3A_251 {strides = array<i32>} : memref<80x128xf32, #tpu.memory_space<vmem>>, vector<16xf32>,
        %parallel_loop3A_255 = arith.index_cast %parallel_loop3A_231 : i32 to index
        %parallel_loop3A_256 = arith.constant 48 : index
        %parallel_loop3A_257 = tpu.vector_load %arg21[%parallel_loop3A_255, %parallel_loop3A_256] {strides = array<i32>} : memref<80x128xf32, #tpu.memory_space<vmem>>, vector<16xf32>,
        %parallel_loop3A_258 = arith.mulf %parallel_loop3A_257, %parallel_loop3A_233 : vector<16xf32>
        %parallel_loop3A_259 = arith.index_cast %parallel_loop3A_231 : i32 to index
        %parallel_loop3A_260 = arith.constant 48 : index
        %parallel_loop3A_261 = tpu.vector_load %arg21[%parallel_loop3A_259, %parallel_loop3A_260] {strides = array<i32>} : memref<80x128xf32, #tpu.memory_space<vmem>>, vector<16xf32>,
        tpu.vector_store %arg21[%parallel_loop3A_259, %parallel_loop3A_260], %parallel_loop3A_258 {strides = array<i32>} : memref<80x128xf32, #tpu.memory_space<vmem>>, vector<16xf32>,
        %parallel_loop3A_262 = arith.index_cast %parallel_loop3A_231 : i32 to index
        %parallel_loop3A_263 = arith.constant 64 : index
        %parallel_loop3A_264 = tpu.vector_load %arg21[%parallel_loop3A_262, %parallel_loop3A_263] {strides = array<i32>} : memref<80x128xf32, #tpu.memory_space<vmem>>, vector<16xf32>,
        %parallel_loop3A_265 = arith.mulf %parallel_loop3A_264, %parallel_loop3A_233 : vector<16xf32>
        %parallel_loop3A_266 = arith.index_cast %parallel_loop3A_231 : i32 to index
        %parallel_loop3A_267 = arith.constant 64 : index
        %parallel_loop3A_268 = tpu.vector_load %arg21[%parallel_loop3A_266, %parallel_loop3A_267] {strides = array<i32>} : memref<80x128xf32, #tpu.memory_space<vmem>>, vector<16xf32>,
        tpu.vector_store %arg21[%parallel_loop3A_266, %parallel_loop3A_267], %parallel_loop3A_265 {strides = array<i32>} : memref<80x128xf32, #tpu.memory_space<vmem>>, vector<16xf32>,
        %parallel_loop3A_269 = arith.index_cast %parallel_loop3A_231 : i32 to index
        %parallel_loop3A_270 = arith.constant 80 : index
        %parallel_loop3A_271 = tpu.vector_load %arg21[%parallel_loop3A_269, %parallel_loop3A_270] {strides = array<i32>} : memref<80x128xf32, #tpu.memory_space<vmem>>, vector<16xf32>,
        %parallel_loop3A_272 = arith.mulf %parallel_loop3A_271, %parallel_loop3A_233 : vector<16xf32>
        %parallel_loop3A_273 = arith.index_cast %parallel_loop3A_231 : i32 to index
        %parallel_loop3A_274 = arith.constant 80 : index
        %parallel_loop3A_275 = tpu.vector_load %arg21[%parallel_loop3A_273, %parallel_loop3A_274] {strides = array<i32>} : memref<80x128xf32, #tpu.memory_space<vmem>>, vector<16xf32>,
        tpu.vector_store %arg21[%parallel_loop3A_273, %parallel_loop3A_274], %parallel_loop3A_272 {strides = array<i32>} : memref<80x128xf32, #tpu.memory_space<vmem>>, vector<16xf32>,
        %parallel_loop3A_276 = arith.index_cast %parallel_loop3A_231 : i32 to index
        %parallel_loop3A_277 = arith.constant 96 : index
        %parallel_loop3A_278 = tpu.vector_load %arg21[%parallel_loop3A_276, %parallel_loop3A_277] {strides = array<i32>} : memref<80x128xf32, #tpu.memory_space<vmem>>, vector<16xf32>,
        %parallel_loop3A_279 = arith.mulf %parallel_loop3A_278, %parallel_loop3A_233 : vector<16xf32>
        %parallel_loop3A_280 = arith.index_cast %parallel_loop3A_231 : i32 to index
        %parallel_loop3A_281 = arith.constant 96 : index
        %parallel_loop3A_282 = tpu.vector_load %arg21[%parallel_loop3A_280, %parallel_loop3A_281] {strides = array<i32>} : memref<80x128xf32, #tpu.memory_space<vmem>>, vector<16xf32>,
        tpu.vector_store %arg21[%parallel_loop3A_280, %parallel_loop3A_281], %parallel_loop3A_279 {strides = array<i32>} : memref<80x128xf32, #tpu.memory_space<vmem>>, vector<16xf32>,
        %parallel_loop3A_283 = arith.index_cast %parallel_loop3A_231 : i32 to index
        %parallel_loop3A_284 = arith.constant 112 : index
        %parallel_loop3A_285 = tpu.vector_load %arg21[%parallel_loop3A_283, %parallel_loop3A_284] {strides = array<i32>} : memref<80x128xf32, #tpu.memory_space<vmem>>, vector<16xf32>,
        %parallel_loop3A_286 = arith.mulf %parallel_loop3A_285, %parallel_loop3A_233 : vector<16xf32>
        %parallel_loop3A_287 = arith.index_cast %parallel_loop3A_231 : i32 to index
        %parallel_loop3A_288 = arith.constant 112 : index
        %parallel_loop3A_289 = tpu.vector_load %arg21[%parallel_loop3A_287, %parallel_loop3A_288] {strides = array<i32>} : memref<80x128xf32, #tpu.memory_space<vmem>>, vector<16xf32>,
        tpu.vector_store %arg21[%parallel_loop3A_287, %parallel_loop3A_288], %parallel_loop3A_286 {strides = array<i32>} : memref<80x128xf32, #tpu.memory_space<vmem>>, vector<16xf32>,
      } {sc.loop_unroll_factor = 4 : i64, sc.parallel_access}
      %dma_start3A_143 = arith.constant 0 : i32
      %dma_start3A_144 = tpu.memref_slice %arg14[%add3A_92, %dma_start3A_143] : memref<128x80xi32, #tpu.memory_space<vmem>> -> memref<1x80xi32, #tpu.memory_space<vmem>>
      %dma_start3A_145 = tpu.memref_squeeze %dma_start3A_144 : memref<1x80xi32, #tpu.memory_space<vmem>> -> memref<80xi32, #tpu.memory_space<vmem>>
      %dma_start3A_146 = arith.constant 0 : i32
      %dma_start3A_147 = arith.constant 0 : i32
      %dma_start3A_148 = tpu.memref_slice %arg23[%dma_start3A_146, %dma_start3A_147] : memref<10112x128xf32, #tpu.memory_space<vmem_shared>> -> memref<10112x128xf32, #tpu.memory_space<vmem_shared>>
      tpu.enqueue_indirect_dma source(%arg21 : memref<80x128xf32, #tpu.memory_space<vmem>>) target(%dma_start3A_148 : memref<10112x128xf32, #tpu.memory_space<vmem_shared>>) offsets(%dma_start3A_145 : memref<80xi32, #tpu.memory_space<vmem>>) semaphore(%arg31 : memref<!tpu.dma_semaphore, #tpu.memory_space<semaphore_mem>>) {add = true}
      %dma_start3A_149 = arith.constant 0 : i32
      %dma_start3A_150 = tpu.memref_slice %arg14[%add3A_92, %dma_start3A_149] : memref<128x80xi32, #tpu.memory_space<vmem>> -> memref<1x80xi32, #tpu.memory_space<vmem>>
      %dma_start3A_151 = tpu.memref_squeeze %dma_start3A_150 : memref<1x80xi32, #tpu.memory_space<vmem>> -> memref<80xi32, #tpu.memory_space<vmem>>
      %dma_start3A_152 = arith.constant 0 : i32
      %dma_start3A_153 = tpu.memref_slice %arg24[%dma_start3A_152] : memref<10112xf32, #tpu.memory_space<vmem_shared>> -> memref<10112xf32, #tpu.memory_space<vmem_shared>>
      tpu.enqueue_indirect_dma source(%arg19 : memref<80xf32, #tpu.memory_space<vmem>>) target(%dma_start3A_153 : memref<10112xf32, #tpu.memory_space<vmem_shared>>) offsets(%dma_start3A_151 : memref<80xi32, #tpu.memory_space<vmem>>) semaphore(%arg33 : memref<!tpu.dma_semaphore, #tpu.memory_space<semaphore_mem>>) {add = true}
      %mul3A_154 = arith.constant 2 : i32
      %mul3A_155 = arith.muli %mul3A_154, %while3A_89 : i32
      %add3A_156 = arith.constant 1 : i32
      %add3A_157 = arith.addi %mul3A_155, %add3A_156 : i32
      %dma_wait3A_158 = arith.constant 0 : i32
      %dma_wait3A_159 = arith.constant 0 : i32
      %dma_wait3A_160 = tpu.memref_slice %arg13[%dma_wait3A_158, %dma_wait3A_159] : memref<128x80xi32, #tpu.memory_space<vmem>> -> memref<1x80xi32, #tpu.memory_space<vmem>>
      %dma_wait3A_161 = tpu.memref_squeeze %dma_wait3A_160 : memref<1x80xi32, #tpu.memory_space<vmem>> -> memref<80xi32, #tpu.memory_space<vmem>>
      %dma_wait3A_162 = arith.constant 0 : i32
      %dma_wait3A_163 = tpu.memref_slice %arg5[%dma_wait3A_162] : memref<10112xf32, #tpu.memory_space<hbm>> -> memref<10112xf32, #tpu.memory_space<hbm>>
      tpu.wait_indirect_dma semaphore(%arg28 : memref<!tpu.dma_semaphore, #tpu.memory_space<semaphore_mem>>) src(%dma_wait3A_163 : memref<10112xf32, #tpu.memory_space<hbm>>) dst(%arg16 : memref<80xf32, #tpu.memory_space<vmem>>)
      %dma_wait3A_164 = arith.constant 0 : i32
      %dma_wait3A_165 = arith.constant 0 : i32
      %dma_wait3A_166 = tpu.memref_slice %arg14[%dma_wait3A_164, %dma_wait3A_165] : memref<128x80xi32, #tpu.memory_space<vmem>> -> memref<1x80xi32, #tpu.memory_space<vmem>>
      %dma_wait3A_167 = tpu.memref_squeeze %dma_wait3A_166 : memref<1x80xi32, #tpu.memory_space<vmem>> -> memref<80xi32, #tpu.memory_space<vmem>>
      %dma_wait3A_168 = arith.constant 0 : i32
      %dma_wait3A_169 = tpu.memref_slice %arg6[%dma_wait3A_168] : memref<10112xf32, #tpu.memory_space<hbm>> -> memref<10112xf32, #tpu.memory_space<hbm>>
      tpu.wait_indirect_dma semaphore(%arg30 : memref<!tpu.dma_semaphore, #tpu.memory_space<semaphore_mem>>) src(%dma_wait3A_169 : memref<10112xf32, #tpu.memory_space<hbm>>) dst(%arg18 : memref<80xf32, #tpu.memory_space<vmem>>)
      %scan3A_170 = arith.constant 0 : i32
      %scan3A_171 = arith.constant 0 : i32
      %scan3A_172 = arith.constant 5 : i32
      %scan3A_173 = arith.addi %scan3A_171, %scan3A_172 : i32
      %scan3A_174 = arith.constant 1 : i32
      scf.for %scan3A_231 = %scan3A_171 to %scan3A_173 step %scan3A_174  : i32 {
        %mul3A_232 = arith.constant 16 : i32
        %mul3A_233 = arith.muli %scan3A_231, %mul3A_232 : i32
        %get3A_234 = arith.index_cast %mul3A_233 : i32 to index
        %get3A_235 = tpu.vector_load %arg16[%get3A_234] {strides = array<i32>} : memref<80xf32, #tpu.memory_space<vmem>>, vector<16xf32>,
        %mul3A_236 = arith.constant 16 : i32
        %mul3A_237 = arith.muli %scan3A_231, %mul3A_236 : i32
        %get3A_238 = arith.index_cast %mul3A_237 : i32 to index
        %get3A_239 = tpu.vector_load %arg18[%get3A_238] {strides = array<i32>} : memref<80xf32, #tpu.memory_space<vmem>>, vector<16xf32>,
        %add3A_240 = arith.addf %get3A_235, %get3A_239 : vector<16xf32>
        %ge3A_241 = arith.constant 0.000000e+00 : f32
        %ge3A_242 = vector.broadcast %ge3A_241 : f32 to vector<16xf32>
        %ge3A_243 = arith.cmpf oge, %add3A_240, %ge3A_242 : vector<16xf32>
        %mul3A_244 = arith.constant 2.000000e-01 : f32
        %mul3A_245 = vector.broadcast %mul3A_244 : f32 to vector<16xf32>
        %mul3A_246 = arith.mulf %mul3A_245, %add3A_240 : vector<16xf32>
        %select_n3A_247 = arith.select %ge3A_243, %add3A_240, %mul3A_246 : vector<16xi1>, vector<16xf32>
        %sub3A_248 = arith.subf %select_n3A_247, %get3A_11 : vector<16xf32>
        %exp3A = math.exp %sub3A_248 : vector<16xf32>
        %mul3A_249 = arith.constant 16 : i32
        %mul3A_250 = arith.muli %scan3A_231, %mul3A_249 : i32
        %swap3A = arith.index_cast %mul3A_250 : i32 to index
        %swap3A_251 = tpu.vector_load %arg20[%swap3A] {strides = array<i32>} : memref<80xf32, #tpu.memory_space<vmem>>, vector<16xf32>,
        tpu.vector_store %arg20[%swap3A], %exp3A {strides = array<i32>} : memref<80xf32, #tpu.memory_space<vmem>>, vector<16xf32>,
      }
      %scan3A_175 = arith.constant 5 : i32
      %dma_wait3A_176 = arith.constant 0 : i32
      %dma_wait3A_177 = arith.constant 0 : i32
      %dma_wait3A_178 = tpu.memref_slice %arg14[%dma_wait3A_176, %dma_wait3A_177] : memref<128x80xi32, #tpu.memory_space<vmem>> -> memref<1x80xi32, #tpu.memory_space<vmem>>
      %dma_wait3A_179 = tpu.memref_squeeze %dma_wait3A_178 : memref<1x80xi32, #tpu.memory_space<vmem>> -> memref<80xi32, #tpu.memory_space<vmem>>
      %dma_wait3A_180 = arith.constant 0 : i32
      %dma_wait3A_181 = arith.constant 0 : i32
      %dma_wait3A_182 = tpu.memref_slice %arg23[%dma_wait3A_180, %dma_wait3A_181] : memref<10112x128xf32, #tpu.memory_space<vmem_shared>> -> memref<10112x128xf32, #tpu.memory_space<vmem_shared>>
      tpu.wait_indirect_dma semaphore(%arg31 : memref<!tpu.dma_semaphore, #tpu.memory_space<semaphore_mem>>) src(%arg21 : memref<80x128xf32, #tpu.memory_space<vmem>>) dst(%dma_wait3A_182 : memref<10112x128xf32, #tpu.memory_space<vmem_shared>>)
      %dma_wait3A_183 = arith.constant 0 : i32
      %dma_wait3A_184 = arith.constant 0 : i32
      %dma_wait3A_185 = tpu.memref_slice %arg14[%dma_wait3A_183, %dma_wait3A_184] : memref<128x80xi32, #tpu.memory_space<vmem>> -> memref<1x80xi32, #tpu.memory_space<vmem>>
      %dma_wait3A_186 = tpu.memref_squeeze %dma_wait3A_185 : memref<1x80xi32, #tpu.memory_space<vmem>> -> memref<80xi32, #tpu.memory_space<vmem>>
      %dma_wait3A_187 = arith.constant 0 : i32
      %dma_wait3A_188 = tpu.memref_slice %arg24[%dma_wait3A_187] : memref<10112xf32, #tpu.memory_space<vmem_shared>> -> memref<10112xf32, #tpu.memory_space<vmem_shared>>
      tpu.wait_indirect_dma semaphore(%arg33 : memref<!tpu.dma_semaphore, #tpu.memory_space<semaphore_mem>>) src(%arg19 : memref<80xf32, #tpu.memory_space<vmem>>) dst(%dma_wait3A_188 : memref<10112xf32, #tpu.memory_space<vmem_shared>>)
      %add3A_189 = arith.constant 1 : i32
      %add3A_190 = arith.addi %add3A_157, %add3A_189 : i32
      %sub3A_191 = arith.constant 1 : i32
      %sub3A_192 = arith.subi %select_n3A, %sub3A_191 : i32
      %min3A_193 = arith.minsi %add3A_190, %sub3A_192 : i32
      %dma_start3A_194 = arith.constant 0 : i32
      %dma_start3A_195 = tpu.memref_slice %arg13[%min3A_193, %dma_start3A_194] : memref<128x80xi32, #tpu.memory_space<vmem>> -> memref<1x80xi32, #tpu.memory_space<vmem>>
      %dma_start3A_196 = tpu.memref_squeeze %dma_start3A_195 : memref<1x80xi32, #tpu.memory_space<vmem>> -> memref<80xi32, #tpu.memory_space<vmem>>
      %dma_start3A_197 = arith.constant 0 : i32
      %dma_start3A_198 = arith.constant 0 : i32
      %dma_start3A_199 = tpu.memref_slice %arg4[%dma_start3A_197, %dma_start3A_198] : memref<10112x128xf32, #tpu.memory_space<hbm>> -> memref<10112x128xf32, #tpu.memory_space<hbm>>
      tpu.enqueue_indirect_dma source(%dma_start3A_199 : memref<10112x128xf32, #tpu.memory_space<hbm>>) target(%arg21 : memref<80x128xf32, #tpu.memory_space<vmem>>) offsets(%dma_start3A_196 : memref<80xi32, #tpu.memory_space<vmem>>) semaphore(%arg25 : memref<!tpu.dma_semaphore, #tpu.memory_space<semaphore_mem>>)
      %dma_start3A_200 = arith.constant 0 : i32
      %dma_start3A_201 = tpu.memref_slice %arg13[%min3A_193, %dma_start3A_200] : memref<128x80xi32, #tpu.memory_space<vmem>> -> memref<1x80xi32, #tpu.memory_space<vmem>>
      %dma_start3A_202 = tpu.memref_squeeze %dma_start3A_201 : memref<1x80xi32, #tpu.memory_space<vmem>> -> memref<80xi32, #tpu.memory_space<vmem>>
      %dma_start3A_203 = arith.constant 0 : i32
      %dma_start3A_204 = tpu.memref_slice %arg5[%dma_start3A_203] : memref<10112xf32, #tpu.memory_space<hbm>> -> memref<10112xf32, #tpu.memory_space<hbm>>
      tpu.enqueue_indirect_dma source(%dma_start3A_204 : memref<10112xf32, #tpu.memory_space<hbm>>) target(%arg15 : memref<80xf32, #tpu.memory_space<vmem>>) offsets(%dma_start3A_202 : memref<80xi32, #tpu.memory_space<vmem>>) semaphore(%arg27 : memref<!tpu.dma_semaphore, #tpu.memory_space<semaphore_mem>>)
      %dma_start3A_205 = arith.constant 0 : i32
      %dma_start3A_206 = tpu.memref_slice %arg14[%min3A_193, %dma_start3A_205] : memref<128x80xi32, #tpu.memory_space<vmem>> -> memref<1x80xi32, #tpu.memory_space<vmem>>
      %dma_start3A_207 = tpu.memref_squeeze %dma_start3A_206 : memref<1x80xi32, #tpu.memory_space<vmem>> -> memref<80xi32, #tpu.memory_space<vmem>>
      %dma_start3A_208 = arith.constant 0 : i32
      %dma_start3A_209 = tpu.memref_slice %arg6[%dma_start3A_208] : memref<10112xf32, #tpu.memory_space<hbm>> -> memref<10112xf32, #tpu.memory_space<hbm>>
      tpu.enqueue_indirect_dma source(%dma_start3A_209 : memref<10112xf32, #tpu.memory_space<hbm>>) target(%arg17 : memref<80xf32, #tpu.memory_space<vmem>>) offsets(%dma_start3A_207 : memref<80xi32, #tpu.memory_space<vmem>>) semaphore(%arg29 : memref<!tpu.dma_semaphore, #tpu.memory_space<semaphore_mem>>)
      %dma_wait3A_210 = arith.constant 0 : i32
      %dma_wait3A_211 = arith.constant 0 : i32
      %dma_wait3A_212 = tpu.memref_slice %arg13[%dma_wait3A_210, %dma_wait3A_211] : memref<128x80xi32, #tpu.memory_space<vmem>> -> memref<1x80xi32, #tpu.memory_space<vmem>>
      %dma_wait3A_213 = tpu.memref_squeeze %dma_wait3A_212 : memref<1x80xi32, #tpu.memory_space<vmem>> -> memref<80xi32, #tpu.memory_space<vmem>>
      %dma_wait3A_214 = arith.constant 0 : i32
      %dma_wait3A_215 = arith.constant 0 : i32
      %dma_wait3A_216 = tpu.memref_slice %arg4[%dma_wait3A_214, %dma_wait3A_215] : memref<10112x128xf32, #tpu.memory_space<hbm>> -> memref<10112x128xf32, #tpu.memory_space<hbm>>
      tpu.wait_indirect_dma semaphore(%arg26 : memref<!tpu.dma_semaphore, #tpu.memory_space<semaphore_mem>>) src(%dma_wait3A_216 : memref<10112x128xf32, #tpu.memory_space<hbm>>) dst(%arg22 : memref<80x128xf32, #tpu.memory_space<vmem>>)
      %parallel_loop3A_217 = arith.constant 0 : i32
      %parallel_loop3A_218 = arith.constant 80 : i32
      %parallel_loop3A_219 = arith.constant 1 : i32
      scf.for %parallel_loop3A_231 = %parallel_loop3A_217 to %parallel_loop3A_218 step %parallel_loop3A_219  : i32 {
        %parallel_loop3A_232 = vector.broadcast %parallel_loop3A_231 : i32 to vector<16xi32>
        %parallel_loop3A_233 = tpu.vector_load_idx %arg20[%parallel_loop3A_232] : memref<80xf32, #tpu.memory_space<vmem>>[vector<16xi32>], vector<16xf32>,
        %parallel_loop3A_234 = arith.index_cast %parallel_loop3A_231 : i32 to index
        %parallel_loop3A_235 = arith.constant 0 : index
        %parallel_loop3A_236 = tpu.vector_load %arg22[%parallel_loop3A_234, %parallel_loop3A_235] {strides = array<i32>} : memref<80x128xf32, #tpu.memory_space<vmem>>, vector<16xf32>,
        %parallel_loop3A_237 = arith.mulf %parallel_loop3A_236, %parallel_loop3A_233 : vector<16xf32>
        %parallel_loop3A_238 = arith.index_cast %parallel_loop3A_231 : i32 to index
        %parallel_loop3A_239 = arith.constant 0 : index
        %parallel_loop3A_240 = tpu.vector_load %arg22[%parallel_loop3A_238, %parallel_loop3A_239] {strides = array<i32>} : memref<80x128xf32, #tpu.memory_space<vmem>>, vector<16xf32>,
        tpu.vector_store %arg22[%parallel_loop3A_238, %parallel_loop3A_239], %parallel_loop3A_237 {strides = array<i32>} : memref<80x128xf32, #tpu.memory_space<vmem>>, vector<16xf32>,
        %parallel_loop3A_241 = arith.index_cast %parallel_loop3A_231 : i32 to index
        %parallel_loop3A_242 = arith.constant 16 : index
        %parallel_loop3A_243 = tpu.vector_load %arg22[%parallel_loop3A_241, %parallel_loop3A_242] {strides = array<i32>} : memref<80x128xf32, #tpu.memory_space<vmem>>, vector<16xf32>,
        %parallel_loop3A_244 = arith.mulf %parallel_loop3A_243, %parallel_loop3A_233 : vector<16xf32>
        %parallel_loop3A_245 = arith.index_cast %parallel_loop3A_231 : i32 to index
        %parallel_loop3A_246 = arith.constant 16 : index
        %parallel_loop3A_247 = tpu.vector_load %arg22[%parallel_loop3A_245, %parallel_loop3A_246] {strides = array<i32>} : memref<80x128xf32, #tpu.memory_space<vmem>>, vector<16xf32>,
        tpu.vector_store %arg22[%parallel_loop3A_245, %parallel_loop3A_246], %parallel_loop3A_244 {strides = array<i32>} : memref<80x128xf32, #tpu.memory_space<vmem>>, vector<16xf32>,
        %parallel_loop3A_248 = arith.index_cast %parallel_loop3A_231 : i32 to index
        %parallel_loop3A_249 = arith.constant 32 : index
        %parallel_loop3A_250 = tpu.vector_load %arg22[%parallel_loop3A_248, %parallel_loop3A_249] {strides = array<i32>} : memref<80x128xf32, #tpu.memory_space<vmem>>, vector<16xf32>,
        %parallel_loop3A_251 = arith.mulf %parallel_loop3A_250, %parallel_loop3A_233 : vector<16xf32>
        %parallel_loop3A_252 = arith.index_cast %parallel_loop3A_231 : i32 to index
        %parallel_loop3A_253 = arith.constant 32 : index
        %parallel_loop3A_254 = tpu.vector_load %arg22[%parallel_loop3A_252, %parallel_loop3A_253] {strides = array<i32>} : memref<80x128xf32, #tpu.memory_space<vmem>>, vector<16xf32>,
        tpu.vector_store %arg22[%parallel_loop3A_252, %parallel_loop3A_253], %parallel_loop3A_251 {strides = array<i32>} : memref<80x128xf32, #tpu.memory_space<vmem>>, vector<16xf32>,
        %parallel_loop3A_255 = arith.index_cast %parallel_loop3A_231 : i32 to index
        %parallel_loop3A_256 = arith.constant 48 : index
        %parallel_loop3A_257 = tpu.vector_load %arg22[%parallel_loop3A_255, %parallel_loop3A_256] {strides = array<i32>} : memref<80x128xf32, #tpu.memory_space<vmem>>, vector<16xf32>,
        %parallel_loop3A_258 = arith.mulf %parallel_loop3A_257, %parallel_loop3A_233 : vector<16xf32>
        %parallel_loop3A_259 = arith.index_cast %parallel_loop3A_231 : i32 to index
        %parallel_loop3A_260 = arith.constant 48 : index
        %parallel_loop3A_261 = tpu.vector_load %arg22[%parallel_loop3A_259, %parallel_loop3A_260] {strides = array<i32>} : memref<80x128xf32, #tpu.memory_space<vmem>>, vector<16xf32>,
        tpu.vector_store %arg22[%parallel_loop3A_259, %parallel_loop3A_260], %parallel_loop3A_258 {strides = array<i32>} : memref<80x128xf32, #tpu.memory_space<vmem>>, vector<16xf32>,
        %parallel_loop3A_262 = arith.index_cast %parallel_loop3A_231 : i32 to index
        %parallel_loop3A_263 = arith.constant 64 : index
        %parallel_loop3A_264 = tpu.vector_load %arg22[%parallel_loop3A_262, %parallel_loop3A_263] {strides = array<i32>} : memref<80x128xf32, #tpu.memory_space<vmem>>, vector<16xf32>,
        %parallel_loop3A_265 = arith.mulf %parallel_loop3A_264, %parallel_loop3A_233 : vector<16xf32>
        %parallel_loop3A_266 = arith.index_cast %parallel_loop3A_231 : i32 to index
        %parallel_loop3A_267 = arith.constant 64 : index
        %parallel_loop3A_268 = tpu.vector_load %arg22[%parallel_loop3A_266, %parallel_loop3A_267] {strides = array<i32>} : memref<80x128xf32, #tpu.memory_space<vmem>>, vector<16xf32>,
        tpu.vector_store %arg22[%parallel_loop3A_266, %parallel_loop3A_267], %parallel_loop3A_265 {strides = array<i32>} : memref<80x128xf32, #tpu.memory_space<vmem>>, vector<16xf32>,
        %parallel_loop3A_269 = arith.index_cast %parallel_loop3A_231 : i32 to index
        %parallel_loop3A_270 = arith.constant 80 : index
        %parallel_loop3A_271 = tpu.vector_load %arg22[%parallel_loop3A_269, %parallel_loop3A_270] {strides = array<i32>} : memref<80x128xf32, #tpu.memory_space<vmem>>, vector<16xf32>,
        %parallel_loop3A_272 = arith.mulf %parallel_loop3A_271, %parallel_loop3A_233 : vector<16xf32>
        %parallel_loop3A_273 = arith.index_cast %parallel_loop3A_231 : i32 to index
        %parallel_loop3A_274 = arith.constant 80 : index
        %parallel_loop3A_275 = tpu.vector_load %arg22[%parallel_loop3A_273, %parallel_loop3A_274] {strides = array<i32>} : memref<80x128xf32, #tpu.memory_space<vmem>>, vector<16xf32>,
        tpu.vector_store %arg22[%parallel_loop3A_273, %parallel_loop3A_274], %parallel_loop3A_272 {strides = array<i32>} : memref<80x128xf32, #tpu.memory_space<vmem>>, vector<16xf32>,
        %parallel_loop3A_276 = arith.index_cast %parallel_loop3A_231 : i32 to index
        %parallel_loop3A_277 = arith.constant 96 : index
        %parallel_loop3A_278 = tpu.vector_load %arg22[%parallel_loop3A_276, %parallel_loop3A_277] {strides = array<i32>} : memref<80x128xf32, #tpu.memory_space<vmem>>, vector<16xf32>,
        %parallel_loop3A_279 = arith.mulf %parallel_loop3A_278, %parallel_loop3A_233 : vector<16xf32>
        %parallel_loop3A_280 = arith.index_cast %parallel_loop3A_231 : i32 to index
        %parallel_loop3A_281 = arith.constant 96 : index
        %parallel_loop3A_282 = tpu.vector_load %arg22[%parallel_loop3A_280, %parallel_loop3A_281] {strides = array<i32>} : memref<80x128xf32, #tpu.memory_space<vmem>>, vector<16xf32>,
        tpu.vector_store %arg22[%parallel_loop3A_280, %parallel_loop3A_281], %parallel_loop3A_279 {strides = array<i32>} : memref<80x128xf32, #tpu.memory_space<vmem>>, vector<16xf32>,
        %parallel_loop3A_283 = arith.index_cast %parallel_loop3A_231 : i32 to index
        %parallel_loop3A_284 = arith.constant 112 : index
        %parallel_loop3A_285 = tpu.vector_load %arg22[%parallel_loop3A_283, %parallel_loop3A_284] {strides = array<i32>} : memref<80x128xf32, #tpu.memory_space<vmem>>, vector<16xf32>,
        %parallel_loop3A_286 = arith.mulf %parallel_loop3A_285, %parallel_loop3A_233 : vector<16xf32>
        %parallel_loop3A_287 = arith.index_cast %parallel_loop3A_231 : i32 to index
        %parallel_loop3A_288 = arith.constant 112 : index
        %parallel_loop3A_289 = tpu.vector_load %arg22[%parallel_loop3A_287, %parallel_loop3A_288] {strides = array<i32>} : memref<80x128xf32, #tpu.memory_space<vmem>>, vector<16xf32>,
        tpu.vector_store %arg22[%parallel_loop3A_287, %parallel_loop3A_288], %parallel_loop3A_286 {strides = array<i32>} : memref<80x128xf32, #tpu.memory_space<vmem>>, vector<16xf32>,
      } {sc.loop_unroll_factor = 4 : i64, sc.parallel_access}
      %dma_start3A_220 = arith.constant 0 : i32
      %dma_start3A_221 = tpu.memref_slice %arg14[%add3A_157, %dma_start3A_220] : memref<128x80xi32, #tpu.memory_space<vmem>> -> memref<1x80xi32, #tpu.memory_space<vmem>>
      %dma_start3A_222 = tpu.memref_squeeze %dma_start3A_221 : memref<1x80xi32, #tpu.memory_space<vmem>> -> memref<80xi32, #tpu.memory_space<vmem>>
      %dma_start3A_223 = arith.constant 0 : i32
      %dma_start3A_224 = arith.constant 0 : i32
      %dma_start3A_225 = tpu.memref_slice %arg23[%dma_start3A_223, %dma_start3A_224] : memref<10112x128xf32, #tpu.memory_space<vmem_shared>> -> memref<10112x128xf32, #tpu.memory_space<vmem_shared>>
      tpu.enqueue_indirect_dma source(%arg22 : memref<80x128xf32, #tpu.memory_space<vmem>>) target(%dma_start3A_225 : memref<10112x128xf32, #tpu.memory_space<vmem_shared>>) offsets(%dma_start3A_222 : memref<80xi32, #tpu.memory_space<vmem>>) semaphore(%arg32 : memref<!tpu.dma_semaphore, #tpu.memory_space<semaphore_mem>>) {add = true}
      %dma_start3A_226 = arith.constant 0 : i32
      %dma_start3A_227 = tpu.memref_slice %arg14[%add3A_157, %dma_start3A_226] : memref<128x80xi32, #tpu.memory_space<vmem>> -> memref<1x80xi32, #tpu.memory_space<vmem>>
      %dma_start3A_228 = tpu.memref_squeeze %dma_start3A_227 : memref<1x80xi32, #tpu.memory_space<vmem>> -> memref<80xi32, #tpu.memory_space<vmem>>
      %dma_start3A_229 = arith.constant 0 : i32
      %dma_start3A_230 = tpu.memref_slice %arg24[%dma_start3A_229] : memref<10112xf32, #tpu.memory_space<vmem_shared>> -> memref<10112xf32, #tpu.memory_space<vmem_shared>>
      tpu.enqueue_indirect_dma source(%arg20 : memref<80xf32, #tpu.memory_space<vmem>>) target(%dma_start3A_230 : memref<10112xf32, #tpu.memory_space<vmem_shared>>) offsets(%dma_start3A_228 : memref<80xi32, #tpu.memory_space<vmem>>) semaphore(%arg34 : memref<!tpu.dma_semaphore, #tpu.memory_space<semaphore_mem>>) {add = true}
    }
    %dma_wait3A = arith.constant 0 : i32
    %dma_wait3A_57 = arith.constant 0 : i32
    %dma_wait3A_58 = tpu.memref_slice %arg13[%dma_wait3A, %dma_wait3A_57] : memref<128x80xi32, #tpu.memory_space<vmem>> -> memref<1x80xi32, #tpu.memory_space<vmem>>
    %dma_wait3A_59 = tpu.memref_squeeze %dma_wait3A_58 : memref<1x80xi32, #tpu.memory_space<vmem>> -> memref<80xi32, #tpu.memory_space<vmem>>
    %dma_wait3A_60 = arith.constant 0 : i32
    %dma_wait3A_61 = arith.constant 0 : i32
    %dma_wait3A_62 = tpu.memref_slice %arg4[%dma_wait3A_60, %dma_wait3A_61] : memref<10112x128xf32, #tpu.memory_space<hbm>> -> memref<10112x128xf32, #tpu.memory_space<hbm>>
    tpu.wait_indirect_dma semaphore(%arg25 : memref<!tpu.dma_semaphore, #tpu.memory_space<semaphore_mem>>) src(%dma_wait3A_62 : memref<10112x128xf32, #tpu.memory_space<hbm>>) dst(%arg21 : memref<80x128xf32, #tpu.memory_space<vmem>>)
    %dma_wait3A_63 = arith.constant 0 : i32
    %dma_wait3A_64 = arith.constant 0 : i32
    %dma_wait3A_65 = tpu.memref_slice %arg13[%dma_wait3A_63, %dma_wait3A_64] : memref<128x80xi32, #tpu.memory_space<vmem>> -> memref<1x80xi32, #tpu.memory_space<vmem>>
    %dma_wait3A_66 = tpu.memref_squeeze %dma_wait3A_65 : memref<1x80xi32, #tpu.memory_space<vmem>> -> memref<80xi32, #tpu.memory_space<vmem>>
    %dma_wait3A_67 = arith.constant 0 : i32
    %dma_wait3A_68 = tpu.memref_slice %arg5[%dma_wait3A_67] : memref<10112xf32, #tpu.memory_space<hbm>> -> memref<10112xf32, #tpu.memory_space<hbm>>
    tpu.wait_indirect_dma semaphore(%arg27 : memref<!tpu.dma_semaphore, #tpu.memory_space<semaphore_mem>>) src(%dma_wait3A_68 : memref<10112xf32, #tpu.memory_space<hbm>>) dst(%arg15 : memref<80xf32, #tpu.memory_space<vmem>>)
    %dma_wait3A_69 = arith.constant 0 : i32
    %dma_wait3A_70 = arith.constant 0 : i32
    %dma_wait3A_71 = tpu.memref_slice %arg14[%dma_wait3A_69, %dma_wait3A_70] : memref<128x80xi32, #tpu.memory_space<vmem>> -> memref<1x80xi32, #tpu.memory_space<vmem>>
    %dma_wait3A_72 = tpu.memref_squeeze %dma_wait3A_71 : memref<1x80xi32, #tpu.memory_space<vmem>> -> memref<80xi32, #tpu.memory_space<vmem>>
    %dma_wait3A_73 = arith.constant 0 : i32
    %dma_wait3A_74 = tpu.memref_slice %arg6[%dma_wait3A_73] : memref<10112xf32, #tpu.memory_space<hbm>> -> memref<10112xf32, #tpu.memory_space<hbm>>
    tpu.wait_indirect_dma semaphore(%arg29 : memref<!tpu.dma_semaphore, #tpu.memory_space<semaphore_mem>>) src(%dma_wait3A_74 : memref<10112xf32, #tpu.memory_space<hbm>>) dst(%arg17 : memref<80xf32, #tpu.memory_space<vmem>>)
    %dma_wait3A_75 = arith.constant 0 : i32
    %dma_wait3A_76 = arith.constant 0 : i32
    %dma_wait3A_77 = tpu.memref_slice %arg14[%dma_wait3A_75, %dma_wait3A_76] : memref<128x80xi32, #tpu.memory_space<vmem>> -> memref<1x80xi32, #tpu.memory_space<vmem>>
    %dma_wait3A_78 = tpu.memref_squeeze %dma_wait3A_77 : memref<1x80xi32, #tpu.memory_space<vmem>> -> memref<80xi32, #tpu.memory_space<vmem>>
    %dma_wait3A_79 = arith.constant 0 : i32
    %dma_wait3A_80 = arith.constant 0 : i32
    %dma_wait3A_81 = tpu.memref_slice %arg23[%dma_wait3A_79, %dma_wait3A_80] : memref<10112x128xf32, #tpu.memory_space<vmem_shared>> -> memref<10112x128xf32, #tpu.memory_space<vmem_shared>>
    tpu.wait_indirect_dma semaphore(%arg32 : memref<!tpu.dma_semaphore, #tpu.memory_space<semaphore_mem>>) src(%arg22 : memref<80x128xf32, #tpu.memory_space<vmem>>) dst(%dma_wait3A_81 : memref<10112x128xf32, #tpu.memory_space<vmem_shared>>)
    %dma_wait3A_82 = arith.constant 0 : i32
    %dma_wait3A_83 = arith.constant 0 : i32
    %dma_wait3A_84 = tpu.memref_slice %arg14[%dma_wait3A_82, %dma_wait3A_83] : memref<128x80xi32, #tpu.memory_space<vmem>> -> memref<1x80xi32, #tpu.memory_space<vmem>>
    %dma_wait3A_85 = tpu.memref_squeeze %dma_wait3A_84 : memref<1x80xi32, #tpu.memory_space<vmem>> -> memref<80xi32, #tpu.memory_space<vmem>>
    %dma_wait3A_86 = arith.constant 0 : i32
    %dma_wait3A_87 = tpu.memref_slice %arg24[%dma_wait3A_86] : memref<10112xf32, #tpu.memory_space<vmem_shared>> -> memref<10112xf32, #tpu.memory_space<vmem_shared>>
    tpu.wait_indirect_dma semaphore(%arg34 : memref<!tpu.dma_semaphore, #tpu.memory_space<semaphore_mem>>) src(%arg20 : memref<80xf32, #tpu.memory_space<vmem>>) dst(%dma_wait3A_87 : memref<10112xf32, #tpu.memory_space<vmem_shared>>)
    %barrier3A_88 = arith.constant 0 : index
    tpu.barrier barrier_id(%barrier3A_88)
    "tpu.region"() ({
      %run_scoped3A = tpu.sem_alloc : memref<!tpu.dma_semaphore, #tpu.memory_space<semaphore_mem>>
      %dma_start3A_89 = arith.constant 0 : i32
      %dma_start3A_90 = tpu.memref_slice %arg10[%arg0, %mul3A_0, %dma_start3A_89] : memref<2x10112x128xf32, #tpu.memory_space<hbm>> -> memref<1x632x128xf32, #tpu.memory_space<hbm>>
      %dma_start3A_91 = tpu.memref_squeeze %dma_start3A_90 : memref<1x632x128xf32, #tpu.memory_space<hbm>> -> memref<632x128xf32, #tpu.memory_space<hbm>>
      %dma_start3A_92 = arith.constant 0 : i32
      %dma_start3A_93 = tpu.memref_slice %arg23[%mul3A_0, %dma_start3A_92] : memref<10112x128xf32, #tpu.memory_space<vmem_shared>> -> memref<632x128xf32, #tpu.memory_space<vmem_shared>>
      tpu.enqueue_dma source(%dma_start3A_93 : memref<632x128xf32, #tpu.memory_space<vmem_shared>>) target(%dma_start3A_91 : memref<632x128xf32, #tpu.memory_space<hbm>>) target_semaphore(%run_scoped3A : memref<!tpu.dma_semaphore, #tpu.memory_space<semaphore_mem>>)
      %dma_wait3A_94 = arith.constant 0 : i32
      %dma_wait3A_95 = tpu.memref_slice %arg10[%arg0, %mul3A_0, %dma_wait3A_94] : memref<2x10112x128xf32, #tpu.memory_space<hbm>> -> memref<1x632x128xf32, #tpu.memory_space<hbm>>
      %dma_wait3A_96 = tpu.memref_squeeze %dma_wait3A_95 : memref<1x632x128xf32, #tpu.memory_space<hbm>> -> memref<632x128xf32, #tpu.memory_space<hbm>>
      %dma_wait3A_97 = arith.constant 0 : i32
      %dma_wait3A_98 = tpu.memref_slice %arg23[%mul3A_0, %dma_wait3A_97] : memref<10112x128xf32, #tpu.memory_space<vmem_shared>> -> memref<632x128xf32, #tpu.memory_space<vmem_shared>>
      tpu.wait_dma2 semaphore(%run_scoped3A : memref<!tpu.dma_semaphore, #tpu.memory_space<semaphore_mem>>) src(%dma_wait3A_98 : memref<632x128xf32, #tpu.memory_space<vmem_shared>>) dst(%dma_wait3A_96 : memref<632x128xf32, #tpu.memory_space<hbm>>)
      tpu.yield
    }) : () -> ()
    "tpu.region"() ({
      %run_scoped3A = tpu.sem_alloc : memref<!tpu.dma_semaphore, #tpu.memory_space<semaphore_mem>>
      %dma_start3A_89 = tpu.memref_slice %arg11[%arg0, %mul3A_0] : memref<2x10112xf32, #tpu.memory_space<hbm>> -> memref<1x632xf32, #tpu.memory_space<hbm>>
      %dma_start3A_90 = tpu.memref_squeeze %dma_start3A_89 : memref<1x632xf32, #tpu.memory_space<hbm>> -> memref<632xf32, #tpu.memory_space<hbm>>
      %dma_start3A_91 = tpu.memref_slice %arg24[%mul3A_0] : memref<10112xf32, #tpu.memory_space<vmem_shared>> -> memref<632xf32, #tpu.memory_space<vmem_shared>>
      tpu.enqueue_dma source(%dma_start3A_91 : memref<632xf32, #tpu.memory_space<vmem_shared>>) target(%dma_start3A_90 : memref<632xf32, #tpu.memory_space<hbm>>) target_semaphore(%run_scoped3A : memref<!tpu.dma_semaphore, #tpu.memory_space<semaphore_mem>>)
      %dma_wait3A_92 = tpu.memref_slice %arg11[%arg0, %mul3A_0] : memref<2x10112xf32, #tpu.memory_space<hbm>> -> memref<1x632xf32, #tpu.memory_space<hbm>>
      %dma_wait3A_93 = tpu.memref_squeeze %dma_wait3A_92 : memref<1x632xf32, #tpu.memory_space<hbm>> -> memref<632xf32, #tpu.memory_space<hbm>>
      %dma_wait3A_94 = tpu.memref_slice %arg24[%mul3A_0] : memref<10112xf32, #tpu.memory_space<vmem_shared>> -> memref<632xf32, #tpu.memory_space<vmem_shared>>
      tpu.wait_dma2 semaphore(%run_scoped3A : memref<!tpu.dma_semaphore, #tpu.memory_space<semaphore_mem>>) src(%dma_wait3A_94 : memref<632xf32, #tpu.memory_space<vmem_shared>>) dst(%dma_wait3A_93 : memref<632xf32, #tpu.memory_space<hbm>>)
      tpu.yield
    }) : () -> ()
    return
  }
}

#map = affine_map<(d0, d1) -> (0, 0)>
#map1 = affine_map<(d0, d1) -> (0)>
#map2 = affine_map<(d0, d1) -> (0, 0, 0)>
module attributes {stable_mosaic.version = 14 : i64} {
  func.func @edge_kernel(%arg0: i32, %arg1: i32, %arg2: memref<4096x80xi32, #tpu.memory_space<hbm>>, %arg3: memref<4096x80xi32, #tpu.memory_space<hbm>>, %arg4: memref<10112x16xf32, #tpu.memory_space<hbm>>, %arg5: memref<10112xf32, #tpu.memory_space<hbm>>, %arg6: memref<10112xf32, #tpu.memory_space<hbm>>, %arg7: memref<16xf32, #tpu.memory_space<hbm>>, %arg8: memref<10112x16xf32, #tpu.memory_space<hbm>>, %arg9: memref<10112xf32, #tpu.memory_space<hbm>>, %arg10: memref<2x10112x16xf32, #tpu.memory_space<hbm>>, %arg11: memref<2x10112xf32, #tpu.memory_space<hbm>>, %arg12: memref<16xf32, #tpu.memory_space<vmem>>, %arg13: memref<128x80xi32, #tpu.memory_space<vmem>>, %arg14: memref<128x80xi32, #tpu.memory_space<vmem>>, %arg15: memref<80xf32, #tpu.memory_space<vmem>>, %arg16: memref<80xf32, #tpu.memory_space<vmem>>, %arg17: memref<80xf32, #tpu.memory_space<vmem>>, %arg18: memref<80xf32, #tpu.memory_space<vmem>>, %arg19: memref<80xf32, #tpu.memory_space<vmem>>, %arg20: memref<80xf32, #tpu.memory_space<vmem>>, %arg21: memref<80x16xf32, #tpu.memory_space<vmem>>, %arg22: memref<80x16xf32, #tpu.memory_space<vmem>>, %arg23: memref<10112x16xf32, #tpu.memory_space<vmem_shared>>, %arg24: memref<10112xf32, #tpu.memory_space<vmem_shared>>, %arg25: memref<!tpu.dma_semaphore, #tpu.memory_space<semaphore_mem>>, %arg26: memref<!tpu.dma_semaphore, #tpu.memory_space<semaphore_mem>>, %arg27: memref<!tpu.dma_semaphore, #tpu.memory_space<semaphore_mem>>, %arg28: memref<!tpu.dma_semaphore, #tpu.memory_space<semaphore_mem>>, %arg29: memref<!tpu.dma_semaphore, #tpu.memory_space<semaphore_mem>>, %arg30: memref<!tpu.dma_semaphore, #tpu.memory_space<semaphore_mem>>, %arg31: memref<!tpu.dma_semaphore, #tpu.memory_space<semaphore_mem>>, %arg32: memref<!tpu.dma_semaphore, #tpu.memory_space<semaphore_mem>>, %arg33: memref<!tpu.dma_semaphore, #tpu.memory_space<semaphore_mem>>, %arg34: memref<!tpu.dma_semaphore, #tpu.memory_space<semaphore_mem>>) attributes {dimension_semantics = [#tpu.dimension_semantics<core_parallel>, #tpu.dimension_semantics<subcore_parallel>], iteration_bounds = array<i64: 2, 16>, scalar_prefetch = 0 : i64, scratch_operands = 23 : i64, tpu.core_type = #tpu.core_type<sc_vector_subcore>, window_params = [{transform_indices = #map}, {transform_indices = #map}, {transform_indices = #map}, {transform_indices = #map1}, {transform_indices = #map1}, {transform_indices = #map1}, {transform_indices = #map}, {transform_indices = #map1}, {transform_indices = #map2}, {transform_indices = #map}]} {
    "tpu.region"() ({
      %run_scoped3A = tpu.sem_alloc : memref<!tpu.dma_semaphore, #tpu.memory_space<semaphore_mem>>
      tpu.enqueue_dma source(%arg7 : memref<16xf32, #tpu.memory_space<hbm>>) target(%arg12 : memref<16xf32, #tpu.memory_space<vmem>>) target_semaphore(%run_scoped3A : memref<!tpu.dma_semaphore, #tpu.memory_space<semaphore_mem>>)
      tpu.wait_dma2 semaphore(%run_scoped3A : memref<!tpu.dma_semaphore, #tpu.memory_space<semaphore_mem>>) src(%arg7 : memref<16xf32, #tpu.memory_space<hbm>>) dst(%arg12 : memref<16xf32, #tpu.memory_space<vmem>>)
      tpu.yield
    }) : () -> ()
    %mul3A = arith.constant 632 : i32
    %mul3A_0 = arith.muli %arg1, %mul3A : i32
    "tpu.region"() ({
      %run_scoped3A = tpu.sem_alloc : memref<!tpu.dma_semaphore, #tpu.memory_space<semaphore_mem>>
      %dma_start3A_89 = arith.constant 0 : i32
      %dma_start3A_90 = tpu.memref_slice %arg23[%mul3A_0, %dma_start3A_89] : memref<10112x16xf32, #tpu.memory_space<vmem_shared>> -> memref<632x16xf32, #tpu.memory_space<vmem_shared>>
      %dma_start3A_91 = arith.constant 0 : i32
      %dma_start3A_92 = tpu.memref_slice %arg8[%mul3A_0, %dma_start3A_91] : memref<10112x16xf32, #tpu.memory_space<hbm>> -> memref<632x16xf32, #tpu.memory_space<hbm>>
      tpu.enqueue_dma source(%dma_start3A_92 : memref<632x16xf32, #tpu.memory_space<hbm>>) target(%dma_start3A_90 : memref<632x16xf32, #tpu.memory_space<vmem_shared>>) target_semaphore(%run_scoped3A : memref<!tpu.dma_semaphore, #tpu.memory_space<semaphore_mem>>)
      %dma_wait3A_93 = arith.constant 0 : i32
      %dma_wait3A_94 = tpu.memref_slice %arg23[%mul3A_0, %dma_wait3A_93] : memref<10112x16xf32, #tpu.memory_space<vmem_shared>> -> memref<632x16xf32, #tpu.memory_space<vmem_shared>>
      %dma_wait3A_95 = arith.constant 0 : i32
      %dma_wait3A_96 = tpu.memref_slice %arg8[%mul3A_0, %dma_wait3A_95] : memref<10112x16xf32, #tpu.memory_space<hbm>> -> memref<632x16xf32, #tpu.memory_space<hbm>>
      tpu.wait_dma2 semaphore(%run_scoped3A : memref<!tpu.dma_semaphore, #tpu.memory_space<semaphore_mem>>) src(%dma_wait3A_96 : memref<632x16xf32, #tpu.memory_space<hbm>>) dst(%dma_wait3A_94 : memref<632x16xf32, #tpu.memory_space<vmem_shared>>)
      tpu.yield
    }) : () -> ()
    "tpu.region"() ({
      %run_scoped3A = tpu.sem_alloc : memref<!tpu.dma_semaphore, #tpu.memory_space<semaphore_mem>>
      %dma_start3A_89 = tpu.memref_slice %arg24[%mul3A_0] : memref<10112xf32, #tpu.memory_space<vmem_shared>> -> memref<632xf32, #tpu.memory_space<vmem_shared>>
      %dma_start3A_90 = tpu.memref_slice %arg9[%mul3A_0] : memref<10112xf32, #tpu.memory_space<hbm>> -> memref<632xf32, #tpu.memory_space<hbm>>
      tpu.enqueue_dma source(%dma_start3A_90 : memref<632xf32, #tpu.memory_space<hbm>>) target(%dma_start3A_89 : memref<632xf32, #tpu.memory_space<vmem_shared>>) target_semaphore(%run_scoped3A : memref<!tpu.dma_semaphore, #tpu.memory_space<semaphore_mem>>)
      %dma_wait3A_91 = tpu.memref_slice %arg24[%mul3A_0] : memref<10112xf32, #tpu.memory_space<vmem_shared>> -> memref<632xf32, #tpu.memory_space<vmem_shared>>
      %dma_wait3A_92 = tpu.memref_slice %arg9[%mul3A_0] : memref<10112xf32, #tpu.memory_space<hbm>> -> memref<632xf32, #tpu.memory_space<hbm>>
      tpu.wait_dma2 semaphore(%run_scoped3A : memref<!tpu.dma_semaphore, #tpu.memory_space<semaphore_mem>>) src(%dma_wait3A_92 : memref<632xf32, #tpu.memory_space<hbm>>) dst(%dma_wait3A_91 : memref<632xf32, #tpu.memory_space<vmem_shared>>)
      tpu.yield
    }) : () -> ()
    %eq3A = arith.constant 0 : i32
    %eq3A_1 = arith.cmpi eq, %arg0, %eq3A : i32
    %convert_element_type3A = arith.extui %eq3A_1 : i1 to i32
    %cond3A = arith.constant 0 : i32
    %cond3A_2 = arith.cmpi ne, %convert_element_type3A, %cond3A : i32
    scf.if %cond3A_2 {
      %mul3A_89 = arith.constant 128 : i32
      %mul3A_90 = arith.muli %arg1, %mul3A_89 : i32
      "tpu.region"() ({
        %run_scoped3A = tpu.sem_alloc : memref<!tpu.dma_semaphore, #tpu.memory_space<semaphore_mem>>
        %dma_start3A_91 = arith.constant 0 : i32
        %dma_start3A_92 = arith.constant 0 : i32
        %dma_start3A_93 = tpu.memref_slice %arg13[%dma_start3A_91, %dma_start3A_92] : memref<128x80xi32, #tpu.memory_space<vmem>> -> memref<128x80xi32, #tpu.memory_space<vmem>>
        %dma_start3A_94 = arith.constant 0 : i32
        %dma_start3A_95 = tpu.memref_slice %arg2[%mul3A_90, %dma_start3A_94] : memref<4096x80xi32, #tpu.memory_space<hbm>> -> memref<128x80xi32, #tpu.memory_space<hbm>>
        %dma_start3A_96 = arith.constant 0 : i32
        %dma_start3A_97 = arith.constant 0 : i32
        %dma_start3A_98 = tpu.memref_slice %arg13[%dma_start3A_96, %dma_start3A_97] : memref<128x80xi32, #tpu.memory_space<vmem>> -> memref<128x80xi32, #tpu.memory_space<vmem>>
        %dma_start3A_99 = arith.constant 0 : i32
        %dma_start3A_100 = tpu.memref_slice %arg2[%mul3A_90, %dma_start3A_99] : memref<4096x80xi32, #tpu.memory_space<hbm>> -> memref<128x80xi32, #tpu.memory_space<hbm>>
        tpu.enqueue_dma source(%dma_start3A_100 : memref<128x80xi32, #tpu.memory_space<hbm>>) target(%dma_start3A_98 : memref<128x80xi32, #tpu.memory_space<vmem>>) target_semaphore(%run_scoped3A : memref<!tpu.dma_semaphore, #tpu.memory_space<semaphore_mem>>)
        %dma_wait3A_101 = arith.constant 0 : i32
        %dma_wait3A_102 = arith.constant 0 : i32
        %dma_wait3A_103 = tpu.memref_slice %arg13[%dma_wait3A_101, %dma_wait3A_102] : memref<128x80xi32, #tpu.memory_space<vmem>> -> memref<128x80xi32, #tpu.memory_space<vmem>>
        %dma_wait3A_104 = arith.constant 0 : i32
        %dma_wait3A_105 = tpu.memref_slice %arg2[%mul3A_90, %dma_wait3A_104] : memref<4096x80xi32, #tpu.memory_space<hbm>> -> memref<128x80xi32, #tpu.memory_space<hbm>>
        %dma_wait3A_106 = arith.constant 0 : i32
        %dma_wait3A_107 = arith.constant 0 : i32
        %dma_wait3A_108 = tpu.memref_slice %arg13[%dma_wait3A_106, %dma_wait3A_107] : memref<128x80xi32, #tpu.memory_space<vmem>> -> memref<128x80xi32, #tpu.memory_space<vmem>>
        %dma_wait3A_109 = arith.constant 0 : i32
        %dma_wait3A_110 = tpu.memref_slice %arg2[%mul3A_90, %dma_wait3A_109] : memref<4096x80xi32, #tpu.memory_space<hbm>> -> memref<128x80xi32, #tpu.memory_space<hbm>>
        tpu.wait_dma2 semaphore(%run_scoped3A : memref<!tpu.dma_semaphore, #tpu.memory_space<semaphore_mem>>) src(%dma_wait3A_110 : memref<128x80xi32, #tpu.memory_space<hbm>>) dst(%dma_wait3A_108 : memref<128x80xi32, #tpu.memory_space<vmem>>)
        tpu.yield
      }) : () -> ()
      "tpu.region"() ({
        %run_scoped3A = tpu.sem_alloc : memref<!tpu.dma_semaphore, #tpu.memory_space<semaphore_mem>>
        %dma_start3A_91 = arith.constant 0 : i32
        %dma_start3A_92 = arith.constant 0 : i32
        %dma_start3A_93 = tpu.memref_slice %arg14[%dma_start3A_91, %dma_start3A_92] : memref<128x80xi32, #tpu.memory_space<vmem>> -> memref<128x80xi32, #tpu.memory_space<vmem>>
        %dma_start3A_94 = arith.constant 0 : i32
        %dma_start3A_95 = tpu.memref_slice %arg3[%mul3A_90, %dma_start3A_94] : memref<4096x80xi32, #tpu.memory_space<hbm>> -> memref<128x80xi32, #tpu.memory_space<hbm>>
        %dma_start3A_96 = arith.constant 0 : i32
        %dma_start3A_97 = arith.constant 0 : i32
        %dma_start3A_98 = tpu.memref_slice %arg14[%dma_start3A_96, %dma_start3A_97] : memref<128x80xi32, #tpu.memory_space<vmem>> -> memref<128x80xi32, #tpu.memory_space<vmem>>
        %dma_start3A_99 = arith.constant 0 : i32
        %dma_start3A_100 = tpu.memref_slice %arg3[%mul3A_90, %dma_start3A_99] : memref<4096x80xi32, #tpu.memory_space<hbm>> -> memref<128x80xi32, #tpu.memory_space<hbm>>
        tpu.enqueue_dma source(%dma_start3A_100 : memref<128x80xi32, #tpu.memory_space<hbm>>) target(%dma_start3A_98 : memref<128x80xi32, #tpu.memory_space<vmem>>) target_semaphore(%run_scoped3A : memref<!tpu.dma_semaphore, #tpu.memory_space<semaphore_mem>>)
        %dma_wait3A_101 = arith.constant 0 : i32
        %dma_wait3A_102 = arith.constant 0 : i32
        %dma_wait3A_103 = tpu.memref_slice %arg14[%dma_wait3A_101, %dma_wait3A_102] : memref<128x80xi32, #tpu.memory_space<vmem>> -> memref<128x80xi32, #tpu.memory_space<vmem>>
        %dma_wait3A_104 = arith.constant 0 : i32
        %dma_wait3A_105 = tpu.memref_slice %arg3[%mul3A_90, %dma_wait3A_104] : memref<4096x80xi32, #tpu.memory_space<hbm>> -> memref<128x80xi32, #tpu.memory_space<hbm>>
        %dma_wait3A_106 = arith.constant 0 : i32
        %dma_wait3A_107 = arith.constant 0 : i32
        %dma_wait3A_108 = tpu.memref_slice %arg14[%dma_wait3A_106, %dma_wait3A_107] : memref<128x80xi32, #tpu.memory_space<vmem>> -> memref<128x80xi32, #tpu.memory_space<vmem>>
        %dma_wait3A_109 = arith.constant 0 : i32
        %dma_wait3A_110 = tpu.memref_slice %arg3[%mul3A_90, %dma_wait3A_109] : memref<4096x80xi32, #tpu.memory_space<hbm>> -> memref<128x80xi32, #tpu.memory_space<hbm>>
        tpu.wait_dma2 semaphore(%run_scoped3A : memref<!tpu.dma_semaphore, #tpu.memory_space<semaphore_mem>>) src(%dma_wait3A_110 : memref<128x80xi32, #tpu.memory_space<hbm>>) dst(%dma_wait3A_108 : memref<128x80xi32, #tpu.memory_space<vmem>>)
        tpu.yield
      }) : () -> ()
    } else {
    }
    %eq3A_3 = arith.constant 1 : i32
    %eq3A_4 = arith.cmpi eq, %arg0, %eq3A_3 : i32
    %convert_element_type3A_5 = arith.extui %eq3A_4 : i1 to i32
    %cond3A_6 = arith.constant 0 : i32
    %cond3A_7 = arith.cmpi ne, %convert_element_type3A_5, %cond3A_6 : i32
    scf.if %cond3A_7 {
      %mul3A_89 = arith.constant 128 : i32
      %mul3A_90 = arith.muli %arg1, %mul3A_89 : i32
      %add3A = arith.constant 2048 : i32
      %add3A_91 = arith.addi %add3A, %mul3A_90 : i32
      "tpu.region"() ({
        %run_scoped3A = tpu.sem_alloc : memref<!tpu.dma_semaphore, #tpu.memory_space<semaphore_mem>>
        %dma_start3A_92 = arith.constant 0 : i32
        %dma_start3A_93 = arith.constant 0 : i32
        %dma_start3A_94 = tpu.memref_slice %arg13[%dma_start3A_92, %dma_start3A_93] : memref<128x80xi32, #tpu.memory_space<vmem>> -> memref<128x80xi32, #tpu.memory_space<vmem>>
        %dma_start3A_95 = arith.constant 0 : i32
        %dma_start3A_96 = tpu.memref_slice %arg2[%add3A_91, %dma_start3A_95] : memref<4096x80xi32, #tpu.memory_space<hbm>> -> memref<128x80xi32, #tpu.memory_space<hbm>>
        %dma_start3A_97 = arith.constant 0 : i32
        %dma_start3A_98 = arith.constant 0 : i32
        %dma_start3A_99 = tpu.memref_slice %arg13[%dma_start3A_97, %dma_start3A_98] : memref<128x80xi32, #tpu.memory_space<vmem>> -> memref<128x80xi32, #tpu.memory_space<vmem>>
        %dma_start3A_100 = arith.constant 0 : i32
        %dma_start3A_101 = tpu.memref_slice %arg2[%add3A_91, %dma_start3A_100] : memref<4096x80xi32, #tpu.memory_space<hbm>> -> memref<128x80xi32, #tpu.memory_space<hbm>>
        tpu.enqueue_dma source(%dma_start3A_101 : memref<128x80xi32, #tpu.memory_space<hbm>>) target(%dma_start3A_99 : memref<128x80xi32, #tpu.memory_space<vmem>>) target_semaphore(%run_scoped3A : memref<!tpu.dma_semaphore, #tpu.memory_space<semaphore_mem>>)
        %dma_wait3A_102 = arith.constant 0 : i32
        %dma_wait3A_103 = arith.constant 0 : i32
        %dma_wait3A_104 = tpu.memref_slice %arg13[%dma_wait3A_102, %dma_wait3A_103] : memref<128x80xi32, #tpu.memory_space<vmem>> -> memref<128x80xi32, #tpu.memory_space<vmem>>
        %dma_wait3A_105 = arith.constant 0 : i32
        %dma_wait3A_106 = tpu.memref_slice %arg2[%add3A_91, %dma_wait3A_105] : memref<4096x80xi32, #tpu.memory_space<hbm>> -> memref<128x80xi32, #tpu.memory_space<hbm>>
        %dma_wait3A_107 = arith.constant 0 : i32
        %dma_wait3A_108 = arith.constant 0 : i32
        %dma_wait3A_109 = tpu.memref_slice %arg13[%dma_wait3A_107, %dma_wait3A_108] : memref<128x80xi32, #tpu.memory_space<vmem>> -> memref<128x80xi32, #tpu.memory_space<vmem>>
        %dma_wait3A_110 = arith.constant 0 : i32
        %dma_wait3A_111 = tpu.memref_slice %arg2[%add3A_91, %dma_wait3A_110] : memref<4096x80xi32, #tpu.memory_space<hbm>> -> memref<128x80xi32, #tpu.memory_space<hbm>>
        tpu.wait_dma2 semaphore(%run_scoped3A : memref<!tpu.dma_semaphore, #tpu.memory_space<semaphore_mem>>) src(%dma_wait3A_111 : memref<128x80xi32, #tpu.memory_space<hbm>>) dst(%dma_wait3A_109 : memref<128x80xi32, #tpu.memory_space<vmem>>)
        tpu.yield
      }) : () -> ()
      "tpu.region"() ({
        %run_scoped3A = tpu.sem_alloc : memref<!tpu.dma_semaphore, #tpu.memory_space<semaphore_mem>>
        %dma_start3A_92 = arith.constant 0 : i32
        %dma_start3A_93 = arith.constant 0 : i32
        %dma_start3A_94 = tpu.memref_slice %arg14[%dma_start3A_92, %dma_start3A_93] : memref<128x80xi32, #tpu.memory_space<vmem>> -> memref<128x80xi32, #tpu.memory_space<vmem>>
        %dma_start3A_95 = arith.constant 0 : i32
        %dma_start3A_96 = tpu.memref_slice %arg3[%add3A_91, %dma_start3A_95] : memref<4096x80xi32, #tpu.memory_space<hbm>> -> memref<128x80xi32, #tpu.memory_space<hbm>>
        %dma_start3A_97 = arith.constant 0 : i32
        %dma_start3A_98 = arith.constant 0 : i32
        %dma_start3A_99 = tpu.memref_slice %arg14[%dma_start3A_97, %dma_start3A_98] : memref<128x80xi32, #tpu.memory_space<vmem>> -> memref<128x80xi32, #tpu.memory_space<vmem>>
        %dma_start3A_100 = arith.constant 0 : i32
        %dma_start3A_101 = tpu.memref_slice %arg3[%add3A_91, %dma_start3A_100] : memref<4096x80xi32, #tpu.memory_space<hbm>> -> memref<128x80xi32, #tpu.memory_space<hbm>>
        tpu.enqueue_dma source(%dma_start3A_101 : memref<128x80xi32, #tpu.memory_space<hbm>>) target(%dma_start3A_99 : memref<128x80xi32, #tpu.memory_space<vmem>>) target_semaphore(%run_scoped3A : memref<!tpu.dma_semaphore, #tpu.memory_space<semaphore_mem>>)
        %dma_wait3A_102 = arith.constant 0 : i32
        %dma_wait3A_103 = arith.constant 0 : i32
        %dma_wait3A_104 = tpu.memref_slice %arg14[%dma_wait3A_102, %dma_wait3A_103] : memref<128x80xi32, #tpu.memory_space<vmem>> -> memref<128x80xi32, #tpu.memory_space<vmem>>
        %dma_wait3A_105 = arith.constant 0 : i32
        %dma_wait3A_106 = tpu.memref_slice %arg3[%add3A_91, %dma_wait3A_105] : memref<4096x80xi32, #tpu.memory_space<hbm>> -> memref<128x80xi32, #tpu.memory_space<hbm>>
        %dma_wait3A_107 = arith.constant 0 : i32
        %dma_wait3A_108 = arith.constant 0 : i32
        %dma_wait3A_109 = tpu.memref_slice %arg14[%dma_wait3A_107, %dma_wait3A_108] : memref<128x80xi32, #tpu.memory_space<vmem>> -> memref<128x80xi32, #tpu.memory_space<vmem>>
        %dma_wait3A_110 = arith.constant 0 : i32
        %dma_wait3A_111 = tpu.memref_slice %arg3[%add3A_91, %dma_wait3A_110] : memref<4096x80xi32, #tpu.memory_space<hbm>> -> memref<128x80xi32, #tpu.memory_space<hbm>>
        tpu.wait_dma2 semaphore(%run_scoped3A : memref<!tpu.dma_semaphore, #tpu.memory_space<semaphore_mem>>) src(%dma_wait3A_111 : memref<128x80xi32, #tpu.memory_space<hbm>>) dst(%dma_wait3A_109 : memref<128x80xi32, #tpu.memory_space<vmem>>)
        tpu.yield
      }) : () -> ()
    } else {
    }
    %eq3A_8 = arith.constant 0 : i32
    %eq3A_9 = arith.cmpi eq, %arg0, %eq3A_8 : i32
    %jit3A = arith.constant 128 : i32
    %jit3A_10 = arith.constant 128 : i32
    %select_n3A = arith.select %eq3A_9, %jit3A, %jit3A_10 : i32
    %barrier3A = arith.constant 0 : index
    tpu.barrier barrier_id(%barrier3A)
    %get3A = arith.constant 0 : index
    %get3A_11 = tpu.vector_load %arg12[%get3A] {strides = array<i32>} : memref<16xf32, #tpu.memory_space<vmem>>, vector<16xf32>,
    %dma_start3A = arith.constant 0 : i32
    %dma_start3A_12 = arith.constant 0 : i32
    %dma_start3A_13 = tpu.memref_slice %arg13[%dma_start3A, %dma_start3A_12] : memref<128x80xi32, #tpu.memory_space<vmem>> -> memref<1x80xi32, #tpu.memory_space<vmem>>
    %dma_start3A_14 = tpu.memref_squeeze %dma_start3A_13 : memref<1x80xi32, #tpu.memory_space<vmem>> -> memref<80xi32, #tpu.memory_space<vmem>>
    %dma_start3A_15 = arith.constant 0 : i32
    %dma_start3A_16 = arith.constant 0 : i32
    %dma_start3A_17 = tpu.memref_slice %arg4[%dma_start3A_15, %dma_start3A_16] : memref<10112x16xf32, #tpu.memory_space<hbm>> -> memref<10112x16xf32, #tpu.memory_space<hbm>>
    tpu.enqueue_indirect_dma source(%dma_start3A_17 : memref<10112x16xf32, #tpu.memory_space<hbm>>) target(%arg21 : memref<80x16xf32, #tpu.memory_space<vmem>>) offsets(%dma_start3A_14 : memref<80xi32, #tpu.memory_space<vmem>>) semaphore(%arg25 : memref<!tpu.dma_semaphore, #tpu.memory_space<semaphore_mem>>)
    %dma_start3A_18 = arith.constant 0 : i32
    %dma_start3A_19 = arith.constant 0 : i32
    %dma_start3A_20 = tpu.memref_slice %arg13[%dma_start3A_18, %dma_start3A_19] : memref<128x80xi32, #tpu.memory_space<vmem>> -> memref<1x80xi32, #tpu.memory_space<vmem>>
    %dma_start3A_21 = tpu.memref_squeeze %dma_start3A_20 : memref<1x80xi32, #tpu.memory_space<vmem>> -> memref<80xi32, #tpu.memory_space<vmem>>
    %dma_start3A_22 = arith.constant 0 : i32
    %dma_start3A_23 = tpu.memref_slice %arg5[%dma_start3A_22] : memref<10112xf32, #tpu.memory_space<hbm>> -> memref<10112xf32, #tpu.memory_space<hbm>>
    tpu.enqueue_indirect_dma source(%dma_start3A_23 : memref<10112xf32, #tpu.memory_space<hbm>>) target(%arg15 : memref<80xf32, #tpu.memory_space<vmem>>) offsets(%dma_start3A_21 : memref<80xi32, #tpu.memory_space<vmem>>) semaphore(%arg27 : memref<!tpu.dma_semaphore, #tpu.memory_space<semaphore_mem>>)
    %dma_start3A_24 = arith.constant 0 : i32
    %dma_start3A_25 = arith.constant 0 : i32
    %dma_start3A_26 = tpu.memref_slice %arg14[%dma_start3A_24, %dma_start3A_25] : memref<128x80xi32, #tpu.memory_space<vmem>> -> memref<1x80xi32, #tpu.memory_space<vmem>>
    %dma_start3A_27 = tpu.memref_squeeze %dma_start3A_26 : memref<1x80xi32, #tpu.memory_space<vmem>> -> memref<80xi32, #tpu.memory_space<vmem>>
    %dma_start3A_28 = arith.constant 0 : i32
    %dma_start3A_29 = tpu.memref_slice %arg6[%dma_start3A_28] : memref<10112xf32, #tpu.memory_space<hbm>> -> memref<10112xf32, #tpu.memory_space<hbm>>
    tpu.enqueue_indirect_dma source(%dma_start3A_29 : memref<10112xf32, #tpu.memory_space<hbm>>) target(%arg17 : memref<80xf32, #tpu.memory_space<vmem>>) offsets(%dma_start3A_27 : memref<80xi32, #tpu.memory_space<vmem>>) semaphore(%arg29 : memref<!tpu.dma_semaphore, #tpu.memory_space<semaphore_mem>>)
    %jit3A_30 = arith.constant 2 : i32
    %div3A = arith.divsi %select_n3A, %jit3A_30 : i32
    %sign3A = arith.constant 0 : i32
    %sign3A_31 = arith.cmpi sgt, %select_n3A, %sign3A : i32
    %sign3A_32 = arith.extui %sign3A_31 : i1 to i32
    %sign3A_33 = arith.constant 0 : i32
    %sign3A_34 = arith.cmpi slt, %select_n3A, %sign3A_33 : i32
    %sign3A_35 = arith.extui %sign3A_34 : i1 to i32
    %sign3A_36 = arith.subi %sign3A_32, %sign3A_35 : i32
    %sign3A_37 = arith.constant 0 : i32
    %sign3A_38 = arith.cmpi sgt, %jit3A_30, %sign3A_37 : i32
    %sign3A_39 = arith.extui %sign3A_38 : i1 to i32
    %sign3A_40 = arith.constant 0 : i32
    %sign3A_41 = arith.cmpi slt, %jit3A_30, %sign3A_40 : i32
    %sign3A_42 = arith.extui %sign3A_41 : i1 to i32
    %sign3A_43 = arith.subi %sign3A_39, %sign3A_42 : i32
    %ne3A = arith.cmpi ne, %sign3A_36, %sign3A_43 : i32
    %rem3A = arith.remsi %select_n3A, %jit3A_30 : i32
    %ne3A_44 = arith.constant 0 : i32
    %ne3A_45 = arith.cmpi ne, %rem3A, %ne3A_44 : i32
    %and3A = arith.andi %ne3A, %ne3A_45 : i1
    %sub3A = arith.constant 1 : i32
    %sub3A_46 = arith.subi %div3A, %sub3A : i32
    %select_n3A_47 = arith.select %and3A, %sub3A_46, %div3A : i32
    %while3A = arith.constant 0 : i32
    %while3A_48 = arith.constant 0 : i32
    %while3A_49 = arith.subi %select_n3A_47, %while3A_48 : i32
    %while3A_50 = arith.addi %while3A_48, %while3A_49 : i32
    %while3A_51 = arith.constant 1 : i32
    %while3A_52 = arith.divsi %while3A_49, %while3A_51 : i32
    %while3A_53 = arith.muli %while3A_52, %while3A_51 : i32
    %while3A_54 = arith.addi %while3A_48, %while3A_53 : i32
    %while3A_55 = arith.constant 1 : i32
    scf.for %while3A_89 = %while3A_48 to %while3A_54 step %while3A_55  : i32 {
      %mul3A_90 = arith.constant 2 : i32
      %mul3A_91 = arith.muli %mul3A_90, %while3A_89 : i32
      %add3A = arith.constant 0 : i32
      %add3A_92 = arith.addi %mul3A_91, %add3A : i32
      %dma_wait3A_93 = arith.constant 0 : i32
      %dma_wait3A_94 = arith.constant 0 : i32
      %dma_wait3A_95 = tpu.memref_slice %arg13[%dma_wait3A_93, %dma_wait3A_94] : memref<128x80xi32, #tpu.memory_space<vmem>> -> memref<1x80xi32, #tpu.memory_space<vmem>>
      %dma_wait3A_96 = tpu.memref_squeeze %dma_wait3A_95 : memref<1x80xi32, #tpu.memory_space<vmem>> -> memref<80xi32, #tpu.memory_space<vmem>>
      %dma_wait3A_97 = arith.constant 0 : i32
      %dma_wait3A_98 = tpu.memref_slice %arg5[%dma_wait3A_97] : memref<10112xf32, #tpu.memory_space<hbm>> -> memref<10112xf32, #tpu.memory_space<hbm>>
      tpu.wait_indirect_dma semaphore(%arg27 : memref<!tpu.dma_semaphore, #tpu.memory_space<semaphore_mem>>) src(%dma_wait3A_98 : memref<10112xf32, #tpu.memory_space<hbm>>) dst(%arg15 : memref<80xf32, #tpu.memory_space<vmem>>)
      %dma_wait3A_99 = arith.constant 0 : i32
      %dma_wait3A_100 = arith.constant 0 : i32
      %dma_wait3A_101 = tpu.memref_slice %arg14[%dma_wait3A_99, %dma_wait3A_100] : memref<128x80xi32, #tpu.memory_space<vmem>> -> memref<1x80xi32, #tpu.memory_space<vmem>>
      %dma_wait3A_102 = tpu.memref_squeeze %dma_wait3A_101 : memref<1x80xi32, #tpu.memory_space<vmem>> -> memref<80xi32, #tpu.memory_space<vmem>>
      %dma_wait3A_103 = arith.constant 0 : i32
      %dma_wait3A_104 = tpu.memref_slice %arg6[%dma_wait3A_103] : memref<10112xf32, #tpu.memory_space<hbm>> -> memref<10112xf32, #tpu.memory_space<hbm>>
      tpu.wait_indirect_dma semaphore(%arg29 : memref<!tpu.dma_semaphore, #tpu.memory_space<semaphore_mem>>) src(%dma_wait3A_104 : memref<10112xf32, #tpu.memory_space<hbm>>) dst(%arg17 : memref<80xf32, #tpu.memory_space<vmem>>)
      %scan3A = arith.constant 0 : i32
      %scan3A_105 = arith.constant 0 : i32
      %scan3A_106 = arith.constant 5 : i32
      %scan3A_107 = arith.addi %scan3A_105, %scan3A_106 : i32
      %scan3A_108 = arith.constant 1 : i32
      scf.for %scan3A_231 = %scan3A_105 to %scan3A_107 step %scan3A_108  : i32 {
        %mul3A_232 = arith.constant 16 : i32
        %mul3A_233 = arith.muli %scan3A_231, %mul3A_232 : i32
        %get3A_234 = arith.index_cast %mul3A_233 : i32 to index
        %get3A_235 = tpu.vector_load %arg15[%get3A_234] {strides = array<i32>} : memref<80xf32, #tpu.memory_space<vmem>>, vector<16xf32>,
        %mul3A_236 = arith.constant 16 : i32
        %mul3A_237 = arith.muli %scan3A_231, %mul3A_236 : i32
        %get3A_238 = arith.index_cast %mul3A_237 : i32 to index
        %get3A_239 = tpu.vector_load %arg17[%get3A_238] {strides = array<i32>} : memref<80xf32, #tpu.memory_space<vmem>>, vector<16xf32>,
        %add3A_240 = arith.addf %get3A_235, %get3A_239 : vector<16xf32>
        %ge3A_241 = arith.constant 0.000000e+00 : f32
        %ge3A_242 = vector.broadcast %ge3A_241 : f32 to vector<16xf32>
        %ge3A_243 = arith.cmpf oge, %add3A_240, %ge3A_242 : vector<16xf32>
        %mul3A_244 = arith.constant 2.000000e-01 : f32
        %mul3A_245 = vector.broadcast %mul3A_244 : f32 to vector<16xf32>
        %mul3A_246 = arith.mulf %mul3A_245, %add3A_240 : vector<16xf32>
        %select_n3A_247 = arith.select %ge3A_243, %add3A_240, %mul3A_246 : vector<16xi1>, vector<16xf32>
        %sub3A_248 = arith.subf %select_n3A_247, %get3A_11 : vector<16xf32>
        %exp3A = math.exp %sub3A_248 : vector<16xf32>
        %mul3A_249 = arith.constant 16 : i32
        %mul3A_250 = arith.muli %scan3A_231, %mul3A_249 : i32
        %swap3A = arith.index_cast %mul3A_250 : i32 to index
        %swap3A_251 = tpu.vector_load %arg19[%swap3A] {strides = array<i32>} : memref<80xf32, #tpu.memory_space<vmem>>, vector<16xf32>,
        tpu.vector_store %arg19[%swap3A], %exp3A {strides = array<i32>} : memref<80xf32, #tpu.memory_space<vmem>>, vector<16xf32>,
      }
      %scan3A_109 = arith.constant 5 : i32
      %ge3A = arith.constant 1 : i32
      %ge3A_110 = arith.cmpi sge, %while3A_89, %ge3A : i32
      %convert_element_type3A_111 = arith.extui %ge3A_110 : i1 to i32
      %cond3A_112 = arith.constant 0 : i32
      %cond3A_113 = arith.cmpi ne, %convert_element_type3A_111, %cond3A_112 : i32
      scf.if %cond3A_113 {
        %dma_wait3A_231 = arith.constant 0 : i32
        %dma_wait3A_232 = arith.constant 0 : i32
        %dma_wait3A_233 = tpu.memref_slice %arg14[%dma_wait3A_231, %dma_wait3A_232] : memref<128x80xi32, #tpu.memory_space<vmem>> -> memref<1x80xi32, #tpu.memory_space<vmem>>
        %dma_wait3A_234 = tpu.memref_squeeze %dma_wait3A_233 : memref<1x80xi32, #tpu.memory_space<vmem>> -> memref<80xi32, #tpu.memory_space<vmem>>
        %dma_wait3A_235 = arith.constant 0 : i32
        %dma_wait3A_236 = arith.constant 0 : i32
        %dma_wait3A_237 = tpu.memref_slice %arg23[%dma_wait3A_235, %dma_wait3A_236] : memref<10112x16xf32, #tpu.memory_space<vmem_shared>> -> memref<10112x16xf32, #tpu.memory_space<vmem_shared>>
        tpu.wait_indirect_dma semaphore(%arg32 : memref<!tpu.dma_semaphore, #tpu.memory_space<semaphore_mem>>) src(%arg22 : memref<80x16xf32, #tpu.memory_space<vmem>>) dst(%dma_wait3A_237 : memref<10112x16xf32, #tpu.memory_space<vmem_shared>>)
        %dma_wait3A_238 = arith.constant 0 : i32
        %dma_wait3A_239 = arith.constant 0 : i32
        %dma_wait3A_240 = tpu.memref_slice %arg14[%dma_wait3A_238, %dma_wait3A_239] : memref<128x80xi32, #tpu.memory_space<vmem>> -> memref<1x80xi32, #tpu.memory_space<vmem>>
        %dma_wait3A_241 = tpu.memref_squeeze %dma_wait3A_240 : memref<1x80xi32, #tpu.memory_space<vmem>> -> memref<80xi32, #tpu.memory_space<vmem>>
        %dma_wait3A_242 = arith.constant 0 : i32
        %dma_wait3A_243 = tpu.memref_slice %arg24[%dma_wait3A_242] : memref<10112xf32, #tpu.memory_space<vmem_shared>> -> memref<10112xf32, #tpu.memory_space<vmem_shared>>
        tpu.wait_indirect_dma semaphore(%arg34 : memref<!tpu.dma_semaphore, #tpu.memory_space<semaphore_mem>>) src(%arg20 : memref<80xf32, #tpu.memory_space<vmem>>) dst(%dma_wait3A_243 : memref<10112xf32, #tpu.memory_space<vmem_shared>>)
      } else {
      }
      %add3A_114 = arith.constant 1 : i32
      %add3A_115 = arith.addi %add3A_92, %add3A_114 : i32
      %sub3A_116 = arith.constant 1 : i32
      %sub3A_117 = arith.subi %select_n3A, %sub3A_116 : i32
      %min3A = arith.minsi %add3A_115, %sub3A_117 : i32
      %dma_start3A_118 = arith.constant 0 : i32
      %dma_start3A_119 = tpu.memref_slice %arg13[%min3A, %dma_start3A_118] : memref<128x80xi32, #tpu.memory_space<vmem>> -> memref<1x80xi32, #tpu.memory_space<vmem>>
      %dma_start3A_120 = tpu.memref_squeeze %dma_start3A_119 : memref<1x80xi32, #tpu.memory_space<vmem>> -> memref<80xi32, #tpu.memory_space<vmem>>
      %dma_start3A_121 = arith.constant 0 : i32
      %dma_start3A_122 = arith.constant 0 : i32
      %dma_start3A_123 = tpu.memref_slice %arg4[%dma_start3A_121, %dma_start3A_122] : memref<10112x16xf32, #tpu.memory_space<hbm>> -> memref<10112x16xf32, #tpu.memory_space<hbm>>
      tpu.enqueue_indirect_dma source(%dma_start3A_123 : memref<10112x16xf32, #tpu.memory_space<hbm>>) target(%arg22 : memref<80x16xf32, #tpu.memory_space<vmem>>) offsets(%dma_start3A_120 : memref<80xi32, #tpu.memory_space<vmem>>) semaphore(%arg26 : memref<!tpu.dma_semaphore, #tpu.memory_space<semaphore_mem>>)
      %dma_start3A_124 = arith.constant 0 : i32
      %dma_start3A_125 = tpu.memref_slice %arg13[%min3A, %dma_start3A_124] : memref<128x80xi32, #tpu.memory_space<vmem>> -> memref<1x80xi32, #tpu.memory_space<vmem>>
      %dma_start3A_126 = tpu.memref_squeeze %dma_start3A_125 : memref<1x80xi32, #tpu.memory_space<vmem>> -> memref<80xi32, #tpu.memory_space<vmem>>
      %dma_start3A_127 = arith.constant 0 : i32
      %dma_start3A_128 = tpu.memref_slice %arg5[%dma_start3A_127] : memref<10112xf32, #tpu.memory_space<hbm>> -> memref<10112xf32, #tpu.memory_space<hbm>>
      tpu.enqueue_indirect_dma source(%dma_start3A_128 : memref<10112xf32, #tpu.memory_space<hbm>>) target(%arg16 : memref<80xf32, #tpu.memory_space<vmem>>) offsets(%dma_start3A_126 : memref<80xi32, #tpu.memory_space<vmem>>) semaphore(%arg28 : memref<!tpu.dma_semaphore, #tpu.memory_space<semaphore_mem>>)
      %dma_start3A_129 = arith.constant 0 : i32
      %dma_start3A_130 = tpu.memref_slice %arg14[%min3A, %dma_start3A_129] : memref<128x80xi32, #tpu.memory_space<vmem>> -> memref<1x80xi32, #tpu.memory_space<vmem>>
      %dma_start3A_131 = tpu.memref_squeeze %dma_start3A_130 : memref<1x80xi32, #tpu.memory_space<vmem>> -> memref<80xi32, #tpu.memory_space<vmem>>
      %dma_start3A_132 = arith.constant 0 : i32
      %dma_start3A_133 = tpu.memref_slice %arg6[%dma_start3A_132] : memref<10112xf32, #tpu.memory_space<hbm>> -> memref<10112xf32, #tpu.memory_space<hbm>>
      tpu.enqueue_indirect_dma source(%dma_start3A_133 : memref<10112xf32, #tpu.memory_space<hbm>>) target(%arg18 : memref<80xf32, #tpu.memory_space<vmem>>) offsets(%dma_start3A_131 : memref<80xi32, #tpu.memory_space<vmem>>) semaphore(%arg30 : memref<!tpu.dma_semaphore, #tpu.memory_space<semaphore_mem>>)
      %dma_wait3A_134 = arith.constant 0 : i32
      %dma_wait3A_135 = arith.constant 0 : i32
      %dma_wait3A_136 = tpu.memref_slice %arg13[%dma_wait3A_134, %dma_wait3A_135] : memref<128x80xi32, #tpu.memory_space<vmem>> -> memref<1x80xi32, #tpu.memory_space<vmem>>
      %dma_wait3A_137 = tpu.memref_squeeze %dma_wait3A_136 : memref<1x80xi32, #tpu.memory_space<vmem>> -> memref<80xi32, #tpu.memory_space<vmem>>
      %dma_wait3A_138 = arith.constant 0 : i32
      %dma_wait3A_139 = arith.constant 0 : i32
      %dma_wait3A_140 = tpu.memref_slice %arg4[%dma_wait3A_138, %dma_wait3A_139] : memref<10112x16xf32, #tpu.memory_space<hbm>> -> memref<10112x16xf32, #tpu.memory_space<hbm>>
      tpu.wait_indirect_dma semaphore(%arg25 : memref<!tpu.dma_semaphore, #tpu.memory_space<semaphore_mem>>) src(%dma_wait3A_140 : memref<10112x16xf32, #tpu.memory_space<hbm>>) dst(%arg21 : memref<80x16xf32, #tpu.memory_space<vmem>>)
      %parallel_loop3A = arith.constant 0 : i32
      %parallel_loop3A_141 = arith.constant 80 : i32
      %parallel_loop3A_142 = arith.constant 1 : i32
      scf.for %parallel_loop3A_231 = %parallel_loop3A to %parallel_loop3A_141 step %parallel_loop3A_142  : i32 {
        %parallel_loop3A_232 = vector.broadcast %parallel_loop3A_231 : i32 to vector<16xi32>
        %parallel_loop3A_233 = tpu.vector_load_idx %arg19[%parallel_loop3A_232] : memref<80xf32, #tpu.memory_space<vmem>>[vector<16xi32>], vector<16xf32>,
        %parallel_loop3A_234 = arith.index_cast %parallel_loop3A_231 : i32 to index
        %parallel_loop3A_235 = arith.constant 0 : index
        %parallel_loop3A_236 = tpu.vector_load %arg21[%parallel_loop3A_234, %parallel_loop3A_235] {strides = array<i32>} : memref<80x16xf32, #tpu.memory_space<vmem>>, vector<16xf32>,
        %parallel_loop3A_237 = arith.mulf %parallel_loop3A_236, %parallel_loop3A_233 : vector<16xf32>
        %parallel_loop3A_238 = arith.index_cast %parallel_loop3A_231 : i32 to index
        %parallel_loop3A_239 = arith.constant 0 : index
        %parallel_loop3A_240 = tpu.vector_load %arg21[%parallel_loop3A_238, %parallel_loop3A_239] {strides = array<i32>} : memref<80x16xf32, #tpu.memory_space<vmem>>, vector<16xf32>,
        tpu.vector_store %arg21[%parallel_loop3A_238, %parallel_loop3A_239], %parallel_loop3A_237 {strides = array<i32>} : memref<80x16xf32, #tpu.memory_space<vmem>>, vector<16xf32>,
      } {sc.loop_unroll_factor = 4 : i64, sc.parallel_access}
      %dma_start3A_143 = arith.constant 0 : i32
      %dma_start3A_144 = tpu.memref_slice %arg14[%add3A_92, %dma_start3A_143] : memref<128x80xi32, #tpu.memory_space<vmem>> -> memref<1x80xi32, #tpu.memory_space<vmem>>
      %dma_start3A_145 = tpu.memref_squeeze %dma_start3A_144 : memref<1x80xi32, #tpu.memory_space<vmem>> -> memref<80xi32, #tpu.memory_space<vmem>>
      %dma_start3A_146 = arith.constant 0 : i32
      %dma_start3A_147 = arith.constant 0 : i32
      %dma_start3A_148 = tpu.memref_slice %arg23[%dma_start3A_146, %dma_start3A_147] : memref<10112x16xf32, #tpu.memory_space<vmem_shared>> -> memref<10112x16xf32, #tpu.memory_space<vmem_shared>>
      tpu.enqueue_indirect_dma source(%arg21 : memref<80x16xf32, #tpu.memory_space<vmem>>) target(%dma_start3A_148 : memref<10112x16xf32, #tpu.memory_space<vmem_shared>>) offsets(%dma_start3A_145 : memref<80xi32, #tpu.memory_space<vmem>>) semaphore(%arg31 : memref<!tpu.dma_semaphore, #tpu.memory_space<semaphore_mem>>) {add = true}
      %dma_start3A_149 = arith.constant 0 : i32
      %dma_start3A_150 = tpu.memref_slice %arg14[%add3A_92, %dma_start3A_149] : memref<128x80xi32, #tpu.memory_space<vmem>> -> memref<1x80xi32, #tpu.memory_space<vmem>>
      %dma_start3A_151 = tpu.memref_squeeze %dma_start3A_150 : memref<1x80xi32, #tpu.memory_space<vmem>> -> memref<80xi32, #tpu.memory_space<vmem>>
      %dma_start3A_152 = arith.constant 0 : i32
      %dma_start3A_153 = tpu.memref_slice %arg24[%dma_start3A_152] : memref<10112xf32, #tpu.memory_space<vmem_shared>> -> memref<10112xf32, #tpu.memory_space<vmem_shared>>
      tpu.enqueue_indirect_dma source(%arg19 : memref<80xf32, #tpu.memory_space<vmem>>) target(%dma_start3A_153 : memref<10112xf32, #tpu.memory_space<vmem_shared>>) offsets(%dma_start3A_151 : memref<80xi32, #tpu.memory_space<vmem>>) semaphore(%arg33 : memref<!tpu.dma_semaphore, #tpu.memory_space<semaphore_mem>>) {add = true}
      %mul3A_154 = arith.constant 2 : i32
      %mul3A_155 = arith.muli %mul3A_154, %while3A_89 : i32
      %add3A_156 = arith.constant 1 : i32
      %add3A_157 = arith.addi %mul3A_155, %add3A_156 : i32
      %dma_wait3A_158 = arith.constant 0 : i32
      %dma_wait3A_159 = arith.constant 0 : i32
      %dma_wait3A_160 = tpu.memref_slice %arg13[%dma_wait3A_158, %dma_wait3A_159] : memref<128x80xi32, #tpu.memory_space<vmem>> -> memref<1x80xi32, #tpu.memory_space<vmem>>
      %dma_wait3A_161 = tpu.memref_squeeze %dma_wait3A_160 : memref<1x80xi32, #tpu.memory_space<vmem>> -> memref<80xi32, #tpu.memory_space<vmem>>
      %dma_wait3A_162 = arith.constant 0 : i32
      %dma_wait3A_163 = tpu.memref_slice %arg5[%dma_wait3A_162] : memref<10112xf32, #tpu.memory_space<hbm>> -> memref<10112xf32, #tpu.memory_space<hbm>>
      tpu.wait_indirect_dma semaphore(%arg28 : memref<!tpu.dma_semaphore, #tpu.memory_space<semaphore_mem>>) src(%dma_wait3A_163 : memref<10112xf32, #tpu.memory_space<hbm>>) dst(%arg16 : memref<80xf32, #tpu.memory_space<vmem>>)
      %dma_wait3A_164 = arith.constant 0 : i32
      %dma_wait3A_165 = arith.constant 0 : i32
      %dma_wait3A_166 = tpu.memref_slice %arg14[%dma_wait3A_164, %dma_wait3A_165] : memref<128x80xi32, #tpu.memory_space<vmem>> -> memref<1x80xi32, #tpu.memory_space<vmem>>
      %dma_wait3A_167 = tpu.memref_squeeze %dma_wait3A_166 : memref<1x80xi32, #tpu.memory_space<vmem>> -> memref<80xi32, #tpu.memory_space<vmem>>
      %dma_wait3A_168 = arith.constant 0 : i32
      %dma_wait3A_169 = tpu.memref_slice %arg6[%dma_wait3A_168] : memref<10112xf32, #tpu.memory_space<hbm>> -> memref<10112xf32, #tpu.memory_space<hbm>>
      tpu.wait_indirect_dma semaphore(%arg30 : memref<!tpu.dma_semaphore, #tpu.memory_space<semaphore_mem>>) src(%dma_wait3A_169 : memref<10112xf32, #tpu.memory_space<hbm>>) dst(%arg18 : memref<80xf32, #tpu.memory_space<vmem>>)
      %scan3A_170 = arith.constant 0 : i32
      %scan3A_171 = arith.constant 0 : i32
      %scan3A_172 = arith.constant 5 : i32
      %scan3A_173 = arith.addi %scan3A_171, %scan3A_172 : i32
      %scan3A_174 = arith.constant 1 : i32
      scf.for %scan3A_231 = %scan3A_171 to %scan3A_173 step %scan3A_174  : i32 {
        %mul3A_232 = arith.constant 16 : i32
        %mul3A_233 = arith.muli %scan3A_231, %mul3A_232 : i32
        %get3A_234 = arith.index_cast %mul3A_233 : i32 to index
        %get3A_235 = tpu.vector_load %arg16[%get3A_234] {strides = array<i32>} : memref<80xf32, #tpu.memory_space<vmem>>, vector<16xf32>,
        %mul3A_236 = arith.constant 16 : i32
        %mul3A_237 = arith.muli %scan3A_231, %mul3A_236 : i32
        %get3A_238 = arith.index_cast %mul3A_237 : i32 to index
        %get3A_239 = tpu.vector_load %arg18[%get3A_238] {strides = array<i32>} : memref<80xf32, #tpu.memory_space<vmem>>, vector<16xf32>,
        %add3A_240 = arith.addf %get3A_235, %get3A_239 : vector<16xf32>
        %ge3A_241 = arith.constant 0.000000e+00 : f32
        %ge3A_242 = vector.broadcast %ge3A_241 : f32 to vector<16xf32>
        %ge3A_243 = arith.cmpf oge, %add3A_240, %ge3A_242 : vector<16xf32>
        %mul3A_244 = arith.constant 2.000000e-01 : f32
        %mul3A_245 = vector.broadcast %mul3A_244 : f32 to vector<16xf32>
        %mul3A_246 = arith.mulf %mul3A_245, %add3A_240 : vector<16xf32>
        %select_n3A_247 = arith.select %ge3A_243, %add3A_240, %mul3A_246 : vector<16xi1>, vector<16xf32>
        %sub3A_248 = arith.subf %select_n3A_247, %get3A_11 : vector<16xf32>
        %exp3A = math.exp %sub3A_248 : vector<16xf32>
        %mul3A_249 = arith.constant 16 : i32
        %mul3A_250 = arith.muli %scan3A_231, %mul3A_249 : i32
        %swap3A = arith.index_cast %mul3A_250 : i32 to index
        %swap3A_251 = tpu.vector_load %arg20[%swap3A] {strides = array<i32>} : memref<80xf32, #tpu.memory_space<vmem>>, vector<16xf32>,
        tpu.vector_store %arg20[%swap3A], %exp3A {strides = array<i32>} : memref<80xf32, #tpu.memory_space<vmem>>, vector<16xf32>,
      }
      %scan3A_175 = arith.constant 5 : i32
      %dma_wait3A_176 = arith.constant 0 : i32
      %dma_wait3A_177 = arith.constant 0 : i32
      %dma_wait3A_178 = tpu.memref_slice %arg14[%dma_wait3A_176, %dma_wait3A_177] : memref<128x80xi32, #tpu.memory_space<vmem>> -> memref<1x80xi32, #tpu.memory_space<vmem>>
      %dma_wait3A_179 = tpu.memref_squeeze %dma_wait3A_178 : memref<1x80xi32, #tpu.memory_space<vmem>> -> memref<80xi32, #tpu.memory_space<vmem>>
      %dma_wait3A_180 = arith.constant 0 : i32
      %dma_wait3A_181 = arith.constant 0 : i32
      %dma_wait3A_182 = tpu.memref_slice %arg23[%dma_wait3A_180, %dma_wait3A_181] : memref<10112x16xf32, #tpu.memory_space<vmem_shared>> -> memref<10112x16xf32, #tpu.memory_space<vmem_shared>>
      tpu.wait_indirect_dma semaphore(%arg31 : memref<!tpu.dma_semaphore, #tpu.memory_space<semaphore_mem>>) src(%arg21 : memref<80x16xf32, #tpu.memory_space<vmem>>) dst(%dma_wait3A_182 : memref<10112x16xf32, #tpu.memory_space<vmem_shared>>)
      %dma_wait3A_183 = arith.constant 0 : i32
      %dma_wait3A_184 = arith.constant 0 : i32
      %dma_wait3A_185 = tpu.memref_slice %arg14[%dma_wait3A_183, %dma_wait3A_184] : memref<128x80xi32, #tpu.memory_space<vmem>> -> memref<1x80xi32, #tpu.memory_space<vmem>>
      %dma_wait3A_186 = tpu.memref_squeeze %dma_wait3A_185 : memref<1x80xi32, #tpu.memory_space<vmem>> -> memref<80xi32, #tpu.memory_space<vmem>>
      %dma_wait3A_187 = arith.constant 0 : i32
      %dma_wait3A_188 = tpu.memref_slice %arg24[%dma_wait3A_187] : memref<10112xf32, #tpu.memory_space<vmem_shared>> -> memref<10112xf32, #tpu.memory_space<vmem_shared>>
      tpu.wait_indirect_dma semaphore(%arg33 : memref<!tpu.dma_semaphore, #tpu.memory_space<semaphore_mem>>) src(%arg19 : memref<80xf32, #tpu.memory_space<vmem>>) dst(%dma_wait3A_188 : memref<10112xf32, #tpu.memory_space<vmem_shared>>)
      %add3A_189 = arith.constant 1 : i32
      %add3A_190 = arith.addi %add3A_157, %add3A_189 : i32
      %sub3A_191 = arith.constant 1 : i32
      %sub3A_192 = arith.subi %select_n3A, %sub3A_191 : i32
      %min3A_193 = arith.minsi %add3A_190, %sub3A_192 : i32
      %dma_start3A_194 = arith.constant 0 : i32
      %dma_start3A_195 = tpu.memref_slice %arg13[%min3A_193, %dma_start3A_194] : memref<128x80xi32, #tpu.memory_space<vmem>> -> memref<1x80xi32, #tpu.memory_space<vmem>>
      %dma_start3A_196 = tpu.memref_squeeze %dma_start3A_195 : memref<1x80xi32, #tpu.memory_space<vmem>> -> memref<80xi32, #tpu.memory_space<vmem>>
      %dma_start3A_197 = arith.constant 0 : i32
      %dma_start3A_198 = arith.constant 0 : i32
      %dma_start3A_199 = tpu.memref_slice %arg4[%dma_start3A_197, %dma_start3A_198] : memref<10112x16xf32, #tpu.memory_space<hbm>> -> memref<10112x16xf32, #tpu.memory_space<hbm>>
      tpu.enqueue_indirect_dma source(%dma_start3A_199 : memref<10112x16xf32, #tpu.memory_space<hbm>>) target(%arg21 : memref<80x16xf32, #tpu.memory_space<vmem>>) offsets(%dma_start3A_196 : memref<80xi32, #tpu.memory_space<vmem>>) semaphore(%arg25 : memref<!tpu.dma_semaphore, #tpu.memory_space<semaphore_mem>>)
      %dma_start3A_200 = arith.constant 0 : i32
      %dma_start3A_201 = tpu.memref_slice %arg13[%min3A_193, %dma_start3A_200] : memref<128x80xi32, #tpu.memory_space<vmem>> -> memref<1x80xi32, #tpu.memory_space<vmem>>
      %dma_start3A_202 = tpu.memref_squeeze %dma_start3A_201 : memref<1x80xi32, #tpu.memory_space<vmem>> -> memref<80xi32, #tpu.memory_space<vmem>>
      %dma_start3A_203 = arith.constant 0 : i32
      %dma_start3A_204 = tpu.memref_slice %arg5[%dma_start3A_203] : memref<10112xf32, #tpu.memory_space<hbm>> -> memref<10112xf32, #tpu.memory_space<hbm>>
      tpu.enqueue_indirect_dma source(%dma_start3A_204 : memref<10112xf32, #tpu.memory_space<hbm>>) target(%arg15 : memref<80xf32, #tpu.memory_space<vmem>>) offsets(%dma_start3A_202 : memref<80xi32, #tpu.memory_space<vmem>>) semaphore(%arg27 : memref<!tpu.dma_semaphore, #tpu.memory_space<semaphore_mem>>)
      %dma_start3A_205 = arith.constant 0 : i32
      %dma_start3A_206 = tpu.memref_slice %arg14[%min3A_193, %dma_start3A_205] : memref<128x80xi32, #tpu.memory_space<vmem>> -> memref<1x80xi32, #tpu.memory_space<vmem>>
      %dma_start3A_207 = tpu.memref_squeeze %dma_start3A_206 : memref<1x80xi32, #tpu.memory_space<vmem>> -> memref<80xi32, #tpu.memory_space<vmem>>
      %dma_start3A_208 = arith.constant 0 : i32
      %dma_start3A_209 = tpu.memref_slice %arg6[%dma_start3A_208] : memref<10112xf32, #tpu.memory_space<hbm>> -> memref<10112xf32, #tpu.memory_space<hbm>>
      tpu.enqueue_indirect_dma source(%dma_start3A_209 : memref<10112xf32, #tpu.memory_space<hbm>>) target(%arg17 : memref<80xf32, #tpu.memory_space<vmem>>) offsets(%dma_start3A_207 : memref<80xi32, #tpu.memory_space<vmem>>) semaphore(%arg29 : memref<!tpu.dma_semaphore, #tpu.memory_space<semaphore_mem>>)
      %dma_wait3A_210 = arith.constant 0 : i32
      %dma_wait3A_211 = arith.constant 0 : i32
      %dma_wait3A_212 = tpu.memref_slice %arg13[%dma_wait3A_210, %dma_wait3A_211] : memref<128x80xi32, #tpu.memory_space<vmem>> -> memref<1x80xi32, #tpu.memory_space<vmem>>
      %dma_wait3A_213 = tpu.memref_squeeze %dma_wait3A_212 : memref<1x80xi32, #tpu.memory_space<vmem>> -> memref<80xi32, #tpu.memory_space<vmem>>
      %dma_wait3A_214 = arith.constant 0 : i32
      %dma_wait3A_215 = arith.constant 0 : i32
      %dma_wait3A_216 = tpu.memref_slice %arg4[%dma_wait3A_214, %dma_wait3A_215] : memref<10112x16xf32, #tpu.memory_space<hbm>> -> memref<10112x16xf32, #tpu.memory_space<hbm>>
      tpu.wait_indirect_dma semaphore(%arg26 : memref<!tpu.dma_semaphore, #tpu.memory_space<semaphore_mem>>) src(%dma_wait3A_216 : memref<10112x16xf32, #tpu.memory_space<hbm>>) dst(%arg22 : memref<80x16xf32, #tpu.memory_space<vmem>>)
      %parallel_loop3A_217 = arith.constant 0 : i32
      %parallel_loop3A_218 = arith.constant 80 : i32
      %parallel_loop3A_219 = arith.constant 1 : i32
      scf.for %parallel_loop3A_231 = %parallel_loop3A_217 to %parallel_loop3A_218 step %parallel_loop3A_219  : i32 {
        %parallel_loop3A_232 = vector.broadcast %parallel_loop3A_231 : i32 to vector<16xi32>
        %parallel_loop3A_233 = tpu.vector_load_idx %arg20[%parallel_loop3A_232] : memref<80xf32, #tpu.memory_space<vmem>>[vector<16xi32>], vector<16xf32>,
        %parallel_loop3A_234 = arith.index_cast %parallel_loop3A_231 : i32 to index
        %parallel_loop3A_235 = arith.constant 0 : index
        %parallel_loop3A_236 = tpu.vector_load %arg22[%parallel_loop3A_234, %parallel_loop3A_235] {strides = array<i32>} : memref<80x16xf32, #tpu.memory_space<vmem>>, vector<16xf32>,
        %parallel_loop3A_237 = arith.mulf %parallel_loop3A_236, %parallel_loop3A_233 : vector<16xf32>
        %parallel_loop3A_238 = arith.index_cast %parallel_loop3A_231 : i32 to index
        %parallel_loop3A_239 = arith.constant 0 : index
        %parallel_loop3A_240 = tpu.vector_load %arg22[%parallel_loop3A_238, %parallel_loop3A_239] {strides = array<i32>} : memref<80x16xf32, #tpu.memory_space<vmem>>, vector<16xf32>,
        tpu.vector_store %arg22[%parallel_loop3A_238, %parallel_loop3A_239], %parallel_loop3A_237 {strides = array<i32>} : memref<80x16xf32, #tpu.memory_space<vmem>>, vector<16xf32>,
      } {sc.loop_unroll_factor = 4 : i64, sc.parallel_access}
      %dma_start3A_220 = arith.constant 0 : i32
      %dma_start3A_221 = tpu.memref_slice %arg14[%add3A_157, %dma_start3A_220] : memref<128x80xi32, #tpu.memory_space<vmem>> -> memref<1x80xi32, #tpu.memory_space<vmem>>
      %dma_start3A_222 = tpu.memref_squeeze %dma_start3A_221 : memref<1x80xi32, #tpu.memory_space<vmem>> -> memref<80xi32, #tpu.memory_space<vmem>>
      %dma_start3A_223 = arith.constant 0 : i32
      %dma_start3A_224 = arith.constant 0 : i32
      %dma_start3A_225 = tpu.memref_slice %arg23[%dma_start3A_223, %dma_start3A_224] : memref<10112x16xf32, #tpu.memory_space<vmem_shared>> -> memref<10112x16xf32, #tpu.memory_space<vmem_shared>>
      tpu.enqueue_indirect_dma source(%arg22 : memref<80x16xf32, #tpu.memory_space<vmem>>) target(%dma_start3A_225 : memref<10112x16xf32, #tpu.memory_space<vmem_shared>>) offsets(%dma_start3A_222 : memref<80xi32, #tpu.memory_space<vmem>>) semaphore(%arg32 : memref<!tpu.dma_semaphore, #tpu.memory_space<semaphore_mem>>) {add = true}
      %dma_start3A_226 = arith.constant 0 : i32
      %dma_start3A_227 = tpu.memref_slice %arg14[%add3A_157, %dma_start3A_226] : memref<128x80xi32, #tpu.memory_space<vmem>> -> memref<1x80xi32, #tpu.memory_space<vmem>>
      %dma_start3A_228 = tpu.memref_squeeze %dma_start3A_227 : memref<1x80xi32, #tpu.memory_space<vmem>> -> memref<80xi32, #tpu.memory_space<vmem>>
      %dma_start3A_229 = arith.constant 0 : i32
      %dma_start3A_230 = tpu.memref_slice %arg24[%dma_start3A_229] : memref<10112xf32, #tpu.memory_space<vmem_shared>> -> memref<10112xf32, #tpu.memory_space<vmem_shared>>
      tpu.enqueue_indirect_dma source(%arg20 : memref<80xf32, #tpu.memory_space<vmem>>) target(%dma_start3A_230 : memref<10112xf32, #tpu.memory_space<vmem_shared>>) offsets(%dma_start3A_228 : memref<80xi32, #tpu.memory_space<vmem>>) semaphore(%arg34 : memref<!tpu.dma_semaphore, #tpu.memory_space<semaphore_mem>>) {add = true}
    }
    %while3A_56 = arith.constant 1 : i32
    scf.for %while3A_89 = %while3A_54 to %while3A_50 step %while3A_56  : i32 {
      %mul3A_90 = arith.constant 2 : i32
      %mul3A_91 = arith.muli %mul3A_90, %while3A_89 : i32
      %add3A = arith.constant 0 : i32
      %add3A_92 = arith.addi %mul3A_91, %add3A : i32
      %dma_wait3A_93 = arith.constant 0 : i32
      %dma_wait3A_94 = arith.constant 0 : i32
      %dma_wait3A_95 = tpu.memref_slice %arg13[%dma_wait3A_93, %dma_wait3A_94] : memref<128x80xi32, #tpu.memory_space<vmem>> -> memref<1x80xi32, #tpu.memory_space<vmem>>
      %dma_wait3A_96 = tpu.memref_squeeze %dma_wait3A_95 : memref<1x80xi32, #tpu.memory_space<vmem>> -> memref<80xi32, #tpu.memory_space<vmem>>
      %dma_wait3A_97 = arith.constant 0 : i32
      %dma_wait3A_98 = tpu.memref_slice %arg5[%dma_wait3A_97] : memref<10112xf32, #tpu.memory_space<hbm>> -> memref<10112xf32, #tpu.memory_space<hbm>>
      tpu.wait_indirect_dma semaphore(%arg27 : memref<!tpu.dma_semaphore, #tpu.memory_space<semaphore_mem>>) src(%dma_wait3A_98 : memref<10112xf32, #tpu.memory_space<hbm>>) dst(%arg15 : memref<80xf32, #tpu.memory_space<vmem>>)
      %dma_wait3A_99 = arith.constant 0 : i32
      %dma_wait3A_100 = arith.constant 0 : i32
      %dma_wait3A_101 = tpu.memref_slice %arg14[%dma_wait3A_99, %dma_wait3A_100] : memref<128x80xi32, #tpu.memory_space<vmem>> -> memref<1x80xi32, #tpu.memory_space<vmem>>
      %dma_wait3A_102 = tpu.memref_squeeze %dma_wait3A_101 : memref<1x80xi32, #tpu.memory_space<vmem>> -> memref<80xi32, #tpu.memory_space<vmem>>
      %dma_wait3A_103 = arith.constant 0 : i32
      %dma_wait3A_104 = tpu.memref_slice %arg6[%dma_wait3A_103] : memref<10112xf32, #tpu.memory_space<hbm>> -> memref<10112xf32, #tpu.memory_space<hbm>>
      tpu.wait_indirect_dma semaphore(%arg29 : memref<!tpu.dma_semaphore, #tpu.memory_space<semaphore_mem>>) src(%dma_wait3A_104 : memref<10112xf32, #tpu.memory_space<hbm>>) dst(%arg17 : memref<80xf32, #tpu.memory_space<vmem>>)
      %scan3A = arith.constant 0 : i32
      %scan3A_105 = arith.constant 0 : i32
      %scan3A_106 = arith.constant 5 : i32
      %scan3A_107 = arith.addi %scan3A_105, %scan3A_106 : i32
      %scan3A_108 = arith.constant 1 : i32
      scf.for %scan3A_231 = %scan3A_105 to %scan3A_107 step %scan3A_108  : i32 {
        %mul3A_232 = arith.constant 16 : i32
        %mul3A_233 = arith.muli %scan3A_231, %mul3A_232 : i32
        %get3A_234 = arith.index_cast %mul3A_233 : i32 to index
        %get3A_235 = tpu.vector_load %arg15[%get3A_234] {strides = array<i32>} : memref<80xf32, #tpu.memory_space<vmem>>, vector<16xf32>,
        %mul3A_236 = arith.constant 16 : i32
        %mul3A_237 = arith.muli %scan3A_231, %mul3A_236 : i32
        %get3A_238 = arith.index_cast %mul3A_237 : i32 to index
        %get3A_239 = tpu.vector_load %arg17[%get3A_238] {strides = array<i32>} : memref<80xf32, #tpu.memory_space<vmem>>, vector<16xf32>,
        %add3A_240 = arith.addf %get3A_235, %get3A_239 : vector<16xf32>
        %ge3A_241 = arith.constant 0.000000e+00 : f32
        %ge3A_242 = vector.broadcast %ge3A_241 : f32 to vector<16xf32>
        %ge3A_243 = arith.cmpf oge, %add3A_240, %ge3A_242 : vector<16xf32>
        %mul3A_244 = arith.constant 2.000000e-01 : f32
        %mul3A_245 = vector.broadcast %mul3A_244 : f32 to vector<16xf32>
        %mul3A_246 = arith.mulf %mul3A_245, %add3A_240 : vector<16xf32>
        %select_n3A_247 = arith.select %ge3A_243, %add3A_240, %mul3A_246 : vector<16xi1>, vector<16xf32>
        %sub3A_248 = arith.subf %select_n3A_247, %get3A_11 : vector<16xf32>
        %exp3A = math.exp %sub3A_248 : vector<16xf32>
        %mul3A_249 = arith.constant 16 : i32
        %mul3A_250 = arith.muli %scan3A_231, %mul3A_249 : i32
        %swap3A = arith.index_cast %mul3A_250 : i32 to index
        %swap3A_251 = tpu.vector_load %arg19[%swap3A] {strides = array<i32>} : memref<80xf32, #tpu.memory_space<vmem>>, vector<16xf32>,
        tpu.vector_store %arg19[%swap3A], %exp3A {strides = array<i32>} : memref<80xf32, #tpu.memory_space<vmem>>, vector<16xf32>,
      }
      %scan3A_109 = arith.constant 5 : i32
      %ge3A = arith.constant 1 : i32
      %ge3A_110 = arith.cmpi sge, %while3A_89, %ge3A : i32
      %convert_element_type3A_111 = arith.extui %ge3A_110 : i1 to i32
      %cond3A_112 = arith.constant 0 : i32
      %cond3A_113 = arith.cmpi ne, %convert_element_type3A_111, %cond3A_112 : i32
      scf.if %cond3A_113 {
        %dma_wait3A_231 = arith.constant 0 : i32
        %dma_wait3A_232 = arith.constant 0 : i32
        %dma_wait3A_233 = tpu.memref_slice %arg14[%dma_wait3A_231, %dma_wait3A_232] : memref<128x80xi32, #tpu.memory_space<vmem>> -> memref<1x80xi32, #tpu.memory_space<vmem>>
        %dma_wait3A_234 = tpu.memref_squeeze %dma_wait3A_233 : memref<1x80xi32, #tpu.memory_space<vmem>> -> memref<80xi32, #tpu.memory_space<vmem>>
        %dma_wait3A_235 = arith.constant 0 : i32
        %dma_wait3A_236 = arith.constant 0 : i32
        %dma_wait3A_237 = tpu.memref_slice %arg23[%dma_wait3A_235, %dma_wait3A_236] : memref<10112x16xf32, #tpu.memory_space<vmem_shared>> -> memref<10112x16xf32, #tpu.memory_space<vmem_shared>>
        tpu.wait_indirect_dma semaphore(%arg32 : memref<!tpu.dma_semaphore, #tpu.memory_space<semaphore_mem>>) src(%arg22 : memref<80x16xf32, #tpu.memory_space<vmem>>) dst(%dma_wait3A_237 : memref<10112x16xf32, #tpu.memory_space<vmem_shared>>)
        %dma_wait3A_238 = arith.constant 0 : i32
        %dma_wait3A_239 = arith.constant 0 : i32
        %dma_wait3A_240 = tpu.memref_slice %arg14[%dma_wait3A_238, %dma_wait3A_239] : memref<128x80xi32, #tpu.memory_space<vmem>> -> memref<1x80xi32, #tpu.memory_space<vmem>>
        %dma_wait3A_241 = tpu.memref_squeeze %dma_wait3A_240 : memref<1x80xi32, #tpu.memory_space<vmem>> -> memref<80xi32, #tpu.memory_space<vmem>>
        %dma_wait3A_242 = arith.constant 0 : i32
        %dma_wait3A_243 = tpu.memref_slice %arg24[%dma_wait3A_242] : memref<10112xf32, #tpu.memory_space<vmem_shared>> -> memref<10112xf32, #tpu.memory_space<vmem_shared>>
        tpu.wait_indirect_dma semaphore(%arg34 : memref<!tpu.dma_semaphore, #tpu.memory_space<semaphore_mem>>) src(%arg20 : memref<80xf32, #tpu.memory_space<vmem>>) dst(%dma_wait3A_243 : memref<10112xf32, #tpu.memory_space<vmem_shared>>)
      } else {
      }
      %add3A_114 = arith.constant 1 : i32
      %add3A_115 = arith.addi %add3A_92, %add3A_114 : i32
      %sub3A_116 = arith.constant 1 : i32
      %sub3A_117 = arith.subi %select_n3A, %sub3A_116 : i32
      %min3A = arith.minsi %add3A_115, %sub3A_117 : i32
      %dma_start3A_118 = arith.constant 0 : i32
      %dma_start3A_119 = tpu.memref_slice %arg13[%min3A, %dma_start3A_118] : memref<128x80xi32, #tpu.memory_space<vmem>> -> memref<1x80xi32, #tpu.memory_space<vmem>>
      %dma_start3A_120 = tpu.memref_squeeze %dma_start3A_119 : memref<1x80xi32, #tpu.memory_space<vmem>> -> memref<80xi32, #tpu.memory_space<vmem>>
      %dma_start3A_121 = arith.constant 0 : i32
      %dma_start3A_122 = arith.constant 0 : i32
      %dma_start3A_123 = tpu.memref_slice %arg4[%dma_start3A_121, %dma_start3A_122] : memref<10112x16xf32, #tpu.memory_space<hbm>> -> memref<10112x16xf32, #tpu.memory_space<hbm>>
      tpu.enqueue_indirect_dma source(%dma_start3A_123 : memref<10112x16xf32, #tpu.memory_space<hbm>>) target(%arg22 : memref<80x16xf32, #tpu.memory_space<vmem>>) offsets(%dma_start3A_120 : memref<80xi32, #tpu.memory_space<vmem>>) semaphore(%arg26 : memref<!tpu.dma_semaphore, #tpu.memory_space<semaphore_mem>>)
      %dma_start3A_124 = arith.constant 0 : i32
      %dma_start3A_125 = tpu.memref_slice %arg13[%min3A, %dma_start3A_124] : memref<128x80xi32, #tpu.memory_space<vmem>> -> memref<1x80xi32, #tpu.memory_space<vmem>>
      %dma_start3A_126 = tpu.memref_squeeze %dma_start3A_125 : memref<1x80xi32, #tpu.memory_space<vmem>> -> memref<80xi32, #tpu.memory_space<vmem>>
      %dma_start3A_127 = arith.constant 0 : i32
      %dma_start3A_128 = tpu.memref_slice %arg5[%dma_start3A_127] : memref<10112xf32, #tpu.memory_space<hbm>> -> memref<10112xf32, #tpu.memory_space<hbm>>
      tpu.enqueue_indirect_dma source(%dma_start3A_128 : memref<10112xf32, #tpu.memory_space<hbm>>) target(%arg16 : memref<80xf32, #tpu.memory_space<vmem>>) offsets(%dma_start3A_126 : memref<80xi32, #tpu.memory_space<vmem>>) semaphore(%arg28 : memref<!tpu.dma_semaphore, #tpu.memory_space<semaphore_mem>>)
      %dma_start3A_129 = arith.constant 0 : i32
      %dma_start3A_130 = tpu.memref_slice %arg14[%min3A, %dma_start3A_129] : memref<128x80xi32, #tpu.memory_space<vmem>> -> memref<1x80xi32, #tpu.memory_space<vmem>>
      %dma_start3A_131 = tpu.memref_squeeze %dma_start3A_130 : memref<1x80xi32, #tpu.memory_space<vmem>> -> memref<80xi32, #tpu.memory_space<vmem>>
      %dma_start3A_132 = arith.constant 0 : i32
      %dma_start3A_133 = tpu.memref_slice %arg6[%dma_start3A_132] : memref<10112xf32, #tpu.memory_space<hbm>> -> memref<10112xf32, #tpu.memory_space<hbm>>
      tpu.enqueue_indirect_dma source(%dma_start3A_133 : memref<10112xf32, #tpu.memory_space<hbm>>) target(%arg18 : memref<80xf32, #tpu.memory_space<vmem>>) offsets(%dma_start3A_131 : memref<80xi32, #tpu.memory_space<vmem>>) semaphore(%arg30 : memref<!tpu.dma_semaphore, #tpu.memory_space<semaphore_mem>>)
      %dma_wait3A_134 = arith.constant 0 : i32
      %dma_wait3A_135 = arith.constant 0 : i32
      %dma_wait3A_136 = tpu.memref_slice %arg13[%dma_wait3A_134, %dma_wait3A_135] : memref<128x80xi32, #tpu.memory_space<vmem>> -> memref<1x80xi32, #tpu.memory_space<vmem>>
      %dma_wait3A_137 = tpu.memref_squeeze %dma_wait3A_136 : memref<1x80xi32, #tpu.memory_space<vmem>> -> memref<80xi32, #tpu.memory_space<vmem>>
      %dma_wait3A_138 = arith.constant 0 : i32
      %dma_wait3A_139 = arith.constant 0 : i32
      %dma_wait3A_140 = tpu.memref_slice %arg4[%dma_wait3A_138, %dma_wait3A_139] : memref<10112x16xf32, #tpu.memory_space<hbm>> -> memref<10112x16xf32, #tpu.memory_space<hbm>>
      tpu.wait_indirect_dma semaphore(%arg25 : memref<!tpu.dma_semaphore, #tpu.memory_space<semaphore_mem>>) src(%dma_wait3A_140 : memref<10112x16xf32, #tpu.memory_space<hbm>>) dst(%arg21 : memref<80x16xf32, #tpu.memory_space<vmem>>)
      %parallel_loop3A = arith.constant 0 : i32
      %parallel_loop3A_141 = arith.constant 80 : i32
      %parallel_loop3A_142 = arith.constant 1 : i32
      scf.for %parallel_loop3A_231 = %parallel_loop3A to %parallel_loop3A_141 step %parallel_loop3A_142  : i32 {
        %parallel_loop3A_232 = vector.broadcast %parallel_loop3A_231 : i32 to vector<16xi32>
        %parallel_loop3A_233 = tpu.vector_load_idx %arg19[%parallel_loop3A_232] : memref<80xf32, #tpu.memory_space<vmem>>[vector<16xi32>], vector<16xf32>,
        %parallel_loop3A_234 = arith.index_cast %parallel_loop3A_231 : i32 to index
        %parallel_loop3A_235 = arith.constant 0 : index
        %parallel_loop3A_236 = tpu.vector_load %arg21[%parallel_loop3A_234, %parallel_loop3A_235] {strides = array<i32>} : memref<80x16xf32, #tpu.memory_space<vmem>>, vector<16xf32>,
        %parallel_loop3A_237 = arith.mulf %parallel_loop3A_236, %parallel_loop3A_233 : vector<16xf32>
        %parallel_loop3A_238 = arith.index_cast %parallel_loop3A_231 : i32 to index
        %parallel_loop3A_239 = arith.constant 0 : index
        %parallel_loop3A_240 = tpu.vector_load %arg21[%parallel_loop3A_238, %parallel_loop3A_239] {strides = array<i32>} : memref<80x16xf32, #tpu.memory_space<vmem>>, vector<16xf32>,
        tpu.vector_store %arg21[%parallel_loop3A_238, %parallel_loop3A_239], %parallel_loop3A_237 {strides = array<i32>} : memref<80x16xf32, #tpu.memory_space<vmem>>, vector<16xf32>,
      } {sc.loop_unroll_factor = 4 : i64, sc.parallel_access}
      %dma_start3A_143 = arith.constant 0 : i32
      %dma_start3A_144 = tpu.memref_slice %arg14[%add3A_92, %dma_start3A_143] : memref<128x80xi32, #tpu.memory_space<vmem>> -> memref<1x80xi32, #tpu.memory_space<vmem>>
      %dma_start3A_145 = tpu.memref_squeeze %dma_start3A_144 : memref<1x80xi32, #tpu.memory_space<vmem>> -> memref<80xi32, #tpu.memory_space<vmem>>
      %dma_start3A_146 = arith.constant 0 : i32
      %dma_start3A_147 = arith.constant 0 : i32
      %dma_start3A_148 = tpu.memref_slice %arg23[%dma_start3A_146, %dma_start3A_147] : memref<10112x16xf32, #tpu.memory_space<vmem_shared>> -> memref<10112x16xf32, #tpu.memory_space<vmem_shared>>
      tpu.enqueue_indirect_dma source(%arg21 : memref<80x16xf32, #tpu.memory_space<vmem>>) target(%dma_start3A_148 : memref<10112x16xf32, #tpu.memory_space<vmem_shared>>) offsets(%dma_start3A_145 : memref<80xi32, #tpu.memory_space<vmem>>) semaphore(%arg31 : memref<!tpu.dma_semaphore, #tpu.memory_space<semaphore_mem>>) {add = true}
      %dma_start3A_149 = arith.constant 0 : i32
      %dma_start3A_150 = tpu.memref_slice %arg14[%add3A_92, %dma_start3A_149] : memref<128x80xi32, #tpu.memory_space<vmem>> -> memref<1x80xi32, #tpu.memory_space<vmem>>
      %dma_start3A_151 = tpu.memref_squeeze %dma_start3A_150 : memref<1x80xi32, #tpu.memory_space<vmem>> -> memref<80xi32, #tpu.memory_space<vmem>>
      %dma_start3A_152 = arith.constant 0 : i32
      %dma_start3A_153 = tpu.memref_slice %arg24[%dma_start3A_152] : memref<10112xf32, #tpu.memory_space<vmem_shared>> -> memref<10112xf32, #tpu.memory_space<vmem_shared>>
      tpu.enqueue_indirect_dma source(%arg19 : memref<80xf32, #tpu.memory_space<vmem>>) target(%dma_start3A_153 : memref<10112xf32, #tpu.memory_space<vmem_shared>>) offsets(%dma_start3A_151 : memref<80xi32, #tpu.memory_space<vmem>>) semaphore(%arg33 : memref<!tpu.dma_semaphore, #tpu.memory_space<semaphore_mem>>) {add = true}
      %mul3A_154 = arith.constant 2 : i32
      %mul3A_155 = arith.muli %mul3A_154, %while3A_89 : i32
      %add3A_156 = arith.constant 1 : i32
      %add3A_157 = arith.addi %mul3A_155, %add3A_156 : i32
      %dma_wait3A_158 = arith.constant 0 : i32
      %dma_wait3A_159 = arith.constant 0 : i32
      %dma_wait3A_160 = tpu.memref_slice %arg13[%dma_wait3A_158, %dma_wait3A_159] : memref<128x80xi32, #tpu.memory_space<vmem>> -> memref<1x80xi32, #tpu.memory_space<vmem>>
      %dma_wait3A_161 = tpu.memref_squeeze %dma_wait3A_160 : memref<1x80xi32, #tpu.memory_space<vmem>> -> memref<80xi32, #tpu.memory_space<vmem>>
      %dma_wait3A_162 = arith.constant 0 : i32
      %dma_wait3A_163 = tpu.memref_slice %arg5[%dma_wait3A_162] : memref<10112xf32, #tpu.memory_space<hbm>> -> memref<10112xf32, #tpu.memory_space<hbm>>
      tpu.wait_indirect_dma semaphore(%arg28 : memref<!tpu.dma_semaphore, #tpu.memory_space<semaphore_mem>>) src(%dma_wait3A_163 : memref<10112xf32, #tpu.memory_space<hbm>>) dst(%arg16 : memref<80xf32, #tpu.memory_space<vmem>>)
      %dma_wait3A_164 = arith.constant 0 : i32
      %dma_wait3A_165 = arith.constant 0 : i32
      %dma_wait3A_166 = tpu.memref_slice %arg14[%dma_wait3A_164, %dma_wait3A_165] : memref<128x80xi32, #tpu.memory_space<vmem>> -> memref<1x80xi32, #tpu.memory_space<vmem>>
      %dma_wait3A_167 = tpu.memref_squeeze %dma_wait3A_166 : memref<1x80xi32, #tpu.memory_space<vmem>> -> memref<80xi32, #tpu.memory_space<vmem>>
      %dma_wait3A_168 = arith.constant 0 : i32
      %dma_wait3A_169 = tpu.memref_slice %arg6[%dma_wait3A_168] : memref<10112xf32, #tpu.memory_space<hbm>> -> memref<10112xf32, #tpu.memory_space<hbm>>
      tpu.wait_indirect_dma semaphore(%arg30 : memref<!tpu.dma_semaphore, #tpu.memory_space<semaphore_mem>>) src(%dma_wait3A_169 : memref<10112xf32, #tpu.memory_space<hbm>>) dst(%arg18 : memref<80xf32, #tpu.memory_space<vmem>>)
      %scan3A_170 = arith.constant 0 : i32
      %scan3A_171 = arith.constant 0 : i32
      %scan3A_172 = arith.constant 5 : i32
      %scan3A_173 = arith.addi %scan3A_171, %scan3A_172 : i32
      %scan3A_174 = arith.constant 1 : i32
      scf.for %scan3A_231 = %scan3A_171 to %scan3A_173 step %scan3A_174  : i32 {
        %mul3A_232 = arith.constant 16 : i32
        %mul3A_233 = arith.muli %scan3A_231, %mul3A_232 : i32
        %get3A_234 = arith.index_cast %mul3A_233 : i32 to index
        %get3A_235 = tpu.vector_load %arg16[%get3A_234] {strides = array<i32>} : memref<80xf32, #tpu.memory_space<vmem>>, vector<16xf32>,
        %mul3A_236 = arith.constant 16 : i32
        %mul3A_237 = arith.muli %scan3A_231, %mul3A_236 : i32
        %get3A_238 = arith.index_cast %mul3A_237 : i32 to index
        %get3A_239 = tpu.vector_load %arg18[%get3A_238] {strides = array<i32>} : memref<80xf32, #tpu.memory_space<vmem>>, vector<16xf32>,
        %add3A_240 = arith.addf %get3A_235, %get3A_239 : vector<16xf32>
        %ge3A_241 = arith.constant 0.000000e+00 : f32
        %ge3A_242 = vector.broadcast %ge3A_241 : f32 to vector<16xf32>
        %ge3A_243 = arith.cmpf oge, %add3A_240, %ge3A_242 : vector<16xf32>
        %mul3A_244 = arith.constant 2.000000e-01 : f32
        %mul3A_245 = vector.broadcast %mul3A_244 : f32 to vector<16xf32>
        %mul3A_246 = arith.mulf %mul3A_245, %add3A_240 : vector<16xf32>
        %select_n3A_247 = arith.select %ge3A_243, %add3A_240, %mul3A_246 : vector<16xi1>, vector<16xf32>
        %sub3A_248 = arith.subf %select_n3A_247, %get3A_11 : vector<16xf32>
        %exp3A = math.exp %sub3A_248 : vector<16xf32>
        %mul3A_249 = arith.constant 16 : i32
        %mul3A_250 = arith.muli %scan3A_231, %mul3A_249 : i32
        %swap3A = arith.index_cast %mul3A_250 : i32 to index
        %swap3A_251 = tpu.vector_load %arg20[%swap3A] {strides = array<i32>} : memref<80xf32, #tpu.memory_space<vmem>>, vector<16xf32>,
        tpu.vector_store %arg20[%swap3A], %exp3A {strides = array<i32>} : memref<80xf32, #tpu.memory_space<vmem>>, vector<16xf32>,
      }
      %scan3A_175 = arith.constant 5 : i32
      %dma_wait3A_176 = arith.constant 0 : i32
      %dma_wait3A_177 = arith.constant 0 : i32
      %dma_wait3A_178 = tpu.memref_slice %arg14[%dma_wait3A_176, %dma_wait3A_177] : memref<128x80xi32, #tpu.memory_space<vmem>> -> memref<1x80xi32, #tpu.memory_space<vmem>>
      %dma_wait3A_179 = tpu.memref_squeeze %dma_wait3A_178 : memref<1x80xi32, #tpu.memory_space<vmem>> -> memref<80xi32, #tpu.memory_space<vmem>>
      %dma_wait3A_180 = arith.constant 0 : i32
      %dma_wait3A_181 = arith.constant 0 : i32
      %dma_wait3A_182 = tpu.memref_slice %arg23[%dma_wait3A_180, %dma_wait3A_181] : memref<10112x16xf32, #tpu.memory_space<vmem_shared>> -> memref<10112x16xf32, #tpu.memory_space<vmem_shared>>
      tpu.wait_indirect_dma semaphore(%arg31 : memref<!tpu.dma_semaphore, #tpu.memory_space<semaphore_mem>>) src(%arg21 : memref<80x16xf32, #tpu.memory_space<vmem>>) dst(%dma_wait3A_182 : memref<10112x16xf32, #tpu.memory_space<vmem_shared>>)
      %dma_wait3A_183 = arith.constant 0 : i32
      %dma_wait3A_184 = arith.constant 0 : i32
      %dma_wait3A_185 = tpu.memref_slice %arg14[%dma_wait3A_183, %dma_wait3A_184] : memref<128x80xi32, #tpu.memory_space<vmem>> -> memref<1x80xi32, #tpu.memory_space<vmem>>
      %dma_wait3A_186 = tpu.memref_squeeze %dma_wait3A_185 : memref<1x80xi32, #tpu.memory_space<vmem>> -> memref<80xi32, #tpu.memory_space<vmem>>
      %dma_wait3A_187 = arith.constant 0 : i32
      %dma_wait3A_188 = tpu.memref_slice %arg24[%dma_wait3A_187] : memref<10112xf32, #tpu.memory_space<vmem_shared>> -> memref<10112xf32, #tpu.memory_space<vmem_shared>>
      tpu.wait_indirect_dma semaphore(%arg33 : memref<!tpu.dma_semaphore, #tpu.memory_space<semaphore_mem>>) src(%arg19 : memref<80xf32, #tpu.memory_space<vmem>>) dst(%dma_wait3A_188 : memref<10112xf32, #tpu.memory_space<vmem_shared>>)
      %add3A_189 = arith.constant 1 : i32
      %add3A_190 = arith.addi %add3A_157, %add3A_189 : i32
      %sub3A_191 = arith.constant 1 : i32
      %sub3A_192 = arith.subi %select_n3A, %sub3A_191 : i32
      %min3A_193 = arith.minsi %add3A_190, %sub3A_192 : i32
      %dma_start3A_194 = arith.constant 0 : i32
      %dma_start3A_195 = tpu.memref_slice %arg13[%min3A_193, %dma_start3A_194] : memref<128x80xi32, #tpu.memory_space<vmem>> -> memref<1x80xi32, #tpu.memory_space<vmem>>
      %dma_start3A_196 = tpu.memref_squeeze %dma_start3A_195 : memref<1x80xi32, #tpu.memory_space<vmem>> -> memref<80xi32, #tpu.memory_space<vmem>>
      %dma_start3A_197 = arith.constant 0 : i32
      %dma_start3A_198 = arith.constant 0 : i32
      %dma_start3A_199 = tpu.memref_slice %arg4[%dma_start3A_197, %dma_start3A_198] : memref<10112x16xf32, #tpu.memory_space<hbm>> -> memref<10112x16xf32, #tpu.memory_space<hbm>>
      tpu.enqueue_indirect_dma source(%dma_start3A_199 : memref<10112x16xf32, #tpu.memory_space<hbm>>) target(%arg21 : memref<80x16xf32, #tpu.memory_space<vmem>>) offsets(%dma_start3A_196 : memref<80xi32, #tpu.memory_space<vmem>>) semaphore(%arg25 : memref<!tpu.dma_semaphore, #tpu.memory_space<semaphore_mem>>)
      %dma_start3A_200 = arith.constant 0 : i32
      %dma_start3A_201 = tpu.memref_slice %arg13[%min3A_193, %dma_start3A_200] : memref<128x80xi32, #tpu.memory_space<vmem>> -> memref<1x80xi32, #tpu.memory_space<vmem>>
      %dma_start3A_202 = tpu.memref_squeeze %dma_start3A_201 : memref<1x80xi32, #tpu.memory_space<vmem>> -> memref<80xi32, #tpu.memory_space<vmem>>
      %dma_start3A_203 = arith.constant 0 : i32
      %dma_start3A_204 = tpu.memref_slice %arg5[%dma_start3A_203] : memref<10112xf32, #tpu.memory_space<hbm>> -> memref<10112xf32, #tpu.memory_space<hbm>>
      tpu.enqueue_indirect_dma source(%dma_start3A_204 : memref<10112xf32, #tpu.memory_space<hbm>>) target(%arg15 : memref<80xf32, #tpu.memory_space<vmem>>) offsets(%dma_start3A_202 : memref<80xi32, #tpu.memory_space<vmem>>) semaphore(%arg27 : memref<!tpu.dma_semaphore, #tpu.memory_space<semaphore_mem>>)
      %dma_start3A_205 = arith.constant 0 : i32
      %dma_start3A_206 = tpu.memref_slice %arg14[%min3A_193, %dma_start3A_205] : memref<128x80xi32, #tpu.memory_space<vmem>> -> memref<1x80xi32, #tpu.memory_space<vmem>>
      %dma_start3A_207 = tpu.memref_squeeze %dma_start3A_206 : memref<1x80xi32, #tpu.memory_space<vmem>> -> memref<80xi32, #tpu.memory_space<vmem>>
      %dma_start3A_208 = arith.constant 0 : i32
      %dma_start3A_209 = tpu.memref_slice %arg6[%dma_start3A_208] : memref<10112xf32, #tpu.memory_space<hbm>> -> memref<10112xf32, #tpu.memory_space<hbm>>
      tpu.enqueue_indirect_dma source(%dma_start3A_209 : memref<10112xf32, #tpu.memory_space<hbm>>) target(%arg17 : memref<80xf32, #tpu.memory_space<vmem>>) offsets(%dma_start3A_207 : memref<80xi32, #tpu.memory_space<vmem>>) semaphore(%arg29 : memref<!tpu.dma_semaphore, #tpu.memory_space<semaphore_mem>>)
      %dma_wait3A_210 = arith.constant 0 : i32
      %dma_wait3A_211 = arith.constant 0 : i32
      %dma_wait3A_212 = tpu.memref_slice %arg13[%dma_wait3A_210, %dma_wait3A_211] : memref<128x80xi32, #tpu.memory_space<vmem>> -> memref<1x80xi32, #tpu.memory_space<vmem>>
      %dma_wait3A_213 = tpu.memref_squeeze %dma_wait3A_212 : memref<1x80xi32, #tpu.memory_space<vmem>> -> memref<80xi32, #tpu.memory_space<vmem>>
      %dma_wait3A_214 = arith.constant 0 : i32
      %dma_wait3A_215 = arith.constant 0 : i32
      %dma_wait3A_216 = tpu.memref_slice %arg4[%dma_wait3A_214, %dma_wait3A_215] : memref<10112x16xf32, #tpu.memory_space<hbm>> -> memref<10112x16xf32, #tpu.memory_space<hbm>>
      tpu.wait_indirect_dma semaphore(%arg26 : memref<!tpu.dma_semaphore, #tpu.memory_space<semaphore_mem>>) src(%dma_wait3A_216 : memref<10112x16xf32, #tpu.memory_space<hbm>>) dst(%arg22 : memref<80x16xf32, #tpu.memory_space<vmem>>)
      %parallel_loop3A_217 = arith.constant 0 : i32
      %parallel_loop3A_218 = arith.constant 80 : i32
      %parallel_loop3A_219 = arith.constant 1 : i32
      scf.for %parallel_loop3A_231 = %parallel_loop3A_217 to %parallel_loop3A_218 step %parallel_loop3A_219  : i32 {
        %parallel_loop3A_232 = vector.broadcast %parallel_loop3A_231 : i32 to vector<16xi32>
        %parallel_loop3A_233 = tpu.vector_load_idx %arg20[%parallel_loop3A_232] : memref<80xf32, #tpu.memory_space<vmem>>[vector<16xi32>], vector<16xf32>,
        %parallel_loop3A_234 = arith.index_cast %parallel_loop3A_231 : i32 to index
        %parallel_loop3A_235 = arith.constant 0 : index
        %parallel_loop3A_236 = tpu.vector_load %arg22[%parallel_loop3A_234, %parallel_loop3A_235] {strides = array<i32>} : memref<80x16xf32, #tpu.memory_space<vmem>>, vector<16xf32>,
        %parallel_loop3A_237 = arith.mulf %parallel_loop3A_236, %parallel_loop3A_233 : vector<16xf32>
        %parallel_loop3A_238 = arith.index_cast %parallel_loop3A_231 : i32 to index
        %parallel_loop3A_239 = arith.constant 0 : index
        %parallel_loop3A_240 = tpu.vector_load %arg22[%parallel_loop3A_238, %parallel_loop3A_239] {strides = array<i32>} : memref<80x16xf32, #tpu.memory_space<vmem>>, vector<16xf32>,
        tpu.vector_store %arg22[%parallel_loop3A_238, %parallel_loop3A_239], %parallel_loop3A_237 {strides = array<i32>} : memref<80x16xf32, #tpu.memory_space<vmem>>, vector<16xf32>,
      } {sc.loop_unroll_factor = 4 : i64, sc.parallel_access}
      %dma_start3A_220 = arith.constant 0 : i32
      %dma_start3A_221 = tpu.memref_slice %arg14[%add3A_157, %dma_start3A_220] : memref<128x80xi32, #tpu.memory_space<vmem>> -> memref<1x80xi32, #tpu.memory_space<vmem>>
      %dma_start3A_222 = tpu.memref_squeeze %dma_start3A_221 : memref<1x80xi32, #tpu.memory_space<vmem>> -> memref<80xi32, #tpu.memory_space<vmem>>
      %dma_start3A_223 = arith.constant 0 : i32
      %dma_start3A_224 = arith.constant 0 : i32
      %dma_start3A_225 = tpu.memref_slice %arg23[%dma_start3A_223, %dma_start3A_224] : memref<10112x16xf32, #tpu.memory_space<vmem_shared>> -> memref<10112x16xf32, #tpu.memory_space<vmem_shared>>
      tpu.enqueue_indirect_dma source(%arg22 : memref<80x16xf32, #tpu.memory_space<vmem>>) target(%dma_start3A_225 : memref<10112x16xf32, #tpu.memory_space<vmem_shared>>) offsets(%dma_start3A_222 : memref<80xi32, #tpu.memory_space<vmem>>) semaphore(%arg32 : memref<!tpu.dma_semaphore, #tpu.memory_space<semaphore_mem>>) {add = true}
      %dma_start3A_226 = arith.constant 0 : i32
      %dma_start3A_227 = tpu.memref_slice %arg14[%add3A_157, %dma_start3A_226] : memref<128x80xi32, #tpu.memory_space<vmem>> -> memref<1x80xi32, #tpu.memory_space<vmem>>
      %dma_start3A_228 = tpu.memref_squeeze %dma_start3A_227 : memref<1x80xi32, #tpu.memory_space<vmem>> -> memref<80xi32, #tpu.memory_space<vmem>>
      %dma_start3A_229 = arith.constant 0 : i32
      %dma_start3A_230 = tpu.memref_slice %arg24[%dma_start3A_229] : memref<10112xf32, #tpu.memory_space<vmem_shared>> -> memref<10112xf32, #tpu.memory_space<vmem_shared>>
      tpu.enqueue_indirect_dma source(%arg20 : memref<80xf32, #tpu.memory_space<vmem>>) target(%dma_start3A_230 : memref<10112xf32, #tpu.memory_space<vmem_shared>>) offsets(%dma_start3A_228 : memref<80xi32, #tpu.memory_space<vmem>>) semaphore(%arg34 : memref<!tpu.dma_semaphore, #tpu.memory_space<semaphore_mem>>) {add = true}
    }
    %dma_wait3A = arith.constant 0 : i32
    %dma_wait3A_57 = arith.constant 0 : i32
    %dma_wait3A_58 = tpu.memref_slice %arg13[%dma_wait3A, %dma_wait3A_57] : memref<128x80xi32, #tpu.memory_space<vmem>> -> memref<1x80xi32, #tpu.memory_space<vmem>>
    %dma_wait3A_59 = tpu.memref_squeeze %dma_wait3A_58 : memref<1x80xi32, #tpu.memory_space<vmem>> -> memref<80xi32, #tpu.memory_space<vmem>>
    %dma_wait3A_60 = arith.constant 0 : i32
    %dma_wait3A_61 = arith.constant 0 : i32
    %dma_wait3A_62 = tpu.memref_slice %arg4[%dma_wait3A_60, %dma_wait3A_61] : memref<10112x16xf32, #tpu.memory_space<hbm>> -> memref<10112x16xf32, #tpu.memory_space<hbm>>
    tpu.wait_indirect_dma semaphore(%arg25 : memref<!tpu.dma_semaphore, #tpu.memory_space<semaphore_mem>>) src(%dma_wait3A_62 : memref<10112x16xf32, #tpu.memory_space<hbm>>) dst(%arg21 : memref<80x16xf32, #tpu.memory_space<vmem>>)
    %dma_wait3A_63 = arith.constant 0 : i32
    %dma_wait3A_64 = arith.constant 0 : i32
    %dma_wait3A_65 = tpu.memref_slice %arg13[%dma_wait3A_63, %dma_wait3A_64] : memref<128x80xi32, #tpu.memory_space<vmem>> -> memref<1x80xi32, #tpu.memory_space<vmem>>
    %dma_wait3A_66 = tpu.memref_squeeze %dma_wait3A_65 : memref<1x80xi32, #tpu.memory_space<vmem>> -> memref<80xi32, #tpu.memory_space<vmem>>
    %dma_wait3A_67 = arith.constant 0 : i32
    %dma_wait3A_68 = tpu.memref_slice %arg5[%dma_wait3A_67] : memref<10112xf32, #tpu.memory_space<hbm>> -> memref<10112xf32, #tpu.memory_space<hbm>>
    tpu.wait_indirect_dma semaphore(%arg27 : memref<!tpu.dma_semaphore, #tpu.memory_space<semaphore_mem>>) src(%dma_wait3A_68 : memref<10112xf32, #tpu.memory_space<hbm>>) dst(%arg15 : memref<80xf32, #tpu.memory_space<vmem>>)
    %dma_wait3A_69 = arith.constant 0 : i32
    %dma_wait3A_70 = arith.constant 0 : i32
    %dma_wait3A_71 = tpu.memref_slice %arg14[%dma_wait3A_69, %dma_wait3A_70] : memref<128x80xi32, #tpu.memory_space<vmem>> -> memref<1x80xi32, #tpu.memory_space<vmem>>
    %dma_wait3A_72 = tpu.memref_squeeze %dma_wait3A_71 : memref<1x80xi32, #tpu.memory_space<vmem>> -> memref<80xi32, #tpu.memory_space<vmem>>
    %dma_wait3A_73 = arith.constant 0 : i32
    %dma_wait3A_74 = tpu.memref_slice %arg6[%dma_wait3A_73] : memref<10112xf32, #tpu.memory_space<hbm>> -> memref<10112xf32, #tpu.memory_space<hbm>>
    tpu.wait_indirect_dma semaphore(%arg29 : memref<!tpu.dma_semaphore, #tpu.memory_space<semaphore_mem>>) src(%dma_wait3A_74 : memref<10112xf32, #tpu.memory_space<hbm>>) dst(%arg17 : memref<80xf32, #tpu.memory_space<vmem>>)
    %dma_wait3A_75 = arith.constant 0 : i32
    %dma_wait3A_76 = arith.constant 0 : i32
    %dma_wait3A_77 = tpu.memref_slice %arg14[%dma_wait3A_75, %dma_wait3A_76] : memref<128x80xi32, #tpu.memory_space<vmem>> -> memref<1x80xi32, #tpu.memory_space<vmem>>
    %dma_wait3A_78 = tpu.memref_squeeze %dma_wait3A_77 : memref<1x80xi32, #tpu.memory_space<vmem>> -> memref<80xi32, #tpu.memory_space<vmem>>
    %dma_wait3A_79 = arith.constant 0 : i32
    %dma_wait3A_80 = arith.constant 0 : i32
    %dma_wait3A_81 = tpu.memref_slice %arg23[%dma_wait3A_79, %dma_wait3A_80] : memref<10112x16xf32, #tpu.memory_space<vmem_shared>> -> memref<10112x16xf32, #tpu.memory_space<vmem_shared>>
    tpu.wait_indirect_dma semaphore(%arg32 : memref<!tpu.dma_semaphore, #tpu.memory_space<semaphore_mem>>) src(%arg22 : memref<80x16xf32, #tpu.memory_space<vmem>>) dst(%dma_wait3A_81 : memref<10112x16xf32, #tpu.memory_space<vmem_shared>>)
    %dma_wait3A_82 = arith.constant 0 : i32
    %dma_wait3A_83 = arith.constant 0 : i32
    %dma_wait3A_84 = tpu.memref_slice %arg14[%dma_wait3A_82, %dma_wait3A_83] : memref<128x80xi32, #tpu.memory_space<vmem>> -> memref<1x80xi32, #tpu.memory_space<vmem>>
    %dma_wait3A_85 = tpu.memref_squeeze %dma_wait3A_84 : memref<1x80xi32, #tpu.memory_space<vmem>> -> memref<80xi32, #tpu.memory_space<vmem>>
    %dma_wait3A_86 = arith.constant 0 : i32
    %dma_wait3A_87 = tpu.memref_slice %arg24[%dma_wait3A_86] : memref<10112xf32, #tpu.memory_space<vmem_shared>> -> memref<10112xf32, #tpu.memory_space<vmem_shared>>
    tpu.wait_indirect_dma semaphore(%arg34 : memref<!tpu.dma_semaphore, #tpu.memory_space<semaphore_mem>>) src(%arg20 : memref<80xf32, #tpu.memory_space<vmem>>) dst(%dma_wait3A_87 : memref<10112xf32, #tpu.memory_space<vmem_shared>>)
    %barrier3A_88 = arith.constant 0 : index
    tpu.barrier barrier_id(%barrier3A_88)
    "tpu.region"() ({
      %run_scoped3A = tpu.sem_alloc : memref<!tpu.dma_semaphore, #tpu.memory_space<semaphore_mem>>
      %dma_start3A_89 = arith.constant 0 : i32
      %dma_start3A_90 = tpu.memref_slice %arg10[%arg0, %mul3A_0, %dma_start3A_89] : memref<2x10112x16xf32, #tpu.memory_space<hbm>> -> memref<1x632x16xf32, #tpu.memory_space<hbm>>
      %dma_start3A_91 = tpu.memref_squeeze %dma_start3A_90 : memref<1x632x16xf32, #tpu.memory_space<hbm>> -> memref<632x16xf32, #tpu.memory_space<hbm>>
      %dma_start3A_92 = arith.constant 0 : i32
      %dma_start3A_93 = tpu.memref_slice %arg23[%mul3A_0, %dma_start3A_92] : memref<10112x16xf32, #tpu.memory_space<vmem_shared>> -> memref<632x16xf32, #tpu.memory_space<vmem_shared>>
      tpu.enqueue_dma source(%dma_start3A_93 : memref<632x16xf32, #tpu.memory_space<vmem_shared>>) target(%dma_start3A_91 : memref<632x16xf32, #tpu.memory_space<hbm>>) target_semaphore(%run_scoped3A : memref<!tpu.dma_semaphore, #tpu.memory_space<semaphore_mem>>)
      %dma_wait3A_94 = arith.constant 0 : i32
      %dma_wait3A_95 = tpu.memref_slice %arg10[%arg0, %mul3A_0, %dma_wait3A_94] : memref<2x10112x16xf32, #tpu.memory_space<hbm>> -> memref<1x632x16xf32, #tpu.memory_space<hbm>>
      %dma_wait3A_96 = tpu.memref_squeeze %dma_wait3A_95 : memref<1x632x16xf32, #tpu.memory_space<hbm>> -> memref<632x16xf32, #tpu.memory_space<hbm>>
      %dma_wait3A_97 = arith.constant 0 : i32
      %dma_wait3A_98 = tpu.memref_slice %arg23[%mul3A_0, %dma_wait3A_97] : memref<10112x16xf32, #tpu.memory_space<vmem_shared>> -> memref<632x16xf32, #tpu.memory_space<vmem_shared>>
      tpu.wait_dma2 semaphore(%run_scoped3A : memref<!tpu.dma_semaphore, #tpu.memory_space<semaphore_mem>>) src(%dma_wait3A_98 : memref<632x16xf32, #tpu.memory_space<vmem_shared>>) dst(%dma_wait3A_96 : memref<632x16xf32, #tpu.memory_space<hbm>>)
      tpu.yield
    }) : () -> ()
    "tpu.region"() ({
      %run_scoped3A = tpu.sem_alloc : memref<!tpu.dma_semaphore, #tpu.memory_space<semaphore_mem>>
      %dma_start3A_89 = tpu.memref_slice %arg11[%arg0, %mul3A_0] : memref<2x10112xf32, #tpu.memory_space<hbm>> -> memref<1x632xf32, #tpu.memory_space<hbm>>
      %dma_start3A_90 = tpu.memref_squeeze %dma_start3A_89 : memref<1x632xf32, #tpu.memory_space<hbm>> -> memref<632xf32, #tpu.memory_space<hbm>>
      %dma_start3A_91 = tpu.memref_slice %arg24[%mul3A_0] : memref<10112xf32, #tpu.memory_space<vmem_shared>> -> memref<632xf32, #tpu.memory_space<vmem_shared>>
      tpu.enqueue_dma source(%dma_start3A_91 : memref<632xf32, #tpu.memory_space<vmem_shared>>) target(%dma_start3A_90 : memref<632xf32, #tpu.memory_space<hbm>>) target_semaphore(%run_scoped3A : memref<!tpu.dma_semaphore, #tpu.memory_space<semaphore_mem>>)
      %dma_wait3A_92 = tpu.memref_slice %arg11[%arg0, %mul3A_0] : memref<2x10112xf32, #tpu.memory_space<hbm>> -> memref<1x632xf32, #tpu.memory_space<hbm>>
      %dma_wait3A_93 = tpu.memref_squeeze %dma_wait3A_92 : memref<1x632xf32, #tpu.memory_space<hbm>> -> memref<632xf32, #tpu.memory_space<hbm>>
      %dma_wait3A_94 = tpu.memref_slice %arg24[%mul3A_0] : memref<10112xf32, #tpu.memory_space<vmem_shared>> -> memref<632xf32, #tpu.memory_space<vmem_shared>>
      tpu.wait_dma2 semaphore(%run_scoped3A : memref<!tpu.dma_semaphore, #tpu.memory_space<semaphore_mem>>) src(%dma_wait3A_94 : memref<632xf32, #tpu.memory_space<vmem_shared>>) dst(%dma_wait3A_93 : memref<632xf32, #tpu.memory_space<hbm>>)
      tpu.yield
    }) : () -> ()
    return
  }
}

module attributes {stable_mosaic.version = 14 : i64} {
  func.func @_prep1_body(%arg0: memref<10112x128xf32, #tpu.memory_space<vmem>>, %arg1: memref<128x128xf32, #tpu.memory_space<vmem>>, %arg2: memref<2x128xf32, #tpu.memory_space<vmem>>, %arg3: memref<10112x128xf32, #tpu.memory_space<vmem>>, %arg4: memref<2x10112xf32, #tpu.memory_space<vmem>>, %arg5: memref<8x128xf32, #tpu.memory_space<vmem>>) attributes {dimension_semantics = [], scalar_prefetch = 0 : i64, scratch_operands = 0 : i64, tpu.core_type = #tpu.core_type<tc>} {
    %get3A = arith.constant 0 : index
    %get3A_0 = arith.constant 0 : index
    %get3A_1 = vector.load %arg0[%get3A, %get3A_0] : memref<10112x128xf32, #tpu.memory_space<vmem>>, vector<10112x128xf32>
    %get3A_2 = arith.constant 0 : index
    %get3A_3 = arith.constant 0 : index
    %get3A_4 = vector.load %arg1[%get3A_2, %get3A_3] : memref<128x128xf32, #tpu.memory_space<vmem>>, vector<128x128xf32>
    %dot_general3A = arith.constant dense<0.000000e+00> : vector<10112x128xf32>
    %dot_general3A_5 = tpu.matmul %get3A_1, %get3A_4, %dot_general3A {dimension_numbers = #tpu.dot_dimension_numbers<[1], [0], [0], [1], [0, 0, 1, 1], [], []>, transpose_lhs_hint = false} : vector<10112x128xf32>, vector<128x128xf32>, vector<10112x128xf32> -> vector<10112x128xf32>
    %swap3A = arith.constant 0 : index
    %swap3A_6 = arith.constant 0 : index
    %swap3A_7 = vector.load %arg3[%swap3A, %swap3A_6] : memref<10112x128xf32, #tpu.memory_space<vmem>>, vector<10112x128xf32>
    tpu.vector_store %arg3[%swap3A, %swap3A_6], %dot_general3A_5 {strides = array<i32>} : memref<10112x128xf32, #tpu.memory_space<vmem>>, vector<10112x128xf32>,
    %get3A_8 = arith.constant 0 : index
    %get3A_9 = arith.constant 0 : index
    %get3A_10 = vector.load %arg2[%get3A_8, %get3A_9] : memref<2x128xf32, #tpu.memory_space<vmem>>, vector<2x128xf32>
    %dot_general3A_11 = arith.constant dense<0.000000e+00> : vector<2x10112xf32>
    %dot_general3A_12 = tpu.matmul %get3A_10, %dot_general3A_5, %dot_general3A_11 {dimension_numbers = #tpu.dot_dimension_numbers<[1], [1], [0], [0], [0, 0, 1, 0], [], []>, transpose_lhs_hint = false} : vector<2x128xf32>, vector<10112x128xf32>, vector<2x10112xf32> -> vector<2x10112xf32>
    %iota3A = tpu.iota {dimensions = array<i32: 1>} : vector<2x10112xi32>
    %lt3A = arith.constant 10000 : i32
    %lt3A_13 = vector.broadcast %lt3A : i32 to vector<2x10112xi32>
    %lt3A_14 = arith.cmpi slt, %iota3A, %lt3A_13 : vector<2x10112xi32>
    %jit3A = arith.constant -1.000000e+30 : f32
    %broadcast_in_dim3A = vector.broadcast %jit3A : f32 to vector<2x10112xf32>
    %select_n3A = arith.select %lt3A_14, %dot_general3A_12, %broadcast_in_dim3A : vector<2x10112xi1>, vector<2x10112xf32>
    %swap3A_15 = arith.constant 0 : index
    %swap3A_16 = arith.constant 0 : index
    %swap3A_17 = vector.load %arg4[%swap3A_15, %swap3A_16] : memref<2x10112xf32, #tpu.memory_space<vmem>>, vector<2x10112xf32>
    tpu.vector_store %arg4[%swap3A_15, %swap3A_16], %select_n3A {strides = array<i32>} : memref<2x10112xf32, #tpu.memory_space<vmem>>, vector<2x10112xf32>,
    %slice3A = vector.extract_strided_slice %select_n3A {offsets = [0, 0], sizes = [1, 10112], strides = [1, 1]} : vector<2x10112xf32> to vector<1x10112xf32>
    %squeeze3A = vector.shape_cast %slice3A : vector<1x10112xf32> to vector<10112xf32>
    %reduce_max3A = vector.shape_cast %squeeze3A : vector<10112xf32> to vector<1x10112xf32>
    %reduce_max3A_18 = arith.constant dense<0xFF800000> : vector<1xf32>
    %reduce_max3A_19 = vector.multi_reduction <maximumf>, %reduce_max3A, %reduce_max3A_18 [1] : vector<1x10112xf32> to vector<1xf32>
    %reduce_max3A_20 = vector.shape_cast %reduce_max3A_19 : vector<1xf32> to vector<1x1xf32>
    %reduce_max3A_21 = vector.extract %reduce_max3A_20[0, 0] : f32 from vector<1x1xf32>
    %slice3A_22 = vector.extract_strided_slice %select_n3A {offsets = [1, 0], sizes = [1, 10112], strides = [1, 1]} : vector<2x10112xf32> to vector<1x10112xf32>
    %squeeze3A_23 = vector.shape_cast %slice3A_22 : vector<1x10112xf32> to vector<10112xf32>
    %reduce_max3A_24 = vector.shape_cast %squeeze3A_23 : vector<10112xf32> to vector<1x10112xf32>
    %reduce_max3A_25 = arith.constant dense<0xFF800000> : vector<1xf32>
    %reduce_max3A_26 = vector.multi_reduction <maximumf>, %reduce_max3A_24, %reduce_max3A_25 [1] : vector<1x10112xf32> to vector<1xf32>
    %reduce_max3A_27 = vector.shape_cast %reduce_max3A_26 : vector<1xf32> to vector<1x1xf32>
    %reduce_max3A_28 = vector.extract %reduce_max3A_27[0, 0] : f32 from vector<1x1xf32>
    %add3A = arith.addf %reduce_max3A_21, %reduce_max3A_28 : f32
    %ge3A = arith.constant 0.000000e+00 : f32
    %ge3A_29 = arith.cmpf oge, %add3A, %ge3A : f32
    %mul3A = arith.constant 2.000000e-01 : f32
    %mul3A_30 = arith.mulf %mul3A, %add3A : f32
    %select_n3A_31 = arith.select %ge3A_29, %add3A, %mul3A_30 : f32
    %broadcast_in_dim3A_32 = vector.broadcast %select_n3A_31 : f32 to vector<8x128xf32>
    %swap3A_33 = arith.constant 0 : index
    %swap3A_34 = arith.constant 0 : index
    %swap3A_35 = vector.load %arg5[%swap3A_33, %swap3A_34] : memref<8x128xf32, #tpu.memory_space<vmem>>, vector<8x128xf32>
    tpu.vector_store %arg5[%swap3A_33, %swap3A_34], %broadcast_in_dim3A_32 {strides = array<i32>} : memref<8x128xf32, #tpu.memory_space<vmem>>, vector<8x128xf32>,
    return
  }
}

module attributes {stable_mosaic.version = 14 : i64} {
  func.func @_mid_body(%arg0: memref<2x10112x128xf32, #tpu.memory_space<vmem>>, %arg1: memref<2x10112xf32, #tpu.memory_space<vmem>>, %arg2: memref<10112x128xf32, #tpu.memory_space<vmem>>, %arg3: memref<2x10112xf32, #tpu.memory_space<vmem>>, %arg4: memref<8x128xf32, #tpu.memory_space<vmem>>, %arg5: memref<128xf32, #tpu.memory_space<vmem>>, %arg6: memref<128x16xf32, #tpu.memory_space<vmem>>, %arg7: memref<2x16xf32, #tpu.memory_space<vmem>>, %arg8: memref<10112x16xf32, #tpu.memory_space<vmem>>, %arg9: memref<2x10112xf32, #tpu.memory_space<vmem>>, %arg10: memref<8x128xf32, #tpu.memory_space<vmem>>) attributes {dimension_semantics = [], scalar_prefetch = 0 : i64, scratch_operands = 0 : i64, tpu.core_type = #tpu.core_type<tc>} {
    %get3A = arith.constant 0 : index
    %get3A_0 = arith.constant 0 : index
    %get3A_1 = vector.load %arg3[%get3A, %get3A_0] : memref<2x10112xf32, #tpu.memory_space<vmem>>, vector<1x10112xf32>
    %get3A_2 = vector.shape_cast %get3A_1 : vector<1x10112xf32> to vector<10112xf32>
    %get3A_3 = arith.constant 1 : index
    %get3A_4 = arith.constant 0 : index
    %get3A_5 = vector.load %arg3[%get3A_3, %get3A_4] : memref<2x10112xf32, #tpu.memory_space<vmem>>, vector<1x10112xf32>
    %get3A_6 = vector.shape_cast %get3A_5 : vector<1x10112xf32> to vector<10112xf32>
    %get3A_7 = arith.constant 0 : index
    %get3A_8 = arith.constant 0 : index
    %get3A_9 = vector.load %arg4[%get3A_7, %get3A_8] : memref<8x128xf32, #tpu.memory_space<vmem>>, vector<1x1xf32>
    %get3A_10 = vector.extract %get3A_9[0, 0] : f32 from vector<1x1xf32>
    %add3A = arith.addf %get3A_2, %get3A_6 : vector<10112xf32>
    %ge3A = arith.constant 0.000000e+00 : f32
    %ge3A_11 = vector.broadcast %ge3A : f32 to vector<10112xf32>
    %ge3A_12 = arith.cmpf oge, %add3A, %ge3A_11 : vector<10112xf32>
    %mul3A = arith.constant 2.000000e-01 : f32
    %mul3A_13 = vector.broadcast %mul3A : f32 to vector<10112xf32>
    %mul3A_14 = arith.mulf %mul3A_13, %add3A : vector<10112xf32>
    %select_n3A = arith.select %ge3A_12, %add3A, %mul3A_14 : vector<10112xi1>, vector<10112xf32>
    %sub3A = vector.broadcast %get3A_10 : f32 to vector<10112xf32>
    %sub3A_15 = arith.subf %select_n3A, %sub3A : vector<10112xf32>
    %exp3A = math.exp %sub3A_15 : vector<10112xf32>
    %get3A_16 = arith.constant 0 : index
    %get3A_17 = arith.constant 0 : index
    %get3A_18 = arith.constant 0 : index
    %get3A_19 = vector.load %arg0[%get3A_16, %get3A_17, %get3A_18] : memref<2x10112x128xf32, #tpu.memory_space<vmem>>, vector<1x10112x128xf32>
    %get3A_20 = vector.shape_cast %get3A_19 : vector<1x10112x128xf32> to vector<10112x128xf32>
    %get3A_21 = arith.constant 1 : index
    %get3A_22 = arith.constant 0 : index
    %get3A_23 = arith.constant 0 : index
    %get3A_24 = vector.load %arg0[%get3A_21, %get3A_22, %get3A_23] : memref<2x10112x128xf32, #tpu.memory_space<vmem>>, vector<1x10112x128xf32>
    %get3A_25 = vector.shape_cast %get3A_24 : vector<1x10112x128xf32> to vector<10112x128xf32>
    %add3A_26 = arith.addf %get3A_20, %get3A_25 : vector<10112x128xf32>
    %broadcast_in_dim3A = vector.shape_cast %exp3A : vector<10112xf32> to vector<10112x1xf32>
    %get3A_27 = arith.constant 0 : index
    %get3A_28 = arith.constant 0 : index
    %get3A_29 = vector.load %arg2[%get3A_27, %get3A_28] : memref<10112x128xf32, #tpu.memory_space<vmem>>, vector<10112x128xf32>
    %mul3A_30 = vector.broadcast %broadcast_in_dim3A : vector<10112x1xf32> to vector<10112x128xf32>
    %mul3A_31 = arith.mulf %mul3A_30, %get3A_29 : vector<10112x128xf32>
    %add3A_32 = arith.addf %add3A_26, %mul3A_31 : vector<10112x128xf32>
    %get3A_33 = arith.constant 0 : index
    %get3A_34 = arith.constant 0 : index
    %get3A_35 = vector.load %arg1[%get3A_33, %get3A_34] : memref<2x10112xf32, #tpu.memory_space<vmem>>, vector<1x10112xf32>
    %get3A_36 = vector.shape_cast %get3A_35 : vector<1x10112xf32> to vector<10112xf32>
    %get3A_37 = arith.constant 1 : index
    %get3A_38 = arith.constant 0 : index
    %get3A_39 = vector.load %arg1[%get3A_37, %get3A_38] : memref<2x10112xf32, #tpu.memory_space<vmem>>, vector<1x10112xf32>
    %get3A_40 = vector.shape_cast %get3A_39 : vector<1x10112xf32> to vector<10112xf32>
    %add3A_41 = arith.addf %get3A_36, %get3A_40 : vector<10112xf32>
    %add3A_42 = arith.addf %add3A_41, %exp3A : vector<10112xf32>
    %iota3A = tpu.iota {dimensions = array<i32: 1>} : vector<1x10112xi32>
    %iota3A_43 = vector.shape_cast %iota3A : vector<1x10112xi32> to vector<10112xi32>
    %lt3A = arith.constant 10000 : i32
    %lt3A_44 = vector.broadcast %lt3A : i32 to vector<10112xi32>
    %lt3A_45 = arith.cmpi slt, %iota3A_43, %lt3A_44 : vector<10112xi32>
    %jit3A = arith.constant 1.000000e+00 : f32
    %broadcast_in_dim3A_46 = vector.broadcast %jit3A : f32 to vector<10112xf32>
    %select_n3A_47 = arith.select %lt3A_45, %add3A_42, %broadcast_in_dim3A_46 : vector<10112xi1>, vector<10112xf32>
    %broadcast_in_dim3A_48 = vector.shape_cast %select_n3A_47 : vector<10112xf32> to vector<10112x1xf32>
    %div3A = vector.broadcast %broadcast_in_dim3A_48 : vector<10112x1xf32> to vector<10112x128xf32>
    %div3A_49 = arith.divf %add3A_32, %div3A : vector<10112x128xf32>
    %get3A_50 = arith.constant 0 : index
    %get3A_51 = vector.load %arg5[%get3A_50] : memref<128xf32, #tpu.memory_space<vmem>>, vector<128xf32>
    %broadcast_in_dim3A_52 = vector.shape_cast %get3A_51 : vector<128xf32> to vector<1x128xf32>
    %add3A_53 = vector.broadcast %broadcast_in_dim3A_52 : vector<1x128xf32> to vector<10112x128xf32>
    %add3A_54 = arith.addf %div3A_49, %add3A_53 : vector<10112x128xf32>
    %max3A = arith.constant 0.000000e+00 : f32
    %max3A_55 = vector.broadcast %max3A : f32 to vector<10112x128xf32>
    %max3A_56 = arith.maximumf %add3A_54, %max3A_55 : vector<10112x128xf32>
    %get3A_57 = arith.constant 0 : index
    %get3A_58 = arith.constant 0 : index
    %get3A_59 = vector.load %arg6[%get3A_57, %get3A_58] : memref<128x16xf32, #tpu.memory_space<vmem>>, vector<128x16xf32>
    %dot_general3A = arith.constant dense<0.000000e+00> : vector<10112x16xf32>
    %dot_general3A_60 = tpu.matmul %max3A_56, %get3A_59, %dot_general3A {dimension_numbers = #tpu.dot_dimension_numbers<[1], [0], [0], [1], [0, 0, 1, 1], [], []>, transpose_lhs_hint = false} : vector<10112x128xf32>, vector<128x16xf32>, vector<10112x16xf32> -> vector<10112x16xf32>
    %swap3A = arith.constant 0 : index
    %swap3A_61 = arith.constant 0 : index
    %swap3A_62 = vector.load %arg8[%swap3A, %swap3A_61] : memref<10112x16xf32, #tpu.memory_space<vmem>>, vector<10112x16xf32>
    tpu.vector_store %arg8[%swap3A, %swap3A_61], %dot_general3A_60 {strides = array<i32>} : memref<10112x16xf32, #tpu.memory_space<vmem>>, vector<10112x16xf32>,
    %get3A_63 = arith.constant 0 : index
    %get3A_64 = arith.constant 0 : index
    %get3A_65 = vector.load %arg7[%get3A_63, %get3A_64] : memref<2x16xf32, #tpu.memory_space<vmem>>, vector<2x16xf32>
    %dot_general3A_66 = arith.constant dense<0.000000e+00> : vector<2x10112xf32>
    %dot_general3A_67 = tpu.matmul %get3A_65, %dot_general3A_60, %dot_general3A_66 {dimension_numbers = #tpu.dot_dimension_numbers<[1], [1], [0], [0], [0, 0, 1, 0], [], []>, transpose_lhs_hint = false} : vector<2x16xf32>, vector<10112x16xf32>, vector<2x10112xf32> -> vector<2x10112xf32>
    %iota3A_68 = tpu.iota {dimensions = array<i32: 1>} : vector<2x10112xi32>
    %lt3A_69 = arith.constant 10000 : i32
    %lt3A_70 = vector.broadcast %lt3A_69 : i32 to vector<2x10112xi32>
    %lt3A_71 = arith.cmpi slt, %iota3A_68, %lt3A_70 : vector<2x10112xi32>
    %jit3A_72 = arith.constant -1.000000e+30 : f32
    %broadcast_in_dim3A_73 = vector.broadcast %jit3A_72 : f32 to vector<2x10112xf32>
    %select_n3A_74 = arith.select %lt3A_71, %dot_general3A_67, %broadcast_in_dim3A_73 : vector<2x10112xi1>, vector<2x10112xf32>
    %swap3A_75 = arith.constant 0 : index
    %swap3A_76 = arith.constant 0 : index
    %swap3A_77 = vector.load %arg9[%swap3A_75, %swap3A_76] : memref<2x10112xf32, #tpu.memory_space<vmem>>, vector<2x10112xf32>
    tpu.vector_store %arg9[%swap3A_75, %swap3A_76], %select_n3A_74 {strides = array<i32>} : memref<2x10112xf32, #tpu.memory_space<vmem>>, vector<2x10112xf32>,
    %slice3A = vector.extract_strided_slice %select_n3A_74 {offsets = [0, 0], sizes = [1, 10112], strides = [1, 1]} : vector<2x10112xf32> to vector<1x10112xf32>
    %squeeze3A = vector.shape_cast %slice3A : vector<1x10112xf32> to vector<10112xf32>
    %reduce_max3A = vector.shape_cast %squeeze3A : vector<10112xf32> to vector<1x10112xf32>
    %reduce_max3A_78 = arith.constant dense<0xFF800000> : vector<1xf32>
    %reduce_max3A_79 = vector.multi_reduction <maximumf>, %reduce_max3A, %reduce_max3A_78 [1] : vector<1x10112xf32> to vector<1xf32>
    %reduce_max3A_80 = vector.shape_cast %reduce_max3A_79 : vector<1xf32> to vector<1x1xf32>
    %reduce_max3A_81 = vector.extract %reduce_max3A_80[0, 0] : f32 from vector<1x1xf32>
    %slice3A_82 = vector.extract_strided_slice %select_n3A_74 {offsets = [1, 0], sizes = [1, 10112], strides = [1, 1]} : vector<2x10112xf32> to vector<1x10112xf32>
    %squeeze3A_83 = vector.shape_cast %slice3A_82 : vector<1x10112xf32> to vector<10112xf32>
    %reduce_max3A_84 = vector.shape_cast %squeeze3A_83 : vector<10112xf32> to vector<1x10112xf32>
    %reduce_max3A_85 = arith.constant dense<0xFF800000> : vector<1xf32>
    %reduce_max3A_86 = vector.multi_reduction <maximumf>, %reduce_max3A_84, %reduce_max3A_85 [1] : vector<1x10112xf32> to vector<1xf32>
    %reduce_max3A_87 = vector.shape_cast %reduce_max3A_86 : vector<1xf32> to vector<1x1xf32>
    %reduce_max3A_88 = vector.extract %reduce_max3A_87[0, 0] : f32 from vector<1x1xf32>
    %add3A_89 = arith.addf %reduce_max3A_81, %reduce_max3A_88 : f32
    %ge3A_90 = arith.constant 0.000000e+00 : f32
    %ge3A_91 = arith.cmpf oge, %add3A_89, %ge3A_90 : f32
    %mul3A_92 = arith.constant 2.000000e-01 : f32
    %mul3A_93 = arith.mulf %mul3A_92, %add3A_89 : f32
    %select_n3A_94 = arith.select %ge3A_91, %add3A_89, %mul3A_93 : f32
    %broadcast_in_dim3A_95 = vector.broadcast %select_n3A_94 : f32 to vector<8x128xf32>
    %swap3A_96 = arith.constant 0 : index
    %swap3A_97 = arith.constant 0 : index
    %swap3A_98 = vector.load %arg10[%swap3A_96, %swap3A_97] : memref<8x128xf32, #tpu.memory_space<vmem>>, vector<8x128xf32>
    tpu.vector_store %arg10[%swap3A_96, %swap3A_97], %broadcast_in_dim3A_95 {strides = array<i32>} : memref<8x128xf32, #tpu.memory_space<vmem>>, vector<8x128xf32>,
    return
  }
}

module attributes {stable_mosaic.version = 14 : i64} {
  func.func @_final_body(%arg0: memref<2x10112x16xf32, #tpu.memory_space<vmem>>, %arg1: memref<2x10112xf32, #tpu.memory_space<vmem>>, %arg2: memref<10112x16xf32, #tpu.memory_space<vmem>>, %arg3: memref<2x10112xf32, #tpu.memory_space<vmem>>, %arg4: memref<8x128xf32, #tpu.memory_space<vmem>>, %arg5: memref<16xf32, #tpu.memory_space<vmem>>, %arg6: memref<1x10000xi32, #tpu.memory_space<vmem>>, %arg7: memref<64x16xf32, #tpu.memory_space<vmem>>) attributes {dimension_semantics = [], scalar_prefetch = 0 : i64, scratch_operands = 0 : i64, tpu.core_type = #tpu.core_type<tc>} {
    %get3A = arith.constant 0 : index
    %get3A_0 = arith.constant 0 : index
    %get3A_1 = vector.load %arg3[%get3A, %get3A_0] : memref<2x10112xf32, #tpu.memory_space<vmem>>, vector<1x10000xf32>
    %get3A_2 = vector.shape_cast %get3A_1 : vector<1x10000xf32> to vector<10000xf32>
    %get3A_3 = arith.constant 1 : index
    %get3A_4 = arith.constant 0 : index
    %get3A_5 = vector.load %arg3[%get3A_3, %get3A_4] : memref<2x10112xf32, #tpu.memory_space<vmem>>, vector<1x10000xf32>
    %get3A_6 = vector.shape_cast %get3A_5 : vector<1x10000xf32> to vector<10000xf32>
    %get3A_7 = arith.constant 0 : index
    %get3A_8 = arith.constant 0 : index
    %get3A_9 = vector.load %arg4[%get3A_7, %get3A_8] : memref<8x128xf32, #tpu.memory_space<vmem>>, vector<1x1xf32>
    %get3A_10 = vector.extract %get3A_9[0, 0] : f32 from vector<1x1xf32>
    %add3A = arith.addf %get3A_2, %get3A_6 : vector<10000xf32>
    %ge3A = arith.constant 0.000000e+00 : f32
    %ge3A_11 = vector.broadcast %ge3A : f32 to vector<10000xf32>
    %ge3A_12 = arith.cmpf oge, %add3A, %ge3A_11 : vector<10000xf32>
    %mul3A = arith.constant 2.000000e-01 : f32
    %mul3A_13 = vector.broadcast %mul3A : f32 to vector<10000xf32>
    %mul3A_14 = arith.mulf %mul3A_13, %add3A : vector<10000xf32>
    %select_n3A = arith.select %ge3A_12, %add3A, %mul3A_14 : vector<10000xi1>, vector<10000xf32>
    %sub3A = vector.broadcast %get3A_10 : f32 to vector<10000xf32>
    %sub3A_15 = arith.subf %select_n3A, %sub3A : vector<10000xf32>
    %exp3A = math.exp %sub3A_15 : vector<10000xf32>
    %get3A_16 = arith.constant 0 : index
    %get3A_17 = arith.constant 0 : index
    %get3A_18 = arith.constant 0 : index
    %get3A_19 = vector.load %arg0[%get3A_16, %get3A_17, %get3A_18] : memref<2x10112x16xf32, #tpu.memory_space<vmem>>, vector<1x10000x16xf32>
    %get3A_20 = vector.shape_cast %get3A_19 : vector<1x10000x16xf32> to vector<10000x16xf32>
    %get3A_21 = arith.constant 1 : index
    %get3A_22 = arith.constant 0 : index
    %get3A_23 = arith.constant 0 : index
    %get3A_24 = vector.load %arg0[%get3A_21, %get3A_22, %get3A_23] : memref<2x10112x16xf32, #tpu.memory_space<vmem>>, vector<1x10000x16xf32>
    %get3A_25 = vector.shape_cast %get3A_24 : vector<1x10000x16xf32> to vector<10000x16xf32>
    %add3A_26 = arith.addf %get3A_20, %get3A_25 : vector<10000x16xf32>
    %broadcast_in_dim3A = vector.shape_cast %exp3A : vector<10000xf32> to vector<10000x1xf32>
    %get3A_27 = arith.constant 0 : index
    %get3A_28 = arith.constant 0 : index
    %get3A_29 = vector.load %arg2[%get3A_27, %get3A_28] : memref<10112x16xf32, #tpu.memory_space<vmem>>, vector<10000x16xf32>
    %mul3A_30 = vector.broadcast %broadcast_in_dim3A : vector<10000x1xf32> to vector<10000x16xf32>
    %mul3A_31 = arith.mulf %mul3A_30, %get3A_29 : vector<10000x16xf32>
    %add3A_32 = arith.addf %add3A_26, %mul3A_31 : vector<10000x16xf32>
    %get3A_33 = arith.constant 0 : index
    %get3A_34 = arith.constant 0 : index
    %get3A_35 = vector.load %arg1[%get3A_33, %get3A_34] : memref<2x10112xf32, #tpu.memory_space<vmem>>, vector<1x10000xf32>
    %get3A_36 = vector.shape_cast %get3A_35 : vector<1x10000xf32> to vector<10000xf32>
    %get3A_37 = arith.constant 1 : index
    %get3A_38 = arith.constant 0 : index
    %get3A_39 = vector.load %arg1[%get3A_37, %get3A_38] : memref<2x10112xf32, #tpu.memory_space<vmem>>, vector<1x10000xf32>
    %get3A_40 = vector.shape_cast %get3A_39 : vector<1x10000xf32> to vector<10000xf32>
    %add3A_41 = arith.addf %get3A_36, %get3A_40 : vector<10000xf32>
    %add3A_42 = arith.addf %add3A_41, %exp3A : vector<10000xf32>
    %broadcast_in_dim3A_43 = vector.shape_cast %add3A_42 : vector<10000xf32> to vector<10000x1xf32>
    %div3A = vector.broadcast %broadcast_in_dim3A_43 : vector<10000x1xf32> to vector<10000x16xf32>
    %div3A_44 = arith.divf %add3A_32, %div3A : vector<10000x16xf32>
    %get3A_45 = arith.constant 0 : index
    %get3A_46 = vector.load %arg5[%get3A_45] : memref<16xf32, #tpu.memory_space<vmem>>, vector<16xf32>
    %broadcast_in_dim3A_47 = vector.shape_cast %get3A_46 : vector<16xf32> to vector<1x16xf32>
    %add3A_48 = vector.broadcast %broadcast_in_dim3A_47 : vector<1x16xf32> to vector<10000x16xf32>
    %add3A_49 = arith.addf %div3A_44, %add3A_48 : vector<10000x16xf32>
    %get3A_50 = arith.constant 0 : index
    %get3A_51 = arith.constant 0 : index
    %get3A_52 = vector.load %arg6[%get3A_50, %get3A_51] : memref<1x10000xi32, #tpu.memory_space<vmem>>, vector<1x10000xi32>
    %get3A_53 = vector.shape_cast %get3A_52 : vector<1x10000xi32> to vector<10000xi32>
    %iota3A = tpu.iota {dimensions = array<i32: 0>} : vector<64x10000xi32>
    %broadcast_in_dim3A_54 = vector.shape_cast %get3A_53 : vector<10000xi32> to vector<1x10000xi32>
    %eq3A = vector.broadcast %broadcast_in_dim3A_54 : vector<1x10000xi32> to vector<64x10000xi32>
    %eq3A_55 = arith.cmpi eq, %iota3A, %eq3A : vector<64x10000xi32>
    %jit3A = arith.constant 1.000000e+00 : f32
    %jit3A_56 = arith.constant 0.000000e+00 : f32
    %broadcast_in_dim3A_57 = vector.broadcast %jit3A : f32 to vector<64x10000xf32>
    %broadcast_in_dim3A_58 = vector.broadcast %jit3A_56 : f32 to vector<64x10000xf32>
    %select_n3A_59 = arith.select %eq3A_55, %broadcast_in_dim3A_57, %broadcast_in_dim3A_58 : vector<64x10000xi1>, vector<64x10000xf32>
    %reduce_sum3A = arith.constant dense<0.000000e+00> : vector<64xf32>
    %reduce_sum3A_60 = vector.multi_reduction <add>, %select_n3A_59, %reduce_sum3A [1] : vector<64x10000xf32> to vector<64xf32>
    %dot_general3A = arith.constant dense<0.000000e+00> : vector<64x16xf32>
    %dot_general3A_61 = tpu.matmul %select_n3A_59, %add3A_49, %dot_general3A {dimension_numbers = #tpu.dot_dimension_numbers<[1], [0], [0], [1], [0, 0, 1, 1], [], []>, transpose_lhs_hint = false} : vector<64x10000xf32>, vector<10000x16xf32>, vector<64x16xf32> -> vector<64x16xf32>
    %max3A = arith.constant 1.000000e+00 : f32
    %max3A_62 = vector.broadcast %max3A : f32 to vector<64xf32>
    %max3A_63 = arith.maximumf %reduce_sum3A_60, %max3A_62 : vector<64xf32>
    %broadcast_in_dim3A_64 = vector.shape_cast %max3A_63 : vector<64xf32> to vector<64x1xf32>
    %div3A_65 = vector.broadcast %broadcast_in_dim3A_64 : vector<64x1xf32> to vector<64x16xf32>
    %div3A_66 = arith.divf %dot_general3A_61, %div3A_65 : vector<64x16xf32>
    %reduce_max3A = arith.constant dense<0xFF800000> : vector<64xf32>
    %reduce_max3A_67 = vector.multi_reduction <maximumf>, %div3A_66, %reduce_max3A [1] : vector<64x16xf32> to vector<64xf32>
    %broadcast_in_dim3A_68 = vector.shape_cast %reduce_max3A_67 : vector<64xf32> to vector<64x1xf32>
    %sub3A_69 = vector.broadcast %broadcast_in_dim3A_68 : vector<64x1xf32> to vector<64x16xf32>
    %sub3A_70 = arith.subf %div3A_66, %sub3A_69 : vector<64x16xf32>
    %exp3A_71 = math.exp %sub3A_70 : vector<64x16xf32>
    %reduce_sum3A_72 = arith.constant dense<0.000000e+00> : vector<64xf32>
    %reduce_sum3A_73 = vector.multi_reduction <add>, %exp3A_71, %reduce_sum3A_72 [1] : vector<64x16xf32> to vector<64xf32>
    %broadcast_in_dim3A_74 = vector.shape_cast %reduce_sum3A_73 : vector<64xf32> to vector<64x1xf32>
    %log3A = math.log %broadcast_in_dim3A_74 : vector<64x1xf32>
    %sub3A_75 = vector.broadcast %log3A : vector<64x1xf32> to vector<64x16xf32>
    %sub3A_76 = arith.subf %sub3A_70, %sub3A_75 : vector<64x16xf32>
    %swap3A = arith.constant 0 : index
    %swap3A_77 = arith.constant 0 : index
    %swap3A_78 = vector.load %arg7[%swap3A, %swap3A_77] : memref<64x16xf32, #tpu.memory_space<vmem>>, vector<64x16xf32>
    tpu.vector_store %arg7[%swap3A, %swap3A_77], %sub3A_76 {strides = array<i32>} : memref<64x16xf32, #tpu.memory_space<vmem>>, vector<64x16xf32>,
    return
  }
}

</mosaic_0001>

<sc_bundles>
// kernel: kernel.10.cloned.1.call-start
scs
__scs_entry_jumppad:
0x0: {  	(pc) =	sbr.rel $0x88, $3  }
0x1: {  	(tag) =	ssettag $0x0;
	lr =	simm.s32 $0x1  }
0x2: {  	[smem:$0x3F96] =	sst lr;
	_ =	strace $0xD0000000  }
0x3: {  	_ = 	snop  }
0x4: {  	_ = 	snop  }
0x5: {  	_ = 	snop  }
0x6: {  	_ = 	snop  }
0x7: {  	_ = 	snop  }
__scs_overlays_trampoline_lowered:
0x8: {  	[smem:$0x3FA5] =	sst s0  }
0x9: {  	[smem:$0x3FA6] =	sst s1  }
0xa: {  	[smem:$0x3FA7] =	sst s2  }
0xb: {  	[smem:$0x3FA8] =	sst s3  }
0xc: {  	[smem:$0x3FA9] =	sst s4  }
0xd: {  	[smem:$0x3FAA] =	sst s5  }
0xe: {  	[smem:$0x3FAB] =	sst s6  }
0xf: {  	[smem:$0x3FAC] =	sst s7  }
0x10: {  	[smem:$0x3FAD] =	sst s8  }
0x11: {  	[smem:$0x3FAE] =	sst s9;
	s0 =	simm.s32 @!p0 $0x0  }
0x12: {  	s1 =	sld [smem:$0x3F94];
	s0 =	simm.s32 @p0 $0x1  }
0x13: {  	[smem:$0x3FAF] =	sst s0;
	s0 =	simm.s32 @!p1 $0x0  }
0x14: {  	s2 =	sld [smem:$0x3F93];
	s0 =	simm.s32 @p1 $0x1  }
0x15: {  	[smem:$0x3FB0] =	sst s0;
	s0 =	simm.s32 @!p2 $0x0  }
0x16: {  	s3 =	sld [smem:$0x3FDB];
	s0 =	simm.s32 @p2 $0x1  }
0x17: {  	s4 =	simm.s32 $0x1BF5;
	[smem:$0x3FB2] =	sst s0  }
0x18: {  	s0 =	sld [smem:$0x3F95];
	_ =	swait.ge [sflag:s4], $0x0  }
0x19: {  	s7 =	sld [smem:$0x3F96]  }
0x1a: {  	s8 =	sadd.s32 $0xFFFFE003, lr  }
0x1b: {  	s9 =	sadd.s32 $0xFFFFFEF7, lr;
	s5 =	simm.s32 $0xFFFFFFFF;
	p2 =	slt.u32 s8, $0xFFFFF086  }
0x1c: {  	p1 =	slt.u32 s9, $0xF7A;
	s5 =	simm.s32 @!p2 $0x0  }
0x1d: {  	s5 =	simm.s32 @p1 $0x1;
	p0 =	seq.s32 s7, s2  }
0x1e: {  	s7 =	smul.u32 @!p0 $0xF7A, s2;
	p2 =	seq.s32 @!p0 s5, $0x0  }
0x1f: {  	s9 =	smul.u32 $0xF7A, s1;
	s8 =	simm.s32 @!p0 $0x1BF5;
	p2 =	por !p2, p0  }
0x20: {  	[sflag:s8] =	ssyncset.s32 @!p0 $0xFFFFF086;
	s6 =	sadd.s32 @!p0 s3, s7;
	s7 =	simm.s32 @!p0 $0x108  }
0x21: {  	s3 =	sadd.s32 s3, s9;
	s6 =	sadd.s32 @!p0 $0x88, s6;
	s7 =	simm.s32 @p2 $0x1082  }
0x22: {  	[simem:s7], [sflag:s8] =	dma.local @!p0 [hbm:s6], $0xF7A  }
0x23: {  	s9 =	sor.u32 $0xD0000000, s2;
	s6 =	simm.s32 $0x108;
	_ =	swait.ge @!p0 [sflag:s8], $0x0  }
0x24: {  	s3 =	sadd.s32 $0x88, s3;
	s6 =	simm.s32 @!p1 $0x1082;
	[sflag:s4] =	ssyncset.s32 $0xFFFFF086  }
0x25: {  	[simem:s6], [sflag:s4] =	dma.local [hbm:s3], $0xF7A  }
0x26: {  	[smem:$0x3F96] =	sst s1;
	(tag) =	ssettag s2;
	_ =	strace s9  }
0x27: {  	s1 =	sld [smem:$0x3FA6]  }
0x28: {  	s2 =	sld [smem:$0x3FA7]  }
0x29: {  	s4 =	sld [smem:$0x3FA9]  }
0x2a: {  	p0 =	seq.s32 s5, $0x0;
	s5 =	sld [smem:$0x3FAA]  }
0x2b: {  	s6 =	sld [smem:$0x3FAB]  }
0x2c: {  	s7 =	sld [smem:$0x3FAC]  }
0x2d: {  	s3 =	simm.s32 $0x108;
	s8 =	sld [smem:$0x3FAD]  }
0x2e: {  	s3 =	simm.s32 @!p0 $0x1082;
	s9 =	sld [smem:$0x3FAE]  }
0x2f: {  	lr =	sadd.s32 s0, s3;
	s0 =	sld [smem:$0x3FA5]  }
0x30: {  	s3 =	sld [smem:$0x3FA8]  }
0x31: {  	[smem:$0x3FB1] =	sst s10  }
0x32: {  	s10 =	sld [smem:$0x3FAF];
	_ =	sdelay $0x3  }
0x33: {  	p0 =	seq.s32 s10, $0x1;
	s10 =	sld [smem:$0x3FB1];
	_ =	sdelay $0x3  }
0x34: {  	[smem:$0x3FB1] =	sst s10  }
0x35: {  	s10 =	sld [smem:$0x3FB0];
	_ =	sdelay $0x3  }
0x36: {  	p1 =	seq.s32 s10, $0x1;
	s10 =	sld [smem:$0x3FB1];
	_ =	sdelay $0x3  }
0x37: {  	[smem:$0x3FB1] =	sst s10  }
0x38: {  	s10 =	sld [smem:$0x3FB2]  }
0x39: {  	_ = 	snop;
	(pc) =	sbr.ind lr, $3  }
0x3a: {  	_ = 	snop  }
0x3b: {  	_ = 	snop  }
0x3c: {  	p2 =	seq.s32 s10, $0x1;
	s10 =	sld [smem:$0x3FB1]  }
0x3d: {  	_ =	shalt  }
0x3e: {  	_ =	shalt  }
0x3f: {  	_ =	shalt  }
0x40: {  	_ =	shalt  }
0x41: {  	_ =	shalt  }
0x42: {  	_ =	shalt  }
0x43: {  	_ =	shalt  }
0x44: {  	_ =	shalt  }
0x45: {  	_ =	shalt  }
0x46: {  	_ =	shalt  }
0x47: {  	_ =	shalt  }
0x48: {  	_ =	shalt  }
0x49: {  	_ =	shalt  }
0x4a: {  	_ =	shalt  }
0x4b: {  	_ =	shalt  }
0x4c: {  	_ =	shalt  }
0x4d: {  	_ =	shalt  }
0x4e: {  	_ =	shalt  }
0x4f: {  	_ =	shalt  }
0x50: {  	_ =	shalt  }
0x51: {  	_ =	shalt  }
0x52: {  	_ =	shalt  }
0x53: {  	_ =	shalt  }
0x54: {  	_ =	shalt  }
0x55: {  	_ =	shalt  }
0x56: {  	_ =	shalt  }
0x57: {  	_ =	shalt  }
0x58: {  	_ =	shalt  }
0x59: {  	_ =	shalt  }
0x5a: {  	_ =	shalt  }
0x5b: {  	_ =	shalt  }
0x5c: {  	_ =	shalt  }
0x5d: {  	_ =	shalt  }
0x5e: {  	_ =	shalt  }
0x5f: {  	_ =	shalt  }
0x60: {  	_ =	shalt  }
0x61: {  	_ =	shalt  }
0x62: {  	_ =	shalt  }
0x63: {  	_ =	shalt  }
0x64: {  	_ =	shalt  }
0x65: {  	_ =	shalt  }
0x66: {  	_ =	shalt  }
0x67: {  	_ =	shalt  }
0x68: {  	_ =	shalt  }
0x69: {  	_ =	shalt  }
0x6a: {  	_ =	shalt  }
0x6b: {  	_ =	shalt  }
0x6c: {  	_ =	shalt  }
0x6d: {  	_ =	shalt  }
0x6e: {  	_ =	shalt  }
0x6f: {  	_ =	shalt  }
0x70: {  	_ =	shalt  }
0x71: {  	_ =	shalt  }
0x72: {  	_ =	shalt  }
0x73: {  	_ =	shalt  }
0x74: {  	_ =	shalt  }
0x75: {  	_ =	shalt  }
0x76: {  	_ =	shalt  }
0x77: {  	_ =	shalt  }
0x78: {  	_ =	shalt  }
0x79: {  	_ =	shalt  }
0x7a: {  	_ =	shalt  }
0x7b: {  	_ =	shalt  }
0x7c: {  	_ =	shalt  }
0x7d: {  	_ =	shalt  }
0x7e: {  	_ =	shalt  }
0x7f: {  	_ =	shalt  }
0x80: {  	_ =	shalt  }
0x81: {  	_ =	shalt  }
0x82: {  	_ =	shalt  }
0x83: {  	_ =	shalt  }
0x84: {  	_ =	shalt  }
0x85: {  	_ =	shalt  }
0x86: {  	_ =	shalt  }
0x87: {  	_ =	shalt  }
.Lfunc_end0:
.L_simem_size_0:
called_computation.1_lowered:
.L_overlay_start_0:
0x88: {  	s2 =	sld [smem:$0x3FD9]  }
0x89: {  	s3 =	sld [smem:$0x3FFE];
	_ =	sdelay $0x1  }
0x8a: {  	s1 =	srdreg.scid  }
0x8b: {  	s0 =	sand.u32 $0x1, s1  }
0x8c: {  	s17 =	sshll.u32 s0, $0xA;
	s2 =	sadd.s32 s3, s2  }
0x8d: {  	s2 =	sadd.s32 s2, s17  }
0x8e: {  	[smem:$0x3FBD] =	sst s2  }
0x8f: {  	_ = 	snop  }
0x90: {  	s2 =	sld [smem:$0x3FD0];
	(tm) =	ssettm $0x1  }
0x91: {  	s18 =	sld [smem:$0x3FFB];
	_ =	sdelay $0x3  }
0x92: {  	_ =	strace s18  }
0x93: {  	s3 =	sld [smem:$0x3FFC];
	_ =	sdelay $0x3  }
0x94: {  	_ =	strace s3  }
0x95: {  	s3 =	sld [smem:$0x3FFD];
	_ =	sdelay $0x3  }
0x96: {  	_ =	strace s3  }
0x97: {  	_ =	strace $0x8FFFFFFF  }
0x98: {  	s19 =	sld [smem:$0x3FDB];
	_ =	sdelay $0x1  }
0x99: {  	s4 =	simm.s32 $_scs_section_size  }
0x9a: {  	s5 =	simm.s32 $_size__tile_overlayer_lowered;
	s6 =	simm.s32 $_tile_overlayer_lowered  }
0x9b: {  	s22 =	simm.s32 $0x1BFF;
	s21 =	sshll.u32 s6, $0x1;
	s3 =	sadd.s32 s4, s19  }
0x9c: {  	s7 =	simm.s32 $0x0;
	s20 =	sshll.u32 s5, $0x1;
	s5 =	sadd.s32 s21, s3  }
0x9d: {  	[timem:s7], [sflag:s22] =	dma.local [hbm:s5], s20  }
0x9e: {  	_ =	swait.ge [sflag:s22], s20  }
0x9f: {  	s4 =	ssub.s32 $0x0, s20;
	[sflag:s22] =	ssyncset.done $0x0  }
0xa0: {  	[sflag:s22] =	ssyncadd.s32 s4;
	_ =	sdelay $0x1  }
0xa1: {  	s23 =	simm.s32 $0x1B8B  }
0xa2: {  	_ =	swait.ge [sflag:s23], $0x1  }
0xa3: {  	[sflag:s23] =	ssyncset.done $0x0  }
0xa4: {  	s25 =	simm.s32 $0x1B8E;
	s24 =	sld [smem:$0x3FFE];
	[sflag:s23] =	ssyncadd.s32 $0xFFFFFFFF  }
0xa5: {  	s26 =	simm.s32 $execute0_lowered;
	[smem:$0x3FD2] =	sst s25  }
0xa6: {  	s5 =	sshll.u32 s26, $0x1;
	_ =	strace $0x80000049;
	[dreg:$0x1] =	wrdreg $0xFFFFFFFF  }
0xa7: {  	s28 =	simm.s32 $_size_execute0_lowered;
	s3 =	sadd.s32 s3, s5;
	[dreg:$0x0] =	wrdreg $0x0  }
0xa8: {  	s5 =	sshll.u32 s28, $0x1;
	[dreg:$0x2] =	wrdreg s3  }
0xa9: {  	[dreg:$0x3] =	wrdreg s5  }
0xaa: {  	[dreg:$0x4] =	wrdreg $0xC0  }
0xab: {  	_ =	task [dreg:s7], $0x5FFFF  }
0xac: {  	[dreg:$0x1] =	wrdreg $0xFFFFFFFF  }
0xad: {  	[dreg:$0x0] =	wrdreg $0x60  }
0xae: {  	[dreg:$0x2] =	wrdreg s24  }
0xaf: {  	[dreg:$0x3] =	wrdreg s2  }
0xb0: {  	[dreg:$0x4] =	wrdreg $0x5BF00  }
0xb1: {  	[dreg:$0x5] =	wrdreg $0x83700  }
0xb2: {  	[dreg:$0x6] =	wrdreg $0x9  }
0xb3: {  	_ =	task.clear_ibuf [dreg:s7], $0x7FFFF;
	_ =	strace $0x90000049  }
0xb4: {  	s29 =	simm.s32 $0x9;
	_ =	strace $0x8000004B  }
0xb5: {  	_ =	swait.ge [sflag:s29], $0x1  }
0xb6: {  	[sflag:s29] =	ssyncadd.s32 $0xFFFFFFFF  }
0xb7: {  	_ =	strace $0x9000004B  }
0xb8: {  	_ =	sfence  }
0xb9: {  	s30 =	sld [smem:$0x0];
	_ =	sdelay $0x2  }
0xba: {  	s31 =	sshll.u32 s1, $0xD;
	s1 =	sshrl.u32 s1, $0x2  }
0xbb: {  	s3 =	sand.u32 $0x4000, s31;
	s1 =	sadd.s32 s1, s30  }
0xbc: {  	s0 =	sor.u32 s3, s0;
	s1 =	sshll.u32 s1, $0x11  }
0xbd: {  	s0 =	sor.u32 s1, s0  }
0xbe: {  	s0 =	sadd.s32 $0x8F2B, s0  }
0xbf: {  	[sflag:s0] =	ssyncadd.remote.s32 $0x1  }
0xc0: {  	_ =	sfence.sel $0xFFFF  }
0xc1: {  	[dreg:$0x0] =	wrdreg $0xFFFFFFFF;
	(pc) =	sbr.abs _section_cstart, $3  }
0xc2: {  	[dreg:$0x1] =	wrdreg $0xFFFFFFFF  }
0xc3: {  	_ =	task.clear_ibuf [dreg:s7], $0x2FFFF;
	_ =	strace $0x9FFFFFFF  }
0xc4: {  	(tm) =	ssettm $0x7FFFFFFF  }
0xc5: {  	_ =	shalt  }
tec
execute0_lowered:
.L_overlay_start_1:
0x0: {  	(tag) =	ssettag $0x1  }
0x1: {  	s0 =	rddreg [dreg:$0x0]  }
0x2: {  	s3 =	rddreg [dreg:$0x2];
	s15 =	stileid.u32  }
0x3: {  	s4 =	rddreg [dreg:$0x3];
	s6 =	simm.s32 $0x0;
	s2 =	srdreg.scid  }
0x4: {  	s16 =	simm.s32 $0xB;
	s28 =	simm.s32 $0x5;
	s1 =	smul.u32 $0x2800, s15  }
0x5: {  	s29 =	simm.s32 $0x56F0;
	s30 =	simm.s32 $0x5060;
	s5 =	smul.u32 $0x500, s15  }
0x6: {  	s31 =	simm.s32 $0x5100;
	s2 =	sand.u32 $0x1, s2;
	s21 =	smul.u32 $0x2780, s15  }
0x7: {  	[smem:$0x7FF] =	sst s6;
	s9 =	smul.u32 $0x278, s15;
	s6 =	sadd.s32 $0x2600, s0  }
0x8: {  	s7 =	sadd.s32 $0x2000, s0;
	s8 =	sadd.s32 $0x1A00, s0;
	s25 =	sshll.u32 s15, $0x6  }
0x9: {  	p0 =	seq.s32 s2, $0x1;
	_ =	strace $0x8000004A;
	s10 =	smul.u32 $0x27800, s2  }
0xa: {  	s13 =	smul.u32 $0x2780, s2;
	s2 =	ssub.s32 $0x2, s2;
	s15 =	sor.u32 $0x1C0B, s25  }
0xb: {  	s25 =	simm.s32 $0x50B0;
	s1 =	sshrl.u32 s1, $0x3;
	s11 =	sshrl.u32 s21, $0x3  }
0xc: {  	s12 =	sshrl.u32 s9, $0x3;
	s14 =	sshrl.u32 s2, $0x1;
	[dreg:$0xc] =	wrdreg s15  }
0xd: {  	s1 =	sadd.s32 $0x5000, s1;
	s11 =	sadd.s32 s11, s0;
	s12 =	sadd.s32 s12, s0  }
0xe: {  	s10 =	sadd.s32 s21, s10;
	s13 =	sadd.s32 s9, s13;
	s2 =	ssub.s32 s2, s14  }
0xf: {  	s9 =	sadd.s32 s9, s4;
	s14 =	simm.s32 $0x0;
	s5 =	smov.u32 @p0 s1  }
0x10: {  	s10 =	sshrl.u32 s10, $0x3;
	s13 =	sshrl.u32 s13, $0x3;
	s1 =	sadd.s32 s21, s3  }
0x11: {  	s11 =	sadd.s32 $0x7600, s11;
	s22 =	sadd.s32 $0x3DE00, s12;
	s23 =	smax.u32 s2, $0x1  }
0x12: {  	s18 =	sshrl.u32 s9, $0x3;
	s2 =	simm.s32 $0x4;
	[dreg:$0x5] =	wrdreg s11  }
0x13: {  	s9 =	simm.s32 $0x6;
	s12 =	simm.s32 $0x2;
	[dreg:$0x6] =	wrdreg s22  }
0x14: {  	s5 =	sadd.s32 s5, s0;
	s10 =	sadd.s32 s10, s0;
	[dreg:$0x9] =	wrdreg s23  }
0x15: {  	s0 =	sadd.s32 s13, s0;
	s17 =	sshrl.u32 s1, $0x3;
	[dreg:$0xe] =	wrdreg s18  }
0x16: {  	s22 =	simm.s32 $0x50;
	s10 =	sadd.s32 $0xC600, s10;
	[dreg:$0xd] =	wrdreg s17  }
0x17: {  	s23 =	simm.s32 $0x51F0;
	s0 =	sadd.s32 $0x16400, s0;
	[dreg:$0x7] =	wrdreg s10  }
0x18: {  	s1 =	simm.s32 $0x1;
	s24 =	sadd.s32 $0x33E00, s5;
	[dreg:$0x8] =	wrdreg s0  }
0x19: {  	s11 =	simm.s32 $0x9;
	s26 =	sadd.s32 $0x29E00, s5;
	[dreg:$0xa] =	wrdreg s24  }
0x1a: {  	s13 =	simm.s32 $0x51A0;
	[dreg:$0xb] =	wrdreg s26;
	s24 =	simm.s32 $0x5010  }
0x1b: {  	s26 =	simm.s32 $0x3;
	s0 =	simm.s32 $0x5150;
	s10 =	simm.s32 $0x7  }
.LBB2_1:
0x1c: {  	[dreg:$0xf] =	wrdreg s14  }
0x1d: {  	s5 =	rddreg [dreg:$0x1];
	s14 =	simm.s32 $0x0  }
0x1e: {  	[tilespmem:s14], [sflag:$0xB] =	stream.linear.gather [hbm4b:s5+s14], $0x10, $0x38;
	[tilespmem:$0x85E8] =	vst v63  }
0x1f: {  	_ =	swait.ge [sflag:s16], $0x10  }
0x20: {  	[sflag:s16] =	ssyncset.done $0x0  }
0x21: {  	s21 =	rddreg [dreg:$0x5];
	[sflag:s16] =	ssyncadd.s32 $0xFFFFFFF0  }
0x22: {  	[spmem:s17], [sflag:s15] =	dma.local [hbm:s21], $0x4F0  }
0x23: {  	_ =	swait.ge [sflag:s16], $0x4F0  }
0x24: {  	[sflag:s16] =	ssyncset.done $0x0  }
0x25: {  	s17 =	rddreg [dreg:$0x6];
	[sflag:s16] =	ssyncadd.s32 $0xFFFFFB10  }
0x26: {  	[spmem:s18], [sflag:s15] =	dma.local [hbm:s17], $0x4F  }
0x27: {  	_ =	swait.ge [sflag:s16], $0x4F  }
0x28: {  	[sflag:s16] =	ssyncset.done $0x0  }
0x29: {  	s19 =	simm.s32 $0x10;
	s18 =	rddreg [dreg:$0xa];
	[sflag:s16] =	ssyncadd.s32 $0xFFFFFFB1  }
0x2a: {  	[tilespmem:s19], [sflag:$0xB] =	stream.linear.gather [hbm4b:s18+s14], $0x2800, $0x38;
	[tilespmem:$0x85E8] =	vst v63  }
0x2b: {  	_ =	swait.ge [sflag:s16], $0x2800  }
0x2c: {  	[sflag:s16] =	ssyncset.done $0x0  }
0x2d: {  	s21 =	simm.s32 $0x2810;
	s20 =	rddreg [dreg:$0xb];
	[sflag:s16] =	ssyncadd.s32 $0xFFFFD800  }
0x2e: {  	[tilespmem:s21], [sflag:$0xB] =	stream.linear.gather [hbm4b:s20+s14], $0x2800, $0x38;
	[tilespmem:$0x85E8] =	vst v63  }
0x2f: {  	_ =	swait.ge [sflag:s16], $0x2800  }
0x30: {  	[sflag:s16] =	ssyncset.done $0x0  }
0x31: {  	[sflag:s16] =	ssyncadd.s32 $0xFFFFD800  }
0x32: {  	[bflag:$0x0] =	sbarrier.arrive $0xFFFF  }
0x33: {  	v0 =	vld [tilespmem:$0x0];
	[tilespmem:s23], [sflag:$0x1] =	stream.indirect.gather [hbm4b:s6+s22], $0x10, s19, s22, $0xb8  }
0x34: {  	_ = 	snop  }
0x35: {  	[tilespmem:s24], [sflag:$0x3] =	stream.indirect.gather [hbm4b:s7+s22], $0x1, s19, s22, $0xb8;
	[tilespmem:$0x85E8] =	vst v63  }
0x36: {  	s5 =	simm.s32 $0x0  }
0x37: {  	[tilespmem:s25], [sflag:$0x5] =	stream.indirect.gather [hbm4b:s8+s22], $0x1, s21, s22, $0xb8;
	[tilespmem:$0x85E8] =	vst v63  }
.LBB2_2:
0x38: {  	_ =	swait.ge [sflag:s26], $0x50  }
0x39: {  	[sflag:s26] =	ssyncset.done $0x0  }
0x3a: {  	[sflag:s26] =	ssyncadd.s32 $0xFFFFFFB0  }
0x3b: {  	_ =	swait.ge [sflag:s28], $0x50  }
0x3c: {  	[sflag:s28] =	ssyncset.done $0x0  }
0x3d: {  	[sflag:s28] =	ssyncadd.s32 $0xFFFFFFB0  }
0x3e: {  	v1 =	vld [tilespmem:$0x5010]  }
0x3f: {  	v2 =	vld [tilespmem:$0x50B0]  }
0x40: {  	v3 =	vld [tilespmem:$0x5020]  }
0x41: {  	v4 =	vld [tilespmem:$0x50C0]  }
0x42: {  	v5 =	vld [tilespmem:$0x5030]  }
0x43: {  	v6 =	vld [tilespmem:$0x50D0]  }
0x44: {  	v9 =	vld [tilespmem:$0x5050]  }
0x45: {  	v10 =	vld [tilespmem:$0x50F0]  }
0x46: {  	v7 =	vld [tilespmem:$0x50E0]  }
0x47: {  	v1 =	vadd.f32 v2, v1;
	v2 =	vld [tilespmem:$0x5040];
	_ =	sdelay $0x1  }
0x48: {  	v3 =	vadd.f32 v4, v3  }
0x49: {  	v5 =	vadd.f32 v6, v5;
	v6 =	vadd.f32 v10, v9;
	v8 =	vmul.f32 $2.000000030e-01, v1  }
0x4a: {  	vm0 =	vge.f32 v1, $0.0e+00;
	v4 =	vmul.f32 $2.000000030e-01, v3;
	vm12 =	vge.f32 v3, $0.0e+00  }
0x4b: {  	vm13 =	vge.f32 v5, $0.0e+00;
	vm15 =	vge.f32 v6, $0.0e+00;
	v2 =	vadd.f32 v7, v2  }
0x4c: {  	v1 =	vsel vm0, v1, v8;
	v3 =	vsel vm12, v3, v4;
	v4 =	vmul.f32 $2.000000030e-01, v5  }
0x4d: {  	v1 =	vsub.f32 v1, v0;
	v3 =	vsub.f32 v3, v0;
	v7 =	vmul.f32 $2.000000030e-01, v2  }
0x4e: {  	v4 =	vsel vm13, v5, v4;
	v5 =	vmul.f32 $2.000000030e-01, v6;
	vm14 =	vge.f32 v2, $0.0e+00  }
0x4f: {  	v1 =	vmul.f32 $1.442695020e+00, v1;
	v4 =	vsub.f32 v4, v0;
	v2 =	vsel vm14, v2, v7  }
0x50: {  	v3 =	vmul.f32 $1.442695020e+00, v3;
	v5 =	vsel vm15, v6, v5;
	v2 =	vsub.f32 v2, v0  }
0x51: {  	(erf) = vpow2.f32 v1;
	v1 =	vmul.f32 $1.442695020e+00, v4;
	v4 =	vsub.f32 v5, v0  }
0x52: {  	(erf) = vpow2.f32 v3;
	v2 =	vmul.f32 $1.442695020e+00, v2  }
0x53: {  	(erf) = vpow2.f32 v1;
	v1 =	vmul.f32 $1.442695020e+00, v4  }
0x54: {  	(erf) = vpow2.f32 v2  }
0x55: {  	(erf) = vpow2.f32 v1;
	_ =	sdelay $0x4  }
0x56: {  	v1 =	vpop (erf)  }
0x57: {  	v2 =	vpop (erf);
	[tilespmem:$0x5150] =	vst v1  }
0x58: {  	v1 =	vpop (erf);
	[tilespmem:$0x5160] =	vst v2  }
0x59: {  	[tilespmem:$0x5170] =	vst v1;
	v2 =	vpop (erf)  }
0x5a: {  	p0 =	seq.s32 s5, $0x0;
	[tilespmem:$0x5180] =	vst v2;
	v1 =	vpop (erf)  }
0x5b: {  	s14 =	simm.s32 @!p0 $0x8;
	[tilespmem:$0x5190] =	vst v1  }
0x5c: {  	_ =	swait.ge @!p0 [sflag:s14], $0x500  }
0x5d: {  	s21 =	sshll.u32 s5, $0x1;
	[sflag:s14] =	ssyncset.done @!p0 $0x0  }
0x5e: {  	s20 =	sor.u32 $0x1, s21;
	[sflag:s14] =	ssyncadd.s32 @!p0 $0xFFFFFB00;
	s14 =	simm.s32 @!p0 $0xA  }
0x5f: {  	s17 =	smul.u32 $0x50, s20;
	_ =	swait.ge @!p0 [sflag:s14], $0x50  }
0x60: {  	[sflag:s14] =	ssyncset.done @!p0 $0x0  }
0x61: {  	s18 =	sadd.s32 $0x10, s17;
	[sflag:s14] =	ssyncadd.s32 @!p0 $0xFFFFFFB0  }
0x62: {  	[tilespmem:s29], [sflag:$0x2] =	stream.indirect.gather [hbm4b:s6+s22], $0x10, s18, s22, $0xb8;
	[tilespmem:$0x85E8] =	vst v63  }
0x63: {  	s19 =	simm.s32 $0x0  }
0x64: {  	v1 =	vmov s19;
	[tilespmem:s30], [sflag:$0x4] =	stream.indirect.gather [hbm4b:s7+s22], $0x1, s18, s22, $0xb8;
	[tilespmem:$0x85E8] =	vst v63  }
0x65: {  	s15 =	simm.s32 $0x3;
	v1 =	vand.u32 $0xFFFFFFFC, v1;
	s18 =	simm.s32 $0x1  }
0x66: {  	s17 =	sadd.s32 $0x2810, s17;
	v2 =	vmov s15;
	s19 =	simm.s32 $0x2;
	v4 =	vbroadcast v1, $0x0;
	v3 =	vmov s18  }
0x67: {  	v1 =	vand.u32 $0xFFFFFFFD, v3;
	v3 =	vmov s19;
	[tilespmem:s31], [sflag:$0x6] =	stream.indirect.gather [hbm4b:s8+s22], $0x1, s17, s22, $0xb8;
	[tilespmem:$0x85E8] =	vst v63  }
0x68: {  	v5 =	vbroadcast v1, $0x0;
	v1 =	vand.u32 $0xFFFFFFFE, v3;
	_ =	swait.ge [sflag:s1], $0x500  }
0x69: {  	v3 =	vbroadcast v1, $0x0;
	[sflag:s1] =	ssyncset.done $0x0  }
0x6a: {  	s15 =	simm.s32 $0x4;
	[sflag:s1] =	ssyncadd.s32 $0xFFFFFB00  }
0x6b: {  	s17 =	simm.s32 $0x5;
	v1 =	vld.idx.msk [tilespmem:v2+s0+$0x0], $0xffff;
	v2 =	vmov s15  }
0x6c: {  	s14 =	simm.s32 $0x5210;
	v12 =	vld.idx.msk [tilespmem:v4+s0+$0x0], $0xffff;
	v4 =	vmov s17;
	v2 =	vand.u32 $0xFFFFFFFC, v2  }
0x6d: {  	s18 =	simm.s32 $0x7;
	s19 =	simm.s32 $0x6;
	v13 =	vld [tilespmem:s14+$0x0];
	v9 =	vbroadcast v2, $0x0;
	v2 =	vand.u32 $0xFFFFFFFD, v4  }
0x6e: {  	v7 =	vmov s18;
	v15 =	vld [tilespmem:s14+$0xFFFFFFE0];
	v14 =	vbroadcast v2, $0x0;
	v2 =	vmov s19  }
0x6f: {  	v11 =	vld.idx.msk [tilespmem:v3+s0+$0x0], $0xffff;
	v2 =	vand.u32 $0xFFFFFFFE, v2  }
0x70: {  	v6 =	vld [tilespmem:s14+$0xFFFFFFF0];
	v10 =	vbroadcast v2, $0x0  }
0x71: {  	v5 =	vld.idx.msk [tilespmem:v5+s0+$0x0], $0xffff  }
0x72: {  	s15 =	simm.s32 $0x8;
	v3 =	vld [tilespmem:s14+$0x10]  }
0x73: {  	s18 =	simm.s32 $0xB;
	v4 =	vmov s15;
	v2 =	vld.idx.msk [tilespmem:v7+s0+$0x0], $0xffff  }
0x74: {  	v8 =	vmov s18;
	s19 =	simm.s32 $0x9;
	v7 =	vand.u32 $0xFFFFFFFC, v4;
	v4 =	vld.idx.msk [tilespmem:v9+s0+$0x0], $0xffff;
	v11 =	vmul.f32 v13, v11  }
0x75: {  	s18 =	simm.s32 $0x5210;
	s17 =	simm.s32 $0xA;
	v12 =	vmul.f32 v15, v12;
	v9 =	vbroadcast v7, $0x0;
	v13 =	vmov s19;
	s19 =	simm.s32 $0xC;
	v7 =	vld.idx.msk [tilespmem:v14+s0+$0x0], $0xffff  }
.LBB2_3:
0x76: {  	p0 =	slt.u32 s19, $0x4C;
	v13 =	vand.u32 $0xFFFFFFFD, v13;
	v14 =	vmov s17;
	v15 =	vld.idx.msk [tilespmem:v10+s0+$0x0], $0xffff;
	v5 =	vmul.f32 v6, v5;
	[tilespmem:s14+$0x0] =	vst v11;
	s18 =	sadd.s32 $0x40, s18  }
0x77: {  	v16 =	vbroadcast v13, $0x0;
	v6 =	vand.u32 $0xFFFFFFFE, v14;
	v11 =	vld [tilespmem:s18+$0x0];
	[tilespmem:s14+$0xFFFFFFE0] =	vst v12;
	v3 =	vmul.f32 v3, v1  }
0x78: {  	v10 =	vbroadcast v6, $0x0;
	v12 =	vld [tilespmem:s18+$0xFFFFFFE0];
	[tilespmem:s14+$0xFFFFFFF0] =	vst v5  }
.Ltmp0:
0x79: {  	v1 =	vmov v2;
	v6 =	vld [tilespmem:s18+$0xFFFFFFF0];
	[tilespmem:s14+$0x10] =	vst v3;
	s14 =	smov.u32 s18;
	(pc) =	sbr.rel @p0 .LBB2_3-.Ltmp0, $4  }
0x7a: {  	v14 =	vmov v4;
	v3 =	vld [tilespmem:s18+$0x10]  }
0x7b: {  	s17 =	sadd.s32 $0x3, s19;
	v4 =	vmov s19;
	v5 =	vmov v7;
	v2 =	vld.idx.msk [tilespmem:v8+s0+$0x0], $0xffff  }
0x7c: {  	s15 =	sadd.s32 $0x1, s19;
	v7 =	vand.u32 $0xFFFFFFFC, v4;
	v8 =	vmov s17;
	v4 =	vld.idx.msk [tilespmem:v9+s0+$0x0], $0xffff;
	v11 =	vmul.f32 v11, v15  }
0x7d: {  	v13 =	vmov s15;
	s17 =	sadd.s32 $0x2, s19;
	s19 =	sadd.s32 $0x4, s19;
	v9 =	vbroadcast v7, $0x0;
	v7 =	vld.idx.msk [tilespmem:v16+s0+$0x0], $0xffff;
	v12 =	vmul.f32 v12, v14  }
0x7e: {  	_ =	sdelay $0x3  }
0x7f: {  	v10 =	vld.idx.msk [tilespmem:v10+s0+$0x0], $0xffff  }
0x80: {  	s15 =	sadd.s32 $0x40, s18;
	v8 =	vld.idx.msk [tilespmem:v8+s0+$0x0], $0xffff  }
0x81: {  	v14 =	vmov s17;
	v15 =	vld [tilespmem:s15+$0x0]  }
0x82: {  	v14 =	vand.u32 $0xFFFFFFFE, v14;
	v16 =	vld [tilespmem:s15+$0xFFFFFFE0]  }
0x83: {  	v13 =	vand.u32 $0xFFFFFFFD, v13;
	v17 =	vld [tilespmem:s15+$0xFFFFFFF0];
	v14 =	vbroadcast v14, $0x0  }
0x84: {  	v13 =	vbroadcast v13, $0x0;
	v18 =	vld [tilespmem:s15+$0x10]  }
0x85: {  	v5 =	vmul.f32 v6, v5;
	v9 =	vld.idx.msk [tilespmem:v9+s0+$0x0], $0xffff;
	s18 =	sadd.s32 $0x40, s15  }
0x86: {  	v1 =	vmul.f32 v3, v1;
	v3 =	vld [tilespmem:s18+$0x0]  }
0x87: {  	[tilespmem:s14+$0xFFFFFFF0] =	vst v5;
	v5 =	vmul.f32 v15, v10;
	v10 =	vld [tilespmem:s18+$0xFFFFFFE0]  }
0x88: {  	[tilespmem:s14+$0x10] =	vst v1;
	v1 =	vmul.f32 v16, v4;
	v4 =	vld [tilespmem:s18+$0xFFFFFFF0]  }
0x89: {  	[tilespmem:s14+$0x0] =	vst v11;
	v6 =	vld.idx.msk [tilespmem:v14+s0+$0x0], $0xffff  }
0x8a: {  	v13 =	vld.idx.msk [tilespmem:v13+s0+$0x0], $0xffff;
	[tilespmem:s15+$0x0] =	vst v5  }
0x8b: {  	v5 =	vld [tilespmem:s18+$0x10];
	[tilespmem:s15+$0xFFFFFFE0] =	vst v1;
	v1 =	vmul.f32 v18, v2  }
0x8c: {  	[tilespmem:s14+$0xFFFFFFE0] =	vst v12;
	v7 =	vmul.f32 v17, v7  }
0x8d: {  	[tilespmem:s15+$0x10] =	vst v1;
	v1 =	vmul.f32 v10, v9  }
0x8e: {  	[tilespmem:s15+$0xFFFFFFF0] =	vst v7;
	v2 =	vmul.f32 v3, v6  }
0x8f: {  	s19 =	smul.u32 $0x280, s5;
	v3 =	vmul.f32 v4, v13;
	[tilespmem:s18+$0xFFFFFFE0] =	vst v1  }
0x90: {  	v1 =	vmul.f32 v5, v8;
	[tilespmem:s18+$0x0] =	vst v2  }
0x91: {  	s14 =	sshra.s32 s19, $0x2;
	[tilespmem:s18+$0xFFFFFFF0] =	vst v3  }
0x92: {  	s14 =	sadd.s32 $0x2810, s14;
	[tilespmem:s18+$0x10] =	vst v1  }
0x93: {  	[spmem:s3] =	stream.indirect.scatter.add.f32 [tilespmem:s23], [sflag:$0x7], $0x10, s14, s22, $0xb8;
	[tilespmem:$0x85E8] =	vst v63  }
0x94: {  	_ = 	snop  }
0x95: {  	[spmem:s4] =	stream.indirect.scatter.add.f32 [tilespmem:s0], [sflag:$0x9], $0x1, s14, s22, $0xb8;
	[tilespmem:$0x85E8] =	vst v63  }
0x96: {  	_ =	swait.ge [sflag:s2], $0x50  }
0x97: {  	[sflag:s2] =	ssyncset.done $0x0  }
0x98: {  	[sflag:s2] =	ssyncadd.s32 $0xFFFFFFB0  }
0x99: {  	_ =	swait.ge [sflag:s9], $0x50  }
0x9a: {  	[sflag:s9] =	ssyncset.done $0x0  }
0x9b: {  	[sflag:s9] =	ssyncadd.s32 $0xFFFFFFB0  }
0x9c: {  	v1 =	vld [tilespmem:$0x5060]  }
0x9d: {  	v2 =	vld [tilespmem:$0x5100]  }
0x9e: {  	v3 =	vld [tilespmem:$0x5070]  }
0x9f: {  	v4 =	vld [tilespmem:$0x5110]  }
0xa0: {  	v5 =	vld [tilespmem:$0x5080]  }
0xa1: {  	v6 =	vld [tilespmem:$0x5120]  }
0xa2: {  	v9 =	vld [tilespmem:$0x50A0]  }
0xa3: {  	v10 =	vld [tilespmem:$0x5140]  }
0xa4: {  	v7 =	vld [tilespmem:$0x5130]  }
0xa5: {  	v1 =	vadd.f32 v2, v1;
	v2 =	vld [tilespmem:$0x5090];
	_ =	sdelay $0x1  }
0xa6: {  	v3 =	vadd.f32 v4, v3  }
0xa7: {  	v5 =	vadd.f32 v6, v5;
	v6 =	vadd.f32 v10, v9;
	v8 =	vmul.f32 $2.000000030e-01, v1  }
0xa8: {  	vm0 =	vge.f32 v1, $0.0e+00;
	v4 =	vmul.f32 $2.000000030e-01, v3;
	vm12 =	vge.f32 v3, $0.0e+00  }
0xa9: {  	vm13 =	vge.f32 v5, $0.0e+00;
	vm15 =	vge.f32 v6, $0.0e+00;
	v2 =	vadd.f32 v7, v2  }
0xaa: {  	v1 =	vsel vm0, v1, v8;
	v3 =	vsel vm12, v3, v4;
	v4 =	vmul.f32 $2.000000030e-01, v5  }
0xab: {  	v1 =	vsub.f32 v1, v0;
	v3 =	vsub.f32 v3, v0;
	v7 =	vmul.f32 $2.000000030e-01, v2  }
0xac: {  	v4 =	vsel vm13, v5, v4;
	v5 =	vmul.f32 $2.000000030e-01, v6;
	vm14 =	vge.f32 v2, $0.0e+00  }
0xad: {  	v1 =	vmul.f32 $1.442695020e+00, v1;
	v4 =	vsub.f32 v4, v0;
	v2 =	vsel vm14, v2, v7  }
0xae: {  	v3 =	vmul.f32 $1.442695020e+00, v3;
	v5 =	vsel vm15, v6, v5;
	v2 =	vsub.f32 v2, v0  }
0xaf: {  	(erf) = vpow2.f32 v1;
	v1 =	vmul.f32 $1.442695020e+00, v4;
	v4 =	vsub.f32 v5, v0  }
0xb0: {  	(erf) = vpow2.f32 v3;
	v2 =	vmul.f32 $1.442695020e+00, v2  }
0xb1: {  	(erf) = vpow2.f32 v1;
	v1 =	vmul.f32 $1.442695020e+00, v4  }
0xb2: {  	(erf) = vpow2.f32 v2  }
0xb3: {  	(erf) = vpow2.f32 v1;
	_ =	sdelay $0x4  }
0xb4: {  	v1 =	vpop (erf)  }
0xb5: {  	v2 =	vpop (erf);
	[tilespmem:$0x51A0] =	vst v1  }
0xb6: {  	v1 =	vpop (erf);
	[tilespmem:$0x51B0] =	vst v2  }
0xb7: {  	[tilespmem:$0x51C0] =	vst v1;
	v2 =	vpop (erf)  }
0xb8: {  	[tilespmem:$0x51D0] =	vst v2;
	v1 =	vpop (erf)  }
0xb9: {  	[tilespmem:$0x51E0] =	vst v1  }
0xba: {  	_ =	swait.ge [sflag:s10], $0x500  }
0xbb: {  	[sflag:s10] =	ssyncset.done $0x0  }
0xbc: {  	s15 =	smin.u32 s21, $0x7D;
	[sflag:s10] =	ssyncadd.s32 $0xFFFFFB00  }
0xbd: {  	s14 =	smul.u32 $0x50, s15;
	_ =	swait.ge [sflag:s11], $0x50  }
0xbe: {  	[sflag:s11] =	ssyncset.done $0x0  }
0xbf: {  	s18 =	simm.s32 $0x0;
	s17 =	sadd.s32 $0xB0, s14;
	[sflag:s11] =	ssyncadd.s32 $0xFFFFFFB0  }
0xc0: {  	[tilespmem:s23], [sflag:$0x1] =	stream.indirect.gather [hbm4b:s6+s22], $0x10, s17, s22, $0xb8;
	[tilespmem:$0x85E8] =	vst v63  }
0xc1: {  	s19 =	simm.s32 $0x3;
	s21 =	simm.s32 $0x1;
	v1 =	vmov s18  }
0xc2: {  	v3 =	vmov s21;
	v1 =	vand.u32 $0xFFFFFFFC, v1;
	[tilespmem:s24], [sflag:$0x3] =	stream.indirect.gather [hbm4b:s7+s22], $0x1, s17, s22, $0xb8;
	[tilespmem:$0x85E8] =	vst v63  }
0xc3: {  	s14 =	sadd.s32 $0x28B0, s14;
	v2 =	vmov s19;
	v4 =	vbroadcast v1, $0x0;
	v1 =	vand.u32 $0xFFFFFFFD, v3;
	s17 =	simm.s32 $0x2  }
0xc4: {  	v5 =	vbroadcast v1, $0x0;
	v3 =	vmov s17;
	[tilespmem:s25], [sflag:$0x5] =	stream.indirect.gather [hbm4b:s8+s22], $0x1, s14, s22, $0xb8;
	[tilespmem:$0x85E8] =	vst v63  }
0xc5: {  	v1 =	vand.u32 $0xFFFFFFFE, v3;
	_ =	swait.ge [sflag:s12], $0x500  }
0xc6: {  	v3 =	vbroadcast v1, $0x0;
	[sflag:s12] =	ssyncset.done $0x0  }
0xc7: {  	s18 =	simm.s32 $0x4;
	[sflag:s12] =	ssyncadd.s32 $0xFFFFFB00  }
0xc8: {  	s19 =	simm.s32 $0x5;
	v1 =	vld.idx.msk [tilespmem:v2+s13+$0x0], $0xffff;
	v2 =	vmov s18  }
0xc9: {  	v12 =	vld.idx.msk [tilespmem:v4+s13+$0x0], $0xffff;
	v4 =	vmov s19;
	v2 =	vand.u32 $0xFFFFFFFC, v2  }
0xca: {  	s21 =	simm.s32 $0x7;
	s17 =	simm.s32 $0x6;
	s14 =	simm.s32 $0x5710;
	v5 =	vld.idx.msk [tilespmem:v5+s13+$0x0], $0xffff;
	v9 =	vbroadcast v2, $0x0;
	v2 =	vand.u32 $0xFFFFFFFD, v4  }
0xcb: {  	v7 =	vmov s21;
	v13 =	vld [tilespmem:s14+$0x0];
	v14 =	vbroadcast v2, $0x0;
	v2 =	vmov s17  }
0xcc: {  	v11 =	vld.idx.msk [tilespmem:v3+s13+$0x0], $0xffff;
	v2 =	vand.u32 $0xFFFFFFFE, v2  }
0xcd: {  	v15 =	vld [tilespmem:s14+$0xFFFFFFE0];
	v10 =	vbroadcast v2, $0x0  }
0xce: {  	v6 =	vld [tilespmem:s14+$0xFFFFFFF0]  }
0xcf: {  	s18 =	simm.s32 $0x8;
	v3 =	vld [tilespmem:s14+$0x10]  }
0xd0: {  	s19 =	simm.s32 $0xB;
	v4 =	vmov s18;
	v2 =	vld.idx.msk [tilespmem:v7+s13+$0x0], $0xffff  }
0xd1: {  	s21 =	simm.s32 $0x9;
	v8 =	vmov s19;
	v7 =	vand.u32 $0xFFFFFFFC, v4;
	v4 =	vld.idx.msk [tilespmem:v9+s13+$0x0], $0xffff;
	v11 =	vmul.f32 v13, v11  }
0xd2: {  	s19 =	simm.s32 $0xC;
	s18 =	simm.s32 $0x5710;
	s17 =	simm.s32 $0xA;
	v12 =	vmul.f32 v15, v12;
	v9 =	vbroadcast v7, $0x0;
	v13 =	vmov s21;
	v7 =	vld.idx.msk [tilespmem:v14+s13+$0x0], $0xffff  }
.LBB2_5:
0xd3: {  	p0 =	slt.u32 s19, $0x4C;
	v13 =	vand.u32 $0xFFFFFFFD, v13;
	v14 =	vmov s17;
	v15 =	vld.idx.msk [tilespmem:v10+s13+$0x0], $0xffff;
	v5 =	vmul.f32 v6, v5;
	[tilespmem:s14+$0x0] =	vst v11;
	s18 =	sadd.s32 $0x40, s18  }
0xd4: {  	v16 =	vbroadcast v13, $0x0;
	v6 =	vand.u32 $0xFFFFFFFE, v14;
	v11 =	vld [tilespmem:s18+$0x0];
	[tilespmem:s14+$0xFFFFFFE0] =	vst v12;
	v3 =	vmul.f32 v3, v1  }
0xd5: {  	v10 =	vbroadcast v6, $0x0;
	v12 =	vld [tilespmem:s18+$0xFFFFFFE0];
	[tilespmem:s14+$0xFFFFFFF0] =	vst v5  }
.Ltmp1:
0xd6: {  	v1 =	vmov v2;
	v6 =	vld [tilespmem:s18+$0xFFFFFFF0];
	[tilespmem:s14+$0x10] =	vst v3;
	s14 =	smov.u32 s18;
	(pc) =	sbr.rel @p0 .LBB2_5-.Ltmp1, $4  }
0xd7: {  	v14 =	vmov v4;
	v3 =	vld [tilespmem:s18+$0x10]  }
0xd8: {  	s15 =	sadd.s32 $0x3, s19;
	v4 =	vmov s19;
	v5 =	vmov v7;
	v2 =	vld.idx.msk [tilespmem:v8+s13+$0x0], $0xffff  }
0xd9: {  	s17 =	sadd.s32 $0x1, s19;
	v7 =	vand.u32 $0xFFFFFFFC, v4;
	v8 =	vmov s15;
	v4 =	vld.idx.msk [tilespmem:v9+s13+$0x0], $0xffff;
	v11 =	vmul.f32 v11, v15  }
0xda: {  	v13 =	vmov s17;
	s17 =	sadd.s32 $0x2, s19;
	s19 =	sadd.s32 $0x4, s19;
	v9 =	vbroadcast v7, $0x0;
	v7 =	vld.idx.msk [tilespmem:v16+s13+$0x0], $0xffff;
	v12 =	vmul.f32 v12, v14  }
0xdb: {  	_ =	sdelay $0x3  }
0xdc: {  	v10 =	vld.idx.msk [tilespmem:v10+s13+$0x0], $0xffff  }
0xdd: {  	s15 =	sadd.s32 $0x40, s18;
	v8 =	vld.idx.msk [tilespmem:v8+s13+$0x0], $0xffff  }
0xde: {  	v15 =	vld [tilespmem:s15+$0x0]  }
0xdf: {  	v14 =	vmov s17;
	v16 =	vld [tilespmem:s15+$0xFFFFFFE0]  }
0xe0: {  	v14 =	vand.u32 $0xFFFFFFFE, v14;
	v17 =	vld [tilespmem:s15+$0xFFFFFFF0]  }
0xe1: {  	v13 =	vand.u32 $0xFFFFFFFD, v13;
	v18 =	vld [tilespmem:s15+$0x10];
	v14 =	vbroadcast v14, $0x0  }
0xe2: {  	v13 =	vbroadcast v13, $0x0;
	v9 =	vld.idx.msk [tilespmem:v9+s13+$0x0], $0xffff;
	s19 =	sadd.s32 $0x40, s15  }
0xe3: {  	v1 =	vmul.f32 v3, v1;
	v3 =	vld [tilespmem:s19+$0x0]  }
0xe4: {  	[tilespmem:s14+$0x0] =	vst v11;
	v61 =	vld [tilespmem:s19+$0xFFFFFFE0]  }
0xe5: {  	v62 =	vld [tilespmem:s19+$0xFFFFFFF0];
	[tilespmem:s14+$0x10] =	vst v1;
	v1 =	vmul.f32 v16, v4  }
0xe6: {  	v5 =	vmul.f32 v6, v5;
	[tilespmem:s14+$0xFFFFFFE0] =	vst v12;
	v63 =	vld [tilespmem:s19+$0x10]  }
0xe7: {  	v59 =	vld.idx.msk [tilespmem:v14+s13+$0x0], $0xffff;
	[tilespmem:s15+$0xFFFFFFE0] =	vst v1;
	v1 =	vmul.f32 v18, v2  }
0xe8: {  	[tilespmem:s14+$0xFFFFFFF0] =	vst v5;
	v60 =	vmul.f32 v15, v10;
	v13 =	vld.idx.msk [tilespmem:v13+s13+$0x0], $0xffff  }
0xe9: {  	[tilespmem:s15+$0x10] =	vst v1;
	v1 =	vmul.f32 v61, v9  }
0xea: {  	v7 =	vmul.f32 v17, v7;
	[tilespmem:s15+$0x0] =	vst v60  }
0xeb: {  	[tilespmem:s19+$0xFFFFFFE0] =	vst v1;
	v1 =	vmul.f32 v63, v8  }
0xec: {  	s21 =	smul.u32 $0x140, s20;
	s5 =	sadd.s32 $0x1, s5;
	[tilespmem:s15+$0xFFFFFFF0] =	vst v7;
	v2 =	vmul.f32 v3, v59  }
0xed: {  	p0 =	sne.s32 s5, $0x40;
	v3 =	vmul.f32 v62, v13;
	[tilespmem:s19+$0x10] =	vst v1  }
.Ltmp2:
0xee: {  	s14 =	sshra.s32 s21, $0x2;
	[tilespmem:s19+$0x0] =	vst v2;
	(pc) =	sbr.rel @p0 .LBB2_2-.Ltmp2, $4  }
0xef: {  	s14 =	sadd.s32 $0x2810, s14;
	[tilespmem:s19+$0xFFFFFFF0] =	vst v3  }
0xf0: {  	[spmem:s3] =	stream.indirect.scatter.add.f32 [tilespmem:s29], [sflag:$0x8], $0x10, s14, s22, $0xb8;
	[tilespmem:$0x85E8] =	vst v63  }
0xf1: {  	_ = 	snop  }
0xf2: {  	[spmem:s4] =	stream.indirect.scatter.add.f32 [tilespmem:s13], [sflag:$0xA], $0x1, s14, s22, $0xb8;
	[tilespmem:$0x85E8] =	vst v63  }
0xf3: {  	_ =	swait.ge [sflag:s1], $0x500  }
0xf4: {  	[sflag:s1] =	ssyncset.done $0x0  }
0xf5: {  	[sflag:s1] =	ssyncadd.s32 $0xFFFFFB00  }
0xf6: {  	_ =	swait.ge [sflag:s26], $0x50  }
0xf7: {  	[sflag:s26] =	ssyncset.done $0x0  }
0xf8: {  	[sflag:s26] =	ssyncadd.s32 $0xFFFFFFB0  }
0xf9: {  	_ =	swait.ge [sflag:s28], $0x50  }
0xfa: {  	[sflag:s28] =	ssyncset.done $0x0  }
0xfb: {  	s5 =	simm.s32 $0x8;
	[sflag:s28] =	ssyncadd.s32 $0xFFFFFFB0  }
0xfc: {  	_ =	swait.ge [sflag:s5], $0x500  }
0xfd: {  	[sflag:s5] =	ssyncset.done $0x0  }
0xfe: {  	s18 =	simm.s32 $0xA;
	[sflag:s5] =	ssyncadd.s32 $0xFFFFFB00  }
0xff: {  	_ =	swait.ge [sflag:s18], $0x50  }
0x100: {  	[sflag:s18] =	ssyncset.done $0x0  }
0x101: {  	[sflag:s18] =	ssyncadd.s32 $0xFFFFFFB0  }
0x102: {  	[bflag:$0x0] =	sbarrier.arrive $0xFFFF  }
0x103: {  	s19 =	rddreg [dreg:$0x7]  }
0x104: {  	s15 =	rddreg [dreg:$0xc]  }
0x105: {  	s17 =	rddreg [dreg:$0xd]  }
0x106: {  	[hbm:s19], [sflag:s15] =	dma.local [spmem:s17], $0x4F0  }
0x107: {  	_ =	swait.ge [sflag:s16], $0x4F0  }
0x108: {  	[sflag:s16] =	ssyncset.done $0x0;
	s20 =	rddreg [dreg:$0x8]  }
0x109: {  	s18 =	rddreg [dreg:$0xe];
	[sflag:s16] =	ssyncadd.s32 $0xFFFFFB10  }
0x10a: {  	[hbm:s20], [sflag:s15] =	dma.local [spmem:s18], $0x4F  }
0x10b: {  	_ =	swait.ge [sflag:s16], $0x4F  }
0x10c: {  	s14 =	rddreg [dreg:$0xf]  }
0x10d: {  	s21 =	rddreg [dreg:$0x9];
	s14 =	sadd.s32 $0x1, s14  }
0x10e: {  	p0 =	sne.s32 s14, s21  }
.Ltmp3:
0x10f: {  	_ = 	snop;
	(pc) =	sbr.rel @p0 .LBB2_1-.Ltmp3, $3  }
0x110: {  	_ =	sdelay $0x1  }
0x111: {  	[sflag:s16] =	ssyncset.done $0x0  }
0x112: {  	[sflag:s16] =	ssyncadd.s32 $0xFFFFFFB1  }
0x113: {  	_ =	sfence.sel $0x180000  }
0x114: {  	[bflag:$0x0] =	sbarrier.arrive $0xFFFF  }
0x115: {  	_ =	strace $0x9000004A  }
0x116: {  	s0 =	stileid.u32;
	[bflag:$0x2] =	sbarrier.arrive $0xFFFF  }
0x117: {  	p0 =	sne.s32 s0, $0x0;
	s0 =	rddreg [dreg:$0x4]  }
0x118: {  	s0 =	sadd.s32 @!p0 $0x100000, s0  }
0x119: {  	[sflag:s0] =	ssyncadd.tile.s32 @!p0 $0x1;
	_ =	shalt  }
.Lfunc_end2:
_tile_overlayer_lowered:
.L_overlay_start_2:
0x11a: {  	(tag) =	ssettag $0x2  }
0x11b: {  	s0 =	rddreg [dreg:$0x0];
	s2 =	stileid.u32  }
0x11c: {  	s1 =	rddreg [dreg:$0x1];
	p0 =	sne.s32 s2, $0x0  }
0x11d: {  	s3 =	rddreg [dreg:$0x2];
	[bflag:$0x3] =	sbarrier.arrive $0xFFFF;
	s2 =	simm.s32 @!p0 $0x1C0B  }
0x11e: {  	[timem:s3], [sflag:s2] =	dma.local @!p0 [hbm:s0], s1  }
0x11f: {  	s0 =	simm.s32 @!p0 $0xB  }
0x120: {  	_ =	swait.ge @!p0 [sflag:s0], s1  }
0x121: {  	s1 =	ssub.s32 @!p0 $0x0, s1;
	[sflag:s0] =	ssyncset.done @!p0 $0x0  }
0x122: {  	[sflag:s0] =	ssyncadd.s32 @!p0 s1  }
0x123: {  	[bflag:$0x3] =	sbarrier.arrive $0xFFFF  }
0x124: {  	_ =	shalt  }

// kernel: kernel.7.cloned.1.call-start
scs
__scs_entry_jumppad:
0x0: {  	(pc) =	sbr.rel $0x88, $3  }
0x1: {  	(tag) =	ssettag $0x0;
	lr =	simm.s32 $0x1  }
0x2: {  	[smem:$0x3F96] =	sst lr;
	_ =	strace $0xD0000000  }
0x3: {  	_ = 	snop  }
0x4: {  	_ = 	snop  }
0x5: {  	_ = 	snop  }
0x6: {  	_ = 	snop  }
0x7: {  	_ = 	snop  }
__scs_overlays_trampoline_lowered:
0x8: {  	[smem:$0x3FA5] =	sst s0  }
0x9: {  	[smem:$0x3FA6] =	sst s1  }
0xa: {  	[smem:$0x3FA7] =	sst s2  }
0xb: {  	[smem:$0x3FA8] =	sst s3  }
0xc: {  	[smem:$0x3FA9] =	sst s4  }
0xd: {  	[smem:$0x3FAA] =	sst s5  }
0xe: {  	[smem:$0x3FAB] =	sst s6  }
0xf: {  	[smem:$0x3FAC] =	sst s7  }
0x10: {  	[smem:$0x3FAD] =	sst s8  }
0x11: {  	[smem:$0x3FAE] =	sst s9;
	s0 =	simm.s32 @!p0 $0x0  }
0x12: {  	s1 =	sld [smem:$0x3F94];
	s0 =	simm.s32 @p0 $0x1  }
0x13: {  	[smem:$0x3FAF] =	sst s0;
	s0 =	simm.s32 @!p1 $0x0  }
0x14: {  	s2 =	sld [smem:$0x3F93];
	s0 =	simm.s32 @p1 $0x1  }
0x15: {  	[smem:$0x3FB0] =	sst s0;
	s0 =	simm.s32 @!p2 $0x0  }
0x16: {  	s3 =	sld [smem:$0x3FDB];
	s0 =	simm.s32 @p2 $0x1  }
0x17: {  	s4 =	simm.s32 $0x1BF5;
	[smem:$0x3FB2] =	sst s0  }
0x18: {  	s0 =	sld [smem:$0x3F95];
	_ =	swait.ge [sflag:s4], $0x0  }
0x19: {  	s7 =	sld [smem:$0x3F96]  }
0x1a: {  	s8 =	sadd.s32 $0xFFFFE003, lr  }
0x1b: {  	s9 =	sadd.s32 $0xFFFFFEF7, lr;
	s5 =	simm.s32 $0xFFFFFFFF;
	p2 =	slt.u32 s8, $0xFFFFF086  }
0x1c: {  	p1 =	slt.u32 s9, $0xF7A;
	s5 =	simm.s32 @!p2 $0x0  }
0x1d: {  	s5 =	simm.s32 @p1 $0x1;
	p0 =	seq.s32 s7, s2  }
0x1e: {  	s7 =	smul.u32 @!p0 $0xF7A, s2;
	p2 =	seq.s32 @!p0 s5, $0x0  }
0x1f: {  	s9 =	smul.u32 $0xF7A, s1;
	s8 =	simm.s32 @!p0 $0x1BF5;
	p2 =	por !p2, p0  }
0x20: {  	[sflag:s8] =	ssyncset.s32 @!p0 $0xFFFFF086;
	s6 =	sadd.s32 @!p0 s3, s7;
	s7 =	simm.s32 @!p0 $0x108  }
0x21: {  	s3 =	sadd.s32 s3, s9;
	s6 =	sadd.s32 @!p0 $0x88, s6;
	s7 =	simm.s32 @p2 $0x1082  }
0x22: {  	[simem:s7], [sflag:s8] =	dma.local @!p0 [hbm:s6], $0xF7A  }
0x23: {  	s9 =	sor.u32 $0xD0000000, s2;
	s6 =	simm.s32 $0x108;
	_ =	swait.ge @!p0 [sflag:s8], $0x0  }
0x24: {  	s3 =	sadd.s32 $0x88, s3;
	s6 =	simm.s32 @!p1 $0x1082;
	[sflag:s4] =	ssyncset.s32 $0xFFFFF086  }
0x25: {  	[simem:s6], [sflag:s4] =	dma.local [hbm:s3], $0xF7A  }
0x26: {  	[smem:$0x3F96] =	sst s1;
	(tag) =	ssettag s2;
	_ =	strace s9  }
0x27: {  	s1 =	sld [smem:$0x3FA6]  }
0x28: {  	s2 =	sld [smem:$0x3FA7]  }
0x29: {  	s4 =	sld [smem:$0x3FA9]  }
0x2a: {  	p0 =	seq.s32 s5, $0x0;
	s5 =	sld [smem:$0x3FAA]  }
0x2b: {  	s6 =	sld [smem:$0x3FAB]  }
0x2c: {  	s7 =	sld [smem:$0x3FAC]  }
0x2d: {  	s3 =	simm.s32 $0x108;
	s8 =	sld [smem:$0x3FAD]  }
0x2e: {  	s3 =	simm.s32 @!p0 $0x1082;
	s9 =	sld [smem:$0x3FAE]  }
0x2f: {  	lr =	sadd.s32 s0, s3;
	s0 =	sld [smem:$0x3FA5]  }
0x30: {  	s3 =	sld [smem:$0x3FA8]  }
0x31: {  	[smem:$0x3FB1] =	sst s10  }
0x32: {  	s10 =	sld [smem:$0x3FAF];
	_ =	sdelay $0x3  }
0x33: {  	p0 =	seq.s32 s10, $0x1;
	s10 =	sld [smem:$0x3FB1];
	_ =	sdelay $0x3  }
0x34: {  	[smem:$0x3FB1] =	sst s10  }
0x35: {  	s10 =	sld [smem:$0x3FB0];
	_ =	sdelay $0x3  }
0x36: {  	p1 =	seq.s32 s10, $0x1;
	s10 =	sld [smem:$0x3FB1];
	_ =	sdelay $0x3  }
0x37: {  	[smem:$0x3FB1] =	sst s10  }
0x38: {  	s10 =	sld [smem:$0x3FB2]  }
0x39: {  	_ = 	snop;
	(pc) =	sbr.ind lr, $3  }
0x3a: {  	_ = 	snop  }
0x3b: {  	_ = 	snop  }
0x3c: {  	p2 =	seq.s32 s10, $0x1;
	s10 =	sld [smem:$0x3FB1]  }
0x3d: {  	_ =	shalt  }
0x3e: {  	_ =	shalt  }
0x3f: {  	_ =	shalt  }
0x40: {  	_ =	shalt  }
0x41: {  	_ =	shalt  }
0x42: {  	_ =	shalt  }
0x43: {  	_ =	shalt  }
0x44: {  	_ =	shalt  }
0x45: {  	_ =	shalt  }
0x46: {  	_ =	shalt  }
0x47: {  	_ =	shalt  }
0x48: {  	_ =	shalt  }
0x49: {  	_ =	shalt  }
0x4a: {  	_ =	shalt  }
0x4b: {  	_ =	shalt  }
0x4c: {  	_ =	shalt  }
0x4d: {  	_ =	shalt  }
0x4e: {  	_ =	shalt  }
0x4f: {  	_ =	shalt  }
0x50: {  	_ =	shalt  }
0x51: {  	_ =	shalt  }
0x52: {  	_ =	shalt  }
0x53: {  	_ =	shalt  }
0x54: {  	_ =	shalt  }
0x55: {  	_ =	shalt  }
0x56: {  	_ =	shalt  }
0x57: {  	_ =	shalt  }
0x58: {  	_ =	shalt  }
0x59: {  	_ =	shalt  }
0x5a: {  	_ =	shalt  }
0x5b: {  	_ =	shalt  }
0x5c: {  	_ =	shalt  }
0x5d: {  	_ =	shalt  }
0x5e: {  	_ =	shalt  }
0x5f: {  	_ =	shalt  }
0x60: {  	_ =	shalt  }
0x61: {  	_ =	shalt  }
0x62: {  	_ =	shalt  }
0x63: {  	_ =	shalt  }
0x64: {  	_ =	shalt  }
0x65: {  	_ =	shalt  }
0x66: {  	_ =	shalt  }
0x67: {  	_ =	shalt  }
0x68: {  	_ =	shalt  }
0x69: {  	_ =	shalt  }
0x6a: {  	_ =	shalt  }
0x6b: {  	_ =	shalt  }
0x6c: {  	_ =	shalt  }
0x6d: {  	_ =	shalt  }
0x6e: {  	_ =	shalt  }
0x6f: {  	_ =	shalt  }
0x70: {  	_ =	shalt  }
0x71: {  	_ =	shalt  }
0x72: {  	_ =	shalt  }
0x73: {  	_ =	shalt  }
0x74: {  	_ =	shalt  }
0x75: {  	_ =	shalt  }
0x76: {  	_ =	shalt  }
0x77: {  	_ =	shalt  }
0x78: {  	_ =	shalt  }
0x79: {  	_ =	shalt  }
0x7a: {  	_ =	shalt  }
0x7b: {  	_ =	shalt  }
0x7c: {  	_ =	shalt  }
0x7d: {  	_ =	shalt  }
0x7e: {  	_ =	shalt  }
0x7f: {  	_ =	shalt  }
0x80: {  	_ =	shalt  }
0x81: {  	_ =	shalt  }
0x82: {  	_ =	shalt  }
0x83: {  	_ =	shalt  }
0x84: {  	_ =	shalt  }
0x85: {  	_ =	shalt  }
0x86: {  	_ =	shalt  }
0x87: {  	_ =	shalt  }
.Lfunc_end0:
.L_simem_size_0:
called_computation_lowered:
.L_overlay_start_0:
0x88: {  	s2 =	sld [smem:$0x3FD9]  }
0x89: {  	s3 =	sld [smem:$0x3FFE];
	_ =	sdelay $0x1  }
0x8a: {  	s1 =	srdreg.scid  }
0x8b: {  	s0 =	sand.u32 $0x1, s1  }
0x8c: {  	s17 =	sshll.u32 s0, $0xA;
	s2 =	sadd.s32 s3, s2  }
0x8d: {  	s2 =	sadd.s32 s2, s17  }
0x8e: {  	[smem:$0x3FBD] =	sst s2  }
0x8f: {  	_ = 	snop  }
0x90: {  	s2 =	sld [smem:$0x3FD0];
	(tm) =	ssettm $0x1  }
0x91: {  	s18 =	sld [smem:$0x3FFB];
	_ =	sdelay $0x3  }
0x92: {  	_ =	strace s18  }
0x93: {  	s3 =	sld [smem:$0x3FFC];
	_ =	sdelay $0x3  }
0x94: {  	_ =	strace s3  }
0x95: {  	s3 =	sld [smem:$0x3FFD];
	_ =	sdelay $0x3  }
0x96: {  	_ =	strace s3  }
0x97: {  	_ =	strace $0x8FFFFFFF  }
0x98: {  	s19 =	sld [smem:$0x3FDB];
	_ =	sdelay $0x1  }
0x99: {  	s4 =	simm.s32 $_scs_section_size  }
0x9a: {  	s5 =	simm.s32 $_size__tile_overlayer_lowered;
	s6 =	simm.s32 $_tile_overlayer_lowered  }
0x9b: {  	s22 =	simm.s32 $0x1BFF;
	s21 =	sshll.u32 s6, $0x1;
	s3 =	sadd.s32 s4, s19  }
0x9c: {  	s7 =	simm.s32 $0x0;
	s20 =	sshll.u32 s5, $0x1;
	s5 =	sadd.s32 s21, s3  }
0x9d: {  	[timem:s7], [sflag:s22] =	dma.local [hbm:s5], s20  }
0x9e: {  	_ =	swait.ge [sflag:s22], s20  }
0x9f: {  	s4 =	ssub.s32 $0x0, s20;
	[sflag:s22] =	ssyncset.done $0x0  }
0xa0: {  	[sflag:s22] =	ssyncadd.s32 s4;
	_ =	sdelay $0x1  }
0xa1: {  	s23 =	simm.s32 $0x1B8B  }
0xa2: {  	_ =	swait.ge [sflag:s23], $0x1  }
0xa3: {  	[sflag:s23] =	ssyncset.done $0x0  }
0xa4: {  	s25 =	simm.s32 $0x1B8E;
	s24 =	sld [smem:$0x3FFE];
	[sflag:s23] =	ssyncadd.s32 $0xFFFFFFFF  }
0xa5: {  	s26 =	simm.s32 $execute0_lowered;
	[smem:$0x3FD2] =	sst s25  }
0xa6: {  	s5 =	sshll.u32 s26, $0x1;
	_ =	strace $0x80000046;
	[dreg:$0x1] =	wrdreg $0xFFFFFFFF  }
0xa7: {  	s28 =	simm.s32 $_size_execute0_lowered;
	s3 =	sadd.s32 s3, s5;
	[dreg:$0x0] =	wrdreg $0x0  }
0xa8: {  	s5 =	sshll.u32 s28, $0x1;
	[dreg:$0x2] =	wrdreg s3  }
0xa9: {  	[dreg:$0x3] =	wrdreg s5  }
0xaa: {  	[dreg:$0x4] =	wrdreg $0xC0  }
0xab: {  	_ =	task [dreg:s7], $0x5FFFF  }
0xac: {  	[dreg:$0x1] =	wrdreg $0xFFFFFFFF  }
0xad: {  	[dreg:$0x0] =	wrdreg $0x60  }
0xae: {  	[dreg:$0x2] =	wrdreg s24  }
0xaf: {  	[dreg:$0x3] =	wrdreg s2  }
0xb0: {  	[dreg:$0x4] =	wrdreg $0xA1F00  }
0xb1: {  	[dreg:$0x5] =	wrdreg $0x1DDF00  }
0xb2: {  	[dreg:$0x6] =	wrdreg $0x9  }
0xb3: {  	_ =	task.clear_ibuf [dreg:s7], $0x7FFFF;
	_ =	strace $0x90000046  }
0xb4: {  	s29 =	simm.s32 $0x9;
	_ =	strace $0x80000048  }
0xb5: {  	_ =	swait.ge [sflag:s29], $0x1  }
0xb6: {  	[sflag:s29] =	ssyncadd.s32 $0xFFFFFFFF  }
0xb7: {  	_ =	strace $0x90000048  }
0xb8: {  	_ =	sfence  }
0xb9: {  	s30 =	sld [smem:$0x0];
	_ =	sdelay $0x2  }
0xba: {  	s31 =	sshll.u32 s1, $0xD;
	s1 =	sshrl.u32 s1, $0x2  }
0xbb: {  	s3 =	sand.u32 $0x4000, s31;
	s1 =	sadd.s32 s1, s30  }
0xbc: {  	s0 =	sor.u32 s3, s0;
	s1 =	sshll.u32 s1, $0x11  }
0xbd: {  	s0 =	sor.u32 s1, s0  }
0xbe: {  	s0 =	sadd.s32 $0x8F2B, s0  }
0xbf: {  	[sflag:s0] =	ssyncadd.remote.s32 $0x1  }
0xc0: {  	_ =	sfence.sel $0xFFFF  }
0xc1: {  	[dreg:$0x0] =	wrdreg $0xFFFFFFFF;
	(pc) =	sbr.abs _section_cstart, $3  }
0xc2: {  	[dreg:$0x1] =	wrdreg $0xFFFFFFFF  }
0xc3: {  	_ =	task.clear_ibuf [dreg:s7], $0x2FFFF;
	_ =	strace $0x9FFFFFFF  }
0xc4: {  	(tm) =	ssettm $0x7FFFFFFF  }
0xc5: {  	_ =	shalt  }
tec
execute0_lowered:
.L_overlay_start_1:
0x0: {  	(tag) =	ssettag $0x1  }
0x1: {  	s0 =	rddreg [dreg:$0x0]  }
0x2: {  	s3 =	rddreg [dreg:$0x2];
	s15 =	stileid.u32  }
0x3: {  	s4 =	rddreg [dreg:$0x3];
	s6 =	simm.s32 $0x0;
	s2 =	srdreg.scid  }
0x4: {  	s16 =	simm.s32 $0xB;
	s28 =	simm.s32 $0x5;
	s1 =	smul.u32 $0x2800, s15  }
0x5: {  	s29 =	simm.s32 $0x79F0;
	s30 =	simm.s32 $0x5060;
	s5 =	smul.u32 $0x500, s15  }
0x6: {  	s31 =	simm.s32 $0x5100;
	s2 =	sand.u32 $0x1, s2;
	s21 =	smul.u32 $0x13C00, s15  }
0x7: {  	[smem:$0x7FF] =	sst s6;
	s9 =	smul.u32 $0x278, s15;
	s6 =	sadd.s32 $0x1A00, s0  }
0x8: {  	s7 =	sadd.s32 $0x29800, s0;
	s8 =	sadd.s32 $0x29200, s0;
	s25 =	sshll.u32 s15, $0x6  }
0x9: {  	p0 =	seq.s32 s2, $0x1;
	_ =	strace $0x80000047;
	s10 =	smul.u32 $0x13C000, s2  }
0xa: {  	s13 =	smul.u32 $0x2780, s2;
	s2 =	ssub.s32 $0x2, s2;
	s1 =	sshrl.u32 s1, $0x3  }
0xb: {  	s11 =	sshrl.u32 s21, $0x3;
	s12 =	sshrl.u32 s9, $0x3;
	s14 =	sshrl.u32 s2, $0x1  }
0xc: {  	s1 =	sadd.s32 $0x5000, s1;
	s11 =	sadd.s32 s11, s0;
	s12 =	sadd.s32 s12, s0  }
0xd: {  	s10 =	sadd.s32 s21, s10;
	s13 =	sadd.s32 s9, s13;
	s2 =	ssub.s32 s2, s14  }
0xe: {  	s9 =	sadd.s32 s9, s4;
	s14 =	sor.u32 $0x1C0B, s25;
	s25 =	simm.s32 $0x50B0  }
0xf: {  	s5 =	smov.u32 @p0 s1;
	s10 =	sshrl.u32 s10, $0x3;
	s13 =	sshrl.u32 s13, $0x3  }
0x10: {  	s1 =	sadd.s32 s21, s3;
	s11 =	sadd.s32 $0x3E400, s11;
	s22 =	sadd.s32 $0x3DE00, s12  }
0x11: {  	s23 =	smax.u32 s2, $0x1;
	s17 =	sshrl.u32 s9, $0x3;
	[dreg:$0xc] =	wrdreg s14  }
0x12: {  	s2 =	simm.s32 $0x4;
	s21 =	simm.s32 $0x6;
	[dreg:$0x5] =	wrdreg s11  }
0x13: {  	s9 =	simm.s32 $0x7;
	s12 =	simm.s32 $0x51A0;
	[dreg:$0x6] =	wrdreg s22  }
0x14: {  	s5 =	sadd.s32 s5, s0;
	s10 =	sadd.s32 s10, s0;
	[dreg:$0x9] =	wrdreg s23  }
0x15: {  	s0 =	sadd.s32 s13, s0;
	s15 =	sshrl.u32 s1, $0x3;
	[dreg:$0xe] =	wrdreg s17  }
0x16: {  	s22 =	simm.s32 $0x50;
	s10 =	sadd.s32 $0x66600, s10;
	[dreg:$0xd] =	wrdreg s15  }
0x17: {  	s23 =	simm.s32 $0x51F0;
	s0 =	sadd.s32 $0x65C00, s0;
	[dreg:$0x7] =	wrdreg s10  }
0x18: {  	s1 =	simm.s32 $0x1;
	s24 =	sadd.s32 $0x33E00, s5;
	[dreg:$0x8] =	wrdreg s0  }
0x19: {  	s11 =	simm.s32 $0x2;
	s26 =	sadd.s32 $0x29E00, s5;
	[dreg:$0xa] =	wrdreg s24  }
0x1a: {  	s13 =	simm.s32 $0x0;
	[dreg:$0xb] =	wrdreg s26;
	s24 =	simm.s32 $0x5010  }
0x1b: {  	s26 =	simm.s32 $0x3;
	s0 =	simm.s32 $0x5150;
	s10 =	simm.s32 $0x9  }
.LBB2_1:
0x1c: {  	[dreg:$0xf] =	wrdreg s13  }
0x1d: {  	s5 =	rddreg [dreg:$0x1];
	s13 =	simm.s32 $0x0  }
0x1e: {  	[tilespmem:s13], [sflag:$0xB] =	stream.linear.gather [hbm4b:s5+s13], $0x10, $0x38;
	[tilespmem:$0x1E068] =	vst v63  }
0x1f: {  	_ =	swait.ge [sflag:s16], $0x10  }
0x20: {  	[sflag:s16] =	ssyncset.done $0x0  }
0x21: {  	s20 =	rddreg [dreg:$0x5];
	[sflag:s16] =	ssyncadd.s32 $0xFFFFFFF0  }
0x22: {  	[spmem:s15], [sflag:s14] =	dma.local [hbm:s20], $0x2780  }
0x23: {  	_ =	swait.ge [sflag:s16], $0x2780  }
0x24: {  	[sflag:s16] =	ssyncset.done $0x0  }
0x25: {  	s15 =	rddreg [dreg:$0x6];
	[sflag:s16] =	ssyncadd.s32 $0xFFFFD880  }
0x26: {  	[spmem:s17], [sflag:s14] =	dma.local [hbm:s15], $0x4F  }
0x27: {  	_ =	swait.ge [sflag:s16], $0x4F  }
0x28: {  	[sflag:s16] =	ssyncset.done $0x0  }
0x29: {  	s18 =	simm.s32 $0x10;
	s17 =	rddreg [dreg:$0xa];
	[sflag:s16] =	ssyncadd.s32 $0xFFFFFFB1  }
0x2a: {  	[tilespmem:s18], [sflag:$0xB] =	stream.linear.gather [hbm4b:s17+s13], $0x2800, $0x38;
	[tilespmem:$0x1E068] =	vst v63  }
0x2b: {  	_ =	swait.ge [sflag:s16], $0x2800  }
0x2c: {  	[sflag:s16] =	ssyncset.done $0x0  }
0x2d: {  	s20 =	simm.s32 $0x2810;
	s19 =	rddreg [dreg:$0xb];
	[sflag:s16] =	ssyncadd.s32 $0xFFFFD800  }
0x2e: {  	[tilespmem:s20], [sflag:$0xB] =	stream.linear.gather [hbm4b:s19+s13], $0x2800, $0x38;
	[tilespmem:$0x1E068] =	vst v63  }
0x2f: {  	_ =	swait.ge [sflag:s16], $0x2800  }
0x30: {  	[sflag:s16] =	ssyncset.done $0x0  }
0x31: {  	[sflag:s16] =	ssyncadd.s32 $0xFFFFD800  }
0x32: {  	[bflag:$0x0] =	sbarrier.arrive $0xFFFF  }
0x33: {  	v0 =	vld [tilespmem:$0x0];
	[tilespmem:s23], [sflag:$0x1] =	stream.indirect.gather [hbm4b:s6+s22], $0x80, s18, s22, $0xb8  }
0x34: {  	_ = 	snop  }
0x35: {  	[tilespmem:s24], [sflag:$0x3] =	stream.indirect.gather [hbm4b:s7+s22], $0x1, s18, s22, $0xb8;
	[tilespmem:$0x1E068] =	vst v63  }
0x36: {  	s5 =	simm.s32 $0x0  }
0x37: {  	[tilespmem:s25], [sflag:$0x5] =	stream.indirect.gather [hbm4b:s8+s22], $0x1, s20, s22, $0xb8;
	[tilespmem:$0x1E068] =	vst v63  }
.LBB2_2:
0x38: {  	_ =	swait.ge [sflag:s26], $0x50  }
0x39: {  	[sflag:s26] =	ssyncset.done $0x0  }
0x3a: {  	[sflag:s26] =	ssyncadd.s32 $0xFFFFFFB0  }
0x3b: {  	_ =	swait.ge [sflag:s28], $0x50  }
0x3c: {  	[sflag:s28] =	ssyncset.done $0x0  }
0x3d: {  	[sflag:s28] =	ssyncadd.s32 $0xFFFFFFB0  }
0x3e: {  	v1 =	vld [tilespmem:$0x5010]  }
0x3f: {  	v2 =	vld [tilespmem:$0x50B0]  }
0x40: {  	v3 =	vld [tilespmem:$0x5020]  }
0x41: {  	v4 =	vld [tilespmem:$0x50C0]  }
0x42: {  	v5 =	vld [tilespmem:$0x5030]  }
0x43: {  	v6 =	vld [tilespmem:$0x50D0]  }
0x44: {  	v9 =	vld [tilespmem:$0x5050]  }
0x45: {  	v10 =	vld [tilespmem:$0x50F0]  }
0x46: {  	v7 =	vld [tilespmem:$0x50E0]  }
0x47: {  	v1 =	vadd.f32 v2, v1;
	v2 =	vld [tilespmem:$0x5040];
	_ =	sdelay $0x1  }
0x48: {  	v3 =	vadd.f32 v4, v3  }
0x49: {  	v5 =	vadd.f32 v6, v5;
	v6 =	vadd.f32 v10, v9;
	v8 =	vmul.f32 $2.000000030e-01, v1  }
0x4a: {  	vm0 =	vge.f32 v1, $0.0e+00;
	v4 =	vmul.f32 $2.000000030e-01, v3;
	vm12 =	vge.f32 v3, $0.0e+00  }
0x4b: {  	vm13 =	vge.f32 v5, $0.0e+00;
	vm15 =	vge.f32 v6, $0.0e+00;
	v2 =	vadd.f32 v7, v2  }
0x4c: {  	v1 =	vsel vm0, v1, v8;
	v3 =	vsel vm12, v3, v4;
	v4 =	vmul.f32 $2.000000030e-01, v5  }
0x4d: {  	v1 =	vsub.f32 v1, v0;
	v3 =	vsub.f32 v3, v0;
	v7 =	vmul.f32 $2.000000030e-01, v2  }
0x4e: {  	v4 =	vsel vm13, v5, v4;
	v5 =	vmul.f32 $2.000000030e-01, v6;
	vm14 =	vge.f32 v2, $0.0e+00  }
0x4f: {  	v1 =	vmul.f32 $1.442695020e+00, v1;
	v4 =	vsub.f32 v4, v0;
	v2 =	vsel vm14, v2, v7  }
0x50: {  	v3 =	vmul.f32 $1.442695020e+00, v3;
	v5 =	vsel vm15, v6, v5;
	v2 =	vsub.f32 v2, v0  }
0x51: {  	(erf) = vpow2.f32 v1;
	v1 =	vmul.f32 $1.442695020e+00, v4;
	v4 =	vsub.f32 v5, v0  }
0x52: {  	(erf) = vpow2.f32 v3;
	v2 =	vmul.f32 $1.442695020e+00, v2  }
0x53: {  	(erf) = vpow2.f32 v1;
	v1 =	vmul.f32 $1.442695020e+00, v4  }
0x54: {  	(erf) = vpow2.f32 v2  }
0x55: {  	(erf) = vpow2.f32 v1;
	_ =	sdelay $0x4  }
0x56: {  	v1 =	vpop (erf)  }
0x57: {  	v2 =	vpop (erf);
	[tilespmem:$0x5150] =	vst v1  }
0x58: {  	v1 =	vpop (erf);
	[tilespmem:$0x5160] =	vst v2  }
0x59: {  	[tilespmem:$0x5170] =	vst v1;
	v2 =	vpop (erf)  }
0x5a: {  	p0 =	seq.s32 s5, $0x0;
	[tilespmem:$0x5180] =	vst v2;
	v1 =	vpop (erf)  }
0x5b: {  	s14 =	simm.s32 @!p0 $0x8;
	[tilespmem:$0x5190] =	vst v1  }
0x5c: {  	_ =	swait.ge @!p0 [sflag:s14], $0x2800  }
0x5d: {  	s13 =	sshll.u32 s5, $0x1;
	[sflag:s14] =	ssyncset.done @!p0 $0x0  }
0x5e: {  	s20 =	sor.u32 $0x1, s13;
	[sflag:s14] =	ssyncadd.s32 @!p0 $0xFFFFD800;
	s14 =	simm.s32 @!p0 $0xA  }
0x5f: {  	s17 =	smul.u32 $0x50, s20;
	_ =	swait.ge @!p0 [sflag:s14], $0x50  }
0x60: {  	s18 =	simm.s32 $0x0;
	[sflag:s14] =	ssyncset.done @!p0 $0x0  }
0x61: {  	s15 =	simm.s32 $0x2;
	s19 =	sadd.s32 $0x10, s17;
	[sflag:s14] =	ssyncadd.s32 @!p0 $0xFFFFFFB0  }
0x62: {  	v1 =	vmov s18;
	[tilespmem:s29], [sflag:$0x2] =	stream.indirect.gather [hbm4b:s6+s22], $0x80, s19, s22, $0xb8;
	[tilespmem:$0x1E068] =	vst v63  }
0x63: {  	v2 =	vmov s15;
	v1 =	vand.u32 $0xFFFFFFFC, v1  }
0x64: {  	v2 =	vand.u32 $0xFFFFFFFE, v2;
	v1 =	vbroadcast v1, $0x0;
	[tilespmem:s30], [sflag:$0x4] =	stream.indirect.gather [hbm4b:s7+s22], $0x1, s19, s22, $0xb8;
	[tilespmem:$0x1E068] =	vst v63  }
0x65: {  	s17 =	sadd.s32 $0x2810, s17;
	v2 =	vbroadcast v2, $0x0  }
0x66: {  	[tilespmem:s31], [sflag:$0x6] =	stream.indirect.gather [hbm4b:s8+s22], $0x1, s17, s22, $0xb8;
	[tilespmem:$0x1E068] =	vst v63  }
0x67: {  	_ =	swait.ge [sflag:s1], $0x2800  }
0x68: {  	[sflag:s1] =	ssyncset.done $0x0  }
0x69: {  	[sflag:s1] =	ssyncadd.s32 $0xFFFFD800  }
0x6a: {  	v1 =	vld.idx.msk [tilespmem:v1+s0+$0x0], $0xffff  }
0x6b: {  	s18 =	simm.s32 $0x1;
	s14 =	simm.s32 $0x52F0;
	v2 =	vld.idx.msk [tilespmem:v2+s0+$0x0], $0xffff  }
0x6c: {  	v3 =	vmov s18;
	v4 =	vld [tilespmem:s14+$0x70]  }
0x6d: {  	v3 =	vand.u32 $0xFFFFFFFD, v3;
	v5 =	vld [tilespmem:s14+$0xFFFFFF00]  }
0x6e: {  	v3 =	vbroadcast v3, $0x0;
	v6 =	vld [tilespmem:s14+$0xFFFFFF10]  }
0x6f: {  	v7 =	vld [tilespmem:s14+$0xFFFFFF20]  }
0x70: {  	v8 =	vld [tilespmem:s14+$0xFFFFFF30]  }
0x71: {  	v9 =	vld [tilespmem:s14+$0xFFFFFF40]  }
0x72: {  	v10 =	vld [tilespmem:s14+$0xFFFFFF50]  }
0x73: {  	v11 =	vld [tilespmem:s14+$0xFFFFFF60];
	v5 =	vmul.f32 v5, v1  }
0x74: {  	v3 =	vld.idx.msk [tilespmem:v3+s0+$0x0], $0xffff;
	v4 =	vmul.f32 v4, v2  }
0x75: {  	v13 =	vld [tilespmem:s14+$0x40];
	[tilespmem:s14+$0xFFFFFF00] =	vst v5;
	v5 =	vmul.f32 v6, v1  }
0x76: {  	v6 =	vld [tilespmem:s14+$0xFFFFFF70];
	[tilespmem:s14+$0x70] =	vst v4;
	v4 =	vmul.f32 v7, v1  }
0x77: {  	v7 =	vld [tilespmem:s14+$0xFFFFFF80];
	[tilespmem:s14+$0xFFFFFF10] =	vst v5;
	v5 =	vmul.f32 v8, v1  }
0x78: {  	v8 =	vld [tilespmem:s14+$0xFFFFFF90];
	[tilespmem:s14+$0xFFFFFF20] =	vst v4;
	v4 =	vmul.f32 v9, v1  }
0x79: {  	v9 =	vld [tilespmem:s14+$0xFFFFFFA0];
	[tilespmem:s14+$0xFFFFFF30] =	vst v5;
	v5 =	vmul.f32 v10, v1  }
0x7a: {  	v10 =	vld [tilespmem:s14+$0xFFFFFFB0];
	[tilespmem:s14+$0xFFFFFF40] =	vst v4;
	v4 =	vmul.f32 v11, v1  }
0x7b: {  	v11 =	vld [tilespmem:s14+$0xFFFFFFC0];
	v6 =	vmul.f32 v6, v1;
	[tilespmem:s14+$0xFFFFFF50] =	vst v5  }
0x7c: {  	v5 =	vmul.f32 v7, v3;
	v7 =	vld [tilespmem:s14+$0xFFFFFFD0];
	[tilespmem:s14+$0xFFFFFF60] =	vst v4  }
0x7d: {  	s19 =	simm.s32 $0x3;
	v4 =	vld [tilespmem:s14+$0xFFFFFFE0];
	v8 =	vmul.f32 v8, v3;
	[tilespmem:s14+$0xFFFFFF70] =	vst v6  }
0x7e: {  	v12 =	vmov s19;
	v6 =	vld [tilespmem:s14+$0xFFFFFFF0];
	[tilespmem:s14+$0xFFFFFF80] =	vst v5;
	v5 =	vmul.f32 v9, v3  }
0x7f: {  	v9 =	vld [tilespmem:s14+$0x0];
	[tilespmem:s14+$0xFFFFFF90] =	vst v8;
	v8 =	vmul.f32 v10, v3  }
0x80: {  	v10 =	vld [tilespmem:s14+$0x10];
	[tilespmem:s14+$0xFFFFFFA0] =	vst v5;
	v5 =	vmul.f32 v11, v3  }
0x81: {  	[tilespmem:s14+$0xFFFFFFB0] =	vst v8;
	v7 =	vmul.f32 v7, v3;
	v8 =	vld [tilespmem:s14+$0x20]  }
0x82: {  	v11 =	vld [tilespmem:s14+$0x30];
	v4 =	vmul.f32 v4, v3;
	[tilespmem:s14+$0xFFFFFFC0] =	vst v5  }
0x83: {  	v1 =	vld.idx.msk [tilespmem:v12+s0+$0x0], $0xffff;
	v3 =	vmul.f32 v6, v3;
	[tilespmem:s14+$0xFFFFFFD0] =	vst v7  }
0x84: {  	[tilespmem:s14+$0xFFFFFFE0] =	vst v4;
	v5 =	vmul.f32 v9, v2;
	v4 =	vld [tilespmem:s14+$0x50]  }
0x85: {  	s15 =	simm.s32 $0x4;
	[tilespmem:s14+$0xFFFFFFF0] =	vst v3;
	v6 =	vmul.f32 v10, v2;
	v3 =	vld [tilespmem:s14+$0x60]  }
0x86: {  	s18 =	simm.s32 $0x7;
	v7 =	vmov s15;
	[tilespmem:s14+$0x0] =	vst v5;
	v9 =	vmul.f32 v8, v2;
	v8 =	vld [tilespmem:s14+$0x80]  }
0x87: {  	s19 =	simm.s32 $0x5;
	v12 =	vand.u32 $0xFFFFFFFC, v7;
	v7 =	vld [tilespmem:s14+$0x90];
	v5 =	vmov s18;
	v10 =	vmul.f32 v11, v2;
	[tilespmem:s14+$0x10] =	vst v6  }
0x88: {  	s17 =	simm.s32 $0x6;
	v11 =	vmul.f32 v13, v2;
	s18 =	simm.s32 $0x52F0;
	v6 =	vbroadcast v12, $0x0;
	v12 =	vmov s19;
	s19 =	simm.s32 $0x8;
	[tilespmem:s14+$0x20] =	vst v9;
	v9 =	vld [tilespmem:s14+$0xA0]  }
.LBB2_3:
0x89: {  	p0 =	slt.u32 s19, $0x4C;
	v12 =	vand.u32 $0xFFFFFFFD, v12;
	v13 =	vmov s17;
	[tilespmem:s14+$0x30] =	vst v10;
	v4 =	vmul.f32 v4, v2;
	v10 =	vld [tilespmem:s14+$0xB0]  }
0x8a: {  	v12 =	vbroadcast v12, $0x0;
	v13 =	vand.u32 $0xFFFFFFFE, v13;
	[tilespmem:s14+$0x40] =	vst v11;
	v2 =	vmul.f32 v3, v2;
	v3 =	vld [tilespmem:s14+$0xC0]  }
0x8b: {  	v11 =	vbroadcast v13, $0x0;
	[tilespmem:s14+$0x50] =	vst v4;
	v4 =	vmul.f32 v8, v1;
	v8 =	vld [tilespmem:s14+$0xD0]  }
0x8c: {  	[tilespmem:s14+$0x60] =	vst v2;
	v2 =	vmul.f32 v7, v1;
	v7 =	vld [tilespmem:s14+$0xE0]  }
0x8d: {  	[tilespmem:s14+$0x80] =	vst v4;
	v4 =	vmul.f32 v9, v1;
	v9 =	vld [tilespmem:s14+$0xF0]  }
0x8e: {  	v5 =	vld.idx.msk [tilespmem:v5+s0+$0x0], $0xffff;
	[tilespmem:s14+$0x90] =	vst v2;
	v2 =	vmul.f32 v10, v1  }
0x8f: {  	v6 =	vld.idx.msk [tilespmem:v6+s0+$0x0], $0xffff;
	[tilespmem:s14+$0xA0] =	vst v4;
	v3 =	vmul.f32 v3, v1  }
0x90: {  	v4 =	vld.idx.msk [tilespmem:v12+s0+$0x0], $0xffff;
	[tilespmem:s14+$0xB0] =	vst v2;
	v8 =	vmul.f32 v8, v1  }
0x91: {  	s14 =	sadd.s32 $0x200, s14;
	v2 =	vld.idx.msk [tilespmem:v11+s0+$0x0], $0xffff;
	[tilespmem:s18+$0xC0] =	vst v3;
	v3 =	vmul.f32 v7, v1  }
0x92: {  	v7 =	vld [tilespmem:s14+$0x70];
	[tilespmem:s18+$0xD0] =	vst v8;
	v9 =	vmul.f32 v9, v1  }
0x93: {  	v8 =	vld [tilespmem:s14+$0xFFFFFF00];
	[tilespmem:s18+$0xE0] =	vst v3  }
0x94: {  	v1 =	vmov v5;
	v3 =	vld [tilespmem:s14+$0xFFFFFF10];
	[tilespmem:s18+$0xF0] =	vst v9;
	s18 =	smov.u32 s14  }
0x95: {  	v5 =	vld [tilespmem:s14+$0xFFFFFF20]  }
0x96: {  	v9 =	vld [tilespmem:s14+$0xFFFFFF30]  }
0x97: {  	v10 =	vld [tilespmem:s14+$0xFFFFFF40];
	v7 =	vmul.f32 v7, v2  }
0x98: {  	v8 =	vmul.f32 v8, v6;
	v11 =	vld [tilespmem:s14+$0xFFFFFF50]  }
0x99: {  	v3 =	vmul.f32 v3, v6;
	v12 =	vld [tilespmem:s14+$0xFFFFFF60];
	[tilespmem:s14+$0x70] =	vst v7  }
0x9a: {  	[tilespmem:s14+$0xFFFFFF00] =	vst v8;
	v5 =	vmul.f32 v5, v6;
	v7 =	vld [tilespmem:s14+$0xFFFFFF70]  }
0x9b: {  	[tilespmem:s14+$0xFFFFFF10] =	vst v3;
	v3 =	vmul.f32 v9, v6;
	v8 =	vld [tilespmem:s14+$0xFFFFFF80]  }
0x9c: {  	[tilespmem:s14+$0xFFFFFF20] =	vst v5;
	v5 =	vmul.f32 v10, v6;
	v9 =	vld [tilespmem:s14+$0xFFFFFF90]  }
0x9d: {  	[tilespmem:s14+$0xFFFFFF30] =	vst v3;
	v3 =	vmul.f32 v11, v6;
	v10 =	vld [tilespmem:s14+$0xFFFFFFA0]  }
0x9e: {  	[tilespmem:s14+$0xFFFFFF40] =	vst v5;
	v5 =	vmul.f32 v12, v6;
	v11 =	vld [tilespmem:s14+$0xFFFFFFB0]  }
0x9f: {  	[tilespmem:s14+$0xFFFFFF50] =	vst v3;
	v3 =	vmul.f32 v7, v6;
	v6 =	vld [tilespmem:s14+$0xFFFFFFC0]  }
0xa0: {  	[tilespmem:s14+$0xFFFFFF60] =	vst v5;
	v5 =	vmul.f32 v8, v4;
	v7 =	vld [tilespmem:s14+$0xFFFFFFD0]  }
0xa1: {  	[tilespmem:s14+$0xFFFFFF70] =	vst v3;
	v3 =	vmul.f32 v9, v4;
	v8 =	vld [tilespmem:s14+$0xFFFFFFE0]  }
0xa2: {  	[tilespmem:s14+$0xFFFFFF80] =	vst v5;
	v5 =	vmul.f32 v10, v4;
	v9 =	vld [tilespmem:s14+$0xFFFFFFF0]  }
0xa3: {  	[tilespmem:s14+$0xFFFFFF90] =	vst v3;
	v3 =	vmul.f32 v11, v4;
	v10 =	vld [tilespmem:s14+$0x0]  }
0xa4: {  	[tilespmem:s14+$0xFFFFFFA0] =	vst v5;
	v5 =	vmul.f32 v6, v4;
	v6 =	vld [tilespmem:s14+$0x10]  }
0xa5: {  	[tilespmem:s14+$0xFFFFFFB0] =	vst v3;
	v3 =	vmul.f32 v7, v4;
	v7 =	vld [tilespmem:s14+$0x20]  }
0xa6: {  	[tilespmem:s14+$0xFFFFFFC0] =	vst v5;
	v5 =	vmul.f32 v8, v4;
	v11 =	vld [tilespmem:s14+$0x30]  }
0xa7: {  	[tilespmem:s14+$0xFFFFFFD0] =	vst v3;
	v3 =	vmul.f32 v9, v4;
	v9 =	vld [tilespmem:s14+$0x40]  }
.Ltmp0:
0xa8: {  	[tilespmem:s14+$0xFFFFFFE0] =	vst v5;
	v5 =	vmul.f32 v10, v2;
	v4 =	vld [tilespmem:s14+$0x50];
	(pc) =	sbr.rel @p0 .LBB2_3-.Ltmp0, $4  }
0xa9: {  	[tilespmem:s14+$0xFFFFFFF0] =	vst v3;
	v6 =	vmul.f32 v6, v2;
	v3 =	vld [tilespmem:s14+$0x60]  }
0xaa: {  	s17 =	sadd.s32 $0x3, s19;
	v10 =	vmov s19;
	[tilespmem:s14+$0x0] =	vst v5;
	v13 =	vmul.f32 v7, v2;
	v8 =	vld [tilespmem:s14+$0x80]  }
0xab: {  	s15 =	sadd.s32 $0x1, s19;
	v12 =	vand.u32 $0xFFFFFFFC, v10;
	v5 =	vmov s17;
	[tilespmem:s14+$0x10] =	vst v6;
	v10 =	vmul.f32 v11, v2;
	v7 =	vld [tilespmem:s14+$0x90]  }
0xac: {  	s17 =	sadd.s32 $0x2, s19;
	s19 =	sadd.s32 $0x4, s19;
	v6 =	vbroadcast v12, $0x0;
	v12 =	vmov s15;
	[tilespmem:s14+$0x20] =	vst v13;
	v11 =	vmul.f32 v9, v2;
	v9 =	vld [tilespmem:s14+$0xA0]  }
0xad: {  	v13 =	vld [tilespmem:s14+$0xB0]  }
0xae: {  	v15 =	vld [tilespmem:s14+$0xC0]  }
0xaf: {  	v14 =	vmov s17;
	v16 =	vld [tilespmem:s14+$0xD0]  }
0xb0: {  	v17 =	vld [tilespmem:s14+$0xE0];
	[tilespmem:s14+$0x30] =	vst v10;
	v4 =	vmul.f32 v4, v2;
	v14 =	vand.u32 $0xFFFFFFFE, v14  }
0xb1: {  	v12 =	vand.u32 $0xFFFFFFFD, v12;
	v5 =	vld.idx.msk [tilespmem:v5+s0+$0x0], $0xffff;
	[tilespmem:s14+$0x40] =	vst v11;
	v2 =	vmul.f32 v3, v2;
	v14 =	vbroadcast v14, $0x0  }
0xb2: {  	s19 =	sadd.s32 $0x200, s14;
	v12 =	vbroadcast v12, $0x0;
	v3 =	vld.idx.msk [tilespmem:v6+s0+$0x0], $0xffff;
	v8 =	vmul.f32 v8, v1;
	[tilespmem:s14+$0x50] =	vst v4  }
0xb3: {  	v10 =	vld [tilespmem:s19+$0xFFFFFF00];
	v4 =	vmul.f32 v7, v1;
	[tilespmem:s14+$0x60] =	vst v2  }
0xb4: {  	[tilespmem:s14+$0x80] =	vst v8;
	v8 =	vld [tilespmem:s14+$0xF0];
	v2 =	vmul.f32 v9, v1  }
0xb5: {  	v11 =	vld [tilespmem:s19+$0xFFFFFF10];
	[tilespmem:s14+$0x90] =	vst v4;
	v4 =	vmul.f32 v13, v1  }
0xb6: {  	v9 =	vld [tilespmem:s19+$0x70];
	[tilespmem:s14+$0xA0] =	vst v2;
	v2 =	vmul.f32 v15, v1  }
0xb7: {  	[tilespmem:s14+$0xB0] =	vst v4;
	v4 =	vmul.f32 v16, v1;
	v7 =	vld.idx.msk [tilespmem:v14+s0+$0x0], $0xffff  }
0xb8: {  	v6 =	vld.idx.msk [tilespmem:v12+s0+$0x0], $0xffff;
	[tilespmem:s18+$0xC0] =	vst v2;
	v2 =	vmul.f32 v17, v1  }
0xb9: {  	v12 =	vld [tilespmem:s19+$0xFFFFFF20];
	[tilespmem:s18+$0xD0] =	vst v4;
	v1 =	vmul.f32 v8, v1  }
0xba: {  	v4 =	vld [tilespmem:s19+$0xFFFFFF30];
	[tilespmem:s18+$0xE0] =	vst v2  }
0xbb: {  	v2 =	vld [tilespmem:s19+$0xFFFFFF40];
	[tilespmem:s18+$0xF0] =	vst v1;
	v1 =	vmul.f32 v10, v3  }
0xbc: {  	v8 =	vmul.f32 v9, v7;
	v9 =	vld [tilespmem:s19+$0xFFFFFF50]  }
0xbd: {  	v10 =	vmul.f32 v11, v3;
	v11 =	vld [tilespmem:s19+$0xFFFFFF60];
	[tilespmem:s19+$0xFFFFFF00] =	vst v1  }
0xbe: {  	v1 =	vmul.f32 v12, v3;
	[tilespmem:s19+$0x70] =	vst v8;
	v8 =	vld [tilespmem:s19+$0xFFFFFF70]  }
0xbf: {  	[tilespmem:s19+$0xFFFFFF10] =	vst v10;
	v10 =	vld [tilespmem:s19+$0xFFFFFF80];
	v4 =	vmul.f32 v4, v3  }
0xc0: {  	[tilespmem:s19+$0xFFFFFF20] =	vst v1;
	v1 =	vmul.f32 v2, v3;
	v2 =	vld [tilespmem:s19+$0xFFFFFF90]  }
0xc1: {  	[tilespmem:s19+$0xFFFFFF30] =	vst v4;
	v4 =	vmul.f32 v9, v3;
	v9 =	vld [tilespmem:s19+$0xFFFFFFA0]  }
0xc2: {  	[tilespmem:s19+$0xFFFFFF40] =	vst v1;
	v1 =	vmul.f32 v11, v3;
	v11 =	vld [tilespmem:s19+$0xFFFFFFB0]  }
0xc3: {  	[tilespmem:s19+$0xFFFFFF50] =	vst v4;
	v3 =	vmul.f32 v8, v3;
	v4 =	vld [tilespmem:s19+$0xFFFFFFC0]  }
0xc4: {  	[tilespmem:s19+$0xFFFFFF60] =	vst v1;
	v1 =	vmul.f32 v10, v6;
	v8 =	vld [tilespmem:s19+$0xFFFFFFD0]  }
0xc5: {  	v2 =	vmul.f32 v2, v6;
	[tilespmem:s19+$0xFFFFFF70] =	vst v3;
	v3 =	vld [tilespmem:s19+$0xFFFFFFE0]  }
0xc6: {  	[tilespmem:s19+$0xFFFFFF80] =	vst v1;
	v1 =	vmul.f32 v9, v6;
	v9 =	vld [tilespmem:s19+$0xFFFFFFF0]  }
0xc7: {  	v10 =	vld [tilespmem:s19+$0x0];
	[tilespmem:s19+$0xFFFFFF90] =	vst v2;
	v2 =	vmul.f32 v11, v6  }
0xc8: {  	[tilespmem:s19+$0xFFFFFFA0] =	vst v1;
	v1 =	vmul.f32 v4, v6;
	v4 =	vld [tilespmem:s19+$0x10]  }
0xc9: {  	[tilespmem:s19+$0xFFFFFFB0] =	vst v2;
	v2 =	vmul.f32 v8, v6;
	v8 =	vld [tilespmem:s19+$0x20]  }
0xca: {  	[tilespmem:s19+$0xFFFFFFC0] =	vst v1;
	v1 =	vmul.f32 v3, v6;
	v3 =	vld [tilespmem:s19+$0x30]  }
0xcb: {  	[tilespmem:s19+$0xFFFFFFD0] =	vst v2;
	v2 =	vmul.f32 v9, v6;
	v6 =	vld [tilespmem:s19+$0x40]  }
0xcc: {  	v9 =	vld [tilespmem:s19+$0x50];
	[tilespmem:s19+$0xFFFFFFE0] =	vst v1;
	v1 =	vmul.f32 v10, v7  }
0xcd: {  	[tilespmem:s19+$0xFFFFFFF0] =	vst v2;
	v2 =	vmul.f32 v4, v7;
	v4 =	vld [tilespmem:s19+$0x60]  }
0xce: {  	[tilespmem:s19+$0x0] =	vst v1;
	v1 =	vmul.f32 v8, v7;
	v8 =	vld [tilespmem:s19+$0x80]  }
0xcf: {  	[tilespmem:s19+$0x10] =	vst v2;
	v2 =	vmul.f32 v3, v7;
	v3 =	vld [tilespmem:s19+$0x90]  }
0xd0: {  	[tilespmem:s19+$0x20] =	vst v1;
	v1 =	vmul.f32 v6, v7;
	v6 =	vld [tilespmem:s19+$0xA0]  }
0xd1: {  	[tilespmem:s19+$0x30] =	vst v2;
	v2 =	vmul.f32 v9, v7;
	v9 =	vld [tilespmem:s19+$0xB0]  }
0xd2: {  	[tilespmem:s19+$0x40] =	vst v1;
	v1 =	vmul.f32 v4, v7;
	v4 =	vld [tilespmem:s19+$0xC0]  }
0xd3: {  	v7 =	vld [tilespmem:s19+$0xD0];
	[tilespmem:s19+$0x50] =	vst v2;
	v2 =	vmul.f32 v8, v5  }
0xd4: {  	[tilespmem:s19+$0x60] =	vst v1;
	v1 =	vmul.f32 v3, v5;
	v3 =	vld [tilespmem:s19+$0xE0]  }
0xd5: {  	[tilespmem:s19+$0x80] =	vst v2;
	v2 =	vmul.f32 v6, v5;
	v6 =	vld [tilespmem:s19+$0xF0]  }
0xd6: {  	[tilespmem:s19+$0x90] =	vst v1;
	v1 =	vmul.f32 v9, v5  }
0xd7: {  	[tilespmem:s19+$0xA0] =	vst v2;
	v2 =	vmul.f32 v4, v5  }
0xd8: {  	[tilespmem:s19+$0xB0] =	vst v1;
	v1 =	vmul.f32 v7, v5  }
0xd9: {  	s15 =	smul.u32 $0x280, s5;
	[tilespmem:s19+$0xC0] =	vst v2;
	v2 =	vmul.f32 v3, v5  }
0xda: {  	[tilespmem:s19+$0xD0] =	vst v1;
	v1 =	vmul.f32 v6, v5  }
0xdb: {  	s14 =	sshra.s32 s15, $0x2;
	[tilespmem:s19+$0xE0] =	vst v2  }
0xdc: {  	s14 =	sadd.s32 $0x2810, s14;
	[tilespmem:s19+$0xF0] =	vst v1  }
0xdd: {  	[spmem:s3] =	stream.indirect.scatter.add.f32 [tilespmem:s23], [sflag:$0x7], $0x80, s14, s22, $0xb8;
	[tilespmem:$0x1E068] =	vst v63  }
0xde: {  	_ = 	snop  }
0xdf: {  	[spmem:s4] =	stream.indirect.scatter.add.f32 [tilespmem:s0], [sflag:$0x9], $0x1, s14, s22, $0xb8;
	[tilespmem:$0x1E068] =	vst v63  }
0xe0: {  	_ =	swait.ge [sflag:s2], $0x50  }
0xe1: {  	[sflag:s2] =	ssyncset.done $0x0  }
0xe2: {  	[sflag:s2] =	ssyncadd.s32 $0xFFFFFFB0  }
0xe3: {  	_ =	swait.ge [sflag:s21], $0x50  }
0xe4: {  	[sflag:s21] =	ssyncset.done $0x0  }
0xe5: {  	[sflag:s21] =	ssyncadd.s32 $0xFFFFFFB0  }
0xe6: {  	v1 =	vld [tilespmem:$0x5060]  }
0xe7: {  	v2 =	vld [tilespmem:$0x5100]  }
0xe8: {  	v3 =	vld [tilespmem:$0x5070]  }
0xe9: {  	v4 =	vld [tilespmem:$0x5110]  }
0xea: {  	v5 =	vld [tilespmem:$0x5080]  }
0xeb: {  	v6 =	vld [tilespmem:$0x5120]  }
0xec: {  	v9 =	vld [tilespmem:$0x50A0]  }
0xed: {  	v10 =	vld [tilespmem:$0x5140]  }
0xee: {  	v7 =	vld [tilespmem:$0x5130]  }
0xef: {  	v1 =	vadd.f32 v2, v1;
	v2 =	vld [tilespmem:$0x5090];
	_ =	sdelay $0x1  }
0xf0: {  	v3 =	vadd.f32 v4, v3  }
0xf1: {  	v5 =	vadd.f32 v6, v5;
	v6 =	vadd.f32 v10, v9;
	v8 =	vmul.f32 $2.000000030e-01, v1  }
0xf2: {  	vm0 =	vge.f32 v1, $0.0e+00;
	v4 =	vmul.f32 $2.000000030e-01, v3;
	vm12 =	vge.f32 v3, $0.0e+00  }
0xf3: {  	vm13 =	vge.f32 v5, $0.0e+00;
	vm15 =	vge.f32 v6, $0.0e+00;
	v2 =	vadd.f32 v7, v2  }
0xf4: {  	v1 =	vsel vm0, v1, v8;
	v3 =	vsel vm12, v3, v4;
	v4 =	vmul.f32 $2.000000030e-01, v5  }
0xf5: {  	v1 =	vsub.f32 v1, v0;
	v3 =	vsub.f32 v3, v0;
	v7 =	vmul.f32 $2.000000030e-01, v2  }
0xf6: {  	v4 =	vsel vm13, v5, v4;
	v5 =	vmul.f32 $2.000000030e-01, v6;
	vm14 =	vge.f32 v2, $0.0e+00  }
0xf7: {  	v1 =	vmul.f32 $1.442695020e+00, v1;
	v4 =	vsub.f32 v4, v0;
	v2 =	vsel vm14, v2, v7  }
0xf8: {  	v3 =	vmul.f32 $1.442695020e+00, v3;
	v5 =	vsel vm15, v6, v5;
	v2 =	vsub.f32 v2, v0  }
0xf9: {  	(erf) = vpow2.f32 v1;
	v1 =	vmul.f32 $1.442695020e+00, v4;
	v4 =	vsub.f32 v5, v0  }
0xfa: {  	(erf) = vpow2.f32 v3;
	v2 =	vmul.f32 $1.442695020e+00, v2  }
0xfb: {  	(erf) = vpow2.f32 v1;
	v1 =	vmul.f32 $1.442695020e+00, v4  }
0xfc: {  	(erf) = vpow2.f32 v2  }
0xfd: {  	(erf) = vpow2.f32 v1;
	_ =	sdelay $0x4  }
0xfe: {  	v1 =	vpop (erf)  }
0xff: {  	v2 =	vpop (erf);
	[tilespmem:$0x51A0] =	vst v1  }
0x100: {  	v1 =	vpop (erf);
	[tilespmem:$0x51B0] =	vst v2  }
0x101: {  	[tilespmem:$0x51C0] =	vst v1;
	v2 =	vpop (erf)  }
0x102: {  	[tilespmem:$0x51D0] =	vst v2;
	v1 =	vpop (erf)  }
0x103: {  	[tilespmem:$0x51E0] =	vst v1  }
0x104: {  	_ =	swait.ge [sflag:s9], $0x2800  }
0x105: {  	s13 =	smin.u32 s13, $0x7D;
	[sflag:s9] =	ssyncset.done $0x0  }
0x106: {  	s13 =	smul.u32 $0x50, s13;
	[sflag:s9] =	ssyncadd.s32 $0xFFFFD800  }
0x107: {  	_ =	swait.ge [sflag:s10], $0x50  }
0x108: {  	s17 =	sadd.s32 $0xB0, s13;
	[sflag:s10] =	ssyncset.done $0x0  }
0x109: {  	s15 =	simm.s32 $0x0;
	s18 =	simm.s32 $0x2;
	[sflag:s10] =	ssyncadd.s32 $0xFFFFFFB0  }
0x10a: {  	v1 =	vmov s15;
	[tilespmem:s23], [sflag:$0x1] =	stream.indirect.gather [hbm4b:s6+s22], $0x80, s17, s22, $0xb8;
	[tilespmem:$0x1E068] =	vst v63  }
0x10b: {  	v2 =	vmov s18;
	v1 =	vand.u32 $0xFFFFFFFC, v1  }
0x10c: {  	v2 =	vand.u32 $0xFFFFFFFE, v2;
	v1 =	vbroadcast v1, $0x0;
	[tilespmem:s24], [sflag:$0x3] =	stream.indirect.gather [hbm4b:s7+s22], $0x1, s17, s22, $0xb8;
	[tilespmem:$0x1E068] =	vst v63  }
0x10d: {  	s13 =	sadd.s32 $0x28B0, s13;
	v2 =	vbroadcast v2, $0x0  }
0x10e: {  	[tilespmem:s25], [sflag:$0x5] =	stream.indirect.gather [hbm4b:s8+s22], $0x1, s13, s22, $0xb8;
	[tilespmem:$0x1E068] =	vst v63  }
0x10f: {  	_ =	swait.ge [sflag:s11], $0x2800  }
0x110: {  	[sflag:s11] =	ssyncset.done $0x0  }
0x111: {  	[sflag:s11] =	ssyncadd.s32 $0xFFFFD800  }
0x112: {  	v1 =	vld.idx.msk [tilespmem:v1+s12+$0x0], $0xffff  }
0x113: {  	s19 =	simm.s32 $0x1;
	s13 =	simm.s32 $0x7AF0;
	v2 =	vld.idx.msk [tilespmem:v2+s12+$0x0], $0xffff  }
0x114: {  	v3 =	vmov s19;
	v4 =	vld [tilespmem:s13+$0x70]  }
0x115: {  	v3 =	vand.u32 $0xFFFFFFFD, v3;
	v5 =	vld [tilespmem:s13+$0xFFFFFF00]  }
0x116: {  	v3 =	vbroadcast v3, $0x0;
	v6 =	vld [tilespmem:s13+$0xFFFFFF10]  }
0x117: {  	v7 =	vld [tilespmem:s13+$0xFFFFFF20]  }
0x118: {  	v8 =	vld [tilespmem:s13+$0xFFFFFF30]  }
0x119: {  	v9 =	vld [tilespmem:s13+$0xFFFFFF40]  }
0x11a: {  	v10 =	vld [tilespmem:s13+$0xFFFFFF50]  }
0x11b: {  	v11 =	vld [tilespmem:s13+$0xFFFFFF60];
	v5 =	vmul.f32 v5, v1  }
0x11c: {  	v3 =	vld.idx.msk [tilespmem:v3+s12+$0x0], $0xffff;
	v4 =	vmul.f32 v4, v2  }
0x11d: {  	v13 =	vld [tilespmem:s13+$0x40];
	[tilespmem:s13+$0xFFFFFF00] =	vst v5;
	v5 =	vmul.f32 v6, v1  }
0x11e: {  	v6 =	vld [tilespmem:s13+$0xFFFFFF70];
	[tilespmem:s13+$0x70] =	vst v4;
	v4 =	vmul.f32 v7, v1  }
0x11f: {  	v7 =	vld [tilespmem:s13+$0xFFFFFF80];
	[tilespmem:s13+$0xFFFFFF10] =	vst v5;
	v5 =	vmul.f32 v8, v1  }
0x120: {  	v8 =	vld [tilespmem:s13+$0xFFFFFF90];
	[tilespmem:s13+$0xFFFFFF20] =	vst v4;
	v4 =	vmul.f32 v9, v1  }
0x121: {  	v9 =	vld [tilespmem:s13+$0xFFFFFFA0];
	[tilespmem:s13+$0xFFFFFF30] =	vst v5;
	v5 =	vmul.f32 v10, v1  }
0x122: {  	v10 =	vld [tilespmem:s13+$0xFFFFFFB0];
	[tilespmem:s13+$0xFFFFFF40] =	vst v4;
	v4 =	vmul.f32 v11, v1  }
0x123: {  	v11 =	vld [tilespmem:s13+$0xFFFFFFC0];
	v6 =	vmul.f32 v6, v1;
	[tilespmem:s13+$0xFFFFFF50] =	vst v5  }
0x124: {  	v5 =	vmul.f32 v7, v3;
	v7 =	vld [tilespmem:s13+$0xFFFFFFD0];
	[tilespmem:s13+$0xFFFFFF60] =	vst v4  }
0x125: {  	s15 =	simm.s32 $0x3;
	v4 =	vld [tilespmem:s13+$0xFFFFFFE0];
	v8 =	vmul.f32 v8, v3;
	[tilespmem:s13+$0xFFFFFF70] =	vst v6  }
0x126: {  	v12 =	vmov s15;
	v6 =	vld [tilespmem:s13+$0xFFFFFFF0];
	[tilespmem:s13+$0xFFFFFF80] =	vst v5;
	v5 =	vmul.f32 v9, v3  }
0x127: {  	v9 =	vld [tilespmem:s13+$0x0];
	[tilespmem:s13+$0xFFFFFF90] =	vst v8;
	v8 =	vmul.f32 v10, v3  }
0x128: {  	v10 =	vld [tilespmem:s13+$0x10];
	[tilespmem:s13+$0xFFFFFFA0] =	vst v5;
	v5 =	vmul.f32 v11, v3  }
0x129: {  	[tilespmem:s13+$0xFFFFFFB0] =	vst v8;
	v7 =	vmul.f32 v7, v3;
	v8 =	vld [tilespmem:s13+$0x20]  }
0x12a: {  	v11 =	vld [tilespmem:s13+$0x30];
	v4 =	vmul.f32 v4, v3;
	[tilespmem:s13+$0xFFFFFFC0] =	vst v5  }
0x12b: {  	v1 =	vld.idx.msk [tilespmem:v12+s12+$0x0], $0xffff;
	v3 =	vmul.f32 v6, v3;
	[tilespmem:s13+$0xFFFFFFD0] =	vst v7  }
0x12c: {  	[tilespmem:s13+$0xFFFFFFE0] =	vst v4;
	v5 =	vmul.f32 v9, v2;
	v4 =	vld [tilespmem:s13+$0x50]  }
0x12d: {  	s17 =	simm.s32 $0x4;
	[tilespmem:s13+$0xFFFFFFF0] =	vst v3;
	v6 =	vmul.f32 v10, v2;
	v3 =	vld [tilespmem:s13+$0x60]  }
0x12e: {  	s18 =	simm.s32 $0x7;
	v7 =	vmov s17;
	[tilespmem:s13+$0x0] =	vst v5;
	v9 =	vmul.f32 v8, v2;
	v8 =	vld [tilespmem:s13+$0x80]  }
0x12f: {  	s19 =	simm.s32 $0x5;
	v12 =	vand.u32 $0xFFFFFFFC, v7;
	v7 =	vld [tilespmem:s13+$0x90];
	v5 =	vmov s18;
	v10 =	vmul.f32 v11, v2;
	[tilespmem:s13+$0x10] =	vst v6  }
0x130: {  	s14 =	simm.s32 $0x7AF0;
	s17 =	simm.s32 $0x6;
	s18 =	simm.s32 $0x8;
	v11 =	vmul.f32 v13, v2;
	v6 =	vbroadcast v12, $0x0;
	v12 =	vmov s19;
	[tilespmem:s13+$0x20] =	vst v9;
	v9 =	vld [tilespmem:s13+$0xA0]  }
.LBB2_5:
0x131: {  	p0 =	slt.u32 s18, $0x4C;
	v12 =	vand.u32 $0xFFFFFFFD, v12;
	v13 =	vmov s17;
	[tilespmem:s13+$0x30] =	vst v10;
	v4 =	vmul.f32 v4, v2;
	v10 =	vld [tilespmem:s13+$0xB0]  }
0x132: {  	v12 =	vbroadcast v12, $0x0;
	v13 =	vand.u32 $0xFFFFFFFE, v13;
	[tilespmem:s13+$0x40] =	vst v11;
	v2 =	vmul.f32 v3, v2;
	v3 =	vld [tilespmem:s13+$0xC0]  }
0x133: {  	v11 =	vbroadcast v13, $0x0;
	[tilespmem:s13+$0x50] =	vst v4;
	v4 =	vmul.f32 v8, v1;
	v8 =	vld [tilespmem:s13+$0xD0]  }
0x134: {  	[tilespmem:s13+$0x60] =	vst v2;
	v2 =	vmul.f32 v7, v1;
	v7 =	vld [tilespmem:s13+$0xE0]  }
0x135: {  	[tilespmem:s13+$0x80] =	vst v4;
	v4 =	vmul.f32 v9, v1;
	v9 =	vld [tilespmem:s13+$0xF0]  }
0x136: {  	v5 =	vld.idx.msk [tilespmem:v5+s12+$0x0], $0xffff;
	[tilespmem:s13+$0x90] =	vst v2;
	v2 =	vmul.f32 v10, v1  }
0x137: {  	v6 =	vld.idx.msk [tilespmem:v6+s12+$0x0], $0xffff;
	[tilespmem:s13+$0xA0] =	vst v4;
	v3 =	vmul.f32 v3, v1  }
0x138: {  	v4 =	vld.idx.msk [tilespmem:v12+s12+$0x0], $0xffff;
	[tilespmem:s13+$0xB0] =	vst v2;
	v8 =	vmul.f32 v8, v1  }
0x139: {  	s13 =	sadd.s32 $0x200, s13;
	v2 =	vld.idx.msk [tilespmem:v11+s12+$0x0], $0xffff;
	[tilespmem:s14+$0xC0] =	vst v3;
	v3 =	vmul.f32 v7, v1  }
0x13a: {  	v7 =	vld [tilespmem:s13+$0x70];
	[tilespmem:s14+$0xD0] =	vst v8;
	v9 =	vmul.f32 v9, v1  }
0x13b: {  	v8 =	vld [tilespmem:s13+$0xFFFFFF00];
	[tilespmem:s14+$0xE0] =	vst v3  }
0x13c: {  	v1 =	vmov v5;
	v3 =	vld [tilespmem:s13+$0xFFFFFF10];
	[tilespmem:s14+$0xF0] =	vst v9;
	s14 =	smov.u32 s13  }
0x13d: {  	v5 =	vld [tilespmem:s13+$0xFFFFFF20]  }
0x13e: {  	v9 =	vld [tilespmem:s13+$0xFFFFFF30]  }
0x13f: {  	v10 =	vld [tilespmem:s13+$0xFFFFFF40];
	v7 =	vmul.f32 v7, v2  }
0x140: {  	v8 =	vmul.f32 v8, v6;
	v11 =	vld [tilespmem:s13+$0xFFFFFF50]  }
0x141: {  	v3 =	vmul.f32 v3, v6;
	v12 =	vld [tilespmem:s13+$0xFFFFFF60];
	[tilespmem:s13+$0x70] =	vst v7  }
0x142: {  	[tilespmem:s13+$0xFFFFFF00] =	vst v8;
	v5 =	vmul.f32 v5, v6;
	v7 =	vld [tilespmem:s13+$0xFFFFFF70]  }
0x143: {  	[tilespmem:s13+$0xFFFFFF10] =	vst v3;
	v3 =	vmul.f32 v9, v6;
	v8 =	vld [tilespmem:s13+$0xFFFFFF80]  }
0x144: {  	[tilespmem:s13+$0xFFFFFF20] =	vst v5;
	v5 =	vmul.f32 v10, v6;
	v9 =	vld [tilespmem:s13+$0xFFFFFF90]  }
0x145: {  	[tilespmem:s13+$0xFFFFFF30] =	vst v3;
	v3 =	vmul.f32 v11, v6;
	v10 =	vld [tilespmem:s13+$0xFFFFFFA0]  }
0x146: {  	[tilespmem:s13+$0xFFFFFF40] =	vst v5;
	v5 =	vmul.f32 v12, v6;
	v11 =	vld [tilespmem:s13+$0xFFFFFFB0]  }
0x147: {  	[tilespmem:s13+$0xFFFFFF50] =	vst v3;
	v3 =	vmul.f32 v7, v6;
	v6 =	vld [tilespmem:s13+$0xFFFFFFC0]  }
0x148: {  	[tilespmem:s13+$0xFFFFFF60] =	vst v5;
	v5 =	vmul.f32 v8, v4;
	v7 =	vld [tilespmem:s13+$0xFFFFFFD0]  }
0x149: {  	[tilespmem:s13+$0xFFFFFF70] =	vst v3;
	v3 =	vmul.f32 v9, v4;
	v8 =	vld [tilespmem:s13+$0xFFFFFFE0]  }
0x14a: {  	[tilespmem:s13+$0xFFFFFF80] =	vst v5;
	v5 =	vmul.f32 v10, v4;
	v9 =	vld [tilespmem:s13+$0xFFFFFFF0]  }
0x14b: {  	[tilespmem:s13+$0xFFFFFF90] =	vst v3;
	v3 =	vmul.f32 v11, v4;
	v10 =	vld [tilespmem:s13+$0x0]  }
0x14c: {  	[tilespmem:s13+$0xFFFFFFA0] =	vst v5;
	v5 =	vmul.f32 v6, v4;
	v6 =	vld [tilespmem:s13+$0x10]  }
0x14d: {  	[tilespmem:s13+$0xFFFFFFB0] =	vst v3;
	v3 =	vmul.f32 v7, v4;
	v7 =	vld [tilespmem:s13+$0x20]  }
0x14e: {  	[tilespmem:s13+$0xFFFFFFC0] =	vst v5;
	v5 =	vmul.f32 v8, v4;
	v11 =	vld [tilespmem:s13+$0x30]  }
0x14f: {  	[tilespmem:s13+$0xFFFFFFD0] =	vst v3;
	v3 =	vmul.f32 v9, v4;
	v9 =	vld [tilespmem:s13+$0x40]  }
.Ltmp1:
0x150: {  	[tilespmem:s13+$0xFFFFFFE0] =	vst v5;
	v5 =	vmul.f32 v10, v2;
	v4 =	vld [tilespmem:s13+$0x50];
	(pc) =	sbr.rel @p0 .LBB2_5-.Ltmp1, $4  }
0x151: {  	[tilespmem:s13+$0xFFFFFFF0] =	vst v3;
	v6 =	vmul.f32 v6, v2;
	v3 =	vld [tilespmem:s13+$0x60]  }
0x152: {  	s15 =	sadd.s32 $0x3, s18;
	v10 =	vmov s18;
	[tilespmem:s13+$0x0] =	vst v5;
	v13 =	vmul.f32 v7, v2;
	v8 =	vld [tilespmem:s13+$0x80]  }
0x153: {  	s17 =	sadd.s32 $0x1, s18;
	v12 =	vand.u32 $0xFFFFFFFC, v10;
	v5 =	vmov s15;
	[tilespmem:s13+$0x10] =	vst v6;
	v10 =	vmul.f32 v11, v2;
	v7 =	vld [tilespmem:s13+$0x90]  }
0x154: {  	v6 =	vbroadcast v12, $0x0;
	v12 =	vmov s17;
	s17 =	sadd.s32 $0x2, s18;
	s18 =	sadd.s32 $0x4, s18;
	[tilespmem:s13+$0x20] =	vst v13;
	v11 =	vmul.f32 v9, v2;
	v9 =	vld [tilespmem:s13+$0xA0]  }
0x155: {  	v13 =	vld [tilespmem:s13+$0xB0]  }
0x156: {  	v15 =	vld [tilespmem:s13+$0xC0]  }
0x157: {  	v16 =	vld [tilespmem:s13+$0xD0]  }
0x158: {  	v17 =	vld [tilespmem:s13+$0xE0]  }
0x159: {  	v29 =	vld [tilespmem:s13+$0xF0];
	[tilespmem:s13+$0x30] =	vst v10;
	v4 =	vmul.f32 v4, v2  }
0x15a: {  	v5 =	vld.idx.msk [tilespmem:v5+s12+$0x0], $0xffff;
	[tilespmem:s13+$0x40] =	vst v11;
	v2 =	vmul.f32 v3, v2  }
0x15b: {  	s18 =	sadd.s32 $0x200, s13;
	v3 =	vld.idx.msk [tilespmem:v6+s12+$0x0], $0xffff;
	v8 =	vmul.f32 v8, v1;
	[tilespmem:s13+$0x50] =	vst v4  }
0x15c: {  	v14 =	vmov s17;
	v34 =	vld [tilespmem:s18+$0x70];
	v30 =	vmul.f32 v7, v1;
	[tilespmem:s13+$0x60] =	vst v2  }
0x15d: {  	v14 =	vand.u32 $0xFFFFFFFE, v14;
	v35 =	vld [tilespmem:s18+$0xFFFFFF00];
	[tilespmem:s13+$0x80] =	vst v8;
	v2 =	vmul.f32 v9, v1  }
0x15e: {  	v37 =	vld [tilespmem:s18+$0xFFFFFF10];
	v14 =	vbroadcast v14, $0x0;
	[tilespmem:s13+$0x90] =	vst v30;
	v33 =	vmul.f32 v13, v1  }
0x15f: {  	v38 =	vld [tilespmem:s18+$0xFFFFFF20];
	[tilespmem:s13+$0xA0] =	vst v2;
	v2 =	vmul.f32 v15, v1  }
0x160: {  	v12 =	vand.u32 $0xFFFFFFFD, v12;
	v39 =	vld [tilespmem:s18+$0xFFFFFF30];
	v36 =	vmul.f32 v16, v1;
	[tilespmem:s13+$0xB0] =	vst v33  }
0x161: {  	v12 =	vbroadcast v12, $0x0;
	v41 =	vld [tilespmem:s18+$0xFFFFFF50];
	[tilespmem:s14+$0xC0] =	vst v2;
	v2 =	vmul.f32 v17, v1  }
0x162: {  	v43 =	vld [tilespmem:s18+$0xFFFFFF60];
	[tilespmem:s14+$0xD0] =	vst v36;
	v1 =	vmul.f32 v29, v1  }
0x163: {  	v42 =	vmul.f32 v37, v3;
	[tilespmem:s14+$0xE0] =	vst v2;
	v2 =	vld [tilespmem:s18+$0xFFFFFF40]  }
0x164: {  	v32 =	vld.idx.msk [tilespmem:v14+s12+$0x0], $0xffff;
	[tilespmem:s14+$0xF0] =	vst v1;
	v1 =	vmul.f32 v35, v3  }
0x165: {  	v44 =	vld [tilespmem:s18+$0xFFFFFF70];
	v4 =	vmul.f32 v39, v3;
	[tilespmem:s18+$0xFFFFFF10] =	vst v42  }
0x166: {  	v45 =	vld [tilespmem:s18+$0xFFFFFF80];
	[tilespmem:s18+$0xFFFFFF00] =	vst v1;
	v1 =	vmul.f32 v38, v3  }
0x167: {  	v46 =	vmul.f32 v41, v3;
	v31 =	vld.idx.msk [tilespmem:v12+s12+$0x0], $0xffff;
	[tilespmem:s18+$0xFFFFFF30] =	vst v4  }
0x168: {  	[tilespmem:s18+$0xFFFFFF20] =	vst v1;
	v1 =	vmul.f32 v2, v3;
	v2 =	vld [tilespmem:s18+$0xFFFFFF90]  }
0x169: {  	v47 =	vld [tilespmem:s18+$0xFFFFFFA0];
	[tilespmem:s18+$0xFFFFFF50] =	vst v46;
	v40 =	vmul.f32 v34, v32  }
0x16a: {  	v48 =	vld [tilespmem:s18+$0xFFFFFFB0];
	[tilespmem:s18+$0xFFFFFF40] =	vst v1;
	v1 =	vmul.f32 v43, v3  }
0x16b: {  	v49 =	vld [tilespmem:s18+$0xFFFFFFC0];
	[tilespmem:s18+$0x70] =	vst v40;
	v3 =	vmul.f32 v44, v3  }
0x16c: {  	v50 =	vld [tilespmem:s18+$0xFFFFFFD0];
	[tilespmem:s18+$0xFFFFFF60] =	vst v1;
	v1 =	vmul.f32 v45, v31  }
0x16d: {  	[tilespmem:s18+$0xFFFFFF70] =	vst v3;
	v3 =	vld [tilespmem:s18+$0xFFFFFFE0];
	v2 =	vmul.f32 v2, v31  }
0x16e: {  	v51 =	vld [tilespmem:s18+$0xFFFFFFF0];
	[tilespmem:s18+$0xFFFFFF80] =	vst v1;
	v1 =	vmul.f32 v47, v31  }
0x16f: {  	v52 =	vld [tilespmem:s18+$0x0];
	[tilespmem:s18+$0xFFFFFF90] =	vst v2;
	v2 =	vmul.f32 v48, v31  }
0x170: {  	v53 =	vld [tilespmem:s18+$0x10];
	[tilespmem:s18+$0xFFFFFFA0] =	vst v1;
	v1 =	vmul.f32 v49, v31  }
0x171: {  	v54 =	vld [tilespmem:s18+$0x20];
	[tilespmem:s18+$0xFFFFFFB0] =	vst v2;
	v2 =	vmul.f32 v50, v31  }
0x172: {  	[tilespmem:s18+$0xFFFFFFC0] =	vst v1;
	v1 =	vmul.f32 v3, v31;
	v3 =	vld [tilespmem:s18+$0x30]  }
0x173: {  	v55 =	vld [tilespmem:s18+$0x40];
	[tilespmem:s18+$0xFFFFFFD0] =	vst v2;
	v2 =	vmul.f32 v51, v31  }
0x174: {  	v56 =	vld [tilespmem:s18+$0x50];
	[tilespmem:s18+$0xFFFFFFE0] =	vst v1;
	v1 =	vmul.f32 v52, v32  }
0x175: {  	v57 =	vld [tilespmem:s18+$0x60];
	[tilespmem:s18+$0xFFFFFFF0] =	vst v2;
	v2 =	vmul.f32 v53, v32  }
0x176: {  	v58 =	vld [tilespmem:s18+$0x80];
	[tilespmem:s18+$0x0] =	vst v1;
	v1 =	vmul.f32 v54, v32  }
0x177: {  	[tilespmem:s18+$0x10] =	vst v2;
	v2 =	vmul.f32 v3, v32;
	v3 =	vld [tilespmem:s18+$0x90]  }
0x178: {  	v59 =	vld [tilespmem:s18+$0xA0];
	[tilespmem:s18+$0x20] =	vst v1;
	v1 =	vmul.f32 v55, v32  }
0x179: {  	v60 =	vld [tilespmem:s18+$0xB0];
	[tilespmem:s18+$0x30] =	vst v2;
	v2 =	vmul.f32 v56, v32  }
0x17a: {  	v61 =	vld [tilespmem:s18+$0xC0];
	[tilespmem:s18+$0x40] =	vst v1;
	v1 =	vmul.f32 v57, v32  }
0x17b: {  	v62 =	vld [tilespmem:s18+$0xD0];
	[tilespmem:s18+$0x50] =	vst v2;
	v2 =	vmul.f32 v58, v5  }
0x17c: {  	[tilespmem:s18+$0x60] =	vst v1;
	v1 =	vmul.f32 v3, v5;
	v3 =	vld [tilespmem:s18+$0xE0]  }
0x17d: {  	v63 =	vld [tilespmem:s18+$0xF0];
	[tilespmem:s18+$0x80] =	vst v2;
	v2 =	vmul.f32 v59, v5  }
0x17e: {  	[tilespmem:s18+$0x90] =	vst v1;
	v1 =	vmul.f32 v60, v5  }
0x17f: {  	[tilespmem:s18+$0xA0] =	vst v2;
	v2 =	vmul.f32 v61, v5  }
0x180: {  	[tilespmem:s18+$0xB0] =	vst v1;
	v1 =	vmul.f32 v62, v5  }
0x181: {  	s20 =	smul.u32 $0x140, s20;
	s5 =	sadd.s32 $0x1, s5;
	[tilespmem:s18+$0xC0] =	vst v2;
	v2 =	vmul.f32 v3, v5  }
0x182: {  	p0 =	sne.s32 s5, $0x40;
	[tilespmem:s18+$0xD0] =	vst v1;
	v1 =	vmul.f32 v63, v5  }
.Ltmp2:
0x183: {  	s13 =	sshra.s32 s20, $0x2;
	[tilespmem:s18+$0xE0] =	vst v2;
	(pc) =	sbr.rel @p0 .LBB2_2-.Ltmp2, $4  }
0x184: {  	s13 =	sadd.s32 $0x2810, s13;
	[tilespmem:s18+$0xF0] =	vst v1  }
0x185: {  	[spmem:s3] =	stream.indirect.scatter.add.f32 [tilespmem:s29], [sflag:$0x8], $0x80, s13, s22, $0xb8;
	[tilespmem:$0x1E068] =	vst v63  }
0x186: {  	_ = 	snop  }
0x187: {  	[spmem:s4] =	stream.indirect.scatter.add.f32 [tilespmem:s12], [sflag:$0xA], $0x1, s13, s22, $0xb8;
	[tilespmem:$0x1E068] =	vst v63  }
0x188: {  	_ =	swait.ge [sflag:s1], $0x2800  }
0x189: {  	[sflag:s1] =	ssyncset.done $0x0  }
0x18a: {  	[sflag:s1] =	ssyncadd.s32 $0xFFFFD800  }
0x18b: {  	_ =	swait.ge [sflag:s26], $0x50  }
0x18c: {  	[sflag:s26] =	ssyncset.done $0x0  }
0x18d: {  	[sflag:s26] =	ssyncadd.s32 $0xFFFFFFB0  }
0x18e: {  	_ =	swait.ge [sflag:s28], $0x50  }
0x18f: {  	[sflag:s28] =	ssyncset.done $0x0  }
0x190: {  	s5 =	simm.s32 $0x8;
	[sflag:s28] =	ssyncadd.s32 $0xFFFFFFB0  }
0x191: {  	_ =	swait.ge [sflag:s5], $0x2800  }
0x192: {  	[sflag:s5] =	ssyncset.done $0x0  }
0x193: {  	s17 =	simm.s32 $0xA;
	[sflag:s5] =	ssyncadd.s32 $0xFFFFD800  }
0x194: {  	_ =	swait.ge [sflag:s17], $0x50  }
0x195: {  	[sflag:s17] =	ssyncset.done $0x0  }
0x196: {  	[sflag:s17] =	ssyncadd.s32 $0xFFFFFFB0  }
0x197: {  	[bflag:$0x0] =	sbarrier.arrive $0xFFFF  }
0x198: {  	s18 =	rddreg [dreg:$0x7]  }
0x199: {  	s14 =	rddreg [dreg:$0xc]  }
0x19a: {  	s15 =	rddreg [dreg:$0xd]  }
0x19b: {  	[hbm:s18], [sflag:s14] =	dma.local [spmem:s15], $0x2780  }
0x19c: {  	_ =	swait.ge [sflag:s16], $0x2780  }
0x19d: {  	[sflag:s16] =	ssyncset.done $0x0;
	s19 =	rddreg [dreg:$0x8]  }
0x19e: {  	s17 =	rddreg [dreg:$0xe];
	[sflag:s16] =	ssyncadd.s32 $0xFFFFD880  }
0x19f: {  	[hbm:s19], [sflag:s14] =	dma.local [spmem:s17], $0x4F  }
0x1a0: {  	_ =	swait.ge [sflag:s16], $0x4F  }
0x1a1: {  	s13 =	rddreg [dreg:$0xf]  }
0x1a2: {  	s20 =	rddreg [dreg:$0x9];
	s13 =	sadd.s32 $0x1, s13  }
0x1a3: {  	p0 =	sne.s32 s13, s20  }
.Ltmp3:
0x1a4: {  	_ = 	snop;
	(pc) =	sbr.rel @p0 .LBB2_1-.Ltmp3, $3  }
0x1a5: {  	_ =	sdelay $0x1  }
0x1a6: {  	[sflag:s16] =	ssyncset.done $0x0  }
0x1a7: {  	[sflag:s16] =	ssyncadd.s32 $0xFFFFFFB1  }
0x1a8: {  	_ =	sfence.sel $0x180000  }
0x1a9: {  	[bflag:$0x0] =	sbarrier.arrive $0xFFFF  }
0x1aa: {  	_ =	strace $0x90000047  }
0x1ab: {  	s0 =	stileid.u32;
	[bflag:$0x2] =	sbarrier.arrive $0xFFFF  }
0x1ac: {  	p0 =	sne.s32 s0, $0x0;
	s0 =	rddreg [dreg:$0x4]  }
0x1ad: {  	s0 =	sadd.s32 @!p0 $0x100000, s0  }
0x1ae: {  	[sflag:s0] =	ssyncadd.tile.s32 @!p0 $0x1;
	_ =	shalt  }
.Lfunc_end2:
_tile_overlayer_lowered:
.L_overlay_start_2:
0x1af: {  	(tag) =	ssettag $0x2  }
0x1b0: {  	s0 =	rddreg [dreg:$0x0];
	s2 =	stileid.u32  }
0x1b1: {  	s1 =	rddreg [dreg:$0x1];
	p0 =	sne.s32 s2, $0x0  }
0x1b2: {  	s3 =	rddreg [dreg:$0x2];
	[bflag:$0x3] =	sbarrier.arrive $0xFFFF;
	s2 =	simm.s32 @!p0 $0x1C0B  }
0x1b3: {  	[timem:s3], [sflag:s2] =	dma.local @!p0 [hbm:s0], s1  }
0x1b4: {  	s0 =	simm.s32 @!p0 $0xB  }
0x1b5: {  	_ =	swait.ge @!p0 [sflag:s0], s1  }
0x1b6: {  	s1 =	ssub.s32 @!p0 $0x0, s1;
	[sflag:s0] =	ssyncset.done @!p0 $0x0  }
0x1b7: {  	[sflag:s0] =	ssyncadd.s32 @!p0 s1  }
0x1b8: {  	[bflag:$0x3] =	sbarrier.arrive $0xFFFF  }
0x1b9: {  	_ =	shalt  }

</sc_bundles>
